<compile_context>
chip_gen: v7x
topology: tpu7x:2x2x1
jax: 0.10.2.dev20260603
libtpu: 0.0.44.dev20260713+nightly
codegen_flags: <defaults>
</compile_context>

<pallas_src>
import functools

import jax
import jax.numpy as jnp
from jax import lax
from jax.experimental import pallas as pl
from jax.experimental.pallas import tpu as pltpu
from jax.experimental.pallas import tpu_sc as plsc

B, L, D, S, K, H, NB = 2, 2048, 1024, 16, 4, 16, 2
DH = D // H
HS = H * S
TL = 512
EPS = 1e-6
NEG = -3.0e38


def _rms(t, g):
    return t * lax.rsqrt(jnp.mean(t * t, axis=-1, keepdims=True) + EPS) * g[None, :]



def _a_body(x_ref, Wc_ref, bc_ref, gpre_ref, lt_ref):
    for b in range(B):
        xn = _rms(x_ref[b], gpre_ref[...])
        lgT = lax.dot_general(Wc_ref[...], xn, (((1,), (1,)), ((), ())),
                              preferred_element_type=jnp.float32)
        lt_ref[b] = lgT + bc_ref[...][:, None]


def _call_a(x, Wc, bc, g_pre):
    return pl.pallas_call(
        _a_body,
        grid=(L // TL,),
        in_specs=[
            pl.BlockSpec((B, TL, D), lambda t: (0, t, 0)),
            pl.BlockSpec((S, D), lambda t: (0, 0)),
            pl.BlockSpec((S,), lambda t: (0,)),
            pl.BlockSpec((D,), lambda t: (0,)),
        ],
        out_specs=pl.BlockSpec((B, S, TL), lambda t: (0, 0, t)),
        out_shape=jax.ShapeDtypeStruct((B, S, L), jnp.float32),
    )(x, Wc, bc, g_pre)



def _b_body(lt_hbm, x2d_hbm, ti_hbm, tv_hbm, rows_hbm,
            lg_v, iv_v, tv_v, rows_v, sem):
    wid = lax.axis_index("c") * 16 + lax.axis_index("s")
    b = wid // S
    s = wid % S
    pltpu.sync_copy(lt_hbm.at[b, s], lg_v)
    lane = lax.iota(jnp.int32, 16)

    UNROLL = 8
    selv = []
    seli = []
    for _ in range(K):
        prev = list(seli)

        def scan_body(i, carry, _prev=prev):
            bv, bi_ = carry
            cand = []
            for u in range(UNROLL):
                off = pl.multiple_of((i * UNROLL + u) * 16, 16)
                v = lg_v[pl.ds(off, 16)]
                idx = off + lane
                for pj in _prev:
                    v = jnp.where(idx == pj, NEG, v)
                cand.append((v, idx))
            while len(cand) > 1:
                nxt = []
                for j in range(0, len(cand), 2):
                    (va, ia), (vb, ib) = cand[j], cand[j + 1]
                    keep_a = va >= vb
                    nxt.append((jnp.where(keep_a, va, vb),
                                jnp.where(keep_a, ia, ib)))
                cand = nxt
            v, idx = cand[0]
            upd = v > bv
            return jnp.where(upd, v, bv), jnp.where(upd, idx, bi_)

        bv, bi_ = lax.fori_loop(
            0, L // (16 * UNROLL), scan_body,
            (jnp.full((16,), NEG, jnp.float32), jnp.zeros((16,), jnp.int32)))
        m = jnp.max(bv)
        cand = jnp.where(bv == m, bi_, jnp.int32(2 ** 30))
        selv.append(m)
        seli.append(jnp.min(cand))

    for a, c in ((0, 1), (2, 3), (0, 2), (1, 3), (1, 2)):
        swap = seli[a] > seli[c]
        ia, ic = seli[a], seli[c]
        va, vc = selv[a], selv[c]
        seli[a] = jnp.where(swap, ic, ia)
        seli[c] = jnp.where(swap, ia, ic)
        selv[a] = jnp.where(swap, vc, va)
        selv[c] = jnp.where(swap, va, vc)

    vvec = jnp.zeros((16,), jnp.float32)
    ivec = jnp.zeros((16,), jnp.int32)
    for j in range(K):
        vvec = jnp.where(lane == j, selv[j], vvec)
        ivec = jnp.where(lane == j, seli[j], ivec)
    iv_v[...] = ivec
    tv_v[...] = vvec
    pltpu.sync_copy(iv_v, ti_hbm.at[b, s])
    pltpu.sync_copy(tv_v, tv_hbm.at[b, s])

    gidx = ivec + b * L
    pltpu.async_copy(x2d_hbm.at[gidx], rows_v, sem).wait()
    pltpu.sync_copy(rows_v.at[pl.ds(0, K)], rows_hbm.at[b, s])


def _sc_topk(ltT, x2d):
    mesh = plsc.VectorSubcoreMesh(core_axis_name="c", subcore_axis_name="s")
    return pl.kernel(
        _b_body,
        out_type=[jax.ShapeDtypeStruct((B, S, 16), jnp.int32),
                  jax.ShapeDtypeStruct((B, S, 16), jnp.float32),
                  jax.ShapeDtypeStruct((B, S, K, D), jnp.float32)],
        mesh=mesh,
        compiler_params=pltpu.CompilerParams(needs_layout_passes=False),
        scratch_types=[
            pltpu.VMEM((L,), jnp.float32),
            pltpu.VMEM((16,), jnp.int32),
            pltpu.VMEM((16,), jnp.float32),
            pltpu.VMEM((16, D), jnp.float32),
            pltpu.SemaphoreType.DMA,
        ],
    )(ltT, x2d)



def _c_body(ws_ref, rows_ref, tv_ref, Ww_ref, bw_ref, Wk_ref, bk_ref,
            Wv_ref, bv_ref, gpost_ref, wsn_ref, kk_ref, vv_ref):
    for b in range(B):
        tv = tv_ref[b][:, :K]
        mx = jnp.max(tv, axis=-1, keepdims=True)
        e = jnp.exp(tv - mx)
        w = e / jnp.sum(e, axis=-1, keepdims=True)
        rows = rows_ref[b].reshape(S * K, D)
        y = lax.dot_general(rows, Ww_ref[...], (((1,), (1,)), ((), ())),
                            preferred_element_type=jnp.float32)
        y = (y + bw_ref[...][None, :]).reshape(S, K, D)
        wb = w.astype(jnp.bfloat16).astype(jnp.float32)
        yb = y.astype(jnp.bfloat16).astype(jnp.float32)
        written = wb[:, 0:1] * yb[:, 0, :]
        for j in range(1, K):
            written = written + wb[:, j:j + 1] * yb[:, j, :]
        t = ws_ref[b] + written
        wsn = _rms(t, gpost_ref[...])
        wsn_ref[b] = wsn
        kk = lax.dot_general(wsn, Wk_ref[...], (((1,), (1,)), ((), ())),
                             preferred_element_type=jnp.float32) \
            + bk_ref[...][None, :]
        kk_ref[b] = lax.dot_general(wsn, Wk_ref[...], (((1,), (1,)), ((), ())),
                                    preferred_element_type=jnp.float32) \
            + bk_ref[...][None, :]
        vv_ref[b] = lax.dot_general(wsn, Wv_ref[...], (((1,), (1,)), ((), ())),
                                    preferred_element_type=jnp.float32) \
            + bv_ref[...][None, :]


def _call_c(ws, rows, tv, Ww, bw, Wk, bk, Wv, bv, g_post):
    full = lambda shape: pl.BlockSpec(shape, lambda: tuple(0 for _ in shape))
    return pl.pallas_call(
        _c_body,
        in_specs=[full((B, S, D)), full((B, S, K, D)), full((B, S, 16)),
                  full((D, D)), full((D,)), full((D, D)), full((D,)),
                  full((D, D)), full((D,)), full((D,))],
        out_specs=[full((B, S, D)), full((B, S, D)), full((B, S, D))],
        out_shape=[jax.ShapeDtypeStruct((B, S, D), jnp.float32)] * 3,
    )(ws, rows, tv, Ww, bw, Wk, bk, Wv, bv, g_post)



def _d_body(x_ref, kk_ref, vv_ref, Wq_ref, bq_ref, Wo_ref, bo_ref,
            gpost_ref, wi_ref, bi_ref, Wc_ref, bc_ref, gpre_ref,
            *rest, is_last):
    if is_last:
        ig1_ref, xo_ref, ig_ref = rest
    else:
        xo_ref, ig_ref, lt_ref = rest
    inv_sqrt_dh = 1.0 / (DH ** 0.5)
    for b in range(B):
        xb = x_ref[b]
        q = lax.dot_general(xb, Wq_ref[...], (((1,), (1,)), ((), ())),
                            preferred_element_type=jnp.float32) \
            + bq_ref[...][None, :]
        kk = kk_ref[b]
        vv = vv_ref[b]
        parts = []
        for h in range(H):
            sl = slice(h * DH, (h + 1) * DH)
            scT = lax.dot_general(kk[:, sl], q[:, sl], (((1,), (1,)), ((), ())),
                                  preferred_element_type=jnp.float32)
            scT = scT * inv_sqrt_dh
            mx = jnp.max(scT, axis=0, keepdims=True)
            eg = jnp.exp(scT - mx)
            attT = eg / jnp.sum(eg, axis=0, keepdims=True)
            parts.append(lax.dot_general(attT, vv[:, sl], (((0,), (0,)), ((), ())),
                                         preferred_element_type=jnp.float32))
        attv = jnp.concatenate(parts, axis=1)
        xb2 = lax.dot_general(attv, Wo_ref[...], (((1,), (1,)), ((), ())),
                              preferred_element_type=jnp.float32) \
            + bo_ref[...][None, :]
        xn = _rms(xb + xb2, gpost_ref[...])
        xo_ref[b] = xn
        gl = lax.dot_general(xn, wi_ref[...][None, :], (((1,), (1,)), ((), ())),
                             preferred_element_type=jnp.float32)
        gate = jax.nn.sigmoid(gl[:, 0] + bi_ref[0])
        if is_last:
            ig_ref[b] = (ig1_ref[b] + gate) * 0.5
        else:
            ig_ref[b] = gate
            x2n = _rms(xn, gpre_ref[...])
            lgT = lax.dot_general(Wc_ref[...], x2n, (((1,), (1,)), ((), ())),
                                  preferred_element_type=jnp.float32)
            lt_ref[b] = lgT + bc_ref[...][:, None]


def _call_d(x, kk, vv, Wq, bq, Wo, bo, g_post, wi, bi, Wc, bc, g_pre,
            ig_prev):
    is_last = ig_prev is not None
    in_specs = [
        pl.BlockSpec((B, TL, D), lambda t: (0, t, 0)),
        pl.BlockSpec((B, S, D), lambda t: (0, 0, 0)),
        pl.BlockSpec((B, S, D), lambda t: (0, 0, 0)),
        pl.BlockSpec((D, D), lambda t: (0, 0)),
        pl.BlockSpec((D,), lambda t: (0,)),
        pl.BlockSpec((D, D), lambda t: (0, 0)),
        pl.BlockSpec((D,), lambda t: (0,)),
        pl.BlockSpec((D,), lambda t: (0,)),
        pl.BlockSpec((D,), lambda t: (0,)),
        pl.BlockSpec((1,), lambda t: (0,)),
        pl.BlockSpec((S, D), lambda t: (0, 0)),
        pl.BlockSpec((S,), lambda t: (0,)),
        pl.BlockSpec((D,), lambda t: (0,)),
    ]
    args = [x, kk, vv, Wq, bq, Wo, bo, g_post, wi, bi, Wc, bc, g_pre]
    out_specs = [pl.BlockSpec((B, TL, D), lambda t: (0, t, 0)),
                 pl.BlockSpec((B, TL), lambda t: (0, t))]
    out_shape = [jax.ShapeDtypeStruct((B, L, D), jnp.float32),
                 jax.ShapeDtypeStruct((B, L), jnp.float32)]
    if is_last:
        in_specs.append(pl.BlockSpec((B, TL), lambda t: (0, t)))
        args.append(ig_prev)
    else:
        out_specs.append(pl.BlockSpec((B, S, TL), lambda t: (0, 0, t)))
        out_shape.append(jax.ShapeDtypeStruct((B, S, L), jnp.float32))
    return pl.pallas_call(
        functools.partial(_d_body, is_last=is_last),
        grid=(L // TL,),
        in_specs=in_specs,
        out_specs=out_specs,
        out_shape=out_shape,
    )(*args)



def kernel(x, workspace, Wc, bc, Ww, bw, Wq, bq, Wk, bk, Wv, bv, Wo, bo,
           Wi, bi, g_pre, g_post):
    wi = Wi[0]
    ws = jnp.broadcast_to(workspace[None], (B, S, D))
    ig = None
    ltT = _call_a(x, Wc, bc, g_pre)
    for blk in range(NB):
        _, tv, rows = _sc_topk(ltT, x.reshape(B * L, D))
        ws, kk, vv = _call_c(ws, rows, tv, Ww, bw, Wk, bk, Wv, bv, g_post)
        out = _call_d(x, kk, vv, Wq, bq, Wo, bo, g_post, wi, bi,
                      Wc, bc, g_pre, ig)
        if blk + 1 < NB:
            x, ig, ltT = out
        else:
            x, ig = out
    return x, ws, ig

# --- scband reference (transcript-rebuilt; emitter-appended) ---
"""Pipeline reference for scband-global-workspace-87076166960170 (READ-ONLY COPY).

The authoritative reference and input builder live on the scoring server;
editing this copy changes nothing except your own understanding.
"""

import jax, jax.numpy as jnp
import numpy as np

B, L, D, S, K, H, NB = 2, 2048, 1024, 16, 4, 16, 2
DH = D // H

def rmsnorm(x, w, eps=1e-6):
    return x * jax.lax.rsqrt(jnp.mean(x * x, axis=-1, keepdims=True) + eps) * w

def setup_inputs(seed: int = 0):
    key = jax.random.key(seed)
    ks = jax.random.split(key, 18)
    z = lambda *s: jnp.zeros(s, jnp.float32)
    r = lambda k, *s: jax.random.normal(ks[k], s, jnp.float32) * 0.02
    return {
        "x": jax.random.normal(ks[0], (B, L, D), jnp.float32),
        "workspace": r(1, S, D),
        "Wc": r(2, S, D), "bc": z(S),
        "Ww": r(3, D, D), "bw": z(D),
        "Wq": r(4, D, D), "bq": z(D),
        "Wk": r(5, D, D), "bk": z(D),
        "Wv": r(6, D, D), "bv": z(D),
        "Wo": r(7, D, D), "bo": z(D),
        "Wi": r(8, 1, D), "bi": z(1),
        "g_pre": jnp.ones((D,), jnp.float32),
        "g_post": jnp.ones((D,), jnp.float32),
    }

def reference(x, workspace, Wc, bc, Ww, bw, Wq, bq, Wk, bk, Wv, bv, Wo, bo, Wi, bi, g_pre, g_post):
    Bx, Lx, Dx = x.shape
    ws = jnp.broadcast_to(workspace[None], (Bx, S, Dx))
    ign = []
    for _ in range(NB):
        logits = rmsnorm(x, g_pre) @ Wc.T + bc              # [B, L, S]
        slot_logits = jnp.swapaxes(logits, 1, 2)            # [B, S, L]
        k = min(K, Lx)
        tv, ti = jax.lax.top_k(slot_logits, k)              # [B, S, k]
        sw = jnp.zeros_like(slot_logits)
        bidx = jnp.arange(Bx)[:, None, None]
        sidx = jnp.arange(S)[None, :, None]
        sw = sw.at[bidx, sidx, ti].set(jax.nn.softmax(tv, axis=-1))
        written = jnp.einsum('bsl,bld->bsd', sw, x @ Ww.T + bw)
        ws = rmsnorm(ws + written, g_post)
        q = (x @ Wq.T + bq).reshape(Bx, Lx, H, DH).transpose(0, 2, 1, 3)
        kk = (ws @ Wk.T + bk).reshape(Bx, S, H, DH).transpose(0, 2, 1, 3)
        vv = (ws @ Wv.T + bv).reshape(Bx, S, H, DH).transpose(0, 2, 1, 3)
        att = jax.nn.softmax((q @ jnp.swapaxes(kk, -1, -2)) / jnp.sqrt(jnp.float32(DH)), axis=-1)
        xb = (att @ vv).transpose(0, 2, 1, 3).reshape(Bx, Lx, Dx) @ Wo.T + bo
        x = rmsnorm(x + xb, g_post)
        ign.append(jax.nn.sigmoid(x @ Wi.T + bi))
    final = jnp.stack(ign, axis=0).mean(axis=0)
    return x, ws, final[..., 0]

if __name__ == "__main__":
    import jax
    _d = setup_inputs()
    print(jax.jit(kernel)(*tuple(_d.values())))

</pallas_src>

<mosaic_0001>
#map = affine_map<(d0, d1) -> (0, 0, 0)>
#map1 = affine_map<(d0, d1) -> (0, 0)>
#map2 = affine_map<(d0, d1) -> (0, 0, 0, 0)>
module attributes {stable_mosaic.version = 14 : i64} {
  func.func @_b_body(%arg0: i32, %arg1: i32, %arg2: memref<2x16x2048xf32, #tpu.memory_space<hbm>>, %arg3: memref<4096x1024xf32, #tpu.memory_space<hbm>>, %arg4: memref<2x16x16xi32, #tpu.memory_space<hbm>>, %arg5: memref<2x16x16xf32, #tpu.memory_space<hbm>>, %arg6: memref<2x16x4x1024xf32, #tpu.memory_space<hbm>>, %arg7: memref<2048xf32, #tpu.memory_space<vmem>>, %arg8: memref<16xi32, #tpu.memory_space<vmem>>, %arg9: memref<16xf32, #tpu.memory_space<vmem>>, %arg10: memref<16x1024xf32, #tpu.memory_space<vmem>>, %arg11: memref<!tpu.dma_semaphore, #tpu.memory_space<semaphore_mem>>) attributes {dimension_semantics = [#tpu.dimension_semantics<core_parallel>, #tpu.dimension_semantics<subcore_parallel>], iteration_bounds = array<i64: 2, 16>, scalar_prefetch = 0 : i64, scratch_operands = 5 : i64, tpu.core_type = #tpu.core_type<sc_vector_subcore>, window_params = [{transform_indices = #map}, {transform_indices = #map1}, {transform_indices = #map}, {transform_indices = #map}, {transform_indices = #map2}]} {
    %mul3A = arith.constant 16 : i32
    %mul3A_0 = arith.muli %arg0, %mul3A : i32
    %add3A = arith.addi %mul3A_0, %arg1 : i32
    %jit3A = arith.constant 16 : i32
    %div3A = arith.divsi %add3A, %jit3A : i32
    %sign3A = arith.constant 0 : i32
    %sign3A_1 = arith.cmpi sgt, %add3A, %sign3A : i32
    %sign3A_2 = arith.extui %sign3A_1 : i1 to i32
    %sign3A_3 = arith.constant 0 : i32
    %sign3A_4 = arith.cmpi slt, %add3A, %sign3A_3 : i32
    %sign3A_5 = arith.extui %sign3A_4 : i1 to i32
    %sign3A_6 = arith.subi %sign3A_2, %sign3A_5 : i32
    %sign3A_7 = arith.constant 0 : i32
    %sign3A_8 = arith.cmpi sgt, %jit3A, %sign3A_7 : i32
    %sign3A_9 = arith.extui %sign3A_8 : i1 to i32
    %sign3A_10 = arith.constant 0 : i32
    %sign3A_11 = arith.cmpi slt, %jit3A, %sign3A_10 : i32
    %sign3A_12 = arith.extui %sign3A_11 : i1 to i32
    %sign3A_13 = arith.subi %sign3A_9, %sign3A_12 : i32
    %ne3A = arith.cmpi ne, %sign3A_6, %sign3A_13 : i32
    %rem3A = arith.remsi %add3A, %jit3A : i32
    %ne3A_14 = arith.constant 0 : i32
    %ne3A_15 = arith.cmpi ne, %rem3A, %ne3A_14 : i32
    %and3A = arith.andi %ne3A, %ne3A_15 : i1
    %sub3A = arith.constant 1 : i32
    %sub3A_16 = arith.subi %div3A, %sub3A : i32
    %select_n3A = arith.select %and3A, %sub3A_16, %div3A : i32
    %jit3A_17 = arith.constant 16 : i32
    %eq3A = arith.constant 0 : i32
    %eq3A_18 = arith.cmpi eq, %jit3A_17, %eq3A : i32
    %jit3A_19 = arith.constant 1 : i32
    %select_n3A_20 = arith.select %eq3A_18, %jit3A_19, %jit3A_17 : i32
    %rem3A_21 = arith.remsi %add3A, %select_n3A_20 : i32
    %ne3A_22 = arith.constant 0 : i32
    %ne3A_23 = arith.cmpi ne, %rem3A_21, %ne3A_22 : i32
    %lt3A = arith.constant 0 : i32
    %lt3A_24 = arith.cmpi slt, %rem3A_21, %lt3A : i32
    %lt3A_25 = arith.constant 0 : i32
    %lt3A_26 = arith.cmpi slt, %select_n3A_20, %lt3A_25 : i32
    %ne3A_27 = arith.xori %lt3A_24, %lt3A_26 : i1
    %and3A_28 = arith.andi %ne3A_27, %ne3A_23 : i1
    %add3A_29 = arith.addi %rem3A_21, %select_n3A_20 : i32
    %select_n3A_30 = arith.select %and3A_28, %add3A_29, %rem3A_21 : i32
    "tpu.region"() ({
      %run_scoped3A = tpu.sem_alloc : memref<!tpu.dma_semaphore, #tpu.memory_space<semaphore_mem>>
      %dma_start3A_214 = arith.constant 0 : i32
      %dma_start3A_215 = tpu.memref_slice %arg2[%select_n3A, %select_n3A_30, %dma_start3A_214] : memref<2x16x2048xf32, #tpu.memory_space<hbm>> -> memref<1x1x2048xf32, #tpu.memory_space<hbm>>
      %dma_start3A_216 = tpu.memref_squeeze %dma_start3A_215 : memref<1x1x2048xf32, #tpu.memory_space<hbm>> -> memref<2048xf32, #tpu.memory_space<hbm>>
      %dma_start3A_217 = arith.constant 0 : i32
      %dma_start3A_218 = tpu.memref_slice %arg2[%select_n3A, %select_n3A_30, %dma_start3A_217] : memref<2x16x2048xf32, #tpu.memory_space<hbm>> -> memref<1x1x2048xf32, #tpu.memory_space<hbm>>
      %dma_start3A_219 = tpu.memref_squeeze %dma_start3A_218 : memref<1x1x2048xf32, #tpu.memory_space<hbm>> -> memref<2048xf32, #tpu.memory_space<hbm>>
      tpu.enqueue_dma source(%dma_start3A_219 : memref<2048xf32, #tpu.memory_space<hbm>>) target(%arg7 : memref<2048xf32, #tpu.memory_space<vmem>>) target_semaphore(%run_scoped3A : memref<!tpu.dma_semaphore, #tpu.memory_space<semaphore_mem>>)
      %dma_wait3A_220 = arith.constant 0 : i32
      %dma_wait3A_221 = tpu.memref_slice %arg2[%select_n3A, %select_n3A_30, %dma_wait3A_220] : memref<2x16x2048xf32, #tpu.memory_space<hbm>> -> memref<1x1x2048xf32, #tpu.memory_space<hbm>>
      %dma_wait3A_222 = tpu.memref_squeeze %dma_wait3A_221 : memref<1x1x2048xf32, #tpu.memory_space<hbm>> -> memref<2048xf32, #tpu.memory_space<hbm>>
      %dma_wait3A_223 = arith.constant 0 : i32
      %dma_wait3A_224 = tpu.memref_slice %arg2[%select_n3A, %select_n3A_30, %dma_wait3A_223] : memref<2x16x2048xf32, #tpu.memory_space<hbm>> -> memref<1x1x2048xf32, #tpu.memory_space<hbm>>
      %dma_wait3A_225 = tpu.memref_squeeze %dma_wait3A_224 : memref<1x1x2048xf32, #tpu.memory_space<hbm>> -> memref<2048xf32, #tpu.memory_space<hbm>>
      tpu.wait_dma2 semaphore(%run_scoped3A : memref<!tpu.dma_semaphore, #tpu.memory_space<semaphore_mem>>) src(%dma_wait3A_225 : memref<2048xf32, #tpu.memory_space<hbm>>) dst(%arg7 : memref<2048xf32, #tpu.memory_space<vmem>>)
      tpu.yield
    }) : () -> ()
    %iota3A = tpu.iota {dimensions = array<i32: 0>} : vector<16xi32>
    %broadcast_in_dim3A = arith.constant -3.000000e+38 : f32
    %broadcast_in_dim3A_31 = vector.broadcast %broadcast_in_dim3A : f32 to vector<16xf32>
    %broadcast_in_dim3A_32 = arith.constant 0 : i32
    %broadcast_in_dim3A_33 = vector.broadcast %broadcast_in_dim3A_32 : i32 to vector<16xi32>
    %scan3A = arith.constant 0 : i32
    %scan3A_34 = arith.constant 16 : i32
    %scan3A_35 = arith.addi %scan3A, %scan3A_34 : i32
    %scan3A_36 = arith.constant 1 : i32
    %scan3A_37:2 = scf.for %scan3A_214 = %scan3A to %scan3A_35 step %scan3A_36 iter_args(%scan3A_215 = %broadcast_in_dim3A_31, %scan3A_216 = %broadcast_in_dim3A_33) -> (vector<16xf32>, vector<16xi32>)  : i32 {
      %mul3A_217 = arith.constant 8 : i32
      %mul3A_218 = arith.muli %scan3A_214, %mul3A_217 : i32
      %add3A_219 = arith.constant 0 : i32
      %add3A_220 = arith.addi %mul3A_218, %add3A_219 : i32
      %mul3A_221 = arith.constant 16 : i32
      %mul3A_222 = arith.muli %add3A_220, %mul3A_221 : i32
      %multiple_of3A = tpu.assume_multiple %mul3A_222, 16 : i32
      %get3A = arith.index_cast %multiple_of3A : i32 to index
      %get3A_223 = tpu.vector_load %arg7[%get3A] {strides = array<i32>} : memref<2048xf32, #tpu.memory_space<vmem>>, vector<16xf32>,
      %add3A_224 = vector.broadcast %multiple_of3A : i32 to vector<16xi32>
      %add3A_225 = arith.addi %add3A_224, %iota3A : vector<16xi32>
      %mul3A_226 = arith.constant 8 : i32
      %mul3A_227 = arith.muli %scan3A_214, %mul3A_226 : i32
      %add3A_228 = arith.constant 1 : i32
      %add3A_229 = arith.addi %mul3A_227, %add3A_228 : i32
      %mul3A_230 = arith.constant 16 : i32
      %mul3A_231 = arith.muli %add3A_229, %mul3A_230 : i32
      %multiple_of3A_232 = tpu.assume_multiple %mul3A_231, 16 : i32
      %get3A_233 = arith.index_cast %multiple_of3A_232 : i32 to index
      %get3A_234 = tpu.vector_load %arg7[%get3A_233] {strides = array<i32>} : memref<2048xf32, #tpu.memory_space<vmem>>, vector<16xf32>,
      %add3A_235 = vector.broadcast %multiple_of3A_232 : i32 to vector<16xi32>
      %add3A_236 = arith.addi %add3A_235, %iota3A : vector<16xi32>
      %mul3A_237 = arith.constant 8 : i32
      %mul3A_238 = arith.muli %scan3A_214, %mul3A_237 : i32
      %add3A_239 = arith.constant 2 : i32
      %add3A_240 = arith.addi %mul3A_238, %add3A_239 : i32
      %mul3A_241 = arith.constant 16 : i32
      %mul3A_242 = arith.muli %add3A_240, %mul3A_241 : i32
      %multiple_of3A_243 = tpu.assume_multiple %mul3A_242, 16 : i32
      %get3A_244 = arith.index_cast %multiple_of3A_243 : i32 to index
      %get3A_245 = tpu.vector_load %arg7[%get3A_244] {strides = array<i32>} : memref<2048xf32, #tpu.memory_space<vmem>>, vector<16xf32>,
      %add3A_246 = vector.broadcast %multiple_of3A_243 : i32 to vector<16xi32>
      %add3A_247 = arith.addi %add3A_246, %iota3A : vector<16xi32>
      %mul3A_248 = arith.constant 8 : i32
      %mul3A_249 = arith.muli %scan3A_214, %mul3A_248 : i32
      %add3A_250 = arith.constant 3 : i32
      %add3A_251 = arith.addi %mul3A_249, %add3A_250 : i32
      %mul3A_252 = arith.constant 16 : i32
      %mul3A_253 = arith.muli %add3A_251, %mul3A_252 : i32
      %multiple_of3A_254 = tpu.assume_multiple %mul3A_253, 16 : i32
      %get3A_255 = arith.index_cast %multiple_of3A_254 : i32 to index
      %get3A_256 = tpu.vector_load %arg7[%get3A_255] {strides = array<i32>} : memref<2048xf32, #tpu.memory_space<vmem>>, vector<16xf32>,
      %add3A_257 = vector.broadcast %multiple_of3A_254 : i32 to vector<16xi32>
      %add3A_258 = arith.addi %add3A_257, %iota3A : vector<16xi32>
      %mul3A_259 = arith.constant 8 : i32
      %mul3A_260 = arith.muli %scan3A_214, %mul3A_259 : i32
      %add3A_261 = arith.constant 4 : i32
      %add3A_262 = arith.addi %mul3A_260, %add3A_261 : i32
      %mul3A_263 = arith.constant 16 : i32
      %mul3A_264 = arith.muli %add3A_262, %mul3A_263 : i32
      %multiple_of3A_265 = tpu.assume_multiple %mul3A_264, 16 : i32
      %get3A_266 = arith.index_cast %multiple_of3A_265 : i32 to index
      %get3A_267 = tpu.vector_load %arg7[%get3A_266] {strides = array<i32>} : memref<2048xf32, #tpu.memory_space<vmem>>, vector<16xf32>,
      %add3A_268 = vector.broadcast %multiple_of3A_265 : i32 to vector<16xi32>
      %add3A_269 = arith.addi %add3A_268, %iota3A : vector<16xi32>
      %mul3A_270 = arith.constant 8 : i32
      %mul3A_271 = arith.muli %scan3A_214, %mul3A_270 : i32
      %add3A_272 = arith.constant 5 : i32
      %add3A_273 = arith.addi %mul3A_271, %add3A_272 : i32
      %mul3A_274 = arith.constant 16 : i32
      %mul3A_275 = arith.muli %add3A_273, %mul3A_274 : i32
      %multiple_of3A_276 = tpu.assume_multiple %mul3A_275, 16 : i32
      %get3A_277 = arith.index_cast %multiple_of3A_276 : i32 to index
      %get3A_278 = tpu.vector_load %arg7[%get3A_277] {strides = array<i32>} : memref<2048xf32, #tpu.memory_space<vmem>>, vector<16xf32>,
      %add3A_279 = vector.broadcast %multiple_of3A_276 : i32 to vector<16xi32>
      %add3A_280 = arith.addi %add3A_279, %iota3A : vector<16xi32>
      %mul3A_281 = arith.constant 8 : i32
      %mul3A_282 = arith.muli %scan3A_214, %mul3A_281 : i32
      %add3A_283 = arith.constant 6 : i32
      %add3A_284 = arith.addi %mul3A_282, %add3A_283 : i32
      %mul3A_285 = arith.constant 16 : i32
      %mul3A_286 = arith.muli %add3A_284, %mul3A_285 : i32
      %multiple_of3A_287 = tpu.assume_multiple %mul3A_286, 16 : i32
      %get3A_288 = arith.index_cast %multiple_of3A_287 : i32 to index
      %get3A_289 = tpu.vector_load %arg7[%get3A_288] {strides = array<i32>} : memref<2048xf32, #tpu.memory_space<vmem>>, vector<16xf32>,
      %add3A_290 = vector.broadcast %multiple_of3A_287 : i32 to vector<16xi32>
      %add3A_291 = arith.addi %add3A_290, %iota3A : vector<16xi32>
      %mul3A_292 = arith.constant 8 : i32
      %mul3A_293 = arith.muli %scan3A_214, %mul3A_292 : i32
      %add3A_294 = arith.constant 7 : i32
      %add3A_295 = arith.addi %mul3A_293, %add3A_294 : i32
      %mul3A_296 = arith.constant 16 : i32
      %mul3A_297 = arith.muli %add3A_295, %mul3A_296 : i32
      %multiple_of3A_298 = tpu.assume_multiple %mul3A_297, 16 : i32
      %get3A_299 = arith.index_cast %multiple_of3A_298 : i32 to index
      %get3A_300 = tpu.vector_load %arg7[%get3A_299] {strides = array<i32>} : memref<2048xf32, #tpu.memory_space<vmem>>, vector<16xf32>,
      %add3A_301 = vector.broadcast %multiple_of3A_298 : i32 to vector<16xi32>
      %add3A_302 = arith.addi %add3A_301, %iota3A : vector<16xi32>
      %ge3A = arith.cmpf oge, %get3A_223, %get3A_234 : vector<16xf32>
      %select_n3A_303 = arith.select %ge3A, %get3A_223, %get3A_234 : vector<16xi1>, vector<16xf32>
      %select_n3A_304 = arith.select %ge3A, %add3A_225, %add3A_236 : vector<16xi1>, vector<16xi32>
      %ge3A_305 = arith.cmpf oge, %get3A_245, %get3A_256 : vector<16xf32>
      %select_n3A_306 = arith.select %ge3A_305, %get3A_245, %get3A_256 : vector<16xi1>, vector<16xf32>
      %select_n3A_307 = arith.select %ge3A_305, %add3A_247, %add3A_258 : vector<16xi1>, vector<16xi32>
      %ge3A_308 = arith.cmpf oge, %get3A_267, %get3A_278 : vector<16xf32>
      %select_n3A_309 = arith.select %ge3A_308, %get3A_267, %get3A_278 : vector<16xi1>, vector<16xf32>
      %select_n3A_310 = arith.select %ge3A_308, %add3A_269, %add3A_280 : vector<16xi1>, vector<16xi32>
      %ge3A_311 = arith.cmpf oge, %get3A_289, %get3A_300 : vector<16xf32>
      %select_n3A_312 = arith.select %ge3A_311, %get3A_289, %get3A_300 : vector<16xi1>, vector<16xf32>
      %select_n3A_313 = arith.select %ge3A_311, %add3A_291, %add3A_302 : vector<16xi1>, vector<16xi32>
      %ge3A_314 = arith.cmpf oge, %select_n3A_303, %select_n3A_306 : vector<16xf32>
      %select_n3A_315 = arith.select %ge3A_314, %select_n3A_303, %select_n3A_306 : vector<16xi1>, vector<16xf32>
      %select_n3A_316 = arith.select %ge3A_314, %select_n3A_304, %select_n3A_307 : vector<16xi1>, vector<16xi32>
      %ge3A_317 = arith.cmpf oge, %select_n3A_309, %select_n3A_312 : vector<16xf32>
      %select_n3A_318 = arith.select %ge3A_317, %select_n3A_309, %select_n3A_312 : vector<16xi1>, vector<16xf32>
      %select_n3A_319 = arith.select %ge3A_317, %select_n3A_310, %select_n3A_313 : vector<16xi1>, vector<16xi32>
      %ge3A_320 = arith.cmpf oge, %select_n3A_315, %select_n3A_318 : vector<16xf32>
      %select_n3A_321 = arith.select %ge3A_320, %select_n3A_315, %select_n3A_318 : vector<16xi1>, vector<16xf32>
      %select_n3A_322 = arith.select %ge3A_320, %select_n3A_316, %select_n3A_319 : vector<16xi1>, vector<16xi32>
      %gt3A_323 = arith.cmpf ogt, %select_n3A_321, %scan3A_215 : vector<16xf32>
      %select_n3A_324 = arith.select %gt3A_323, %select_n3A_321, %scan3A_215 : vector<16xi1>, vector<16xf32>
      %select_n3A_325 = arith.select %gt3A_323, %select_n3A_322, %scan3A_216 : vector<16xi1>, vector<16xi32>
      scf.yield %select_n3A_324, %select_n3A_325 : vector<16xf32>, vector<16xi32>
    }
    %scan3A_38 = arith.constant 16 : i32
    %reduce_max3A = arith.constant true
    %reduce_max3A_39 = vector.broadcast %reduce_max3A : i1 to vector<16xi1>
    %reduce_max3A_40 = tpu.scan <max>, %scan3A_37#0 masked %reduce_max3A_39 : vector<16xf32>, vector<16xi1> -> vector<16xf32>
    %reduce_max3A_41 = vector.extract %reduce_max3A_40[15] : f32 from vector<16xf32>
    %eq3A_42 = vector.broadcast %reduce_max3A_41 : f32 to vector<16xf32>
    %eq3A_43 = arith.cmpf oeq, %scan3A_37#0, %eq3A_42 : vector<16xf32>
    %jit3A_44 = arith.constant 1073741824 : i32
    %broadcast_in_dim3A_45 = vector.broadcast %jit3A_44 : i32 to vector<16xi32>
    %select_n3A_46 = arith.select %eq3A_43, %scan3A_37#1, %broadcast_in_dim3A_45 : vector<16xi1>, vector<16xi32>
    %reduce_min3A = arith.constant true
    %reduce_min3A_47 = vector.broadcast %reduce_min3A : i1 to vector<16xi1>
    %reduce_min3A_48 = arith.constant -2147483648 : i32
    %reduce_min3A_49 = vector.broadcast %reduce_min3A_48 : i32 to vector<16xi32>
    %reduce_min3A_50 = arith.xori %select_n3A_46, %reduce_min3A_49 : vector<16xi32>
    %reduce_min3A_51 = tpu.scan <min>, %reduce_min3A_50 masked %reduce_min3A_47 : vector<16xi32>, vector<16xi1> -> vector<16xi32>
    %reduce_min3A_52 = arith.xori %reduce_min3A_51, %reduce_min3A_49 : vector<16xi32>
    %reduce_min3A_53 = vector.extract %reduce_min3A_52[15] : i32 from vector<16xi32>
    %broadcast_in_dim3A_54 = arith.constant -3.000000e+38 : f32
    %broadcast_in_dim3A_55 = vector.broadcast %broadcast_in_dim3A_54 : f32 to vector<16xf32>
    %broadcast_in_dim3A_56 = arith.constant 0 : i32
    %broadcast_in_dim3A_57 = vector.broadcast %broadcast_in_dim3A_56 : i32 to vector<16xi32>
    %scan3A_58 = arith.constant 0 : i32
    %scan3A_59 = arith.constant 16 : i32
    %scan3A_60 = arith.addi %scan3A_58, %scan3A_59 : i32
    %scan3A_61 = arith.constant 1 : i32
    %scan3A_62:2 = scf.for %scan3A_214 = %scan3A_58 to %scan3A_60 step %scan3A_61 iter_args(%scan3A_215 = %broadcast_in_dim3A_55, %scan3A_216 = %broadcast_in_dim3A_57) -> (vector<16xf32>, vector<16xi32>)  : i32 {
      %mul3A_217 = arith.constant 8 : i32
      %mul3A_218 = arith.muli %scan3A_214, %mul3A_217 : i32
      %add3A_219 = arith.constant 0 : i32
      %add3A_220 = arith.addi %mul3A_218, %add3A_219 : i32
      %mul3A_221 = arith.constant 16 : i32
      %mul3A_222 = arith.muli %add3A_220, %mul3A_221 : i32
      %multiple_of3A = tpu.assume_multiple %mul3A_222, 16 : i32
      %get3A = arith.index_cast %multiple_of3A : i32 to index
      %get3A_223 = tpu.vector_load %arg7[%get3A] {strides = array<i32>} : memref<2048xf32, #tpu.memory_space<vmem>>, vector<16xf32>,
      %add3A_224 = vector.broadcast %multiple_of3A : i32 to vector<16xi32>
      %add3A_225 = arith.addi %add3A_224, %iota3A : vector<16xi32>
      %eq3A_226 = vector.broadcast %reduce_min3A_53 : i32 to vector<16xi32>
      %eq3A_227 = arith.cmpi eq, %add3A_225, %eq3A_226 : vector<16xi32>
      %jit3A_228 = arith.constant -3.000000e+38 : f32
      %broadcast_in_dim3A_229 = vector.broadcast %jit3A_228 : f32 to vector<16xf32>
      %select_n3A_230 = arith.select %eq3A_227, %broadcast_in_dim3A_229, %get3A_223 : vector<16xi1>, vector<16xf32>
      %mul3A_231 = arith.constant 8 : i32
      %mul3A_232 = arith.muli %scan3A_214, %mul3A_231 : i32
      %add3A_233 = arith.constant 1 : i32
      %add3A_234 = arith.addi %mul3A_232, %add3A_233 : i32
      %mul3A_235 = arith.constant 16 : i32
      %mul3A_236 = arith.muli %add3A_234, %mul3A_235 : i32
      %multiple_of3A_237 = tpu.assume_multiple %mul3A_236, 16 : i32
      %get3A_238 = arith.index_cast %multiple_of3A_237 : i32 to index
      %get3A_239 = tpu.vector_load %arg7[%get3A_238] {strides = array<i32>} : memref<2048xf32, #tpu.memory_space<vmem>>, vector<16xf32>,
      %add3A_240 = vector.broadcast %multiple_of3A_237 : i32 to vector<16xi32>
      %add3A_241 = arith.addi %add3A_240, %iota3A : vector<16xi32>
      %eq3A_242 = vector.broadcast %reduce_min3A_53 : i32 to vector<16xi32>
      %eq3A_243 = arith.cmpi eq, %add3A_241, %eq3A_242 : vector<16xi32>
      %jit3A_244 = arith.constant -3.000000e+38 : f32
      %broadcast_in_dim3A_245 = vector.broadcast %jit3A_244 : f32 to vector<16xf32>
      %select_n3A_246 = arith.select %eq3A_243, %broadcast_in_dim3A_245, %get3A_239 : vector<16xi1>, vector<16xf32>
      %mul3A_247 = arith.constant 8 : i32
      %mul3A_248 = arith.muli %scan3A_214, %mul3A_247 : i32
      %add3A_249 = arith.constant 2 : i32
      %add3A_250 = arith.addi %mul3A_248, %add3A_249 : i32
      %mul3A_251 = arith.constant 16 : i32
      %mul3A_252 = arith.muli %add3A_250, %mul3A_251 : i32
      %multiple_of3A_253 = tpu.assume_multiple %mul3A_252, 16 : i32
      %get3A_254 = arith.index_cast %multiple_of3A_253 : i32 to index
      %get3A_255 = tpu.vector_load %arg7[%get3A_254] {strides = array<i32>} : memref<2048xf32, #tpu.memory_space<vmem>>, vector<16xf32>,
      %add3A_256 = vector.broadcast %multiple_of3A_253 : i32 to vector<16xi32>
      %add3A_257 = arith.addi %add3A_256, %iota3A : vector<16xi32>
      %eq3A_258 = vector.broadcast %reduce_min3A_53 : i32 to vector<16xi32>
      %eq3A_259 = arith.cmpi eq, %add3A_257, %eq3A_258 : vector<16xi32>
      %jit3A_260 = arith.constant -3.000000e+38 : f32
      %broadcast_in_dim3A_261 = vector.broadcast %jit3A_260 : f32 to vector<16xf32>
      %select_n3A_262 = arith.select %eq3A_259, %broadcast_in_dim3A_261, %get3A_255 : vector<16xi1>, vector<16xf32>
      %mul3A_263 = arith.constant 8 : i32
      %mul3A_264 = arith.muli %scan3A_214, %mul3A_263 : i32
      %add3A_265 = arith.constant 3 : i32
      %add3A_266 = arith.addi %mul3A_264, %add3A_265 : i32
      %mul3A_267 = arith.constant 16 : i32
      %mul3A_268 = arith.muli %add3A_266, %mul3A_267 : i32
      %multiple_of3A_269 = tpu.assume_multiple %mul3A_268, 16 : i32
      %get3A_270 = arith.index_cast %multiple_of3A_269 : i32 to index
      %get3A_271 = tpu.vector_load %arg7[%get3A_270] {strides = array<i32>} : memref<2048xf32, #tpu.memory_space<vmem>>, vector<16xf32>,
      %add3A_272 = vector.broadcast %multiple_of3A_269 : i32 to vector<16xi32>
      %add3A_273 = arith.addi %add3A_272, %iota3A : vector<16xi32>
      %eq3A_274 = vector.broadcast %reduce_min3A_53 : i32 to vector<16xi32>
      %eq3A_275 = arith.cmpi eq, %add3A_273, %eq3A_274 : vector<16xi32>
      %jit3A_276 = arith.constant -3.000000e+38 : f32
      %broadcast_in_dim3A_277 = vector.broadcast %jit3A_276 : f32 to vector<16xf32>
      %select_n3A_278 = arith.select %eq3A_275, %broadcast_in_dim3A_277, %get3A_271 : vector<16xi1>, vector<16xf32>
      %mul3A_279 = arith.constant 8 : i32
      %mul3A_280 = arith.muli %scan3A_214, %mul3A_279 : i32
      %add3A_281 = arith.constant 4 : i32
      %add3A_282 = arith.addi %mul3A_280, %add3A_281 : i32
      %mul3A_283 = arith.constant 16 : i32
      %mul3A_284 = arith.muli %add3A_282, %mul3A_283 : i32
      %multiple_of3A_285 = tpu.assume_multiple %mul3A_284, 16 : i32
      %get3A_286 = arith.index_cast %multiple_of3A_285 : i32 to index
      %get3A_287 = tpu.vector_load %arg7[%get3A_286] {strides = array<i32>} : memref<2048xf32, #tpu.memory_space<vmem>>, vector<16xf32>,
      %add3A_288 = vector.broadcast %multiple_of3A_285 : i32 to vector<16xi32>
      %add3A_289 = arith.addi %add3A_288, %iota3A : vector<16xi32>
      %eq3A_290 = vector.broadcast %reduce_min3A_53 : i32 to vector<16xi32>
      %eq3A_291 = arith.cmpi eq, %add3A_289, %eq3A_290 : vector<16xi32>
      %jit3A_292 = arith.constant -3.000000e+38 : f32
      %broadcast_in_dim3A_293 = vector.broadcast %jit3A_292 : f32 to vector<16xf32>
      %select_n3A_294 = arith.select %eq3A_291, %broadcast_in_dim3A_293, %get3A_287 : vector<16xi1>, vector<16xf32>
      %mul3A_295 = arith.constant 8 : i32
      %mul3A_296 = arith.muli %scan3A_214, %mul3A_295 : i32
      %add3A_297 = arith.constant 5 : i32
      %add3A_298 = arith.addi %mul3A_296, %add3A_297 : i32
      %mul3A_299 = arith.constant 16 : i32
      %mul3A_300 = arith.muli %add3A_298, %mul3A_299 : i32
      %multiple_of3A_301 = tpu.assume_multiple %mul3A_300, 16 : i32
      %get3A_302 = arith.index_cast %multiple_of3A_301 : i32 to index
      %get3A_303 = tpu.vector_load %arg7[%get3A_302] {strides = array<i32>} : memref<2048xf32, #tpu.memory_space<vmem>>, vector<16xf32>,
      %add3A_304 = vector.broadcast %multiple_of3A_301 : i32 to vector<16xi32>
      %add3A_305 = arith.addi %add3A_304, %iota3A : vector<16xi32>
      %eq3A_306 = vector.broadcast %reduce_min3A_53 : i32 to vector<16xi32>
      %eq3A_307 = arith.cmpi eq, %add3A_305, %eq3A_306 : vector<16xi32>
      %jit3A_308 = arith.constant -3.000000e+38 : f32
      %broadcast_in_dim3A_309 = vector.broadcast %jit3A_308 : f32 to vector<16xf32>
      %select_n3A_310 = arith.select %eq3A_307, %broadcast_in_dim3A_309, %get3A_303 : vector<16xi1>, vector<16xf32>
      %mul3A_311 = arith.constant 8 : i32
      %mul3A_312 = arith.muli %scan3A_214, %mul3A_311 : i32
      %add3A_313 = arith.constant 6 : i32
      %add3A_314 = arith.addi %mul3A_312, %add3A_313 : i32
      %mul3A_315 = arith.constant 16 : i32
      %mul3A_316 = arith.muli %add3A_314, %mul3A_315 : i32
      %multiple_of3A_317 = tpu.assume_multiple %mul3A_316, 16 : i32
      %get3A_318 = arith.index_cast %multiple_of3A_317 : i32 to index
      %get3A_319 = tpu.vector_load %arg7[%get3A_318] {strides = array<i32>} : memref<2048xf32, #tpu.memory_space<vmem>>, vector<16xf32>,
      %add3A_320 = vector.broadcast %multiple_of3A_317 : i32 to vector<16xi32>
      %add3A_321 = arith.addi %add3A_320, %iota3A : vector<16xi32>
      %eq3A_322 = vector.broadcast %reduce_min3A_53 : i32 to vector<16xi32>
      %eq3A_323 = arith.cmpi eq, %add3A_321, %eq3A_322 : vector<16xi32>
      %jit3A_324 = arith.constant -3.000000e+38 : f32
      %broadcast_in_dim3A_325 = vector.broadcast %jit3A_324 : f32 to vector<16xf32>
      %select_n3A_326 = arith.select %eq3A_323, %broadcast_in_dim3A_325, %get3A_319 : vector<16xi1>, vector<16xf32>
      %mul3A_327 = arith.constant 8 : i32
      %mul3A_328 = arith.muli %scan3A_214, %mul3A_327 : i32
      %add3A_329 = arith.constant 7 : i32
      %add3A_330 = arith.addi %mul3A_328, %add3A_329 : i32
      %mul3A_331 = arith.constant 16 : i32
      %mul3A_332 = arith.muli %add3A_330, %mul3A_331 : i32
      %multiple_of3A_333 = tpu.assume_multiple %mul3A_332, 16 : i32
      %get3A_334 = arith.index_cast %multiple_of3A_333 : i32 to index
      %get3A_335 = tpu.vector_load %arg7[%get3A_334] {strides = array<i32>} : memref<2048xf32, #tpu.memory_space<vmem>>, vector<16xf32>,
      %add3A_336 = vector.broadcast %multiple_of3A_333 : i32 to vector<16xi32>
      %add3A_337 = arith.addi %add3A_336, %iota3A : vector<16xi32>
      %eq3A_338 = vector.broadcast %reduce_min3A_53 : i32 to vector<16xi32>
      %eq3A_339 = arith.cmpi eq, %add3A_337, %eq3A_338 : vector<16xi32>
      %jit3A_340 = arith.constant -3.000000e+38 : f32
      %broadcast_in_dim3A_341 = vector.broadcast %jit3A_340 : f32 to vector<16xf32>
      %select_n3A_342 = arith.select %eq3A_339, %broadcast_in_dim3A_341, %get3A_335 : vector<16xi1>, vector<16xf32>
      %ge3A = arith.cmpf oge, %select_n3A_230, %select_n3A_246 : vector<16xf32>
      %select_n3A_343 = arith.select %ge3A, %select_n3A_230, %select_n3A_246 : vector<16xi1>, vector<16xf32>
      %select_n3A_344 = arith.select %ge3A, %add3A_225, %add3A_241 : vector<16xi1>, vector<16xi32>
      %ge3A_345 = arith.cmpf oge, %select_n3A_262, %select_n3A_278 : vector<16xf32>
      %select_n3A_346 = arith.select %ge3A_345, %select_n3A_262, %select_n3A_278 : vector<16xi1>, vector<16xf32>
      %select_n3A_347 = arith.select %ge3A_345, %add3A_257, %add3A_273 : vector<16xi1>, vector<16xi32>
      %ge3A_348 = arith.cmpf oge, %select_n3A_294, %select_n3A_310 : vector<16xf32>
      %select_n3A_349 = arith.select %ge3A_348, %select_n3A_294, %select_n3A_310 : vector<16xi1>, vector<16xf32>
      %select_n3A_350 = arith.select %ge3A_348, %add3A_289, %add3A_305 : vector<16xi1>, vector<16xi32>
      %ge3A_351 = arith.cmpf oge, %select_n3A_326, %select_n3A_342 : vector<16xf32>
      %select_n3A_352 = arith.select %ge3A_351, %select_n3A_326, %select_n3A_342 : vector<16xi1>, vector<16xf32>
      %select_n3A_353 = arith.select %ge3A_351, %add3A_321, %add3A_337 : vector<16xi1>, vector<16xi32>
      %ge3A_354 = arith.cmpf oge, %select_n3A_343, %select_n3A_346 : vector<16xf32>
      %select_n3A_355 = arith.select %ge3A_354, %select_n3A_343, %select_n3A_346 : vector<16xi1>, vector<16xf32>
      %select_n3A_356 = arith.select %ge3A_354, %select_n3A_344, %select_n3A_347 : vector<16xi1>, vector<16xi32>
      %ge3A_357 = arith.cmpf oge, %select_n3A_349, %select_n3A_352 : vector<16xf32>
      %select_n3A_358 = arith.select %ge3A_357, %select_n3A_349, %select_n3A_352 : vector<16xi1>, vector<16xf32>
      %select_n3A_359 = arith.select %ge3A_357, %select_n3A_350, %select_n3A_353 : vector<16xi1>, vector<16xi32>
      %ge3A_360 = arith.cmpf oge, %select_n3A_355, %select_n3A_358 : vector<16xf32>
      %select_n3A_361 = arith.select %ge3A_360, %select_n3A_355, %select_n3A_358 : vector<16xi1>, vector<16xf32>
      %select_n3A_362 = arith.select %ge3A_360, %select_n3A_356, %select_n3A_359 : vector<16xi1>, vector<16xi32>
      %gt3A_363 = arith.cmpf ogt, %select_n3A_361, %scan3A_215 : vector<16xf32>
      %select_n3A_364 = arith.select %gt3A_363, %select_n3A_361, %scan3A_215 : vector<16xi1>, vector<16xf32>
      %select_n3A_365 = arith.select %gt3A_363, %select_n3A_362, %scan3A_216 : vector<16xi1>, vector<16xi32>
      scf.yield %select_n3A_364, %select_n3A_365 : vector<16xf32>, vector<16xi32>
    }
    %scan3A_63 = arith.constant 16 : i32
    %reduce_max3A_64 = arith.constant true
    %reduce_max3A_65 = vector.broadcast %reduce_max3A_64 : i1 to vector<16xi1>
    %reduce_max3A_66 = tpu.scan <max>, %scan3A_62#0 masked %reduce_max3A_65 : vector<16xf32>, vector<16xi1> -> vector<16xf32>
    %reduce_max3A_67 = vector.extract %reduce_max3A_66[15] : f32 from vector<16xf32>
    %eq3A_68 = vector.broadcast %reduce_max3A_67 : f32 to vector<16xf32>
    %eq3A_69 = arith.cmpf oeq, %scan3A_62#0, %eq3A_68 : vector<16xf32>
    %jit3A_70 = arith.constant 1073741824 : i32
    %broadcast_in_dim3A_71 = vector.broadcast %jit3A_70 : i32 to vector<16xi32>
    %select_n3A_72 = arith.select %eq3A_69, %scan3A_62#1, %broadcast_in_dim3A_71 : vector<16xi1>, vector<16xi32>
    %reduce_min3A_73 = arith.constant true
    %reduce_min3A_74 = vector.broadcast %reduce_min3A_73 : i1 to vector<16xi1>
    %reduce_min3A_75 = arith.constant -2147483648 : i32
    %reduce_min3A_76 = vector.broadcast %reduce_min3A_75 : i32 to vector<16xi32>
    %reduce_min3A_77 = arith.xori %select_n3A_72, %reduce_min3A_76 : vector<16xi32>
    %reduce_min3A_78 = tpu.scan <min>, %reduce_min3A_77 masked %reduce_min3A_74 : vector<16xi32>, vector<16xi1> -> vector<16xi32>
    %reduce_min3A_79 = arith.xori %reduce_min3A_78, %reduce_min3A_76 : vector<16xi32>
    %reduce_min3A_80 = vector.extract %reduce_min3A_79[15] : i32 from vector<16xi32>
    %broadcast_in_dim3A_81 = arith.constant -3.000000e+38 : f32
    %broadcast_in_dim3A_82 = vector.broadcast %broadcast_in_dim3A_81 : f32 to vector<16xf32>
    %broadcast_in_dim3A_83 = arith.constant 0 : i32
    %broadcast_in_dim3A_84 = vector.broadcast %broadcast_in_dim3A_83 : i32 to vector<16xi32>
    %scan3A_85 = arith.constant 0 : i32
    %scan3A_86 = arith.constant 16 : i32
    %scan3A_87 = arith.addi %scan3A_85, %scan3A_86 : i32
    %scan3A_88 = arith.constant 1 : i32
    %scan3A_89:2 = scf.for %scan3A_214 = %scan3A_85 to %scan3A_87 step %scan3A_88 iter_args(%scan3A_215 = %broadcast_in_dim3A_82, %scan3A_216 = %broadcast_in_dim3A_84) -> (vector<16xf32>, vector<16xi32>)  : i32 {
      %mul3A_217 = arith.constant 8 : i32
      %mul3A_218 = arith.muli %scan3A_214, %mul3A_217 : i32
      %add3A_219 = arith.constant 0 : i32
      %add3A_220 = arith.addi %mul3A_218, %add3A_219 : i32
      %mul3A_221 = arith.constant 16 : i32
      %mul3A_222 = arith.muli %add3A_220, %mul3A_221 : i32
      %multiple_of3A = tpu.assume_multiple %mul3A_222, 16 : i32
      %get3A = arith.index_cast %multiple_of3A : i32 to index
      %get3A_223 = tpu.vector_load %arg7[%get3A] {strides = array<i32>} : memref<2048xf32, #tpu.memory_space<vmem>>, vector<16xf32>,
      %add3A_224 = vector.broadcast %multiple_of3A : i32 to vector<16xi32>
      %add3A_225 = arith.addi %add3A_224, %iota3A : vector<16xi32>
      %eq3A_226 = vector.broadcast %reduce_min3A_53 : i32 to vector<16xi32>
      %eq3A_227 = arith.cmpi eq, %add3A_225, %eq3A_226 : vector<16xi32>
      %jit3A_228 = arith.constant -3.000000e+38 : f32
      %broadcast_in_dim3A_229 = vector.broadcast %jit3A_228 : f32 to vector<16xf32>
      %select_n3A_230 = arith.select %eq3A_227, %broadcast_in_dim3A_229, %get3A_223 : vector<16xi1>, vector<16xf32>
      %eq3A_231 = vector.broadcast %reduce_min3A_80 : i32 to vector<16xi32>
      %eq3A_232 = arith.cmpi eq, %add3A_225, %eq3A_231 : vector<16xi32>
      %jit3A_233 = arith.constant -3.000000e+38 : f32
      %broadcast_in_dim3A_234 = vector.broadcast %jit3A_233 : f32 to vector<16xf32>
      %select_n3A_235 = arith.select %eq3A_232, %broadcast_in_dim3A_234, %select_n3A_230 : vector<16xi1>, vector<16xf32>
      %mul3A_236 = arith.constant 8 : i32
      %mul3A_237 = arith.muli %scan3A_214, %mul3A_236 : i32
      %add3A_238 = arith.constant 1 : i32
      %add3A_239 = arith.addi %mul3A_237, %add3A_238 : i32
      %mul3A_240 = arith.constant 16 : i32
      %mul3A_241 = arith.muli %add3A_239, %mul3A_240 : i32
      %multiple_of3A_242 = tpu.assume_multiple %mul3A_241, 16 : i32
      %get3A_243 = arith.index_cast %multiple_of3A_242 : i32 to index
      %get3A_244 = tpu.vector_load %arg7[%get3A_243] {strides = array<i32>} : memref<2048xf32, #tpu.memory_space<vmem>>, vector<16xf32>,
      %add3A_245 = vector.broadcast %multiple_of3A_242 : i32 to vector<16xi32>
      %add3A_246 = arith.addi %add3A_245, %iota3A : vector<16xi32>
      %eq3A_247 = vector.broadcast %reduce_min3A_53 : i32 to vector<16xi32>
      %eq3A_248 = arith.cmpi eq, %add3A_246, %eq3A_247 : vector<16xi32>
      %jit3A_249 = arith.constant -3.000000e+38 : f32
      %broadcast_in_dim3A_250 = vector.broadcast %jit3A_249 : f32 to vector<16xf32>
      %select_n3A_251 = arith.select %eq3A_248, %broadcast_in_dim3A_250, %get3A_244 : vector<16xi1>, vector<16xf32>
      %eq3A_252 = vector.broadcast %reduce_min3A_80 : i32 to vector<16xi32>
      %eq3A_253 = arith.cmpi eq, %add3A_246, %eq3A_252 : vector<16xi32>
      %jit3A_254 = arith.constant -3.000000e+38 : f32
      %broadcast_in_dim3A_255 = vector.broadcast %jit3A_254 : f32 to vector<16xf32>
      %select_n3A_256 = arith.select %eq3A_253, %broadcast_in_dim3A_255, %select_n3A_251 : vector<16xi1>, vector<16xf32>
      %mul3A_257 = arith.constant 8 : i32
      %mul3A_258 = arith.muli %scan3A_214, %mul3A_257 : i32
      %add3A_259 = arith.constant 2 : i32
      %add3A_260 = arith.addi %mul3A_258, %add3A_259 : i32
      %mul3A_261 = arith.constant 16 : i32
      %mul3A_262 = arith.muli %add3A_260, %mul3A_261 : i32
      %multiple_of3A_263 = tpu.assume_multiple %mul3A_262, 16 : i32
      %get3A_264 = arith.index_cast %multiple_of3A_263 : i32 to index
      %get3A_265 = tpu.vector_load %arg7[%get3A_264] {strides = array<i32>} : memref<2048xf32, #tpu.memory_space<vmem>>, vector<16xf32>,
      %add3A_266 = vector.broadcast %multiple_of3A_263 : i32 to vector<16xi32>
      %add3A_267 = arith.addi %add3A_266, %iota3A : vector<16xi32>
      %eq3A_268 = vector.broadcast %reduce_min3A_53 : i32 to vector<16xi32>
      %eq3A_269 = arith.cmpi eq, %add3A_267, %eq3A_268 : vector<16xi32>
      %jit3A_270 = arith.constant -3.000000e+38 : f32
      %broadcast_in_dim3A_271 = vector.broadcast %jit3A_270 : f32 to vector<16xf32>
      %select_n3A_272 = arith.select %eq3A_269, %broadcast_in_dim3A_271, %get3A_265 : vector<16xi1>, vector<16xf32>
      %eq3A_273 = vector.broadcast %reduce_min3A_80 : i32 to vector<16xi32>
      %eq3A_274 = arith.cmpi eq, %add3A_267, %eq3A_273 : vector<16xi32>
      %jit3A_275 = arith.constant -3.000000e+38 : f32
      %broadcast_in_dim3A_276 = vector.broadcast %jit3A_275 : f32 to vector<16xf32>
      %select_n3A_277 = arith.select %eq3A_274, %broadcast_in_dim3A_276, %select_n3A_272 : vector<16xi1>, vector<16xf32>
      %mul3A_278 = arith.constant 8 : i32
      %mul3A_279 = arith.muli %scan3A_214, %mul3A_278 : i32
      %add3A_280 = arith.constant 3 : i32
      %add3A_281 = arith.addi %mul3A_279, %add3A_280 : i32
      %mul3A_282 = arith.constant 16 : i32
      %mul3A_283 = arith.muli %add3A_281, %mul3A_282 : i32
      %multiple_of3A_284 = tpu.assume_multiple %mul3A_283, 16 : i32
      %get3A_285 = arith.index_cast %multiple_of3A_284 : i32 to index
      %get3A_286 = tpu.vector_load %arg7[%get3A_285] {strides = array<i32>} : memref<2048xf32, #tpu.memory_space<vmem>>, vector<16xf32>,
      %add3A_287 = vector.broadcast %multiple_of3A_284 : i32 to vector<16xi32>
      %add3A_288 = arith.addi %add3A_287, %iota3A : vector<16xi32>
      %eq3A_289 = vector.broadcast %reduce_min3A_53 : i32 to vector<16xi32>
      %eq3A_290 = arith.cmpi eq, %add3A_288, %eq3A_289 : vector<16xi32>
      %jit3A_291 = arith.constant -3.000000e+38 : f32
      %broadcast_in_dim3A_292 = vector.broadcast %jit3A_291 : f32 to vector<16xf32>
      %select_n3A_293 = arith.select %eq3A_290, %broadcast_in_dim3A_292, %get3A_286 : vector<16xi1>, vector<16xf32>
      %eq3A_294 = vector.broadcast %reduce_min3A_80 : i32 to vector<16xi32>
      %eq3A_295 = arith.cmpi eq, %add3A_288, %eq3A_294 : vector<16xi32>
      %jit3A_296 = arith.constant -3.000000e+38 : f32
      %broadcast_in_dim3A_297 = vector.broadcast %jit3A_296 : f32 to vector<16xf32>
      %select_n3A_298 = arith.select %eq3A_295, %broadcast_in_dim3A_297, %select_n3A_293 : vector<16xi1>, vector<16xf32>
      %mul3A_299 = arith.constant 8 : i32
      %mul3A_300 = arith.muli %scan3A_214, %mul3A_299 : i32
      %add3A_301 = arith.constant 4 : i32
      %add3A_302 = arith.addi %mul3A_300, %add3A_301 : i32
      %mul3A_303 = arith.constant 16 : i32
      %mul3A_304 = arith.muli %add3A_302, %mul3A_303 : i32
      %multiple_of3A_305 = tpu.assume_multiple %mul3A_304, 16 : i32
      %get3A_306 = arith.index_cast %multiple_of3A_305 : i32 to index
      %get3A_307 = tpu.vector_load %arg7[%get3A_306] {strides = array<i32>} : memref<2048xf32, #tpu.memory_space<vmem>>, vector<16xf32>,
      %add3A_308 = vector.broadcast %multiple_of3A_305 : i32 to vector<16xi32>
      %add3A_309 = arith.addi %add3A_308, %iota3A : vector<16xi32>
      %eq3A_310 = vector.broadcast %reduce_min3A_53 : i32 to vector<16xi32>
      %eq3A_311 = arith.cmpi eq, %add3A_309, %eq3A_310 : vector<16xi32>
      %jit3A_312 = arith.constant -3.000000e+38 : f32
      %broadcast_in_dim3A_313 = vector.broadcast %jit3A_312 : f32 to vector<16xf32>
      %select_n3A_314 = arith.select %eq3A_311, %broadcast_in_dim3A_313, %get3A_307 : vector<16xi1>, vector<16xf32>
      %eq3A_315 = vector.broadcast %reduce_min3A_80 : i32 to vector<16xi32>
      %eq3A_316 = arith.cmpi eq, %add3A_309, %eq3A_315 : vector<16xi32>
      %jit3A_317 = arith.constant -3.000000e+38 : f32
      %broadcast_in_dim3A_318 = vector.broadcast %jit3A_317 : f32 to vector<16xf32>
      %select_n3A_319 = arith.select %eq3A_316, %broadcast_in_dim3A_318, %select_n3A_314 : vector<16xi1>, vector<16xf32>
      %mul3A_320 = arith.constant 8 : i32
      %mul3A_321 = arith.muli %scan3A_214, %mul3A_320 : i32
      %add3A_322 = arith.constant 5 : i32
      %add3A_323 = arith.addi %mul3A_321, %add3A_322 : i32
      %mul3A_324 = arith.constant 16 : i32
      %mul3A_325 = arith.muli %add3A_323, %mul3A_324 : i32
      %multiple_of3A_326 = tpu.assume_multiple %mul3A_325, 16 : i32
      %get3A_327 = arith.index_cast %multiple_of3A_326 : i32 to index
      %get3A_328 = tpu.vector_load %arg7[%get3A_327] {strides = array<i32>} : memref<2048xf32, #tpu.memory_space<vmem>>, vector<16xf32>,
      %add3A_329 = vector.broadcast %multiple_of3A_326 : i32 to vector<16xi32>
      %add3A_330 = arith.addi %add3A_329, %iota3A : vector<16xi32>
      %eq3A_331 = vector.broadcast %reduce_min3A_53 : i32 to vector<16xi32>
      %eq3A_332 = arith.cmpi eq, %add3A_330, %eq3A_331 : vector<16xi32>
      %jit3A_333 = arith.constant -3.000000e+38 : f32
      %broadcast_in_dim3A_334 = vector.broadcast %jit3A_333 : f32 to vector<16xf32>
      %select_n3A_335 = arith.select %eq3A_332, %broadcast_in_dim3A_334, %get3A_328 : vector<16xi1>, vector<16xf32>
      %eq3A_336 = vector.broadcast %reduce_min3A_80 : i32 to vector<16xi32>
      %eq3A_337 = arith.cmpi eq, %add3A_330, %eq3A_336 : vector<16xi32>
      %jit3A_338 = arith.constant -3.000000e+38 : f32
      %broadcast_in_dim3A_339 = vector.broadcast %jit3A_338 : f32 to vector<16xf32>
      %select_n3A_340 = arith.select %eq3A_337, %broadcast_in_dim3A_339, %select_n3A_335 : vector<16xi1>, vector<16xf32>
      %mul3A_341 = arith.constant 8 : i32
      %mul3A_342 = arith.muli %scan3A_214, %mul3A_341 : i32
      %add3A_343 = arith.constant 6 : i32
      %add3A_344 = arith.addi %mul3A_342, %add3A_343 : i32
      %mul3A_345 = arith.constant 16 : i32
      %mul3A_346 = arith.muli %add3A_344, %mul3A_345 : i32
      %multiple_of3A_347 = tpu.assume_multiple %mul3A_346, 16 : i32
      %get3A_348 = arith.index_cast %multiple_of3A_347 : i32 to index
      %get3A_349 = tpu.vector_load %arg7[%get3A_348] {strides = array<i32>} : memref<2048xf32, #tpu.memory_space<vmem>>, vector<16xf32>,
      %add3A_350 = vector.broadcast %multiple_of3A_347 : i32 to vector<16xi32>
      %add3A_351 = arith.addi %add3A_350, %iota3A : vector<16xi32>
      %eq3A_352 = vector.broadcast %reduce_min3A_53 : i32 to vector<16xi32>
      %eq3A_353 = arith.cmpi eq, %add3A_351, %eq3A_352 : vector<16xi32>
      %jit3A_354 = arith.constant -3.000000e+38 : f32
      %broadcast_in_dim3A_355 = vector.broadcast %jit3A_354 : f32 to vector<16xf32>
      %select_n3A_356 = arith.select %eq3A_353, %broadcast_in_dim3A_355, %get3A_349 : vector<16xi1>, vector<16xf32>
      %eq3A_357 = vector.broadcast %reduce_min3A_80 : i32 to vector<16xi32>
      %eq3A_358 = arith.cmpi eq, %add3A_351, %eq3A_357 : vector<16xi32>
      %jit3A_359 = arith.constant -3.000000e+38 : f32
      %broadcast_in_dim3A_360 = vector.broadcast %jit3A_359 : f32 to vector<16xf32>
      %select_n3A_361 = arith.select %eq3A_358, %broadcast_in_dim3A_360, %select_n3A_356 : vector<16xi1>, vector<16xf32>
      %mul3A_362 = arith.constant 8 : i32
      %mul3A_363 = arith.muli %scan3A_214, %mul3A_362 : i32
      %add3A_364 = arith.constant 7 : i32
      %add3A_365 = arith.addi %mul3A_363, %add3A_364 : i32
      %mul3A_366 = arith.constant 16 : i32
      %mul3A_367 = arith.muli %add3A_365, %mul3A_366 : i32
      %multiple_of3A_368 = tpu.assume_multiple %mul3A_367, 16 : i32
      %get3A_369 = arith.index_cast %multiple_of3A_368 : i32 to index
      %get3A_370 = tpu.vector_load %arg7[%get3A_369] {strides = array<i32>} : memref<2048xf32, #tpu.memory_space<vmem>>, vector<16xf32>,
      %add3A_371 = vector.broadcast %multiple_of3A_368 : i32 to vector<16xi32>
      %add3A_372 = arith.addi %add3A_371, %iota3A : vector<16xi32>
      %eq3A_373 = vector.broadcast %reduce_min3A_53 : i32 to vector<16xi32>
      %eq3A_374 = arith.cmpi eq, %add3A_372, %eq3A_373 : vector<16xi32>
      %jit3A_375 = arith.constant -3.000000e+38 : f32
      %broadcast_in_dim3A_376 = vector.broadcast %jit3A_375 : f32 to vector<16xf32>
      %select_n3A_377 = arith.select %eq3A_374, %broadcast_in_dim3A_376, %get3A_370 : vector<16xi1>, vector<16xf32>
      %eq3A_378 = vector.broadcast %reduce_min3A_80 : i32 to vector<16xi32>
      %eq3A_379 = arith.cmpi eq, %add3A_372, %eq3A_378 : vector<16xi32>
      %jit3A_380 = arith.constant -3.000000e+38 : f32
      %broadcast_in_dim3A_381 = vector.broadcast %jit3A_380 : f32 to vector<16xf32>
      %select_n3A_382 = arith.select %eq3A_379, %broadcast_in_dim3A_381, %select_n3A_377 : vector<16xi1>, vector<16xf32>
      %ge3A = arith.cmpf oge, %select_n3A_235, %select_n3A_256 : vector<16xf32>
      %select_n3A_383 = arith.select %ge3A, %select_n3A_235, %select_n3A_256 : vector<16xi1>, vector<16xf32>
      %select_n3A_384 = arith.select %ge3A, %add3A_225, %add3A_246 : vector<16xi1>, vector<16xi32>
      %ge3A_385 = arith.cmpf oge, %select_n3A_277, %select_n3A_298 : vector<16xf32>
      %select_n3A_386 = arith.select %ge3A_385, %select_n3A_277, %select_n3A_298 : vector<16xi1>, vector<16xf32>
      %select_n3A_387 = arith.select %ge3A_385, %add3A_267, %add3A_288 : vector<16xi1>, vector<16xi32>
      %ge3A_388 = arith.cmpf oge, %select_n3A_319, %select_n3A_340 : vector<16xf32>
      %select_n3A_389 = arith.select %ge3A_388, %select_n3A_319, %select_n3A_340 : vector<16xi1>, vector<16xf32>
      %select_n3A_390 = arith.select %ge3A_388, %add3A_309, %add3A_330 : vector<16xi1>, vector<16xi32>
      %ge3A_391 = arith.cmpf oge, %select_n3A_361, %select_n3A_382 : vector<16xf32>
      %select_n3A_392 = arith.select %ge3A_391, %select_n3A_361, %select_n3A_382 : vector<16xi1>, vector<16xf32>
      %select_n3A_393 = arith.select %ge3A_391, %add3A_351, %add3A_372 : vector<16xi1>, vector<16xi32>
      %ge3A_394 = arith.cmpf oge, %select_n3A_383, %select_n3A_386 : vector<16xf32>
      %select_n3A_395 = arith.select %ge3A_394, %select_n3A_383, %select_n3A_386 : vector<16xi1>, vector<16xf32>
      %select_n3A_396 = arith.select %ge3A_394, %select_n3A_384, %select_n3A_387 : vector<16xi1>, vector<16xi32>
      %ge3A_397 = arith.cmpf oge, %select_n3A_389, %select_n3A_392 : vector<16xf32>
      %select_n3A_398 = arith.select %ge3A_397, %select_n3A_389, %select_n3A_392 : vector<16xi1>, vector<16xf32>
      %select_n3A_399 = arith.select %ge3A_397, %select_n3A_390, %select_n3A_393 : vector<16xi1>, vector<16xi32>
      %ge3A_400 = arith.cmpf oge, %select_n3A_395, %select_n3A_398 : vector<16xf32>
      %select_n3A_401 = arith.select %ge3A_400, %select_n3A_395, %select_n3A_398 : vector<16xi1>, vector<16xf32>
      %select_n3A_402 = arith.select %ge3A_400, %select_n3A_396, %select_n3A_399 : vector<16xi1>, vector<16xi32>
      %gt3A_403 = arith.cmpf ogt, %select_n3A_401, %scan3A_215 : vector<16xf32>
      %select_n3A_404 = arith.select %gt3A_403, %select_n3A_401, %scan3A_215 : vector<16xi1>, vector<16xf32>
      %select_n3A_405 = arith.select %gt3A_403, %select_n3A_402, %scan3A_216 : vector<16xi1>, vector<16xi32>
      scf.yield %select_n3A_404, %select_n3A_405 : vector<16xf32>, vector<16xi32>
    }
    %scan3A_90 = arith.constant 16 : i32
    %reduce_max3A_91 = arith.constant true
    %reduce_max3A_92 = vector.broadcast %reduce_max3A_91 : i1 to vector<16xi1>
    %reduce_max3A_93 = tpu.scan <max>, %scan3A_89#0 masked %reduce_max3A_92 : vector<16xf32>, vector<16xi1> -> vector<16xf32>
    %reduce_max3A_94 = vector.extract %reduce_max3A_93[15] : f32 from vector<16xf32>
    %eq3A_95 = vector.broadcast %reduce_max3A_94 : f32 to vector<16xf32>
    %eq3A_96 = arith.cmpf oeq, %scan3A_89#0, %eq3A_95 : vector<16xf32>
    %jit3A_97 = arith.constant 1073741824 : i32
    %broadcast_in_dim3A_98 = vector.broadcast %jit3A_97 : i32 to vector<16xi32>
    %select_n3A_99 = arith.select %eq3A_96, %scan3A_89#1, %broadcast_in_dim3A_98 : vector<16xi1>, vector<16xi32>
    %reduce_min3A_100 = arith.constant true
    %reduce_min3A_101 = vector.broadcast %reduce_min3A_100 : i1 to vector<16xi1>
    %reduce_min3A_102 = arith.constant -2147483648 : i32
    %reduce_min3A_103 = vector.broadcast %reduce_min3A_102 : i32 to vector<16xi32>
    %reduce_min3A_104 = arith.xori %select_n3A_99, %reduce_min3A_103 : vector<16xi32>
    %reduce_min3A_105 = tpu.scan <min>, %reduce_min3A_104 masked %reduce_min3A_101 : vector<16xi32>, vector<16xi1> -> vector<16xi32>
    %reduce_min3A_106 = arith.xori %reduce_min3A_105, %reduce_min3A_103 : vector<16xi32>
    %reduce_min3A_107 = vector.extract %reduce_min3A_106[15] : i32 from vector<16xi32>
    %broadcast_in_dim3A_108 = arith.constant -3.000000e+38 : f32
    %broadcast_in_dim3A_109 = vector.broadcast %broadcast_in_dim3A_108 : f32 to vector<16xf32>
    %broadcast_in_dim3A_110 = arith.constant 0 : i32
    %broadcast_in_dim3A_111 = vector.broadcast %broadcast_in_dim3A_110 : i32 to vector<16xi32>
    %scan3A_112 = arith.constant 0 : i32
    %scan3A_113 = arith.constant 16 : i32
    %scan3A_114 = arith.addi %scan3A_112, %scan3A_113 : i32
    %scan3A_115 = arith.constant 1 : i32
    %scan3A_116:2 = scf.for %scan3A_214 = %scan3A_112 to %scan3A_114 step %scan3A_115 iter_args(%scan3A_215 = %broadcast_in_dim3A_109, %scan3A_216 = %broadcast_in_dim3A_111) -> (vector<16xf32>, vector<16xi32>)  : i32 {
      %mul3A_217 = arith.constant 8 : i32
      %mul3A_218 = arith.muli %scan3A_214, %mul3A_217 : i32
      %add3A_219 = arith.constant 0 : i32
      %add3A_220 = arith.addi %mul3A_218, %add3A_219 : i32
      %mul3A_221 = arith.constant 16 : i32
      %mul3A_222 = arith.muli %add3A_220, %mul3A_221 : i32
      %multiple_of3A = tpu.assume_multiple %mul3A_222, 16 : i32
      %get3A = arith.index_cast %multiple_of3A : i32 to index
      %get3A_223 = tpu.vector_load %arg7[%get3A] {strides = array<i32>} : memref<2048xf32, #tpu.memory_space<vmem>>, vector<16xf32>,
      %add3A_224 = vector.broadcast %multiple_of3A : i32 to vector<16xi32>
      %add3A_225 = arith.addi %add3A_224, %iota3A : vector<16xi32>
      %eq3A_226 = vector.broadcast %reduce_min3A_53 : i32 to vector<16xi32>
      %eq3A_227 = arith.cmpi eq, %add3A_225, %eq3A_226 : vector<16xi32>
      %jit3A_228 = arith.constant -3.000000e+38 : f32
      %broadcast_in_dim3A_229 = vector.broadcast %jit3A_228 : f32 to vector<16xf32>
      %select_n3A_230 = arith.select %eq3A_227, %broadcast_in_dim3A_229, %get3A_223 : vector<16xi1>, vector<16xf32>
      %eq3A_231 = vector.broadcast %reduce_min3A_80 : i32 to vector<16xi32>
      %eq3A_232 = arith.cmpi eq, %add3A_225, %eq3A_231 : vector<16xi32>
      %jit3A_233 = arith.constant -3.000000e+38 : f32
      %broadcast_in_dim3A_234 = vector.broadcast %jit3A_233 : f32 to vector<16xf32>
      %select_n3A_235 = arith.select %eq3A_232, %broadcast_in_dim3A_234, %select_n3A_230 : vector<16xi1>, vector<16xf32>
      %eq3A_236 = vector.broadcast %reduce_min3A_107 : i32 to vector<16xi32>
      %eq3A_237 = arith.cmpi eq, %add3A_225, %eq3A_236 : vector<16xi32>
      %jit3A_238 = arith.constant -3.000000e+38 : f32
      %broadcast_in_dim3A_239 = vector.broadcast %jit3A_238 : f32 to vector<16xf32>
      %select_n3A_240 = arith.select %eq3A_237, %broadcast_in_dim3A_239, %select_n3A_235 : vector<16xi1>, vector<16xf32>
      %mul3A_241 = arith.constant 8 : i32
      %mul3A_242 = arith.muli %scan3A_214, %mul3A_241 : i32
      %add3A_243 = arith.constant 1 : i32
      %add3A_244 = arith.addi %mul3A_242, %add3A_243 : i32
      %mul3A_245 = arith.constant 16 : i32
      %mul3A_246 = arith.muli %add3A_244, %mul3A_245 : i32
      %multiple_of3A_247 = tpu.assume_multiple %mul3A_246, 16 : i32
      %get3A_248 = arith.index_cast %multiple_of3A_247 : i32 to index
      %get3A_249 = tpu.vector_load %arg7[%get3A_248] {strides = array<i32>} : memref<2048xf32, #tpu.memory_space<vmem>>, vector<16xf32>,
      %add3A_250 = vector.broadcast %multiple_of3A_247 : i32 to vector<16xi32>
      %add3A_251 = arith.addi %add3A_250, %iota3A : vector<16xi32>
      %eq3A_252 = vector.broadcast %reduce_min3A_53 : i32 to vector<16xi32>
      %eq3A_253 = arith.cmpi eq, %add3A_251, %eq3A_252 : vector<16xi32>
      %jit3A_254 = arith.constant -3.000000e+38 : f32
      %broadcast_in_dim3A_255 = vector.broadcast %jit3A_254 : f32 to vector<16xf32>
      %select_n3A_256 = arith.select %eq3A_253, %broadcast_in_dim3A_255, %get3A_249 : vector<16xi1>, vector<16xf32>
      %eq3A_257 = vector.broadcast %reduce_min3A_80 : i32 to vector<16xi32>
      %eq3A_258 = arith.cmpi eq, %add3A_251, %eq3A_257 : vector<16xi32>
      %jit3A_259 = arith.constant -3.000000e+38 : f32
      %broadcast_in_dim3A_260 = vector.broadcast %jit3A_259 : f32 to vector<16xf32>
      %select_n3A_261 = arith.select %eq3A_258, %broadcast_in_dim3A_260, %select_n3A_256 : vector<16xi1>, vector<16xf32>
      %eq3A_262 = vector.broadcast %reduce_min3A_107 : i32 to vector<16xi32>
      %eq3A_263 = arith.cmpi eq, %add3A_251, %eq3A_262 : vector<16xi32>
      %jit3A_264 = arith.constant -3.000000e+38 : f32
      %broadcast_in_dim3A_265 = vector.broadcast %jit3A_264 : f32 to vector<16xf32>
      %select_n3A_266 = arith.select %eq3A_263, %broadcast_in_dim3A_265, %select_n3A_261 : vector<16xi1>, vector<16xf32>
      %mul3A_267 = arith.constant 8 : i32
      %mul3A_268 = arith.muli %scan3A_214, %mul3A_267 : i32
      %add3A_269 = arith.constant 2 : i32
      %add3A_270 = arith.addi %mul3A_268, %add3A_269 : i32
      %mul3A_271 = arith.constant 16 : i32
      %mul3A_272 = arith.muli %add3A_270, %mul3A_271 : i32
      %multiple_of3A_273 = tpu.assume_multiple %mul3A_272, 16 : i32
      %get3A_274 = arith.index_cast %multiple_of3A_273 : i32 to index
      %get3A_275 = tpu.vector_load %arg7[%get3A_274] {strides = array<i32>} : memref<2048xf32, #tpu.memory_space<vmem>>, vector<16xf32>,
      %add3A_276 = vector.broadcast %multiple_of3A_273 : i32 to vector<16xi32>
      %add3A_277 = arith.addi %add3A_276, %iota3A : vector<16xi32>
      %eq3A_278 = vector.broadcast %reduce_min3A_53 : i32 to vector<16xi32>
      %eq3A_279 = arith.cmpi eq, %add3A_277, %eq3A_278 : vector<16xi32>
      %jit3A_280 = arith.constant -3.000000e+38 : f32
      %broadcast_in_dim3A_281 = vector.broadcast %jit3A_280 : f32 to vector<16xf32>
      %select_n3A_282 = arith.select %eq3A_279, %broadcast_in_dim3A_281, %get3A_275 : vector<16xi1>, vector<16xf32>
      %eq3A_283 = vector.broadcast %reduce_min3A_80 : i32 to vector<16xi32>
      %eq3A_284 = arith.cmpi eq, %add3A_277, %eq3A_283 : vector<16xi32>
      %jit3A_285 = arith.constant -3.000000e+38 : f32
      %broadcast_in_dim3A_286 = vector.broadcast %jit3A_285 : f32 to vector<16xf32>
      %select_n3A_287 = arith.select %eq3A_284, %broadcast_in_dim3A_286, %select_n3A_282 : vector<16xi1>, vector<16xf32>
      %eq3A_288 = vector.broadcast %reduce_min3A_107 : i32 to vector<16xi32>
      %eq3A_289 = arith.cmpi eq, %add3A_277, %eq3A_288 : vector<16xi32>
      %jit3A_290 = arith.constant -3.000000e+38 : f32
      %broadcast_in_dim3A_291 = vector.broadcast %jit3A_290 : f32 to vector<16xf32>
      %select_n3A_292 = arith.select %eq3A_289, %broadcast_in_dim3A_291, %select_n3A_287 : vector<16xi1>, vector<16xf32>
      %mul3A_293 = arith.constant 8 : i32
      %mul3A_294 = arith.muli %scan3A_214, %mul3A_293 : i32
      %add3A_295 = arith.constant 3 : i32
      %add3A_296 = arith.addi %mul3A_294, %add3A_295 : i32
      %mul3A_297 = arith.constant 16 : i32
      %mul3A_298 = arith.muli %add3A_296, %mul3A_297 : i32
      %multiple_of3A_299 = tpu.assume_multiple %mul3A_298, 16 : i32
      %get3A_300 = arith.index_cast %multiple_of3A_299 : i32 to index
      %get3A_301 = tpu.vector_load %arg7[%get3A_300] {strides = array<i32>} : memref<2048xf32, #tpu.memory_space<vmem>>, vector<16xf32>,
      %add3A_302 = vector.broadcast %multiple_of3A_299 : i32 to vector<16xi32>
      %add3A_303 = arith.addi %add3A_302, %iota3A : vector<16xi32>
      %eq3A_304 = vector.broadcast %reduce_min3A_53 : i32 to vector<16xi32>
      %eq3A_305 = arith.cmpi eq, %add3A_303, %eq3A_304 : vector<16xi32>
      %jit3A_306 = arith.constant -3.000000e+38 : f32
      %broadcast_in_dim3A_307 = vector.broadcast %jit3A_306 : f32 to vector<16xf32>
      %select_n3A_308 = arith.select %eq3A_305, %broadcast_in_dim3A_307, %get3A_301 : vector<16xi1>, vector<16xf32>
      %eq3A_309 = vector.broadcast %reduce_min3A_80 : i32 to vector<16xi32>
      %eq3A_310 = arith.cmpi eq, %add3A_303, %eq3A_309 : vector<16xi32>
      %jit3A_311 = arith.constant -3.000000e+38 : f32
      %broadcast_in_dim3A_312 = vector.broadcast %jit3A_311 : f32 to vector<16xf32>
      %select_n3A_313 = arith.select %eq3A_310, %broadcast_in_dim3A_312, %select_n3A_308 : vector<16xi1>, vector<16xf32>
      %eq3A_314 = vector.broadcast %reduce_min3A_107 : i32 to vector<16xi32>
      %eq3A_315 = arith.cmpi eq, %add3A_303, %eq3A_314 : vector<16xi32>
      %jit3A_316 = arith.constant -3.000000e+38 : f32
      %broadcast_in_dim3A_317 = vector.broadcast %jit3A_316 : f32 to vector<16xf32>
      %select_n3A_318 = arith.select %eq3A_315, %broadcast_in_dim3A_317, %select_n3A_313 : vector<16xi1>, vector<16xf32>
      %mul3A_319 = arith.constant 8 : i32
      %mul3A_320 = arith.muli %scan3A_214, %mul3A_319 : i32
      %add3A_321 = arith.constant 4 : i32
      %add3A_322 = arith.addi %mul3A_320, %add3A_321 : i32
      %mul3A_323 = arith.constant 16 : i32
      %mul3A_324 = arith.muli %add3A_322, %mul3A_323 : i32
      %multiple_of3A_325 = tpu.assume_multiple %mul3A_324, 16 : i32
      %get3A_326 = arith.index_cast %multiple_of3A_325 : i32 to index
      %get3A_327 = tpu.vector_load %arg7[%get3A_326] {strides = array<i32>} : memref<2048xf32, #tpu.memory_space<vmem>>, vector<16xf32>,
      %add3A_328 = vector.broadcast %multiple_of3A_325 : i32 to vector<16xi32>
      %add3A_329 = arith.addi %add3A_328, %iota3A : vector<16xi32>
      %eq3A_330 = vector.broadcast %reduce_min3A_53 : i32 to vector<16xi32>
      %eq3A_331 = arith.cmpi eq, %add3A_329, %eq3A_330 : vector<16xi32>
      %jit3A_332 = arith.constant -3.000000e+38 : f32
      %broadcast_in_dim3A_333 = vector.broadcast %jit3A_332 : f32 to vector<16xf32>
      %select_n3A_334 = arith.select %eq3A_331, %broadcast_in_dim3A_333, %get3A_327 : vector<16xi1>, vector<16xf32>
      %eq3A_335 = vector.broadcast %reduce_min3A_80 : i32 to vector<16xi32>
      %eq3A_336 = arith.cmpi eq, %add3A_329, %eq3A_335 : vector<16xi32>
      %jit3A_337 = arith.constant -3.000000e+38 : f32
      %broadcast_in_dim3A_338 = vector.broadcast %jit3A_337 : f32 to vector<16xf32>
      %select_n3A_339 = arith.select %eq3A_336, %broadcast_in_dim3A_338, %select_n3A_334 : vector<16xi1>, vector<16xf32>
      %eq3A_340 = vector.broadcast %reduce_min3A_107 : i32 to vector<16xi32>
      %eq3A_341 = arith.cmpi eq, %add3A_329, %eq3A_340 : vector<16xi32>
      %jit3A_342 = arith.constant -3.000000e+38 : f32
      %broadcast_in_dim3A_343 = vector.broadcast %jit3A_342 : f32 to vector<16xf32>
      %select_n3A_344 = arith.select %eq3A_341, %broadcast_in_dim3A_343, %select_n3A_339 : vector<16xi1>, vector<16xf32>
      %mul3A_345 = arith.constant 8 : i32
      %mul3A_346 = arith.muli %scan3A_214, %mul3A_345 : i32
      %add3A_347 = arith.constant 5 : i32
      %add3A_348 = arith.addi %mul3A_346, %add3A_347 : i32
      %mul3A_349 = arith.constant 16 : i32
      %mul3A_350 = arith.muli %add3A_348, %mul3A_349 : i32
      %multiple_of3A_351 = tpu.assume_multiple %mul3A_350, 16 : i32
      %get3A_352 = arith.index_cast %multiple_of3A_351 : i32 to index
      %get3A_353 = tpu.vector_load %arg7[%get3A_352] {strides = array<i32>} : memref<2048xf32, #tpu.memory_space<vmem>>, vector<16xf32>,
      %add3A_354 = vector.broadcast %multiple_of3A_351 : i32 to vector<16xi32>
      %add3A_355 = arith.addi %add3A_354, %iota3A : vector<16xi32>
      %eq3A_356 = vector.broadcast %reduce_min3A_53 : i32 to vector<16xi32>
      %eq3A_357 = arith.cmpi eq, %add3A_355, %eq3A_356 : vector<16xi32>
      %jit3A_358 = arith.constant -3.000000e+38 : f32
      %broadcast_in_dim3A_359 = vector.broadcast %jit3A_358 : f32 to vector<16xf32>
      %select_n3A_360 = arith.select %eq3A_357, %broadcast_in_dim3A_359, %get3A_353 : vector<16xi1>, vector<16xf32>
      %eq3A_361 = vector.broadcast %reduce_min3A_80 : i32 to vector<16xi32>
      %eq3A_362 = arith.cmpi eq, %add3A_355, %eq3A_361 : vector<16xi32>
      %jit3A_363 = arith.constant -3.000000e+38 : f32
      %broadcast_in_dim3A_364 = vector.broadcast %jit3A_363 : f32 to vector<16xf32>
      %select_n3A_365 = arith.select %eq3A_362, %broadcast_in_dim3A_364, %select_n3A_360 : vector<16xi1>, vector<16xf32>
      %eq3A_366 = vector.broadcast %reduce_min3A_107 : i32 to vector<16xi32>
      %eq3A_367 = arith.cmpi eq, %add3A_355, %eq3A_366 : vector<16xi32>
      %jit3A_368 = arith.constant -3.000000e+38 : f32
      %broadcast_in_dim3A_369 = vector.broadcast %jit3A_368 : f32 to vector<16xf32>
      %select_n3A_370 = arith.select %eq3A_367, %broadcast_in_dim3A_369, %select_n3A_365 : vector<16xi1>, vector<16xf32>
      %mul3A_371 = arith.constant 8 : i32
      %mul3A_372 = arith.muli %scan3A_214, %mul3A_371 : i32
      %add3A_373 = arith.constant 6 : i32
      %add3A_374 = arith.addi %mul3A_372, %add3A_373 : i32
      %mul3A_375 = arith.constant 16 : i32
      %mul3A_376 = arith.muli %add3A_374, %mul3A_375 : i32
      %multiple_of3A_377 = tpu.assume_multiple %mul3A_376, 16 : i32
      %get3A_378 = arith.index_cast %multiple_of3A_377 : i32 to index
      %get3A_379 = tpu.vector_load %arg7[%get3A_378] {strides = array<i32>} : memref<2048xf32, #tpu.memory_space<vmem>>, vector<16xf32>,
      %add3A_380 = vector.broadcast %multiple_of3A_377 : i32 to vector<16xi32>
      %add3A_381 = arith.addi %add3A_380, %iota3A : vector<16xi32>
      %eq3A_382 = vector.broadcast %reduce_min3A_53 : i32 to vector<16xi32>
      %eq3A_383 = arith.cmpi eq, %add3A_381, %eq3A_382 : vector<16xi32>
      %jit3A_384 = arith.constant -3.000000e+38 : f32
      %broadcast_in_dim3A_385 = vector.broadcast %jit3A_384 : f32 to vector<16xf32>
      %select_n3A_386 = arith.select %eq3A_383, %broadcast_in_dim3A_385, %get3A_379 : vector<16xi1>, vector<16xf32>
      %eq3A_387 = vector.broadcast %reduce_min3A_80 : i32 to vector<16xi32>
      %eq3A_388 = arith.cmpi eq, %add3A_381, %eq3A_387 : vector<16xi32>
      %jit3A_389 = arith.constant -3.000000e+38 : f32
      %broadcast_in_dim3A_390 = vector.broadcast %jit3A_389 : f32 to vector<16xf32>
      %select_n3A_391 = arith.select %eq3A_388, %broadcast_in_dim3A_390, %select_n3A_386 : vector<16xi1>, vector<16xf32>
      %eq3A_392 = vector.broadcast %reduce_min3A_107 : i32 to vector<16xi32>
      %eq3A_393 = arith.cmpi eq, %add3A_381, %eq3A_392 : vector<16xi32>
      %jit3A_394 = arith.constant -3.000000e+38 : f32
      %broadcast_in_dim3A_395 = vector.broadcast %jit3A_394 : f32 to vector<16xf32>
      %select_n3A_396 = arith.select %eq3A_393, %broadcast_in_dim3A_395, %select_n3A_391 : vector<16xi1>, vector<16xf32>
      %mul3A_397 = arith.constant 8 : i32
      %mul3A_398 = arith.muli %scan3A_214, %mul3A_397 : i32
      %add3A_399 = arith.constant 7 : i32
      %add3A_400 = arith.addi %mul3A_398, %add3A_399 : i32
      %mul3A_401 = arith.constant 16 : i32
      %mul3A_402 = arith.muli %add3A_400, %mul3A_401 : i32
      %multiple_of3A_403 = tpu.assume_multiple %mul3A_402, 16 : i32
      %get3A_404 = arith.index_cast %multiple_of3A_403 : i32 to index
      %get3A_405 = tpu.vector_load %arg7[%get3A_404] {strides = array<i32>} : memref<2048xf32, #tpu.memory_space<vmem>>, vector<16xf32>,
      %add3A_406 = vector.broadcast %multiple_of3A_403 : i32 to vector<16xi32>
      %add3A_407 = arith.addi %add3A_406, %iota3A : vector<16xi32>
      %eq3A_408 = vector.broadcast %reduce_min3A_53 : i32 to vector<16xi32>
      %eq3A_409 = arith.cmpi eq, %add3A_407, %eq3A_408 : vector<16xi32>
      %jit3A_410 = arith.constant -3.000000e+38 : f32
      %broadcast_in_dim3A_411 = vector.broadcast %jit3A_410 : f32 to vector<16xf32>
      %select_n3A_412 = arith.select %eq3A_409, %broadcast_in_dim3A_411, %get3A_405 : vector<16xi1>, vector<16xf32>
      %eq3A_413 = vector.broadcast %reduce_min3A_80 : i32 to vector<16xi32>
      %eq3A_414 = arith.cmpi eq, %add3A_407, %eq3A_413 : vector<16xi32>
      %jit3A_415 = arith.constant -3.000000e+38 : f32
      %broadcast_in_dim3A_416 = vector.broadcast %jit3A_415 : f32 to vector<16xf32>
      %select_n3A_417 = arith.select %eq3A_414, %broadcast_in_dim3A_416, %select_n3A_412 : vector<16xi1>, vector<16xf32>
      %eq3A_418 = vector.broadcast %reduce_min3A_107 : i32 to vector<16xi32>
      %eq3A_419 = arith.cmpi eq, %add3A_407, %eq3A_418 : vector<16xi32>
      %jit3A_420 = arith.constant -3.000000e+38 : f32
      %broadcast_in_dim3A_421 = vector.broadcast %jit3A_420 : f32 to vector<16xf32>
      %select_n3A_422 = arith.select %eq3A_419, %broadcast_in_dim3A_421, %select_n3A_417 : vector<16xi1>, vector<16xf32>
      %ge3A = arith.cmpf oge, %select_n3A_240, %select_n3A_266 : vector<16xf32>
      %select_n3A_423 = arith.select %ge3A, %select_n3A_240, %select_n3A_266 : vector<16xi1>, vector<16xf32>
      %select_n3A_424 = arith.select %ge3A, %add3A_225, %add3A_251 : vector<16xi1>, vector<16xi32>
      %ge3A_425 = arith.cmpf oge, %select_n3A_292, %select_n3A_318 : vector<16xf32>
      %select_n3A_426 = arith.select %ge3A_425, %select_n3A_292, %select_n3A_318 : vector<16xi1>, vector<16xf32>
      %select_n3A_427 = arith.select %ge3A_425, %add3A_277, %add3A_303 : vector<16xi1>, vector<16xi32>
      %ge3A_428 = arith.cmpf oge, %select_n3A_344, %select_n3A_370 : vector<16xf32>
      %select_n3A_429 = arith.select %ge3A_428, %select_n3A_344, %select_n3A_370 : vector<16xi1>, vector<16xf32>
      %select_n3A_430 = arith.select %ge3A_428, %add3A_329, %add3A_355 : vector<16xi1>, vector<16xi32>
      %ge3A_431 = arith.cmpf oge, %select_n3A_396, %select_n3A_422 : vector<16xf32>
      %select_n3A_432 = arith.select %ge3A_431, %select_n3A_396, %select_n3A_422 : vector<16xi1>, vector<16xf32>
      %select_n3A_433 = arith.select %ge3A_431, %add3A_381, %add3A_407 : vector<16xi1>, vector<16xi32>
      %ge3A_434 = arith.cmpf oge, %select_n3A_423, %select_n3A_426 : vector<16xf32>
      %select_n3A_435 = arith.select %ge3A_434, %select_n3A_423, %select_n3A_426 : vector<16xi1>, vector<16xf32>
      %select_n3A_436 = arith.select %ge3A_434, %select_n3A_424, %select_n3A_427 : vector<16xi1>, vector<16xi32>
      %ge3A_437 = arith.cmpf oge, %select_n3A_429, %select_n3A_432 : vector<16xf32>
      %select_n3A_438 = arith.select %ge3A_437, %select_n3A_429, %select_n3A_432 : vector<16xi1>, vector<16xf32>
      %select_n3A_439 = arith.select %ge3A_437, %select_n3A_430, %select_n3A_433 : vector<16xi1>, vector<16xi32>
      %ge3A_440 = arith.cmpf oge, %select_n3A_435, %select_n3A_438 : vector<16xf32>
      %select_n3A_441 = arith.select %ge3A_440, %select_n3A_435, %select_n3A_438 : vector<16xi1>, vector<16xf32>
      %select_n3A_442 = arith.select %ge3A_440, %select_n3A_436, %select_n3A_439 : vector<16xi1>, vector<16xi32>
      %gt3A_443 = arith.cmpf ogt, %select_n3A_441, %scan3A_215 : vector<16xf32>
      %select_n3A_444 = arith.select %gt3A_443, %select_n3A_441, %scan3A_215 : vector<16xi1>, vector<16xf32>
      %select_n3A_445 = arith.select %gt3A_443, %select_n3A_442, %scan3A_216 : vector<16xi1>, vector<16xi32>
      scf.yield %select_n3A_444, %select_n3A_445 : vector<16xf32>, vector<16xi32>
    }
    %scan3A_117 = arith.constant 16 : i32
    %reduce_max3A_118 = arith.constant true
    %reduce_max3A_119 = vector.broadcast %reduce_max3A_118 : i1 to vector<16xi1>
    %reduce_max3A_120 = tpu.scan <max>, %scan3A_116#0 masked %reduce_max3A_119 : vector<16xf32>, vector<16xi1> -> vector<16xf32>
    %reduce_max3A_121 = vector.extract %reduce_max3A_120[15] : f32 from vector<16xf32>
    %eq3A_122 = vector.broadcast %reduce_max3A_121 : f32 to vector<16xf32>
    %eq3A_123 = arith.cmpf oeq, %scan3A_116#0, %eq3A_122 : vector<16xf32>
    %jit3A_124 = arith.constant 1073741824 : i32
    %broadcast_in_dim3A_125 = vector.broadcast %jit3A_124 : i32 to vector<16xi32>
    %select_n3A_126 = arith.select %eq3A_123, %scan3A_116#1, %broadcast_in_dim3A_125 : vector<16xi1>, vector<16xi32>
    %reduce_min3A_127 = arith.constant true
    %reduce_min3A_128 = vector.broadcast %reduce_min3A_127 : i1 to vector<16xi1>
    %reduce_min3A_129 = arith.constant -2147483648 : i32
    %reduce_min3A_130 = vector.broadcast %reduce_min3A_129 : i32 to vector<16xi32>
    %reduce_min3A_131 = arith.xori %select_n3A_126, %reduce_min3A_130 : vector<16xi32>
    %reduce_min3A_132 = tpu.scan <min>, %reduce_min3A_131 masked %reduce_min3A_128 : vector<16xi32>, vector<16xi1> -> vector<16xi32>
    %reduce_min3A_133 = arith.xori %reduce_min3A_132, %reduce_min3A_130 : vector<16xi32>
    %reduce_min3A_134 = vector.extract %reduce_min3A_133[15] : i32 from vector<16xi32>
    %gt3A = arith.cmpi sgt, %reduce_min3A_53, %reduce_min3A_80 : i32
    %select_n3A_135 = arith.select %gt3A, %reduce_min3A_80, %reduce_min3A_53 : i32
    %select_n3A_136 = arith.select %gt3A, %reduce_min3A_53, %reduce_min3A_80 : i32
    %select_n3A_137 = arith.select %gt3A, %reduce_max3A_67, %reduce_max3A_41 : f32
    %select_n3A_138 = arith.select %gt3A, %reduce_max3A_41, %reduce_max3A_67 : f32
    %gt3A_139 = arith.cmpi sgt, %reduce_min3A_107, %reduce_min3A_134 : i32
    %select_n3A_140 = arith.select %gt3A_139, %reduce_min3A_134, %reduce_min3A_107 : i32
    %select_n3A_141 = arith.select %gt3A_139, %reduce_min3A_107, %reduce_min3A_134 : i32
    %select_n3A_142 = arith.select %gt3A_139, %reduce_max3A_121, %reduce_max3A_94 : f32
    %select_n3A_143 = arith.select %gt3A_139, %reduce_max3A_94, %reduce_max3A_121 : f32
    %gt3A_144 = arith.cmpi sgt, %select_n3A_135, %select_n3A_140 : i32
    %select_n3A_145 = arith.select %gt3A_144, %select_n3A_140, %select_n3A_135 : i32
    %select_n3A_146 = arith.select %gt3A_144, %select_n3A_135, %select_n3A_140 : i32
    %select_n3A_147 = arith.select %gt3A_144, %select_n3A_142, %select_n3A_137 : f32
    %select_n3A_148 = arith.select %gt3A_144, %select_n3A_137, %select_n3A_142 : f32
    %gt3A_149 = arith.cmpi sgt, %select_n3A_136, %select_n3A_141 : i32
    %select_n3A_150 = arith.select %gt3A_149, %select_n3A_141, %select_n3A_136 : i32
    %select_n3A_151 = arith.select %gt3A_149, %select_n3A_136, %select_n3A_141 : i32
    %select_n3A_152 = arith.select %gt3A_149, %select_n3A_143, %select_n3A_138 : f32
    %select_n3A_153 = arith.select %gt3A_149, %select_n3A_138, %select_n3A_143 : f32
    %gt3A_154 = arith.cmpi sgt, %select_n3A_150, %select_n3A_146 : i32
    %select_n3A_155 = arith.select %gt3A_154, %select_n3A_146, %select_n3A_150 : i32
    %select_n3A_156 = arith.select %gt3A_154, %select_n3A_150, %select_n3A_146 : i32
    %select_n3A_157 = arith.select %gt3A_154, %select_n3A_148, %select_n3A_152 : f32
    %select_n3A_158 = arith.select %gt3A_154, %select_n3A_152, %select_n3A_148 : f32
    %broadcast_in_dim3A_159 = arith.constant 0.000000e+00 : f32
    %broadcast_in_dim3A_160 = vector.broadcast %broadcast_in_dim3A_159 : f32 to vector<16xf32>
    %broadcast_in_dim3A_161 = arith.constant 0 : i32
    %broadcast_in_dim3A_162 = vector.broadcast %broadcast_in_dim3A_161 : i32 to vector<16xi32>
    %eq3A_163 = arith.constant 0 : i32
    %eq3A_164 = vector.broadcast %eq3A_163 : i32 to vector<16xi32>
    %eq3A_165 = arith.cmpi eq, %iota3A, %eq3A_164 : vector<16xi32>
    %broadcast_in_dim3A_166 = vector.broadcast %select_n3A_147 : f32 to vector<16xf32>
    %select_n3A_167 = arith.select %eq3A_165, %broadcast_in_dim3A_166, %broadcast_in_dim3A_160 : vector<16xi1>, vector<16xf32>
    %eq3A_168 = arith.constant 0 : i32
    %eq3A_169 = vector.broadcast %eq3A_168 : i32 to vector<16xi32>
    %eq3A_170 = arith.cmpi eq, %iota3A, %eq3A_169 : vector<16xi32>
    %broadcast_in_dim3A_171 = vector.broadcast %select_n3A_145 : i32 to vector<16xi32>
    %select_n3A_172 = arith.select %eq3A_170, %broadcast_in_dim3A_171, %broadcast_in_dim3A_162 : vector<16xi1>, vector<16xi32>
    %eq3A_173 = arith.constant 1 : i32
    %eq3A_174 = vector.broadcast %eq3A_173 : i32 to vector<16xi32>
    %eq3A_175 = arith.cmpi eq, %iota3A, %eq3A_174 : vector<16xi32>
    %broadcast_in_dim3A_176 = vector.broadcast %select_n3A_157 : f32 to vector<16xf32>
    %select_n3A_177 = arith.select %eq3A_175, %broadcast_in_dim3A_176, %select_n3A_167 : vector<16xi1>, vector<16xf32>
    %eq3A_178 = arith.constant 1 : i32
    %eq3A_179 = vector.broadcast %eq3A_178 : i32 to vector<16xi32>
    %eq3A_180 = arith.cmpi eq, %iota3A, %eq3A_179 : vector<16xi32>
    %broadcast_in_dim3A_181 = vector.broadcast %select_n3A_155 : i32 to vector<16xi32>
    %select_n3A_182 = arith.select %eq3A_180, %broadcast_in_dim3A_181, %select_n3A_172 : vector<16xi1>, vector<16xi32>
    %eq3A_183 = arith.constant 2 : i32
    %eq3A_184 = vector.broadcast %eq3A_183 : i32 to vector<16xi32>
    %eq3A_185 = arith.cmpi eq, %iota3A, %eq3A_184 : vector<16xi32>
    %broadcast_in_dim3A_186 = vector.broadcast %select_n3A_158 : f32 to vector<16xf32>
    %select_n3A_187 = arith.select %eq3A_185, %broadcast_in_dim3A_186, %select_n3A_177 : vector<16xi1>, vector<16xf32>
    %eq3A_188 = arith.constant 2 : i32
    %eq3A_189 = vector.broadcast %eq3A_188 : i32 to vector<16xi32>
    %eq3A_190 = arith.cmpi eq, %iota3A, %eq3A_189 : vector<16xi32>
    %broadcast_in_dim3A_191 = vector.broadcast %select_n3A_156 : i32 to vector<16xi32>
    %select_n3A_192 = arith.select %eq3A_190, %broadcast_in_dim3A_191, %select_n3A_182 : vector<16xi1>, vector<16xi32>
    %eq3A_193 = arith.constant 3 : i32
    %eq3A_194 = vector.broadcast %eq3A_193 : i32 to vector<16xi32>
    %eq3A_195 = arith.cmpi eq, %iota3A, %eq3A_194 : vector<16xi32>
    %broadcast_in_dim3A_196 = vector.broadcast %select_n3A_153 : f32 to vector<16xf32>
    %select_n3A_197 = arith.select %eq3A_195, %broadcast_in_dim3A_196, %select_n3A_187 : vector<16xi1>, vector<16xf32>
    %eq3A_198 = arith.constant 3 : i32
    %eq3A_199 = vector.broadcast %eq3A_198 : i32 to vector<16xi32>
    %eq3A_200 = arith.cmpi eq, %iota3A, %eq3A_199 : vector<16xi32>
    %broadcast_in_dim3A_201 = vector.broadcast %select_n3A_151 : i32 to vector<16xi32>
    %select_n3A_202 = arith.select %eq3A_200, %broadcast_in_dim3A_201, %select_n3A_192 : vector<16xi1>, vector<16xi32>
    %swap3A = arith.constant 0 : index
    %swap3A_203 = tpu.vector_load %arg8[%swap3A] {strides = array<i32>} : memref<16xi32, #tpu.memory_space<vmem>>, vector<16xi32>,
    tpu.vector_store %arg8[%swap3A], %select_n3A_202 {strides = array<i32>} : memref<16xi32, #tpu.memory_space<vmem>>, vector<16xi32>,
    %swap3A_204 = arith.constant 0 : index
    %swap3A_205 = tpu.vector_load %arg9[%swap3A_204] {strides = array<i32>} : memref<16xf32, #tpu.memory_space<vmem>>, vector<16xf32>,
    tpu.vector_store %arg9[%swap3A_204], %select_n3A_197 {strides = array<i32>} : memref<16xf32, #tpu.memory_space<vmem>>, vector<16xf32>,
    "tpu.region"() ({
      %run_scoped3A = tpu.sem_alloc : memref<!tpu.dma_semaphore, #tpu.memory_space<semaphore_mem>>
      %dma_start3A_214 = arith.constant 0 : i32
      %dma_start3A_215 = tpu.memref_slice %arg4[%select_n3A, %select_n3A_30, %dma_start3A_214] : memref<2x16x16xi32, #tpu.memory_space<hbm>> -> memref<1x1x16xi32, #tpu.memory_space<hbm>>
      %dma_start3A_216 = tpu.memref_squeeze %dma_start3A_215 : memref<1x1x16xi32, #tpu.memory_space<hbm>> -> memref<16xi32, #tpu.memory_space<hbm>>
      %dma_start3A_217 = arith.constant 0 : i32
      %dma_start3A_218 = tpu.memref_slice %arg4[%select_n3A, %select_n3A_30, %dma_start3A_217] : memref<2x16x16xi32, #tpu.memory_space<hbm>> -> memref<1x1x16xi32, #tpu.memory_space<hbm>>
      %dma_start3A_219 = tpu.memref_squeeze %dma_start3A_218 : memref<1x1x16xi32, #tpu.memory_space<hbm>> -> memref<16xi32, #tpu.memory_space<hbm>>
      tpu.enqueue_dma source(%arg8 : memref<16xi32, #tpu.memory_space<vmem>>) target(%dma_start3A_219 : memref<16xi32, #tpu.memory_space<hbm>>) target_semaphore(%run_scoped3A : memref<!tpu.dma_semaphore, #tpu.memory_space<semaphore_mem>>)
      %dma_wait3A_220 = arith.constant 0 : i32
      %dma_wait3A_221 = tpu.memref_slice %arg4[%select_n3A, %select_n3A_30, %dma_wait3A_220] : memref<2x16x16xi32, #tpu.memory_space<hbm>> -> memref<1x1x16xi32, #tpu.memory_space<hbm>>
      %dma_wait3A_222 = tpu.memref_squeeze %dma_wait3A_221 : memref<1x1x16xi32, #tpu.memory_space<hbm>> -> memref<16xi32, #tpu.memory_space<hbm>>
      %dma_wait3A_223 = arith.constant 0 : i32
      %dma_wait3A_224 = tpu.memref_slice %arg4[%select_n3A, %select_n3A_30, %dma_wait3A_223] : memref<2x16x16xi32, #tpu.memory_space<hbm>> -> memref<1x1x16xi32, #tpu.memory_space<hbm>>
      %dma_wait3A_225 = tpu.memref_squeeze %dma_wait3A_224 : memref<1x1x16xi32, #tpu.memory_space<hbm>> -> memref<16xi32, #tpu.memory_space<hbm>>
      tpu.wait_dma2 semaphore(%run_scoped3A : memref<!tpu.dma_semaphore, #tpu.memory_space<semaphore_mem>>) src(%arg8 : memref<16xi32, #tpu.memory_space<vmem>>) dst(%dma_wait3A_225 : memref<16xi32, #tpu.memory_space<hbm>>)
      tpu.yield
    }) : () -> ()
    "tpu.region"() ({
      %run_scoped3A = tpu.sem_alloc : memref<!tpu.dma_semaphore, #tpu.memory_space<semaphore_mem>>
      %dma_start3A_214 = arith.constant 0 : i32
      %dma_start3A_215 = tpu.memref_slice %arg5[%select_n3A, %select_n3A_30, %dma_start3A_214] : memref<2x16x16xf32, #tpu.memory_space<hbm>> -> memref<1x1x16xf32, #tpu.memory_space<hbm>>
      %dma_start3A_216 = tpu.memref_squeeze %dma_start3A_215 : memref<1x1x16xf32, #tpu.memory_space<hbm>> -> memref<16xf32, #tpu.memory_space<hbm>>
      %dma_start3A_217 = arith.constant 0 : i32
      %dma_start3A_218 = tpu.memref_slice %arg5[%select_n3A, %select_n3A_30, %dma_start3A_217] : memref<2x16x16xf32, #tpu.memory_space<hbm>> -> memref<1x1x16xf32, #tpu.memory_space<hbm>>
      %dma_start3A_219 = tpu.memref_squeeze %dma_start3A_218 : memref<1x1x16xf32, #tpu.memory_space<hbm>> -> memref<16xf32, #tpu.memory_space<hbm>>
      tpu.enqueue_dma source(%arg9 : memref<16xf32, #tpu.memory_space<vmem>>) target(%dma_start3A_219 : memref<16xf32, #tpu.memory_space<hbm>>) target_semaphore(%run_scoped3A : memref<!tpu.dma_semaphore, #tpu.memory_space<semaphore_mem>>)
      %dma_wait3A_220 = arith.constant 0 : i32
      %dma_wait3A_221 = tpu.memref_slice %arg5[%select_n3A, %select_n3A_30, %dma_wait3A_220] : memref<2x16x16xf32, #tpu.memory_space<hbm>> -> memref<1x1x16xf32, #tpu.memory_space<hbm>>
      %dma_wait3A_222 = tpu.memref_squeeze %dma_wait3A_221 : memref<1x1x16xf32, #tpu.memory_space<hbm>> -> memref<16xf32, #tpu.memory_space<hbm>>
      %dma_wait3A_223 = arith.constant 0 : i32
      %dma_wait3A_224 = tpu.memref_slice %arg5[%select_n3A, %select_n3A_30, %dma_wait3A_223] : memref<2x16x16xf32, #tpu.memory_space<hbm>> -> memref<1x1x16xf32, #tpu.memory_space<hbm>>
      %dma_wait3A_225 = tpu.memref_squeeze %dma_wait3A_224 : memref<1x1x16xf32, #tpu.memory_space<hbm>> -> memref<16xf32, #tpu.memory_space<hbm>>
      tpu.wait_dma2 semaphore(%run_scoped3A : memref<!tpu.dma_semaphore, #tpu.memory_space<semaphore_mem>>) src(%arg9 : memref<16xf32, #tpu.memory_space<vmem>>) dst(%dma_wait3A_225 : memref<16xf32, #tpu.memory_space<hbm>>)
      tpu.yield
    }) : () -> ()
    %mul3A_206 = arith.constant 2048 : i32
    %mul3A_207 = arith.muli %select_n3A, %mul3A_206 : i32
    %add3A_208 = vector.broadcast %mul3A_207 : i32 to vector<16xi32>
    %add3A_209 = arith.addi %select_n3A_202, %add3A_208 : vector<16xi32>
    %dma_start3A = arith.constant 0 : i32
    %dma_start3A_210 = arith.constant 0 : i32
    %dma_start3A_211 = tpu.memref_slice %arg3[%dma_start3A, %dma_start3A_210] : memref<4096x1024xf32, #tpu.memory_space<hbm>> -> memref<4096x1024xf32, #tpu.memory_space<hbm>>
    tpu.enqueue_indirect_dma source(%dma_start3A_211 : memref<4096x1024xf32, #tpu.memory_space<hbm>>) target(%arg10 : memref<16x1024xf32, #tpu.memory_space<vmem>>) offsets(%add3A_209 : vector<16xi32>) semaphore(%arg11 : memref<!tpu.dma_semaphore, #tpu.memory_space<semaphore_mem>>)
    %dma_wait3A = arith.constant 0 : i32
    %dma_wait3A_212 = arith.constant 0 : i32
    %dma_wait3A_213 = tpu.memref_slice %arg3[%dma_wait3A, %dma_wait3A_212] : memref<4096x1024xf32, #tpu.memory_space<hbm>> -> memref<4096x1024xf32, #tpu.memory_space<hbm>>
    tpu.wait_indirect_dma semaphore(%arg11 : memref<!tpu.dma_semaphore, #tpu.memory_space<semaphore_mem>>) src(%dma_wait3A_213 : memref<4096x1024xf32, #tpu.memory_space<hbm>>) dst(%arg10 : memref<16x1024xf32, #tpu.memory_space<vmem>>)
    "tpu.region"() ({
      %run_scoped3A = tpu.sem_alloc : memref<!tpu.dma_semaphore, #tpu.memory_space<semaphore_mem>>
      %dma_start3A_214 = arith.constant 0 : i32
      %dma_start3A_215 = arith.constant 0 : i32
      %dma_start3A_216 = tpu.memref_slice %arg10[%dma_start3A_214, %dma_start3A_215] : memref<16x1024xf32, #tpu.memory_space<vmem>> -> memref<4x1024xf32, #tpu.memory_space<vmem>>
      %dma_start3A_217 = arith.constant 0 : i32
      %dma_start3A_218 = arith.constant 0 : i32
      %dma_start3A_219 = tpu.memref_slice %arg6[%select_n3A, %select_n3A_30, %dma_start3A_217, %dma_start3A_218] : memref<2x16x4x1024xf32, #tpu.memory_space<hbm>> -> memref<1x1x4x1024xf32, #tpu.memory_space<hbm>>
      %dma_start3A_220 = tpu.memref_squeeze %dma_start3A_219 : memref<1x1x4x1024xf32, #tpu.memory_space<hbm>> -> memref<4x1024xf32, #tpu.memory_space<hbm>>
      %dma_start3A_221 = arith.constant 0 : i32
      %dma_start3A_222 = arith.constant 0 : i32
      %dma_start3A_223 = tpu.memref_slice %arg6[%select_n3A, %select_n3A_30, %dma_start3A_221, %dma_start3A_222] : memref<2x16x4x1024xf32, #tpu.memory_space<hbm>> -> memref<1x1x4x1024xf32, #tpu.memory_space<hbm>>
      %dma_start3A_224 = tpu.memref_squeeze %dma_start3A_223 : memref<1x1x4x1024xf32, #tpu.memory_space<hbm>> -> memref<4x1024xf32, #tpu.memory_space<hbm>>
      %dma_start3A_225 = arith.constant 0 : i32
      %dma_start3A_226 = arith.constant 0 : i32
      %dma_start3A_227 = tpu.memref_slice %arg10[%dma_start3A_225, %dma_start3A_226] : memref<16x1024xf32, #tpu.memory_space<vmem>> -> memref<4x1024xf32, #tpu.memory_space<vmem>>
      tpu.enqueue_dma source(%dma_start3A_227 : memref<4x1024xf32, #tpu.memory_space<vmem>>) target(%dma_start3A_224 : memref<4x1024xf32, #tpu.memory_space<hbm>>) target_semaphore(%run_scoped3A : memref<!tpu.dma_semaphore, #tpu.memory_space<semaphore_mem>>)
      %dma_wait3A_228 = arith.constant 0 : i32
      %dma_wait3A_229 = arith.constant 0 : i32
      %dma_wait3A_230 = tpu.memref_slice %arg10[%dma_wait3A_228, %dma_wait3A_229] : memref<16x1024xf32, #tpu.memory_space<vmem>> -> memref<4x1024xf32, #tpu.memory_space<vmem>>
      %dma_wait3A_231 = arith.constant 0 : i32
      %dma_wait3A_232 = arith.constant 0 : i32
      %dma_wait3A_233 = tpu.memref_slice %arg6[%select_n3A, %select_n3A_30, %dma_wait3A_231, %dma_wait3A_232] : memref<2x16x4x1024xf32, #tpu.memory_space<hbm>> -> memref<1x1x4x1024xf32, #tpu.memory_space<hbm>>
      %dma_wait3A_234 = tpu.memref_squeeze %dma_wait3A_233 : memref<1x1x4x1024xf32, #tpu.memory_space<hbm>> -> memref<4x1024xf32, #tpu.memory_space<hbm>>
      %dma_wait3A_235 = arith.constant 0 : i32
      %dma_wait3A_236 = arith.constant 0 : i32
      %dma_wait3A_237 = tpu.memref_slice %arg6[%select_n3A, %select_n3A_30, %dma_wait3A_235, %dma_wait3A_236] : memref<2x16x4x1024xf32, #tpu.memory_space<hbm>> -> memref<1x1x4x1024xf32, #tpu.memory_space<hbm>>
      %dma_wait3A_238 = tpu.memref_squeeze %dma_wait3A_237 : memref<1x1x4x1024xf32, #tpu.memory_space<hbm>> -> memref<4x1024xf32, #tpu.memory_space<hbm>>
      %dma_wait3A_239 = arith.constant 0 : i32
      %dma_wait3A_240 = arith.constant 0 : i32
      %dma_wait3A_241 = tpu.memref_slice %arg10[%dma_wait3A_239, %dma_wait3A_240] : memref<16x1024xf32, #tpu.memory_space<vmem>> -> memref<4x1024xf32, #tpu.memory_space<vmem>>
      tpu.wait_dma2 semaphore(%run_scoped3A : memref<!tpu.dma_semaphore, #tpu.memory_space<semaphore_mem>>) src(%dma_wait3A_241 : memref<4x1024xf32, #tpu.memory_space<vmem>>) dst(%dma_wait3A_238 : memref<4x1024xf32, #tpu.memory_space<hbm>>)
      tpu.yield
    }) : () -> ()
    return
  }
}

#map = affine_map<(d0, d1) -> (0, 0, 0)>
#map1 = affine_map<(d0, d1) -> (0, 0)>
#map2 = affine_map<(d0, d1) -> (0, 0, 0, 0)>
module attributes {stable_mosaic.version = 14 : i64} {
  func.func @_b_body(%arg0: i32, %arg1: i32, %arg2: memref<2x16x2048xf32, #tpu.memory_space<hbm>>, %arg3: memref<4096x1024xf32, #tpu.memory_space<hbm>>, %arg4: memref<2x16x16xi32, #tpu.memory_space<hbm>>, %arg5: memref<2x16x16xf32, #tpu.memory_space<hbm>>, %arg6: memref<2x16x4x1024xf32, #tpu.memory_space<hbm>>, %arg7: memref<2048xf32, #tpu.memory_space<vmem>>, %arg8: memref<16xi32, #tpu.memory_space<vmem>>, %arg9: memref<16xf32, #tpu.memory_space<vmem>>, %arg10: memref<16x1024xf32, #tpu.memory_space<vmem>>, %arg11: memref<!tpu.dma_semaphore, #tpu.memory_space<semaphore_mem>>) attributes {dimension_semantics = [#tpu.dimension_semantics<core_parallel>, #tpu.dimension_semantics<subcore_parallel>], iteration_bounds = array<i64: 2, 16>, scalar_prefetch = 0 : i64, scratch_operands = 5 : i64, tpu.core_type = #tpu.core_type<sc_vector_subcore>, window_params = [{transform_indices = #map}, {transform_indices = #map1}, {transform_indices = #map}, {transform_indices = #map}, {transform_indices = #map2}]} {
    %mul3A = arith.constant 16 : i32
    %mul3A_0 = arith.muli %arg0, %mul3A : i32
    %add3A = arith.addi %mul3A_0, %arg1 : i32
    %jit3A = arith.constant 16 : i32
    %div3A = arith.divsi %add3A, %jit3A : i32
    %sign3A = arith.constant 0 : i32
    %sign3A_1 = arith.cmpi sgt, %add3A, %sign3A : i32
    %sign3A_2 = arith.extui %sign3A_1 : i1 to i32
    %sign3A_3 = arith.constant 0 : i32
    %sign3A_4 = arith.cmpi slt, %add3A, %sign3A_3 : i32
    %sign3A_5 = arith.extui %sign3A_4 : i1 to i32
    %sign3A_6 = arith.subi %sign3A_2, %sign3A_5 : i32
    %sign3A_7 = arith.constant 0 : i32
    %sign3A_8 = arith.cmpi sgt, %jit3A, %sign3A_7 : i32
    %sign3A_9 = arith.extui %sign3A_8 : i1 to i32
    %sign3A_10 = arith.constant 0 : i32
    %sign3A_11 = arith.cmpi slt, %jit3A, %sign3A_10 : i32
    %sign3A_12 = arith.extui %sign3A_11 : i1 to i32
    %sign3A_13 = arith.subi %sign3A_9, %sign3A_12 : i32
    %ne3A = arith.cmpi ne, %sign3A_6, %sign3A_13 : i32
    %rem3A = arith.remsi %add3A, %jit3A : i32
    %ne3A_14 = arith.constant 0 : i32
    %ne3A_15 = arith.cmpi ne, %rem3A, %ne3A_14 : i32
    %and3A = arith.andi %ne3A, %ne3A_15 : i1
    %sub3A = arith.constant 1 : i32
    %sub3A_16 = arith.subi %div3A, %sub3A : i32
    %select_n3A = arith.select %and3A, %sub3A_16, %div3A : i32
    %jit3A_17 = arith.constant 16 : i32
    %eq3A = arith.constant 0 : i32
    %eq3A_18 = arith.cmpi eq, %jit3A_17, %eq3A : i32
    %jit3A_19 = arith.constant 1 : i32
    %select_n3A_20 = arith.select %eq3A_18, %jit3A_19, %jit3A_17 : i32
    %rem3A_21 = arith.remsi %add3A, %select_n3A_20 : i32
    %ne3A_22 = arith.constant 0 : i32
    %ne3A_23 = arith.cmpi ne, %rem3A_21, %ne3A_22 : i32
    %lt3A = arith.constant 0 : i32
    %lt3A_24 = arith.cmpi slt, %rem3A_21, %lt3A : i32
    %lt3A_25 = arith.constant 0 : i32
    %lt3A_26 = arith.cmpi slt, %select_n3A_20, %lt3A_25 : i32
    %ne3A_27 = arith.xori %lt3A_24, %lt3A_26 : i1
    %and3A_28 = arith.andi %ne3A_27, %ne3A_23 : i1
    %add3A_29 = arith.addi %rem3A_21, %select_n3A_20 : i32
    %select_n3A_30 = arith.select %and3A_28, %add3A_29, %rem3A_21 : i32
    "tpu.region"() ({
      %run_scoped3A = tpu.sem_alloc : memref<!tpu.dma_semaphore, #tpu.memory_space<semaphore_mem>>
      %dma_start3A_214 = arith.constant 0 : i32
      %dma_start3A_215 = tpu.memref_slice %arg2[%select_n3A, %select_n3A_30, %dma_start3A_214] : memref<2x16x2048xf32, #tpu.memory_space<hbm>> -> memref<1x1x2048xf32, #tpu.memory_space<hbm>>
      %dma_start3A_216 = tpu.memref_squeeze %dma_start3A_215 : memref<1x1x2048xf32, #tpu.memory_space<hbm>> -> memref<2048xf32, #tpu.memory_space<hbm>>
      %dma_start3A_217 = arith.constant 0 : i32
      %dma_start3A_218 = tpu.memref_slice %arg2[%select_n3A, %select_n3A_30, %dma_start3A_217] : memref<2x16x2048xf32, #tpu.memory_space<hbm>> -> memref<1x1x2048xf32, #tpu.memory_space<hbm>>
      %dma_start3A_219 = tpu.memref_squeeze %dma_start3A_218 : memref<1x1x2048xf32, #tpu.memory_space<hbm>> -> memref<2048xf32, #tpu.memory_space<hbm>>
      tpu.enqueue_dma source(%dma_start3A_219 : memref<2048xf32, #tpu.memory_space<hbm>>) target(%arg7 : memref<2048xf32, #tpu.memory_space<vmem>>) target_semaphore(%run_scoped3A : memref<!tpu.dma_semaphore, #tpu.memory_space<semaphore_mem>>)
      %dma_wait3A_220 = arith.constant 0 : i32
      %dma_wait3A_221 = tpu.memref_slice %arg2[%select_n3A, %select_n3A_30, %dma_wait3A_220] : memref<2x16x2048xf32, #tpu.memory_space<hbm>> -> memref<1x1x2048xf32, #tpu.memory_space<hbm>>
      %dma_wait3A_222 = tpu.memref_squeeze %dma_wait3A_221 : memref<1x1x2048xf32, #tpu.memory_space<hbm>> -> memref<2048xf32, #tpu.memory_space<hbm>>
      %dma_wait3A_223 = arith.constant 0 : i32
      %dma_wait3A_224 = tpu.memref_slice %arg2[%select_n3A, %select_n3A_30, %dma_wait3A_223] : memref<2x16x2048xf32, #tpu.memory_space<hbm>> -> memref<1x1x2048xf32, #tpu.memory_space<hbm>>
      %dma_wait3A_225 = tpu.memref_squeeze %dma_wait3A_224 : memref<1x1x2048xf32, #tpu.memory_space<hbm>> -> memref<2048xf32, #tpu.memory_space<hbm>>
      tpu.wait_dma2 semaphore(%run_scoped3A : memref<!tpu.dma_semaphore, #tpu.memory_space<semaphore_mem>>) src(%dma_wait3A_225 : memref<2048xf32, #tpu.memory_space<hbm>>) dst(%arg7 : memref<2048xf32, #tpu.memory_space<vmem>>)
      tpu.yield
    }) : () -> ()
    %iota3A = tpu.iota {dimensions = array<i32: 0>} : vector<16xi32>
    %broadcast_in_dim3A = arith.constant -3.000000e+38 : f32
    %broadcast_in_dim3A_31 = vector.broadcast %broadcast_in_dim3A : f32 to vector<16xf32>
    %broadcast_in_dim3A_32 = arith.constant 0 : i32
    %broadcast_in_dim3A_33 = vector.broadcast %broadcast_in_dim3A_32 : i32 to vector<16xi32>
    %scan3A = arith.constant 0 : i32
    %scan3A_34 = arith.constant 16 : i32
    %scan3A_35 = arith.addi %scan3A, %scan3A_34 : i32
    %scan3A_36 = arith.constant 1 : i32
    %scan3A_37:2 = scf.for %scan3A_214 = %scan3A to %scan3A_35 step %scan3A_36 iter_args(%scan3A_215 = %broadcast_in_dim3A_31, %scan3A_216 = %broadcast_in_dim3A_33) -> (vector<16xf32>, vector<16xi32>)  : i32 {
      %mul3A_217 = arith.constant 8 : i32
      %mul3A_218 = arith.muli %scan3A_214, %mul3A_217 : i32
      %add3A_219 = arith.constant 0 : i32
      %add3A_220 = arith.addi %mul3A_218, %add3A_219 : i32
      %mul3A_221 = arith.constant 16 : i32
      %mul3A_222 = arith.muli %add3A_220, %mul3A_221 : i32
      %multiple_of3A = tpu.assume_multiple %mul3A_222, 16 : i32
      %get3A = arith.index_cast %multiple_of3A : i32 to index
      %get3A_223 = tpu.vector_load %arg7[%get3A] {strides = array<i32>} : memref<2048xf32, #tpu.memory_space<vmem>>, vector<16xf32>,
      %add3A_224 = vector.broadcast %multiple_of3A : i32 to vector<16xi32>
      %add3A_225 = arith.addi %add3A_224, %iota3A : vector<16xi32>
      %mul3A_226 = arith.constant 8 : i32
      %mul3A_227 = arith.muli %scan3A_214, %mul3A_226 : i32
      %add3A_228 = arith.constant 1 : i32
      %add3A_229 = arith.addi %mul3A_227, %add3A_228 : i32
      %mul3A_230 = arith.constant 16 : i32
      %mul3A_231 = arith.muli %add3A_229, %mul3A_230 : i32
      %multiple_of3A_232 = tpu.assume_multiple %mul3A_231, 16 : i32
      %get3A_233 = arith.index_cast %multiple_of3A_232 : i32 to index
      %get3A_234 = tpu.vector_load %arg7[%get3A_233] {strides = array<i32>} : memref<2048xf32, #tpu.memory_space<vmem>>, vector<16xf32>,
      %add3A_235 = vector.broadcast %multiple_of3A_232 : i32 to vector<16xi32>
      %add3A_236 = arith.addi %add3A_235, %iota3A : vector<16xi32>
      %mul3A_237 = arith.constant 8 : i32
      %mul3A_238 = arith.muli %scan3A_214, %mul3A_237 : i32
      %add3A_239 = arith.constant 2 : i32
      %add3A_240 = arith.addi %mul3A_238, %add3A_239 : i32
      %mul3A_241 = arith.constant 16 : i32
      %mul3A_242 = arith.muli %add3A_240, %mul3A_241 : i32
      %multiple_of3A_243 = tpu.assume_multiple %mul3A_242, 16 : i32
      %get3A_244 = arith.index_cast %multiple_of3A_243 : i32 to index
      %get3A_245 = tpu.vector_load %arg7[%get3A_244] {strides = array<i32>} : memref<2048xf32, #tpu.memory_space<vmem>>, vector<16xf32>,
      %add3A_246 = vector.broadcast %multiple_of3A_243 : i32 to vector<16xi32>
      %add3A_247 = arith.addi %add3A_246, %iota3A : vector<16xi32>
      %mul3A_248 = arith.constant 8 : i32
      %mul3A_249 = arith.muli %scan3A_214, %mul3A_248 : i32
      %add3A_250 = arith.constant 3 : i32
      %add3A_251 = arith.addi %mul3A_249, %add3A_250 : i32
      %mul3A_252 = arith.constant 16 : i32
      %mul3A_253 = arith.muli %add3A_251, %mul3A_252 : i32
      %multiple_of3A_254 = tpu.assume_multiple %mul3A_253, 16 : i32
      %get3A_255 = arith.index_cast %multiple_of3A_254 : i32 to index
      %get3A_256 = tpu.vector_load %arg7[%get3A_255] {strides = array<i32>} : memref<2048xf32, #tpu.memory_space<vmem>>, vector<16xf32>,
      %add3A_257 = vector.broadcast %multiple_of3A_254 : i32 to vector<16xi32>
      %add3A_258 = arith.addi %add3A_257, %iota3A : vector<16xi32>
      %mul3A_259 = arith.constant 8 : i32
      %mul3A_260 = arith.muli %scan3A_214, %mul3A_259 : i32
      %add3A_261 = arith.constant 4 : i32
      %add3A_262 = arith.addi %mul3A_260, %add3A_261 : i32
      %mul3A_263 = arith.constant 16 : i32
      %mul3A_264 = arith.muli %add3A_262, %mul3A_263 : i32
      %multiple_of3A_265 = tpu.assume_multiple %mul3A_264, 16 : i32
      %get3A_266 = arith.index_cast %multiple_of3A_265 : i32 to index
      %get3A_267 = tpu.vector_load %arg7[%get3A_266] {strides = array<i32>} : memref<2048xf32, #tpu.memory_space<vmem>>, vector<16xf32>,
      %add3A_268 = vector.broadcast %multiple_of3A_265 : i32 to vector<16xi32>
      %add3A_269 = arith.addi %add3A_268, %iota3A : vector<16xi32>
      %mul3A_270 = arith.constant 8 : i32
      %mul3A_271 = arith.muli %scan3A_214, %mul3A_270 : i32
      %add3A_272 = arith.constant 5 : i32
      %add3A_273 = arith.addi %mul3A_271, %add3A_272 : i32
      %mul3A_274 = arith.constant 16 : i32
      %mul3A_275 = arith.muli %add3A_273, %mul3A_274 : i32
      %multiple_of3A_276 = tpu.assume_multiple %mul3A_275, 16 : i32
      %get3A_277 = arith.index_cast %multiple_of3A_276 : i32 to index
      %get3A_278 = tpu.vector_load %arg7[%get3A_277] {strides = array<i32>} : memref<2048xf32, #tpu.memory_space<vmem>>, vector<16xf32>,
      %add3A_279 = vector.broadcast %multiple_of3A_276 : i32 to vector<16xi32>
      %add3A_280 = arith.addi %add3A_279, %iota3A : vector<16xi32>
      %mul3A_281 = arith.constant 8 : i32
      %mul3A_282 = arith.muli %scan3A_214, %mul3A_281 : i32
      %add3A_283 = arith.constant 6 : i32
      %add3A_284 = arith.addi %mul3A_282, %add3A_283 : i32
      %mul3A_285 = arith.constant 16 : i32
      %mul3A_286 = arith.muli %add3A_284, %mul3A_285 : i32
      %multiple_of3A_287 = tpu.assume_multiple %mul3A_286, 16 : i32
      %get3A_288 = arith.index_cast %multiple_of3A_287 : i32 to index
      %get3A_289 = tpu.vector_load %arg7[%get3A_288] {strides = array<i32>} : memref<2048xf32, #tpu.memory_space<vmem>>, vector<16xf32>,
      %add3A_290 = vector.broadcast %multiple_of3A_287 : i32 to vector<16xi32>
      %add3A_291 = arith.addi %add3A_290, %iota3A : vector<16xi32>
      %mul3A_292 = arith.constant 8 : i32
      %mul3A_293 = arith.muli %scan3A_214, %mul3A_292 : i32
      %add3A_294 = arith.constant 7 : i32
      %add3A_295 = arith.addi %mul3A_293, %add3A_294 : i32
      %mul3A_296 = arith.constant 16 : i32
      %mul3A_297 = arith.muli %add3A_295, %mul3A_296 : i32
      %multiple_of3A_298 = tpu.assume_multiple %mul3A_297, 16 : i32
      %get3A_299 = arith.index_cast %multiple_of3A_298 : i32 to index
      %get3A_300 = tpu.vector_load %arg7[%get3A_299] {strides = array<i32>} : memref<2048xf32, #tpu.memory_space<vmem>>, vector<16xf32>,
      %add3A_301 = vector.broadcast %multiple_of3A_298 : i32 to vector<16xi32>
      %add3A_302 = arith.addi %add3A_301, %iota3A : vector<16xi32>
      %ge3A = arith.cmpf oge, %get3A_223, %get3A_234 : vector<16xf32>
      %select_n3A_303 = arith.select %ge3A, %get3A_223, %get3A_234 : vector<16xi1>, vector<16xf32>
      %select_n3A_304 = arith.select %ge3A, %add3A_225, %add3A_236 : vector<16xi1>, vector<16xi32>
      %ge3A_305 = arith.cmpf oge, %get3A_245, %get3A_256 : vector<16xf32>
      %select_n3A_306 = arith.select %ge3A_305, %get3A_245, %get3A_256 : vector<16xi1>, vector<16xf32>
      %select_n3A_307 = arith.select %ge3A_305, %add3A_247, %add3A_258 : vector<16xi1>, vector<16xi32>
      %ge3A_308 = arith.cmpf oge, %get3A_267, %get3A_278 : vector<16xf32>
      %select_n3A_309 = arith.select %ge3A_308, %get3A_267, %get3A_278 : vector<16xi1>, vector<16xf32>
      %select_n3A_310 = arith.select %ge3A_308, %add3A_269, %add3A_280 : vector<16xi1>, vector<16xi32>
      %ge3A_311 = arith.cmpf oge, %get3A_289, %get3A_300 : vector<16xf32>
      %select_n3A_312 = arith.select %ge3A_311, %get3A_289, %get3A_300 : vector<16xi1>, vector<16xf32>
      %select_n3A_313 = arith.select %ge3A_311, %add3A_291, %add3A_302 : vector<16xi1>, vector<16xi32>
      %ge3A_314 = arith.cmpf oge, %select_n3A_303, %select_n3A_306 : vector<16xf32>
      %select_n3A_315 = arith.select %ge3A_314, %select_n3A_303, %select_n3A_306 : vector<16xi1>, vector<16xf32>
      %select_n3A_316 = arith.select %ge3A_314, %select_n3A_304, %select_n3A_307 : vector<16xi1>, vector<16xi32>
      %ge3A_317 = arith.cmpf oge, %select_n3A_309, %select_n3A_312 : vector<16xf32>
      %select_n3A_318 = arith.select %ge3A_317, %select_n3A_309, %select_n3A_312 : vector<16xi1>, vector<16xf32>
      %select_n3A_319 = arith.select %ge3A_317, %select_n3A_310, %select_n3A_313 : vector<16xi1>, vector<16xi32>
      %ge3A_320 = arith.cmpf oge, %select_n3A_315, %select_n3A_318 : vector<16xf32>
      %select_n3A_321 = arith.select %ge3A_320, %select_n3A_315, %select_n3A_318 : vector<16xi1>, vector<16xf32>
      %select_n3A_322 = arith.select %ge3A_320, %select_n3A_316, %select_n3A_319 : vector<16xi1>, vector<16xi32>
      %gt3A_323 = arith.cmpf ogt, %select_n3A_321, %scan3A_215 : vector<16xf32>
      %select_n3A_324 = arith.select %gt3A_323, %select_n3A_321, %scan3A_215 : vector<16xi1>, vector<16xf32>
      %select_n3A_325 = arith.select %gt3A_323, %select_n3A_322, %scan3A_216 : vector<16xi1>, vector<16xi32>
      scf.yield %select_n3A_324, %select_n3A_325 : vector<16xf32>, vector<16xi32>
    }
    %scan3A_38 = arith.constant 16 : i32
    %reduce_max3A = arith.constant true
    %reduce_max3A_39 = vector.broadcast %reduce_max3A : i1 to vector<16xi1>
    %reduce_max3A_40 = tpu.scan <max>, %scan3A_37#0 masked %reduce_max3A_39 : vector<16xf32>, vector<16xi1> -> vector<16xf32>
    %reduce_max3A_41 = vector.extract %reduce_max3A_40[15] : f32 from vector<16xf32>
    %eq3A_42 = vector.broadcast %reduce_max3A_41 : f32 to vector<16xf32>
    %eq3A_43 = arith.cmpf oeq, %scan3A_37#0, %eq3A_42 : vector<16xf32>
    %jit3A_44 = arith.constant 1073741824 : i32
    %broadcast_in_dim3A_45 = vector.broadcast %jit3A_44 : i32 to vector<16xi32>
    %select_n3A_46 = arith.select %eq3A_43, %scan3A_37#1, %broadcast_in_dim3A_45 : vector<16xi1>, vector<16xi32>
    %reduce_min3A = arith.constant true
    %reduce_min3A_47 = vector.broadcast %reduce_min3A : i1 to vector<16xi1>
    %reduce_min3A_48 = arith.constant -2147483648 : i32
    %reduce_min3A_49 = vector.broadcast %reduce_min3A_48 : i32 to vector<16xi32>
    %reduce_min3A_50 = arith.xori %select_n3A_46, %reduce_min3A_49 : vector<16xi32>
    %reduce_min3A_51 = tpu.scan <min>, %reduce_min3A_50 masked %reduce_min3A_47 : vector<16xi32>, vector<16xi1> -> vector<16xi32>
    %reduce_min3A_52 = arith.xori %reduce_min3A_51, %reduce_min3A_49 : vector<16xi32>
    %reduce_min3A_53 = vector.extract %reduce_min3A_52[15] : i32 from vector<16xi32>
    %broadcast_in_dim3A_54 = arith.constant -3.000000e+38 : f32
    %broadcast_in_dim3A_55 = vector.broadcast %broadcast_in_dim3A_54 : f32 to vector<16xf32>
    %broadcast_in_dim3A_56 = arith.constant 0 : i32
    %broadcast_in_dim3A_57 = vector.broadcast %broadcast_in_dim3A_56 : i32 to vector<16xi32>
    %scan3A_58 = arith.constant 0 : i32
    %scan3A_59 = arith.constant 16 : i32
    %scan3A_60 = arith.addi %scan3A_58, %scan3A_59 : i32
    %scan3A_61 = arith.constant 1 : i32
    %scan3A_62:2 = scf.for %scan3A_214 = %scan3A_58 to %scan3A_60 step %scan3A_61 iter_args(%scan3A_215 = %broadcast_in_dim3A_55, %scan3A_216 = %broadcast_in_dim3A_57) -> (vector<16xf32>, vector<16xi32>)  : i32 {
      %mul3A_217 = arith.constant 8 : i32
      %mul3A_218 = arith.muli %scan3A_214, %mul3A_217 : i32
      %add3A_219 = arith.constant 0 : i32
      %add3A_220 = arith.addi %mul3A_218, %add3A_219 : i32
      %mul3A_221 = arith.constant 16 : i32
      %mul3A_222 = arith.muli %add3A_220, %mul3A_221 : i32
      %multiple_of3A = tpu.assume_multiple %mul3A_222, 16 : i32
      %get3A = arith.index_cast %multiple_of3A : i32 to index
      %get3A_223 = tpu.vector_load %arg7[%get3A] {strides = array<i32>} : memref<2048xf32, #tpu.memory_space<vmem>>, vector<16xf32>,
      %add3A_224 = vector.broadcast %multiple_of3A : i32 to vector<16xi32>
      %add3A_225 = arith.addi %add3A_224, %iota3A : vector<16xi32>
      %eq3A_226 = vector.broadcast %reduce_min3A_53 : i32 to vector<16xi32>
      %eq3A_227 = arith.cmpi eq, %add3A_225, %eq3A_226 : vector<16xi32>
      %jit3A_228 = arith.constant -3.000000e+38 : f32
      %broadcast_in_dim3A_229 = vector.broadcast %jit3A_228 : f32 to vector<16xf32>
      %select_n3A_230 = arith.select %eq3A_227, %broadcast_in_dim3A_229, %get3A_223 : vector<16xi1>, vector<16xf32>
      %mul3A_231 = arith.constant 8 : i32
      %mul3A_232 = arith.muli %scan3A_214, %mul3A_231 : i32
      %add3A_233 = arith.constant 1 : i32
      %add3A_234 = arith.addi %mul3A_232, %add3A_233 : i32
      %mul3A_235 = arith.constant 16 : i32
      %mul3A_236 = arith.muli %add3A_234, %mul3A_235 : i32
      %multiple_of3A_237 = tpu.assume_multiple %mul3A_236, 16 : i32
      %get3A_238 = arith.index_cast %multiple_of3A_237 : i32 to index
      %get3A_239 = tpu.vector_load %arg7[%get3A_238] {strides = array<i32>} : memref<2048xf32, #tpu.memory_space<vmem>>, vector<16xf32>,
      %add3A_240 = vector.broadcast %multiple_of3A_237 : i32 to vector<16xi32>
      %add3A_241 = arith.addi %add3A_240, %iota3A : vector<16xi32>
      %eq3A_242 = vector.broadcast %reduce_min3A_53 : i32 to vector<16xi32>
      %eq3A_243 = arith.cmpi eq, %add3A_241, %eq3A_242 : vector<16xi32>
      %jit3A_244 = arith.constant -3.000000e+38 : f32
      %broadcast_in_dim3A_245 = vector.broadcast %jit3A_244 : f32 to vector<16xf32>
      %select_n3A_246 = arith.select %eq3A_243, %broadcast_in_dim3A_245, %get3A_239 : vector<16xi1>, vector<16xf32>
      %mul3A_247 = arith.constant 8 : i32
      %mul3A_248 = arith.muli %scan3A_214, %mul3A_247 : i32
      %add3A_249 = arith.constant 2 : i32
      %add3A_250 = arith.addi %mul3A_248, %add3A_249 : i32
      %mul3A_251 = arith.constant 16 : i32
      %mul3A_252 = arith.muli %add3A_250, %mul3A_251 : i32
      %multiple_of3A_253 = tpu.assume_multiple %mul3A_252, 16 : i32
      %get3A_254 = arith.index_cast %multiple_of3A_253 : i32 to index
      %get3A_255 = tpu.vector_load %arg7[%get3A_254] {strides = array<i32>} : memref<2048xf32, #tpu.memory_space<vmem>>, vector<16xf32>,
      %add3A_256 = vector.broadcast %multiple_of3A_253 : i32 to vector<16xi32>
      %add3A_257 = arith.addi %add3A_256, %iota3A : vector<16xi32>
      %eq3A_258 = vector.broadcast %reduce_min3A_53 : i32 to vector<16xi32>
      %eq3A_259 = arith.cmpi eq, %add3A_257, %eq3A_258 : vector<16xi32>
      %jit3A_260 = arith.constant -3.000000e+38 : f32
      %broadcast_in_dim3A_261 = vector.broadcast %jit3A_260 : f32 to vector<16xf32>
      %select_n3A_262 = arith.select %eq3A_259, %broadcast_in_dim3A_261, %get3A_255 : vector<16xi1>, vector<16xf32>
      %mul3A_263 = arith.constant 8 : i32
      %mul3A_264 = arith.muli %scan3A_214, %mul3A_263 : i32
      %add3A_265 = arith.constant 3 : i32
      %add3A_266 = arith.addi %mul3A_264, %add3A_265 : i32
      %mul3A_267 = arith.constant 16 : i32
      %mul3A_268 = arith.muli %add3A_266, %mul3A_267 : i32
      %multiple_of3A_269 = tpu.assume_multiple %mul3A_268, 16 : i32
      %get3A_270 = arith.index_cast %multiple_of3A_269 : i32 to index
      %get3A_271 = tpu.vector_load %arg7[%get3A_270] {strides = array<i32>} : memref<2048xf32, #tpu.memory_space<vmem>>, vector<16xf32>,
      %add3A_272 = vector.broadcast %multiple_of3A_269 : i32 to vector<16xi32>
      %add3A_273 = arith.addi %add3A_272, %iota3A : vector<16xi32>
      %eq3A_274 = vector.broadcast %reduce_min3A_53 : i32 to vector<16xi32>
      %eq3A_275 = arith.cmpi eq, %add3A_273, %eq3A_274 : vector<16xi32>
      %jit3A_276 = arith.constant -3.000000e+38 : f32
      %broadcast_in_dim3A_277 = vector.broadcast %jit3A_276 : f32 to vector<16xf32>
      %select_n3A_278 = arith.select %eq3A_275, %broadcast_in_dim3A_277, %get3A_271 : vector<16xi1>, vector<16xf32>
      %mul3A_279 = arith.constant 8 : i32
      %mul3A_280 = arith.muli %scan3A_214, %mul3A_279 : i32
      %add3A_281 = arith.constant 4 : i32
      %add3A_282 = arith.addi %mul3A_280, %add3A_281 : i32
      %mul3A_283 = arith.constant 16 : i32
      %mul3A_284 = arith.muli %add3A_282, %mul3A_283 : i32
      %multiple_of3A_285 = tpu.assume_multiple %mul3A_284, 16 : i32
      %get3A_286 = arith.index_cast %multiple_of3A_285 : i32 to index
      %get3A_287 = tpu.vector_load %arg7[%get3A_286] {strides = array<i32>} : memref<2048xf32, #tpu.memory_space<vmem>>, vector<16xf32>,
      %add3A_288 = vector.broadcast %multiple_of3A_285 : i32 to vector<16xi32>
      %add3A_289 = arith.addi %add3A_288, %iota3A : vector<16xi32>
      %eq3A_290 = vector.broadcast %reduce_min3A_53 : i32 to vector<16xi32>
      %eq3A_291 = arith.cmpi eq, %add3A_289, %eq3A_290 : vector<16xi32>
      %jit3A_292 = arith.constant -3.000000e+38 : f32
      %broadcast_in_dim3A_293 = vector.broadcast %jit3A_292 : f32 to vector<16xf32>
      %select_n3A_294 = arith.select %eq3A_291, %broadcast_in_dim3A_293, %get3A_287 : vector<16xi1>, vector<16xf32>
      %mul3A_295 = arith.constant 8 : i32
      %mul3A_296 = arith.muli %scan3A_214, %mul3A_295 : i32
      %add3A_297 = arith.constant 5 : i32
      %add3A_298 = arith.addi %mul3A_296, %add3A_297 : i32
      %mul3A_299 = arith.constant 16 : i32
      %mul3A_300 = arith.muli %add3A_298, %mul3A_299 : i32
      %multiple_of3A_301 = tpu.assume_multiple %mul3A_300, 16 : i32
      %get3A_302 = arith.index_cast %multiple_of3A_301 : i32 to index
      %get3A_303 = tpu.vector_load %arg7[%get3A_302] {strides = array<i32>} : memref<2048xf32, #tpu.memory_space<vmem>>, vector<16xf32>,
      %add3A_304 = vector.broadcast %multiple_of3A_301 : i32 to vector<16xi32>
      %add3A_305 = arith.addi %add3A_304, %iota3A : vector<16xi32>
      %eq3A_306 = vector.broadcast %reduce_min3A_53 : i32 to vector<16xi32>
      %eq3A_307 = arith.cmpi eq, %add3A_305, %eq3A_306 : vector<16xi32>
      %jit3A_308 = arith.constant -3.000000e+38 : f32
      %broadcast_in_dim3A_309 = vector.broadcast %jit3A_308 : f32 to vector<16xf32>
      %select_n3A_310 = arith.select %eq3A_307, %broadcast_in_dim3A_309, %get3A_303 : vector<16xi1>, vector<16xf32>
      %mul3A_311 = arith.constant 8 : i32
      %mul3A_312 = arith.muli %scan3A_214, %mul3A_311 : i32
      %add3A_313 = arith.constant 6 : i32
      %add3A_314 = arith.addi %mul3A_312, %add3A_313 : i32
      %mul3A_315 = arith.constant 16 : i32
      %mul3A_316 = arith.muli %add3A_314, %mul3A_315 : i32
      %multiple_of3A_317 = tpu.assume_multiple %mul3A_316, 16 : i32
      %get3A_318 = arith.index_cast %multiple_of3A_317 : i32 to index
      %get3A_319 = tpu.vector_load %arg7[%get3A_318] {strides = array<i32>} : memref<2048xf32, #tpu.memory_space<vmem>>, vector<16xf32>,
      %add3A_320 = vector.broadcast %multiple_of3A_317 : i32 to vector<16xi32>
      %add3A_321 = arith.addi %add3A_320, %iota3A : vector<16xi32>
      %eq3A_322 = vector.broadcast %reduce_min3A_53 : i32 to vector<16xi32>
      %eq3A_323 = arith.cmpi eq, %add3A_321, %eq3A_322 : vector<16xi32>
      %jit3A_324 = arith.constant -3.000000e+38 : f32
      %broadcast_in_dim3A_325 = vector.broadcast %jit3A_324 : f32 to vector<16xf32>
      %select_n3A_326 = arith.select %eq3A_323, %broadcast_in_dim3A_325, %get3A_319 : vector<16xi1>, vector<16xf32>
      %mul3A_327 = arith.constant 8 : i32
      %mul3A_328 = arith.muli %scan3A_214, %mul3A_327 : i32
      %add3A_329 = arith.constant 7 : i32
      %add3A_330 = arith.addi %mul3A_328, %add3A_329 : i32
      %mul3A_331 = arith.constant 16 : i32
      %mul3A_332 = arith.muli %add3A_330, %mul3A_331 : i32
      %multiple_of3A_333 = tpu.assume_multiple %mul3A_332, 16 : i32
      %get3A_334 = arith.index_cast %multiple_of3A_333 : i32 to index
      %get3A_335 = tpu.vector_load %arg7[%get3A_334] {strides = array<i32>} : memref<2048xf32, #tpu.memory_space<vmem>>, vector<16xf32>,
      %add3A_336 = vector.broadcast %multiple_of3A_333 : i32 to vector<16xi32>
      %add3A_337 = arith.addi %add3A_336, %iota3A : vector<16xi32>
      %eq3A_338 = vector.broadcast %reduce_min3A_53 : i32 to vector<16xi32>
      %eq3A_339 = arith.cmpi eq, %add3A_337, %eq3A_338 : vector<16xi32>
      %jit3A_340 = arith.constant -3.000000e+38 : f32
      %broadcast_in_dim3A_341 = vector.broadcast %jit3A_340 : f32 to vector<16xf32>
      %select_n3A_342 = arith.select %eq3A_339, %broadcast_in_dim3A_341, %get3A_335 : vector<16xi1>, vector<16xf32>
      %ge3A = arith.cmpf oge, %select_n3A_230, %select_n3A_246 : vector<16xf32>
      %select_n3A_343 = arith.select %ge3A, %select_n3A_230, %select_n3A_246 : vector<16xi1>, vector<16xf32>
      %select_n3A_344 = arith.select %ge3A, %add3A_225, %add3A_241 : vector<16xi1>, vector<16xi32>
      %ge3A_345 = arith.cmpf oge, %select_n3A_262, %select_n3A_278 : vector<16xf32>
      %select_n3A_346 = arith.select %ge3A_345, %select_n3A_262, %select_n3A_278 : vector<16xi1>, vector<16xf32>
      %select_n3A_347 = arith.select %ge3A_345, %add3A_257, %add3A_273 : vector<16xi1>, vector<16xi32>
      %ge3A_348 = arith.cmpf oge, %select_n3A_294, %select_n3A_310 : vector<16xf32>
      %select_n3A_349 = arith.select %ge3A_348, %select_n3A_294, %select_n3A_310 : vector<16xi1>, vector<16xf32>
      %select_n3A_350 = arith.select %ge3A_348, %add3A_289, %add3A_305 : vector<16xi1>, vector<16xi32>
      %ge3A_351 = arith.cmpf oge, %select_n3A_326, %select_n3A_342 : vector<16xf32>
      %select_n3A_352 = arith.select %ge3A_351, %select_n3A_326, %select_n3A_342 : vector<16xi1>, vector<16xf32>
      %select_n3A_353 = arith.select %ge3A_351, %add3A_321, %add3A_337 : vector<16xi1>, vector<16xi32>
      %ge3A_354 = arith.cmpf oge, %select_n3A_343, %select_n3A_346 : vector<16xf32>
      %select_n3A_355 = arith.select %ge3A_354, %select_n3A_343, %select_n3A_346 : vector<16xi1>, vector<16xf32>
      %select_n3A_356 = arith.select %ge3A_354, %select_n3A_344, %select_n3A_347 : vector<16xi1>, vector<16xi32>
      %ge3A_357 = arith.cmpf oge, %select_n3A_349, %select_n3A_352 : vector<16xf32>
      %select_n3A_358 = arith.select %ge3A_357, %select_n3A_349, %select_n3A_352 : vector<16xi1>, vector<16xf32>
      %select_n3A_359 = arith.select %ge3A_357, %select_n3A_350, %select_n3A_353 : vector<16xi1>, vector<16xi32>
      %ge3A_360 = arith.cmpf oge, %select_n3A_355, %select_n3A_358 : vector<16xf32>
      %select_n3A_361 = arith.select %ge3A_360, %select_n3A_355, %select_n3A_358 : vector<16xi1>, vector<16xf32>
      %select_n3A_362 = arith.select %ge3A_360, %select_n3A_356, %select_n3A_359 : vector<16xi1>, vector<16xi32>
      %gt3A_363 = arith.cmpf ogt, %select_n3A_361, %scan3A_215 : vector<16xf32>
      %select_n3A_364 = arith.select %gt3A_363, %select_n3A_361, %scan3A_215 : vector<16xi1>, vector<16xf32>
      %select_n3A_365 = arith.select %gt3A_363, %select_n3A_362, %scan3A_216 : vector<16xi1>, vector<16xi32>
      scf.yield %select_n3A_364, %select_n3A_365 : vector<16xf32>, vector<16xi32>
    }
    %scan3A_63 = arith.constant 16 : i32
    %reduce_max3A_64 = arith.constant true
    %reduce_max3A_65 = vector.broadcast %reduce_max3A_64 : i1 to vector<16xi1>
    %reduce_max3A_66 = tpu.scan <max>, %scan3A_62#0 masked %reduce_max3A_65 : vector<16xf32>, vector<16xi1> -> vector<16xf32>
    %reduce_max3A_67 = vector.extract %reduce_max3A_66[15] : f32 from vector<16xf32>
    %eq3A_68 = vector.broadcast %reduce_max3A_67 : f32 to vector<16xf32>
    %eq3A_69 = arith.cmpf oeq, %scan3A_62#0, %eq3A_68 : vector<16xf32>
    %jit3A_70 = arith.constant 1073741824 : i32
    %broadcast_in_dim3A_71 = vector.broadcast %jit3A_70 : i32 to vector<16xi32>
    %select_n3A_72 = arith.select %eq3A_69, %scan3A_62#1, %broadcast_in_dim3A_71 : vector<16xi1>, vector<16xi32>
    %reduce_min3A_73 = arith.constant true
    %reduce_min3A_74 = vector.broadcast %reduce_min3A_73 : i1 to vector<16xi1>
    %reduce_min3A_75 = arith.constant -2147483648 : i32
    %reduce_min3A_76 = vector.broadcast %reduce_min3A_75 : i32 to vector<16xi32>
    %reduce_min3A_77 = arith.xori %select_n3A_72, %reduce_min3A_76 : vector<16xi32>
    %reduce_min3A_78 = tpu.scan <min>, %reduce_min3A_77 masked %reduce_min3A_74 : vector<16xi32>, vector<16xi1> -> vector<16xi32>
    %reduce_min3A_79 = arith.xori %reduce_min3A_78, %reduce_min3A_76 : vector<16xi32>
    %reduce_min3A_80 = vector.extract %reduce_min3A_79[15] : i32 from vector<16xi32>
    %broadcast_in_dim3A_81 = arith.constant -3.000000e+38 : f32
    %broadcast_in_dim3A_82 = vector.broadcast %broadcast_in_dim3A_81 : f32 to vector<16xf32>
    %broadcast_in_dim3A_83 = arith.constant 0 : i32
    %broadcast_in_dim3A_84 = vector.broadcast %broadcast_in_dim3A_83 : i32 to vector<16xi32>
    %scan3A_85 = arith.constant 0 : i32
    %scan3A_86 = arith.constant 16 : i32
    %scan3A_87 = arith.addi %scan3A_85, %scan3A_86 : i32
    %scan3A_88 = arith.constant 1 : i32
    %scan3A_89:2 = scf.for %scan3A_214 = %scan3A_85 to %scan3A_87 step %scan3A_88 iter_args(%scan3A_215 = %broadcast_in_dim3A_82, %scan3A_216 = %broadcast_in_dim3A_84) -> (vector<16xf32>, vector<16xi32>)  : i32 {
      %mul3A_217 = arith.constant 8 : i32
      %mul3A_218 = arith.muli %scan3A_214, %mul3A_217 : i32
      %add3A_219 = arith.constant 0 : i32
      %add3A_220 = arith.addi %mul3A_218, %add3A_219 : i32
      %mul3A_221 = arith.constant 16 : i32
      %mul3A_222 = arith.muli %add3A_220, %mul3A_221 : i32
      %multiple_of3A = tpu.assume_multiple %mul3A_222, 16 : i32
      %get3A = arith.index_cast %multiple_of3A : i32 to index
      %get3A_223 = tpu.vector_load %arg7[%get3A] {strides = array<i32>} : memref<2048xf32, #tpu.memory_space<vmem>>, vector<16xf32>,
      %add3A_224 = vector.broadcast %multiple_of3A : i32 to vector<16xi32>
      %add3A_225 = arith.addi %add3A_224, %iota3A : vector<16xi32>
      %eq3A_226 = vector.broadcast %reduce_min3A_53 : i32 to vector<16xi32>
      %eq3A_227 = arith.cmpi eq, %add3A_225, %eq3A_226 : vector<16xi32>
      %jit3A_228 = arith.constant -3.000000e+38 : f32
      %broadcast_in_dim3A_229 = vector.broadcast %jit3A_228 : f32 to vector<16xf32>
      %select_n3A_230 = arith.select %eq3A_227, %broadcast_in_dim3A_229, %get3A_223 : vector<16xi1>, vector<16xf32>
      %eq3A_231 = vector.broadcast %reduce_min3A_80 : i32 to vector<16xi32>
      %eq3A_232 = arith.cmpi eq, %add3A_225, %eq3A_231 : vector<16xi32>
      %jit3A_233 = arith.constant -3.000000e+38 : f32
      %broadcast_in_dim3A_234 = vector.broadcast %jit3A_233 : f32 to vector<16xf32>
      %select_n3A_235 = arith.select %eq3A_232, %broadcast_in_dim3A_234, %select_n3A_230 : vector<16xi1>, vector<16xf32>
      %mul3A_236 = arith.constant 8 : i32
      %mul3A_237 = arith.muli %scan3A_214, %mul3A_236 : i32
      %add3A_238 = arith.constant 1 : i32
      %add3A_239 = arith.addi %mul3A_237, %add3A_238 : i32
      %mul3A_240 = arith.constant 16 : i32
      %mul3A_241 = arith.muli %add3A_239, %mul3A_240 : i32
      %multiple_of3A_242 = tpu.assume_multiple %mul3A_241, 16 : i32
      %get3A_243 = arith.index_cast %multiple_of3A_242 : i32 to index
      %get3A_244 = tpu.vector_load %arg7[%get3A_243] {strides = array<i32>} : memref<2048xf32, #tpu.memory_space<vmem>>, vector<16xf32>,
      %add3A_245 = vector.broadcast %multiple_of3A_242 : i32 to vector<16xi32>
      %add3A_246 = arith.addi %add3A_245, %iota3A : vector<16xi32>
      %eq3A_247 = vector.broadcast %reduce_min3A_53 : i32 to vector<16xi32>
      %eq3A_248 = arith.cmpi eq, %add3A_246, %eq3A_247 : vector<16xi32>
      %jit3A_249 = arith.constant -3.000000e+38 : f32
      %broadcast_in_dim3A_250 = vector.broadcast %jit3A_249 : f32 to vector<16xf32>
      %select_n3A_251 = arith.select %eq3A_248, %broadcast_in_dim3A_250, %get3A_244 : vector<16xi1>, vector<16xf32>
      %eq3A_252 = vector.broadcast %reduce_min3A_80 : i32 to vector<16xi32>
      %eq3A_253 = arith.cmpi eq, %add3A_246, %eq3A_252 : vector<16xi32>
      %jit3A_254 = arith.constant -3.000000e+38 : f32
      %broadcast_in_dim3A_255 = vector.broadcast %jit3A_254 : f32 to vector<16xf32>
      %select_n3A_256 = arith.select %eq3A_253, %broadcast_in_dim3A_255, %select_n3A_251 : vector<16xi1>, vector<16xf32>
      %mul3A_257 = arith.constant 8 : i32
      %mul3A_258 = arith.muli %scan3A_214, %mul3A_257 : i32
      %add3A_259 = arith.constant 2 : i32
      %add3A_260 = arith.addi %mul3A_258, %add3A_259 : i32
      %mul3A_261 = arith.constant 16 : i32
      %mul3A_262 = arith.muli %add3A_260, %mul3A_261 : i32
      %multiple_of3A_263 = tpu.assume_multiple %mul3A_262, 16 : i32
      %get3A_264 = arith.index_cast %multiple_of3A_263 : i32 to index
      %get3A_265 = tpu.vector_load %arg7[%get3A_264] {strides = array<i32>} : memref<2048xf32, #tpu.memory_space<vmem>>, vector<16xf32>,
      %add3A_266 = vector.broadcast %multiple_of3A_263 : i32 to vector<16xi32>
      %add3A_267 = arith.addi %add3A_266, %iota3A : vector<16xi32>
      %eq3A_268 = vector.broadcast %reduce_min3A_53 : i32 to vector<16xi32>
      %eq3A_269 = arith.cmpi eq, %add3A_267, %eq3A_268 : vector<16xi32>
      %jit3A_270 = arith.constant -3.000000e+38 : f32
      %broadcast_in_dim3A_271 = vector.broadcast %jit3A_270 : f32 to vector<16xf32>
      %select_n3A_272 = arith.select %eq3A_269, %broadcast_in_dim3A_271, %get3A_265 : vector<16xi1>, vector<16xf32>
      %eq3A_273 = vector.broadcast %reduce_min3A_80 : i32 to vector<16xi32>
      %eq3A_274 = arith.cmpi eq, %add3A_267, %eq3A_273 : vector<16xi32>
      %jit3A_275 = arith.constant -3.000000e+38 : f32
      %broadcast_in_dim3A_276 = vector.broadcast %jit3A_275 : f32 to vector<16xf32>
      %select_n3A_277 = arith.select %eq3A_274, %broadcast_in_dim3A_276, %select_n3A_272 : vector<16xi1>, vector<16xf32>
      %mul3A_278 = arith.constant 8 : i32
      %mul3A_279 = arith.muli %scan3A_214, %mul3A_278 : i32
      %add3A_280 = arith.constant 3 : i32
      %add3A_281 = arith.addi %mul3A_279, %add3A_280 : i32
      %mul3A_282 = arith.constant 16 : i32
      %mul3A_283 = arith.muli %add3A_281, %mul3A_282 : i32
      %multiple_of3A_284 = tpu.assume_multiple %mul3A_283, 16 : i32
      %get3A_285 = arith.index_cast %multiple_of3A_284 : i32 to index
      %get3A_286 = tpu.vector_load %arg7[%get3A_285] {strides = array<i32>} : memref<2048xf32, #tpu.memory_space<vmem>>, vector<16xf32>,
      %add3A_287 = vector.broadcast %multiple_of3A_284 : i32 to vector<16xi32>
      %add3A_288 = arith.addi %add3A_287, %iota3A : vector<16xi32>
      %eq3A_289 = vector.broadcast %reduce_min3A_53 : i32 to vector<16xi32>
      %eq3A_290 = arith.cmpi eq, %add3A_288, %eq3A_289 : vector<16xi32>
      %jit3A_291 = arith.constant -3.000000e+38 : f32
      %broadcast_in_dim3A_292 = vector.broadcast %jit3A_291 : f32 to vector<16xf32>
      %select_n3A_293 = arith.select %eq3A_290, %broadcast_in_dim3A_292, %get3A_286 : vector<16xi1>, vector<16xf32>
      %eq3A_294 = vector.broadcast %reduce_min3A_80 : i32 to vector<16xi32>
      %eq3A_295 = arith.cmpi eq, %add3A_288, %eq3A_294 : vector<16xi32>
      %jit3A_296 = arith.constant -3.000000e+38 : f32
      %broadcast_in_dim3A_297 = vector.broadcast %jit3A_296 : f32 to vector<16xf32>
      %select_n3A_298 = arith.select %eq3A_295, %broadcast_in_dim3A_297, %select_n3A_293 : vector<16xi1>, vector<16xf32>
      %mul3A_299 = arith.constant 8 : i32
      %mul3A_300 = arith.muli %scan3A_214, %mul3A_299 : i32
      %add3A_301 = arith.constant 4 : i32
      %add3A_302 = arith.addi %mul3A_300, %add3A_301 : i32
      %mul3A_303 = arith.constant 16 : i32
      %mul3A_304 = arith.muli %add3A_302, %mul3A_303 : i32
      %multiple_of3A_305 = tpu.assume_multiple %mul3A_304, 16 : i32
      %get3A_306 = arith.index_cast %multiple_of3A_305 : i32 to index
      %get3A_307 = tpu.vector_load %arg7[%get3A_306] {strides = array<i32>} : memref<2048xf32, #tpu.memory_space<vmem>>, vector<16xf32>,
      %add3A_308 = vector.broadcast %multiple_of3A_305 : i32 to vector<16xi32>
      %add3A_309 = arith.addi %add3A_308, %iota3A : vector<16xi32>
      %eq3A_310 = vector.broadcast %reduce_min3A_53 : i32 to vector<16xi32>
      %eq3A_311 = arith.cmpi eq, %add3A_309, %eq3A_310 : vector<16xi32>
      %jit3A_312 = arith.constant -3.000000e+38 : f32
      %broadcast_in_dim3A_313 = vector.broadcast %jit3A_312 : f32 to vector<16xf32>
      %select_n3A_314 = arith.select %eq3A_311, %broadcast_in_dim3A_313, %get3A_307 : vector<16xi1>, vector<16xf32>
      %eq3A_315 = vector.broadcast %reduce_min3A_80 : i32 to vector<16xi32>
      %eq3A_316 = arith.cmpi eq, %add3A_309, %eq3A_315 : vector<16xi32>
      %jit3A_317 = arith.constant -3.000000e+38 : f32
      %broadcast_in_dim3A_318 = vector.broadcast %jit3A_317 : f32 to vector<16xf32>
      %select_n3A_319 = arith.select %eq3A_316, %broadcast_in_dim3A_318, %select_n3A_314 : vector<16xi1>, vector<16xf32>
      %mul3A_320 = arith.constant 8 : i32
      %mul3A_321 = arith.muli %scan3A_214, %mul3A_320 : i32
      %add3A_322 = arith.constant 5 : i32
      %add3A_323 = arith.addi %mul3A_321, %add3A_322 : i32
      %mul3A_324 = arith.constant 16 : i32
      %mul3A_325 = arith.muli %add3A_323, %mul3A_324 : i32
      %multiple_of3A_326 = tpu.assume_multiple %mul3A_325, 16 : i32
      %get3A_327 = arith.index_cast %multiple_of3A_326 : i32 to index
      %get3A_328 = tpu.vector_load %arg7[%get3A_327] {strides = array<i32>} : memref<2048xf32, #tpu.memory_space<vmem>>, vector<16xf32>,
      %add3A_329 = vector.broadcast %multiple_of3A_326 : i32 to vector<16xi32>
      %add3A_330 = arith.addi %add3A_329, %iota3A : vector<16xi32>
      %eq3A_331 = vector.broadcast %reduce_min3A_53 : i32 to vector<16xi32>
      %eq3A_332 = arith.cmpi eq, %add3A_330, %eq3A_331 : vector<16xi32>
      %jit3A_333 = arith.constant -3.000000e+38 : f32
      %broadcast_in_dim3A_334 = vector.broadcast %jit3A_333 : f32 to vector<16xf32>
      %select_n3A_335 = arith.select %eq3A_332, %broadcast_in_dim3A_334, %get3A_328 : vector<16xi1>, vector<16xf32>
      %eq3A_336 = vector.broadcast %reduce_min3A_80 : i32 to vector<16xi32>
      %eq3A_337 = arith.cmpi eq, %add3A_330, %eq3A_336 : vector<16xi32>
      %jit3A_338 = arith.constant -3.000000e+38 : f32
      %broadcast_in_dim3A_339 = vector.broadcast %jit3A_338 : f32 to vector<16xf32>
      %select_n3A_340 = arith.select %eq3A_337, %broadcast_in_dim3A_339, %select_n3A_335 : vector<16xi1>, vector<16xf32>
      %mul3A_341 = arith.constant 8 : i32
      %mul3A_342 = arith.muli %scan3A_214, %mul3A_341 : i32
      %add3A_343 = arith.constant 6 : i32
      %add3A_344 = arith.addi %mul3A_342, %add3A_343 : i32
      %mul3A_345 = arith.constant 16 : i32
      %mul3A_346 = arith.muli %add3A_344, %mul3A_345 : i32
      %multiple_of3A_347 = tpu.assume_multiple %mul3A_346, 16 : i32
      %get3A_348 = arith.index_cast %multiple_of3A_347 : i32 to index
      %get3A_349 = tpu.vector_load %arg7[%get3A_348] {strides = array<i32>} : memref<2048xf32, #tpu.memory_space<vmem>>, vector<16xf32>,
      %add3A_350 = vector.broadcast %multiple_of3A_347 : i32 to vector<16xi32>
      %add3A_351 = arith.addi %add3A_350, %iota3A : vector<16xi32>
      %eq3A_352 = vector.broadcast %reduce_min3A_53 : i32 to vector<16xi32>
      %eq3A_353 = arith.cmpi eq, %add3A_351, %eq3A_352 : vector<16xi32>
      %jit3A_354 = arith.constant -3.000000e+38 : f32
      %broadcast_in_dim3A_355 = vector.broadcast %jit3A_354 : f32 to vector<16xf32>
      %select_n3A_356 = arith.select %eq3A_353, %broadcast_in_dim3A_355, %get3A_349 : vector<16xi1>, vector<16xf32>
      %eq3A_357 = vector.broadcast %reduce_min3A_80 : i32 to vector<16xi32>
      %eq3A_358 = arith.cmpi eq, %add3A_351, %eq3A_357 : vector<16xi32>
      %jit3A_359 = arith.constant -3.000000e+38 : f32
      %broadcast_in_dim3A_360 = vector.broadcast %jit3A_359 : f32 to vector<16xf32>
      %select_n3A_361 = arith.select %eq3A_358, %broadcast_in_dim3A_360, %select_n3A_356 : vector<16xi1>, vector<16xf32>
      %mul3A_362 = arith.constant 8 : i32
      %mul3A_363 = arith.muli %scan3A_214, %mul3A_362 : i32
      %add3A_364 = arith.constant 7 : i32
      %add3A_365 = arith.addi %mul3A_363, %add3A_364 : i32
      %mul3A_366 = arith.constant 16 : i32
      %mul3A_367 = arith.muli %add3A_365, %mul3A_366 : i32
      %multiple_of3A_368 = tpu.assume_multiple %mul3A_367, 16 : i32
      %get3A_369 = arith.index_cast %multiple_of3A_368 : i32 to index
      %get3A_370 = tpu.vector_load %arg7[%get3A_369] {strides = array<i32>} : memref<2048xf32, #tpu.memory_space<vmem>>, vector<16xf32>,
      %add3A_371 = vector.broadcast %multiple_of3A_368 : i32 to vector<16xi32>
      %add3A_372 = arith.addi %add3A_371, %iota3A : vector<16xi32>
      %eq3A_373 = vector.broadcast %reduce_min3A_53 : i32 to vector<16xi32>
      %eq3A_374 = arith.cmpi eq, %add3A_372, %eq3A_373 : vector<16xi32>
      %jit3A_375 = arith.constant -3.000000e+38 : f32
      %broadcast_in_dim3A_376 = vector.broadcast %jit3A_375 : f32 to vector<16xf32>
      %select_n3A_377 = arith.select %eq3A_374, %broadcast_in_dim3A_376, %get3A_370 : vector<16xi1>, vector<16xf32>
      %eq3A_378 = vector.broadcast %reduce_min3A_80 : i32 to vector<16xi32>
      %eq3A_379 = arith.cmpi eq, %add3A_372, %eq3A_378 : vector<16xi32>
      %jit3A_380 = arith.constant -3.000000e+38 : f32
      %broadcast_in_dim3A_381 = vector.broadcast %jit3A_380 : f32 to vector<16xf32>
      %select_n3A_382 = arith.select %eq3A_379, %broadcast_in_dim3A_381, %select_n3A_377 : vector<16xi1>, vector<16xf32>
      %ge3A = arith.cmpf oge, %select_n3A_235, %select_n3A_256 : vector<16xf32>
      %select_n3A_383 = arith.select %ge3A, %select_n3A_235, %select_n3A_256 : vector<16xi1>, vector<16xf32>
      %select_n3A_384 = arith.select %ge3A, %add3A_225, %add3A_246 : vector<16xi1>, vector<16xi32>
      %ge3A_385 = arith.cmpf oge, %select_n3A_277, %select_n3A_298 : vector<16xf32>
      %select_n3A_386 = arith.select %ge3A_385, %select_n3A_277, %select_n3A_298 : vector<16xi1>, vector<16xf32>
      %select_n3A_387 = arith.select %ge3A_385, %add3A_267, %add3A_288 : vector<16xi1>, vector<16xi32>
      %ge3A_388 = arith.cmpf oge, %select_n3A_319, %select_n3A_340 : vector<16xf32>
      %select_n3A_389 = arith.select %ge3A_388, %select_n3A_319, %select_n3A_340 : vector<16xi1>, vector<16xf32>
      %select_n3A_390 = arith.select %ge3A_388, %add3A_309, %add3A_330 : vector<16xi1>, vector<16xi32>
      %ge3A_391 = arith.cmpf oge, %select_n3A_361, %select_n3A_382 : vector<16xf32>
      %select_n3A_392 = arith.select %ge3A_391, %select_n3A_361, %select_n3A_382 : vector<16xi1>, vector<16xf32>
      %select_n3A_393 = arith.select %ge3A_391, %add3A_351, %add3A_372 : vector<16xi1>, vector<16xi32>
      %ge3A_394 = arith.cmpf oge, %select_n3A_383, %select_n3A_386 : vector<16xf32>
      %select_n3A_395 = arith.select %ge3A_394, %select_n3A_383, %select_n3A_386 : vector<16xi1>, vector<16xf32>
      %select_n3A_396 = arith.select %ge3A_394, %select_n3A_384, %select_n3A_387 : vector<16xi1>, vector<16xi32>
      %ge3A_397 = arith.cmpf oge, %select_n3A_389, %select_n3A_392 : vector<16xf32>
      %select_n3A_398 = arith.select %ge3A_397, %select_n3A_389, %select_n3A_392 : vector<16xi1>, vector<16xf32>
      %select_n3A_399 = arith.select %ge3A_397, %select_n3A_390, %select_n3A_393 : vector<16xi1>, vector<16xi32>
      %ge3A_400 = arith.cmpf oge, %select_n3A_395, %select_n3A_398 : vector<16xf32>
      %select_n3A_401 = arith.select %ge3A_400, %select_n3A_395, %select_n3A_398 : vector<16xi1>, vector<16xf32>
      %select_n3A_402 = arith.select %ge3A_400, %select_n3A_396, %select_n3A_399 : vector<16xi1>, vector<16xi32>
      %gt3A_403 = arith.cmpf ogt, %select_n3A_401, %scan3A_215 : vector<16xf32>
      %select_n3A_404 = arith.select %gt3A_403, %select_n3A_401, %scan3A_215 : vector<16xi1>, vector<16xf32>
      %select_n3A_405 = arith.select %gt3A_403, %select_n3A_402, %scan3A_216 : vector<16xi1>, vector<16xi32>
      scf.yield %select_n3A_404, %select_n3A_405 : vector<16xf32>, vector<16xi32>
    }
    %scan3A_90 = arith.constant 16 : i32
    %reduce_max3A_91 = arith.constant true
    %reduce_max3A_92 = vector.broadcast %reduce_max3A_91 : i1 to vector<16xi1>
    %reduce_max3A_93 = tpu.scan <max>, %scan3A_89#0 masked %reduce_max3A_92 : vector<16xf32>, vector<16xi1> -> vector<16xf32>
    %reduce_max3A_94 = vector.extract %reduce_max3A_93[15] : f32 from vector<16xf32>
    %eq3A_95 = vector.broadcast %reduce_max3A_94 : f32 to vector<16xf32>
    %eq3A_96 = arith.cmpf oeq, %scan3A_89#0, %eq3A_95 : vector<16xf32>
    %jit3A_97 = arith.constant 1073741824 : i32
    %broadcast_in_dim3A_98 = vector.broadcast %jit3A_97 : i32 to vector<16xi32>
    %select_n3A_99 = arith.select %eq3A_96, %scan3A_89#1, %broadcast_in_dim3A_98 : vector<16xi1>, vector<16xi32>
    %reduce_min3A_100 = arith.constant true
    %reduce_min3A_101 = vector.broadcast %reduce_min3A_100 : i1 to vector<16xi1>
    %reduce_min3A_102 = arith.constant -2147483648 : i32
    %reduce_min3A_103 = vector.broadcast %reduce_min3A_102 : i32 to vector<16xi32>
    %reduce_min3A_104 = arith.xori %select_n3A_99, %reduce_min3A_103 : vector<16xi32>
    %reduce_min3A_105 = tpu.scan <min>, %reduce_min3A_104 masked %reduce_min3A_101 : vector<16xi32>, vector<16xi1> -> vector<16xi32>
    %reduce_min3A_106 = arith.xori %reduce_min3A_105, %reduce_min3A_103 : vector<16xi32>
    %reduce_min3A_107 = vector.extract %reduce_min3A_106[15] : i32 from vector<16xi32>
    %broadcast_in_dim3A_108 = arith.constant -3.000000e+38 : f32
    %broadcast_in_dim3A_109 = vector.broadcast %broadcast_in_dim3A_108 : f32 to vector<16xf32>
    %broadcast_in_dim3A_110 = arith.constant 0 : i32
    %broadcast_in_dim3A_111 = vector.broadcast %broadcast_in_dim3A_110 : i32 to vector<16xi32>
    %scan3A_112 = arith.constant 0 : i32
    %scan3A_113 = arith.constant 16 : i32
    %scan3A_114 = arith.addi %scan3A_112, %scan3A_113 : i32
    %scan3A_115 = arith.constant 1 : i32
    %scan3A_116:2 = scf.for %scan3A_214 = %scan3A_112 to %scan3A_114 step %scan3A_115 iter_args(%scan3A_215 = %broadcast_in_dim3A_109, %scan3A_216 = %broadcast_in_dim3A_111) -> (vector<16xf32>, vector<16xi32>)  : i32 {
      %mul3A_217 = arith.constant 8 : i32
      %mul3A_218 = arith.muli %scan3A_214, %mul3A_217 : i32
      %add3A_219 = arith.constant 0 : i32
      %add3A_220 = arith.addi %mul3A_218, %add3A_219 : i32
      %mul3A_221 = arith.constant 16 : i32
      %mul3A_222 = arith.muli %add3A_220, %mul3A_221 : i32
      %multiple_of3A = tpu.assume_multiple %mul3A_222, 16 : i32
      %get3A = arith.index_cast %multiple_of3A : i32 to index
      %get3A_223 = tpu.vector_load %arg7[%get3A] {strides = array<i32>} : memref<2048xf32, #tpu.memory_space<vmem>>, vector<16xf32>,
      %add3A_224 = vector.broadcast %multiple_of3A : i32 to vector<16xi32>
      %add3A_225 = arith.addi %add3A_224, %iota3A : vector<16xi32>
      %eq3A_226 = vector.broadcast %reduce_min3A_53 : i32 to vector<16xi32>
      %eq3A_227 = arith.cmpi eq, %add3A_225, %eq3A_226 : vector<16xi32>
      %jit3A_228 = arith.constant -3.000000e+38 : f32
      %broadcast_in_dim3A_229 = vector.broadcast %jit3A_228 : f32 to vector<16xf32>
      %select_n3A_230 = arith.select %eq3A_227, %broadcast_in_dim3A_229, %get3A_223 : vector<16xi1>, vector<16xf32>
      %eq3A_231 = vector.broadcast %reduce_min3A_80 : i32 to vector<16xi32>
      %eq3A_232 = arith.cmpi eq, %add3A_225, %eq3A_231 : vector<16xi32>
      %jit3A_233 = arith.constant -3.000000e+38 : f32
      %broadcast_in_dim3A_234 = vector.broadcast %jit3A_233 : f32 to vector<16xf32>
      %select_n3A_235 = arith.select %eq3A_232, %broadcast_in_dim3A_234, %select_n3A_230 : vector<16xi1>, vector<16xf32>
      %eq3A_236 = vector.broadcast %reduce_min3A_107 : i32 to vector<16xi32>
      %eq3A_237 = arith.cmpi eq, %add3A_225, %eq3A_236 : vector<16xi32>
      %jit3A_238 = arith.constant -3.000000e+38 : f32
      %broadcast_in_dim3A_239 = vector.broadcast %jit3A_238 : f32 to vector<16xf32>
      %select_n3A_240 = arith.select %eq3A_237, %broadcast_in_dim3A_239, %select_n3A_235 : vector<16xi1>, vector<16xf32>
      %mul3A_241 = arith.constant 8 : i32
      %mul3A_242 = arith.muli %scan3A_214, %mul3A_241 : i32
      %add3A_243 = arith.constant 1 : i32
      %add3A_244 = arith.addi %mul3A_242, %add3A_243 : i32
      %mul3A_245 = arith.constant 16 : i32
      %mul3A_246 = arith.muli %add3A_244, %mul3A_245 : i32
      %multiple_of3A_247 = tpu.assume_multiple %mul3A_246, 16 : i32
      %get3A_248 = arith.index_cast %multiple_of3A_247 : i32 to index
      %get3A_249 = tpu.vector_load %arg7[%get3A_248] {strides = array<i32>} : memref<2048xf32, #tpu.memory_space<vmem>>, vector<16xf32>,
      %add3A_250 = vector.broadcast %multiple_of3A_247 : i32 to vector<16xi32>
      %add3A_251 = arith.addi %add3A_250, %iota3A : vector<16xi32>
      %eq3A_252 = vector.broadcast %reduce_min3A_53 : i32 to vector<16xi32>
      %eq3A_253 = arith.cmpi eq, %add3A_251, %eq3A_252 : vector<16xi32>
      %jit3A_254 = arith.constant -3.000000e+38 : f32
      %broadcast_in_dim3A_255 = vector.broadcast %jit3A_254 : f32 to vector<16xf32>
      %select_n3A_256 = arith.select %eq3A_253, %broadcast_in_dim3A_255, %get3A_249 : vector<16xi1>, vector<16xf32>
      %eq3A_257 = vector.broadcast %reduce_min3A_80 : i32 to vector<16xi32>
      %eq3A_258 = arith.cmpi eq, %add3A_251, %eq3A_257 : vector<16xi32>
      %jit3A_259 = arith.constant -3.000000e+38 : f32
      %broadcast_in_dim3A_260 = vector.broadcast %jit3A_259 : f32 to vector<16xf32>
      %select_n3A_261 = arith.select %eq3A_258, %broadcast_in_dim3A_260, %select_n3A_256 : vector<16xi1>, vector<16xf32>
      %eq3A_262 = vector.broadcast %reduce_min3A_107 : i32 to vector<16xi32>
      %eq3A_263 = arith.cmpi eq, %add3A_251, %eq3A_262 : vector<16xi32>
      %jit3A_264 = arith.constant -3.000000e+38 : f32
      %broadcast_in_dim3A_265 = vector.broadcast %jit3A_264 : f32 to vector<16xf32>
      %select_n3A_266 = arith.select %eq3A_263, %broadcast_in_dim3A_265, %select_n3A_261 : vector<16xi1>, vector<16xf32>
      %mul3A_267 = arith.constant 8 : i32
      %mul3A_268 = arith.muli %scan3A_214, %mul3A_267 : i32
      %add3A_269 = arith.constant 2 : i32
      %add3A_270 = arith.addi %mul3A_268, %add3A_269 : i32
      %mul3A_271 = arith.constant 16 : i32
      %mul3A_272 = arith.muli %add3A_270, %mul3A_271 : i32
      %multiple_of3A_273 = tpu.assume_multiple %mul3A_272, 16 : i32
      %get3A_274 = arith.index_cast %multiple_of3A_273 : i32 to index
      %get3A_275 = tpu.vector_load %arg7[%get3A_274] {strides = array<i32>} : memref<2048xf32, #tpu.memory_space<vmem>>, vector<16xf32>,
      %add3A_276 = vector.broadcast %multiple_of3A_273 : i32 to vector<16xi32>
      %add3A_277 = arith.addi %add3A_276, %iota3A : vector<16xi32>
      %eq3A_278 = vector.broadcast %reduce_min3A_53 : i32 to vector<16xi32>
      %eq3A_279 = arith.cmpi eq, %add3A_277, %eq3A_278 : vector<16xi32>
      %jit3A_280 = arith.constant -3.000000e+38 : f32
      %broadcast_in_dim3A_281 = vector.broadcast %jit3A_280 : f32 to vector<16xf32>
      %select_n3A_282 = arith.select %eq3A_279, %broadcast_in_dim3A_281, %get3A_275 : vector<16xi1>, vector<16xf32>
      %eq3A_283 = vector.broadcast %reduce_min3A_80 : i32 to vector<16xi32>
      %eq3A_284 = arith.cmpi eq, %add3A_277, %eq3A_283 : vector<16xi32>
      %jit3A_285 = arith.constant -3.000000e+38 : f32
      %broadcast_in_dim3A_286 = vector.broadcast %jit3A_285 : f32 to vector<16xf32>
      %select_n3A_287 = arith.select %eq3A_284, %broadcast_in_dim3A_286, %select_n3A_282 : vector<16xi1>, vector<16xf32>
      %eq3A_288 = vector.broadcast %reduce_min3A_107 : i32 to vector<16xi32>
      %eq3A_289 = arith.cmpi eq, %add3A_277, %eq3A_288 : vector<16xi32>
      %jit3A_290 = arith.constant -3.000000e+38 : f32
      %broadcast_in_dim3A_291 = vector.broadcast %jit3A_290 : f32 to vector<16xf32>
      %select_n3A_292 = arith.select %eq3A_289, %broadcast_in_dim3A_291, %select_n3A_287 : vector<16xi1>, vector<16xf32>
      %mul3A_293 = arith.constant 8 : i32
      %mul3A_294 = arith.muli %scan3A_214, %mul3A_293 : i32
      %add3A_295 = arith.constant 3 : i32
      %add3A_296 = arith.addi %mul3A_294, %add3A_295 : i32
      %mul3A_297 = arith.constant 16 : i32
      %mul3A_298 = arith.muli %add3A_296, %mul3A_297 : i32
      %multiple_of3A_299 = tpu.assume_multiple %mul3A_298, 16 : i32
      %get3A_300 = arith.index_cast %multiple_of3A_299 : i32 to index
      %get3A_301 = tpu.vector_load %arg7[%get3A_300] {strides = array<i32>} : memref<2048xf32, #tpu.memory_space<vmem>>, vector<16xf32>,
      %add3A_302 = vector.broadcast %multiple_of3A_299 : i32 to vector<16xi32>
      %add3A_303 = arith.addi %add3A_302, %iota3A : vector<16xi32>
      %eq3A_304 = vector.broadcast %reduce_min3A_53 : i32 to vector<16xi32>
      %eq3A_305 = arith.cmpi eq, %add3A_303, %eq3A_304 : vector<16xi32>
      %jit3A_306 = arith.constant -3.000000e+38 : f32
      %broadcast_in_dim3A_307 = vector.broadcast %jit3A_306 : f32 to vector<16xf32>
      %select_n3A_308 = arith.select %eq3A_305, %broadcast_in_dim3A_307, %get3A_301 : vector<16xi1>, vector<16xf32>
      %eq3A_309 = vector.broadcast %reduce_min3A_80 : i32 to vector<16xi32>
      %eq3A_310 = arith.cmpi eq, %add3A_303, %eq3A_309 : vector<16xi32>
      %jit3A_311 = arith.constant -3.000000e+38 : f32
      %broadcast_in_dim3A_312 = vector.broadcast %jit3A_311 : f32 to vector<16xf32>
      %select_n3A_313 = arith.select %eq3A_310, %broadcast_in_dim3A_312, %select_n3A_308 : vector<16xi1>, vector<16xf32>
      %eq3A_314 = vector.broadcast %reduce_min3A_107 : i32 to vector<16xi32>
      %eq3A_315 = arith.cmpi eq, %add3A_303, %eq3A_314 : vector<16xi32>
      %jit3A_316 = arith.constant -3.000000e+38 : f32
      %broadcast_in_dim3A_317 = vector.broadcast %jit3A_316 : f32 to vector<16xf32>
      %select_n3A_318 = arith.select %eq3A_315, %broadcast_in_dim3A_317, %select_n3A_313 : vector<16xi1>, vector<16xf32>
      %mul3A_319 = arith.constant 8 : i32
      %mul3A_320 = arith.muli %scan3A_214, %mul3A_319 : i32
      %add3A_321 = arith.constant 4 : i32
      %add3A_322 = arith.addi %mul3A_320, %add3A_321 : i32
      %mul3A_323 = arith.constant 16 : i32
      %mul3A_324 = arith.muli %add3A_322, %mul3A_323 : i32
      %multiple_of3A_325 = tpu.assume_multiple %mul3A_324, 16 : i32
      %get3A_326 = arith.index_cast %multiple_of3A_325 : i32 to index
      %get3A_327 = tpu.vector_load %arg7[%get3A_326] {strides = array<i32>} : memref<2048xf32, #tpu.memory_space<vmem>>, vector<16xf32>,
      %add3A_328 = vector.broadcast %multiple_of3A_325 : i32 to vector<16xi32>
      %add3A_329 = arith.addi %add3A_328, %iota3A : vector<16xi32>
      %eq3A_330 = vector.broadcast %reduce_min3A_53 : i32 to vector<16xi32>
      %eq3A_331 = arith.cmpi eq, %add3A_329, %eq3A_330 : vector<16xi32>
      %jit3A_332 = arith.constant -3.000000e+38 : f32
      %broadcast_in_dim3A_333 = vector.broadcast %jit3A_332 : f32 to vector<16xf32>
      %select_n3A_334 = arith.select %eq3A_331, %broadcast_in_dim3A_333, %get3A_327 : vector<16xi1>, vector<16xf32>
      %eq3A_335 = vector.broadcast %reduce_min3A_80 : i32 to vector<16xi32>
      %eq3A_336 = arith.cmpi eq, %add3A_329, %eq3A_335 : vector<16xi32>
      %jit3A_337 = arith.constant -3.000000e+38 : f32
      %broadcast_in_dim3A_338 = vector.broadcast %jit3A_337 : f32 to vector<16xf32>
      %select_n3A_339 = arith.select %eq3A_336, %broadcast_in_dim3A_338, %select_n3A_334 : vector<16xi1>, vector<16xf32>
      %eq3A_340 = vector.broadcast %reduce_min3A_107 : i32 to vector<16xi32>
      %eq3A_341 = arith.cmpi eq, %add3A_329, %eq3A_340 : vector<16xi32>
      %jit3A_342 = arith.constant -3.000000e+38 : f32
      %broadcast_in_dim3A_343 = vector.broadcast %jit3A_342 : f32 to vector<16xf32>
      %select_n3A_344 = arith.select %eq3A_341, %broadcast_in_dim3A_343, %select_n3A_339 : vector<16xi1>, vector<16xf32>
      %mul3A_345 = arith.constant 8 : i32
      %mul3A_346 = arith.muli %scan3A_214, %mul3A_345 : i32
      %add3A_347 = arith.constant 5 : i32
      %add3A_348 = arith.addi %mul3A_346, %add3A_347 : i32
      %mul3A_349 = arith.constant 16 : i32
      %mul3A_350 = arith.muli %add3A_348, %mul3A_349 : i32
      %multiple_of3A_351 = tpu.assume_multiple %mul3A_350, 16 : i32
      %get3A_352 = arith.index_cast %multiple_of3A_351 : i32 to index
      %get3A_353 = tpu.vector_load %arg7[%get3A_352] {strides = array<i32>} : memref<2048xf32, #tpu.memory_space<vmem>>, vector<16xf32>,
      %add3A_354 = vector.broadcast %multiple_of3A_351 : i32 to vector<16xi32>
      %add3A_355 = arith.addi %add3A_354, %iota3A : vector<16xi32>
      %eq3A_356 = vector.broadcast %reduce_min3A_53 : i32 to vector<16xi32>
      %eq3A_357 = arith.cmpi eq, %add3A_355, %eq3A_356 : vector<16xi32>
      %jit3A_358 = arith.constant -3.000000e+38 : f32
      %broadcast_in_dim3A_359 = vector.broadcast %jit3A_358 : f32 to vector<16xf32>
      %select_n3A_360 = arith.select %eq3A_357, %broadcast_in_dim3A_359, %get3A_353 : vector<16xi1>, vector<16xf32>
      %eq3A_361 = vector.broadcast %reduce_min3A_80 : i32 to vector<16xi32>
      %eq3A_362 = arith.cmpi eq, %add3A_355, %eq3A_361 : vector<16xi32>
      %jit3A_363 = arith.constant -3.000000e+38 : f32
      %broadcast_in_dim3A_364 = vector.broadcast %jit3A_363 : f32 to vector<16xf32>
      %select_n3A_365 = arith.select %eq3A_362, %broadcast_in_dim3A_364, %select_n3A_360 : vector<16xi1>, vector<16xf32>
      %eq3A_366 = vector.broadcast %reduce_min3A_107 : i32 to vector<16xi32>
      %eq3A_367 = arith.cmpi eq, %add3A_355, %eq3A_366 : vector<16xi32>
      %jit3A_368 = arith.constant -3.000000e+38 : f32
      %broadcast_in_dim3A_369 = vector.broadcast %jit3A_368 : f32 to vector<16xf32>
      %select_n3A_370 = arith.select %eq3A_367, %broadcast_in_dim3A_369, %select_n3A_365 : vector<16xi1>, vector<16xf32>
      %mul3A_371 = arith.constant 8 : i32
      %mul3A_372 = arith.muli %scan3A_214, %mul3A_371 : i32
      %add3A_373 = arith.constant 6 : i32
      %add3A_374 = arith.addi %mul3A_372, %add3A_373 : i32
      %mul3A_375 = arith.constant 16 : i32
      %mul3A_376 = arith.muli %add3A_374, %mul3A_375 : i32
      %multiple_of3A_377 = tpu.assume_multiple %mul3A_376, 16 : i32
      %get3A_378 = arith.index_cast %multiple_of3A_377 : i32 to index
      %get3A_379 = tpu.vector_load %arg7[%get3A_378] {strides = array<i32>} : memref<2048xf32, #tpu.memory_space<vmem>>, vector<16xf32>,
      %add3A_380 = vector.broadcast %multiple_of3A_377 : i32 to vector<16xi32>
      %add3A_381 = arith.addi %add3A_380, %iota3A : vector<16xi32>
      %eq3A_382 = vector.broadcast %reduce_min3A_53 : i32 to vector<16xi32>
      %eq3A_383 = arith.cmpi eq, %add3A_381, %eq3A_382 : vector<16xi32>
      %jit3A_384 = arith.constant -3.000000e+38 : f32
      %broadcast_in_dim3A_385 = vector.broadcast %jit3A_384 : f32 to vector<16xf32>
      %select_n3A_386 = arith.select %eq3A_383, %broadcast_in_dim3A_385, %get3A_379 : vector<16xi1>, vector<16xf32>
      %eq3A_387 = vector.broadcast %reduce_min3A_80 : i32 to vector<16xi32>
      %eq3A_388 = arith.cmpi eq, %add3A_381, %eq3A_387 : vector<16xi32>
      %jit3A_389 = arith.constant -3.000000e+38 : f32
      %broadcast_in_dim3A_390 = vector.broadcast %jit3A_389 : f32 to vector<16xf32>
      %select_n3A_391 = arith.select %eq3A_388, %broadcast_in_dim3A_390, %select_n3A_386 : vector<16xi1>, vector<16xf32>
      %eq3A_392 = vector.broadcast %reduce_min3A_107 : i32 to vector<16xi32>
      %eq3A_393 = arith.cmpi eq, %add3A_381, %eq3A_392 : vector<16xi32>
      %jit3A_394 = arith.constant -3.000000e+38 : f32
      %broadcast_in_dim3A_395 = vector.broadcast %jit3A_394 : f32 to vector<16xf32>
      %select_n3A_396 = arith.select %eq3A_393, %broadcast_in_dim3A_395, %select_n3A_391 : vector<16xi1>, vector<16xf32>
      %mul3A_397 = arith.constant 8 : i32
      %mul3A_398 = arith.muli %scan3A_214, %mul3A_397 : i32
      %add3A_399 = arith.constant 7 : i32
      %add3A_400 = arith.addi %mul3A_398, %add3A_399 : i32
      %mul3A_401 = arith.constant 16 : i32
      %mul3A_402 = arith.muli %add3A_400, %mul3A_401 : i32
      %multiple_of3A_403 = tpu.assume_multiple %mul3A_402, 16 : i32
      %get3A_404 = arith.index_cast %multiple_of3A_403 : i32 to index
      %get3A_405 = tpu.vector_load %arg7[%get3A_404] {strides = array<i32>} : memref<2048xf32, #tpu.memory_space<vmem>>, vector<16xf32>,
      %add3A_406 = vector.broadcast %multiple_of3A_403 : i32 to vector<16xi32>
      %add3A_407 = arith.addi %add3A_406, %iota3A : vector<16xi32>
      %eq3A_408 = vector.broadcast %reduce_min3A_53 : i32 to vector<16xi32>
      %eq3A_409 = arith.cmpi eq, %add3A_407, %eq3A_408 : vector<16xi32>
      %jit3A_410 = arith.constant -3.000000e+38 : f32
      %broadcast_in_dim3A_411 = vector.broadcast %jit3A_410 : f32 to vector<16xf32>
      %select_n3A_412 = arith.select %eq3A_409, %broadcast_in_dim3A_411, %get3A_405 : vector<16xi1>, vector<16xf32>
      %eq3A_413 = vector.broadcast %reduce_min3A_80 : i32 to vector<16xi32>
      %eq3A_414 = arith.cmpi eq, %add3A_407, %eq3A_413 : vector<16xi32>
      %jit3A_415 = arith.constant -3.000000e+38 : f32
      %broadcast_in_dim3A_416 = vector.broadcast %jit3A_415 : f32 to vector<16xf32>
      %select_n3A_417 = arith.select %eq3A_414, %broadcast_in_dim3A_416, %select_n3A_412 : vector<16xi1>, vector<16xf32>
      %eq3A_418 = vector.broadcast %reduce_min3A_107 : i32 to vector<16xi32>
      %eq3A_419 = arith.cmpi eq, %add3A_407, %eq3A_418 : vector<16xi32>
      %jit3A_420 = arith.constant -3.000000e+38 : f32
      %broadcast_in_dim3A_421 = vector.broadcast %jit3A_420 : f32 to vector<16xf32>
      %select_n3A_422 = arith.select %eq3A_419, %broadcast_in_dim3A_421, %select_n3A_417 : vector<16xi1>, vector<16xf32>
      %ge3A = arith.cmpf oge, %select_n3A_240, %select_n3A_266 : vector<16xf32>
      %select_n3A_423 = arith.select %ge3A, %select_n3A_240, %select_n3A_266 : vector<16xi1>, vector<16xf32>
      %select_n3A_424 = arith.select %ge3A, %add3A_225, %add3A_251 : vector<16xi1>, vector<16xi32>
      %ge3A_425 = arith.cmpf oge, %select_n3A_292, %select_n3A_318 : vector<16xf32>
      %select_n3A_426 = arith.select %ge3A_425, %select_n3A_292, %select_n3A_318 : vector<16xi1>, vector<16xf32>
      %select_n3A_427 = arith.select %ge3A_425, %add3A_277, %add3A_303 : vector<16xi1>, vector<16xi32>
      %ge3A_428 = arith.cmpf oge, %select_n3A_344, %select_n3A_370 : vector<16xf32>
      %select_n3A_429 = arith.select %ge3A_428, %select_n3A_344, %select_n3A_370 : vector<16xi1>, vector<16xf32>
      %select_n3A_430 = arith.select %ge3A_428, %add3A_329, %add3A_355 : vector<16xi1>, vector<16xi32>
      %ge3A_431 = arith.cmpf oge, %select_n3A_396, %select_n3A_422 : vector<16xf32>
      %select_n3A_432 = arith.select %ge3A_431, %select_n3A_396, %select_n3A_422 : vector<16xi1>, vector<16xf32>
      %select_n3A_433 = arith.select %ge3A_431, %add3A_381, %add3A_407 : vector<16xi1>, vector<16xi32>
      %ge3A_434 = arith.cmpf oge, %select_n3A_423, %select_n3A_426 : vector<16xf32>
      %select_n3A_435 = arith.select %ge3A_434, %select_n3A_423, %select_n3A_426 : vector<16xi1>, vector<16xf32>
      %select_n3A_436 = arith.select %ge3A_434, %select_n3A_424, %select_n3A_427 : vector<16xi1>, vector<16xi32>
      %ge3A_437 = arith.cmpf oge, %select_n3A_429, %select_n3A_432 : vector<16xf32>
      %select_n3A_438 = arith.select %ge3A_437, %select_n3A_429, %select_n3A_432 : vector<16xi1>, vector<16xf32>
      %select_n3A_439 = arith.select %ge3A_437, %select_n3A_430, %select_n3A_433 : vector<16xi1>, vector<16xi32>
      %ge3A_440 = arith.cmpf oge, %select_n3A_435, %select_n3A_438 : vector<16xf32>
      %select_n3A_441 = arith.select %ge3A_440, %select_n3A_435, %select_n3A_438 : vector<16xi1>, vector<16xf32>
      %select_n3A_442 = arith.select %ge3A_440, %select_n3A_436, %select_n3A_439 : vector<16xi1>, vector<16xi32>
      %gt3A_443 = arith.cmpf ogt, %select_n3A_441, %scan3A_215 : vector<16xf32>
      %select_n3A_444 = arith.select %gt3A_443, %select_n3A_441, %scan3A_215 : vector<16xi1>, vector<16xf32>
      %select_n3A_445 = arith.select %gt3A_443, %select_n3A_442, %scan3A_216 : vector<16xi1>, vector<16xi32>
      scf.yield %select_n3A_444, %select_n3A_445 : vector<16xf32>, vector<16xi32>
    }
    %scan3A_117 = arith.constant 16 : i32
    %reduce_max3A_118 = arith.constant true
    %reduce_max3A_119 = vector.broadcast %reduce_max3A_118 : i1 to vector<16xi1>
    %reduce_max3A_120 = tpu.scan <max>, %scan3A_116#0 masked %reduce_max3A_119 : vector<16xf32>, vector<16xi1> -> vector<16xf32>
    %reduce_max3A_121 = vector.extract %reduce_max3A_120[15] : f32 from vector<16xf32>
    %eq3A_122 = vector.broadcast %reduce_max3A_121 : f32 to vector<16xf32>
    %eq3A_123 = arith.cmpf oeq, %scan3A_116#0, %eq3A_122 : vector<16xf32>
    %jit3A_124 = arith.constant 1073741824 : i32
    %broadcast_in_dim3A_125 = vector.broadcast %jit3A_124 : i32 to vector<16xi32>
    %select_n3A_126 = arith.select %eq3A_123, %scan3A_116#1, %broadcast_in_dim3A_125 : vector<16xi1>, vector<16xi32>
    %reduce_min3A_127 = arith.constant true
    %reduce_min3A_128 = vector.broadcast %reduce_min3A_127 : i1 to vector<16xi1>
    %reduce_min3A_129 = arith.constant -2147483648 : i32
    %reduce_min3A_130 = vector.broadcast %reduce_min3A_129 : i32 to vector<16xi32>
    %reduce_min3A_131 = arith.xori %select_n3A_126, %reduce_min3A_130 : vector<16xi32>
    %reduce_min3A_132 = tpu.scan <min>, %reduce_min3A_131 masked %reduce_min3A_128 : vector<16xi32>, vector<16xi1> -> vector<16xi32>
    %reduce_min3A_133 = arith.xori %reduce_min3A_132, %reduce_min3A_130 : vector<16xi32>
    %reduce_min3A_134 = vector.extract %reduce_min3A_133[15] : i32 from vector<16xi32>
    %gt3A = arith.cmpi sgt, %reduce_min3A_53, %reduce_min3A_80 : i32
    %select_n3A_135 = arith.select %gt3A, %reduce_min3A_80, %reduce_min3A_53 : i32
    %select_n3A_136 = arith.select %gt3A, %reduce_min3A_53, %reduce_min3A_80 : i32
    %select_n3A_137 = arith.select %gt3A, %reduce_max3A_67, %reduce_max3A_41 : f32
    %select_n3A_138 = arith.select %gt3A, %reduce_max3A_41, %reduce_max3A_67 : f32
    %gt3A_139 = arith.cmpi sgt, %reduce_min3A_107, %reduce_min3A_134 : i32
    %select_n3A_140 = arith.select %gt3A_139, %reduce_min3A_134, %reduce_min3A_107 : i32
    %select_n3A_141 = arith.select %gt3A_139, %reduce_min3A_107, %reduce_min3A_134 : i32
    %select_n3A_142 = arith.select %gt3A_139, %reduce_max3A_121, %reduce_max3A_94 : f32
    %select_n3A_143 = arith.select %gt3A_139, %reduce_max3A_94, %reduce_max3A_121 : f32
    %gt3A_144 = arith.cmpi sgt, %select_n3A_135, %select_n3A_140 : i32
    %select_n3A_145 = arith.select %gt3A_144, %select_n3A_140, %select_n3A_135 : i32
    %select_n3A_146 = arith.select %gt3A_144, %select_n3A_135, %select_n3A_140 : i32
    %select_n3A_147 = arith.select %gt3A_144, %select_n3A_142, %select_n3A_137 : f32
    %select_n3A_148 = arith.select %gt3A_144, %select_n3A_137, %select_n3A_142 : f32
    %gt3A_149 = arith.cmpi sgt, %select_n3A_136, %select_n3A_141 : i32
    %select_n3A_150 = arith.select %gt3A_149, %select_n3A_141, %select_n3A_136 : i32
    %select_n3A_151 = arith.select %gt3A_149, %select_n3A_136, %select_n3A_141 : i32
    %select_n3A_152 = arith.select %gt3A_149, %select_n3A_143, %select_n3A_138 : f32
    %select_n3A_153 = arith.select %gt3A_149, %select_n3A_138, %select_n3A_143 : f32
    %gt3A_154 = arith.cmpi sgt, %select_n3A_150, %select_n3A_146 : i32
    %select_n3A_155 = arith.select %gt3A_154, %select_n3A_146, %select_n3A_150 : i32
    %select_n3A_156 = arith.select %gt3A_154, %select_n3A_150, %select_n3A_146 : i32
    %select_n3A_157 = arith.select %gt3A_154, %select_n3A_148, %select_n3A_152 : f32
    %select_n3A_158 = arith.select %gt3A_154, %select_n3A_152, %select_n3A_148 : f32
    %broadcast_in_dim3A_159 = arith.constant 0.000000e+00 : f32
    %broadcast_in_dim3A_160 = vector.broadcast %broadcast_in_dim3A_159 : f32 to vector<16xf32>
    %broadcast_in_dim3A_161 = arith.constant 0 : i32
    %broadcast_in_dim3A_162 = vector.broadcast %broadcast_in_dim3A_161 : i32 to vector<16xi32>
    %eq3A_163 = arith.constant 0 : i32
    %eq3A_164 = vector.broadcast %eq3A_163 : i32 to vector<16xi32>
    %eq3A_165 = arith.cmpi eq, %iota3A, %eq3A_164 : vector<16xi32>
    %broadcast_in_dim3A_166 = vector.broadcast %select_n3A_147 : f32 to vector<16xf32>
    %select_n3A_167 = arith.select %eq3A_165, %broadcast_in_dim3A_166, %broadcast_in_dim3A_160 : vector<16xi1>, vector<16xf32>
    %eq3A_168 = arith.constant 0 : i32
    %eq3A_169 = vector.broadcast %eq3A_168 : i32 to vector<16xi32>
    %eq3A_170 = arith.cmpi eq, %iota3A, %eq3A_169 : vector<16xi32>
    %broadcast_in_dim3A_171 = vector.broadcast %select_n3A_145 : i32 to vector<16xi32>
    %select_n3A_172 = arith.select %eq3A_170, %broadcast_in_dim3A_171, %broadcast_in_dim3A_162 : vector<16xi1>, vector<16xi32>
    %eq3A_173 = arith.constant 1 : i32
    %eq3A_174 = vector.broadcast %eq3A_173 : i32 to vector<16xi32>
    %eq3A_175 = arith.cmpi eq, %iota3A, %eq3A_174 : vector<16xi32>
    %broadcast_in_dim3A_176 = vector.broadcast %select_n3A_157 : f32 to vector<16xf32>
    %select_n3A_177 = arith.select %eq3A_175, %broadcast_in_dim3A_176, %select_n3A_167 : vector<16xi1>, vector<16xf32>
    %eq3A_178 = arith.constant 1 : i32
    %eq3A_179 = vector.broadcast %eq3A_178 : i32 to vector<16xi32>
    %eq3A_180 = arith.cmpi eq, %iota3A, %eq3A_179 : vector<16xi32>
    %broadcast_in_dim3A_181 = vector.broadcast %select_n3A_155 : i32 to vector<16xi32>
    %select_n3A_182 = arith.select %eq3A_180, %broadcast_in_dim3A_181, %select_n3A_172 : vector<16xi1>, vector<16xi32>
    %eq3A_183 = arith.constant 2 : i32
    %eq3A_184 = vector.broadcast %eq3A_183 : i32 to vector<16xi32>
    %eq3A_185 = arith.cmpi eq, %iota3A, %eq3A_184 : vector<16xi32>
    %broadcast_in_dim3A_186 = vector.broadcast %select_n3A_158 : f32 to vector<16xf32>
    %select_n3A_187 = arith.select %eq3A_185, %broadcast_in_dim3A_186, %select_n3A_177 : vector<16xi1>, vector<16xf32>
    %eq3A_188 = arith.constant 2 : i32
    %eq3A_189 = vector.broadcast %eq3A_188 : i32 to vector<16xi32>
    %eq3A_190 = arith.cmpi eq, %iota3A, %eq3A_189 : vector<16xi32>
    %broadcast_in_dim3A_191 = vector.broadcast %select_n3A_156 : i32 to vector<16xi32>
    %select_n3A_192 = arith.select %eq3A_190, %broadcast_in_dim3A_191, %select_n3A_182 : vector<16xi1>, vector<16xi32>
    %eq3A_193 = arith.constant 3 : i32
    %eq3A_194 = vector.broadcast %eq3A_193 : i32 to vector<16xi32>
    %eq3A_195 = arith.cmpi eq, %iota3A, %eq3A_194 : vector<16xi32>
    %broadcast_in_dim3A_196 = vector.broadcast %select_n3A_153 : f32 to vector<16xf32>
    %select_n3A_197 = arith.select %eq3A_195, %broadcast_in_dim3A_196, %select_n3A_187 : vector<16xi1>, vector<16xf32>
    %eq3A_198 = arith.constant 3 : i32
    %eq3A_199 = vector.broadcast %eq3A_198 : i32 to vector<16xi32>
    %eq3A_200 = arith.cmpi eq, %iota3A, %eq3A_199 : vector<16xi32>
    %broadcast_in_dim3A_201 = vector.broadcast %select_n3A_151 : i32 to vector<16xi32>
    %select_n3A_202 = arith.select %eq3A_200, %broadcast_in_dim3A_201, %select_n3A_192 : vector<16xi1>, vector<16xi32>
    %swap3A = arith.constant 0 : index
    %swap3A_203 = tpu.vector_load %arg8[%swap3A] {strides = array<i32>} : memref<16xi32, #tpu.memory_space<vmem>>, vector<16xi32>,
    tpu.vector_store %arg8[%swap3A], %select_n3A_202 {strides = array<i32>} : memref<16xi32, #tpu.memory_space<vmem>>, vector<16xi32>,
    %swap3A_204 = arith.constant 0 : index
    %swap3A_205 = tpu.vector_load %arg9[%swap3A_204] {strides = array<i32>} : memref<16xf32, #tpu.memory_space<vmem>>, vector<16xf32>,
    tpu.vector_store %arg9[%swap3A_204], %select_n3A_197 {strides = array<i32>} : memref<16xf32, #tpu.memory_space<vmem>>, vector<16xf32>,
    "tpu.region"() ({
      %run_scoped3A = tpu.sem_alloc : memref<!tpu.dma_semaphore, #tpu.memory_space<semaphore_mem>>
      %dma_start3A_214 = arith.constant 0 : i32
      %dma_start3A_215 = tpu.memref_slice %arg4[%select_n3A, %select_n3A_30, %dma_start3A_214] : memref<2x16x16xi32, #tpu.memory_space<hbm>> -> memref<1x1x16xi32, #tpu.memory_space<hbm>>
      %dma_start3A_216 = tpu.memref_squeeze %dma_start3A_215 : memref<1x1x16xi32, #tpu.memory_space<hbm>> -> memref<16xi32, #tpu.memory_space<hbm>>
      %dma_start3A_217 = arith.constant 0 : i32
      %dma_start3A_218 = tpu.memref_slice %arg4[%select_n3A, %select_n3A_30, %dma_start3A_217] : memref<2x16x16xi32, #tpu.memory_space<hbm>> -> memref<1x1x16xi32, #tpu.memory_space<hbm>>
      %dma_start3A_219 = tpu.memref_squeeze %dma_start3A_218 : memref<1x1x16xi32, #tpu.memory_space<hbm>> -> memref<16xi32, #tpu.memory_space<hbm>>
      tpu.enqueue_dma source(%arg8 : memref<16xi32, #tpu.memory_space<vmem>>) target(%dma_start3A_219 : memref<16xi32, #tpu.memory_space<hbm>>) target_semaphore(%run_scoped3A : memref<!tpu.dma_semaphore, #tpu.memory_space<semaphore_mem>>)
      %dma_wait3A_220 = arith.constant 0 : i32
      %dma_wait3A_221 = tpu.memref_slice %arg4[%select_n3A, %select_n3A_30, %dma_wait3A_220] : memref<2x16x16xi32, #tpu.memory_space<hbm>> -> memref<1x1x16xi32, #tpu.memory_space<hbm>>
      %dma_wait3A_222 = tpu.memref_squeeze %dma_wait3A_221 : memref<1x1x16xi32, #tpu.memory_space<hbm>> -> memref<16xi32, #tpu.memory_space<hbm>>
      %dma_wait3A_223 = arith.constant 0 : i32
      %dma_wait3A_224 = tpu.memref_slice %arg4[%select_n3A, %select_n3A_30, %dma_wait3A_223] : memref<2x16x16xi32, #tpu.memory_space<hbm>> -> memref<1x1x16xi32, #tpu.memory_space<hbm>>
      %dma_wait3A_225 = tpu.memref_squeeze %dma_wait3A_224 : memref<1x1x16xi32, #tpu.memory_space<hbm>> -> memref<16xi32, #tpu.memory_space<hbm>>
      tpu.wait_dma2 semaphore(%run_scoped3A : memref<!tpu.dma_semaphore, #tpu.memory_space<semaphore_mem>>) src(%arg8 : memref<16xi32, #tpu.memory_space<vmem>>) dst(%dma_wait3A_225 : memref<16xi32, #tpu.memory_space<hbm>>)
      tpu.yield
    }) : () -> ()
    "tpu.region"() ({
      %run_scoped3A = tpu.sem_alloc : memref<!tpu.dma_semaphore, #tpu.memory_space<semaphore_mem>>
      %dma_start3A_214 = arith.constant 0 : i32
      %dma_start3A_215 = tpu.memref_slice %arg5[%select_n3A, %select_n3A_30, %dma_start3A_214] : memref<2x16x16xf32, #tpu.memory_space<hbm>> -> memref<1x1x16xf32, #tpu.memory_space<hbm>>
      %dma_start3A_216 = tpu.memref_squeeze %dma_start3A_215 : memref<1x1x16xf32, #tpu.memory_space<hbm>> -> memref<16xf32, #tpu.memory_space<hbm>>
      %dma_start3A_217 = arith.constant 0 : i32
      %dma_start3A_218 = tpu.memref_slice %arg5[%select_n3A, %select_n3A_30, %dma_start3A_217] : memref<2x16x16xf32, #tpu.memory_space<hbm>> -> memref<1x1x16xf32, #tpu.memory_space<hbm>>
      %dma_start3A_219 = tpu.memref_squeeze %dma_start3A_218 : memref<1x1x16xf32, #tpu.memory_space<hbm>> -> memref<16xf32, #tpu.memory_space<hbm>>
      tpu.enqueue_dma source(%arg9 : memref<16xf32, #tpu.memory_space<vmem>>) target(%dma_start3A_219 : memref<16xf32, #tpu.memory_space<hbm>>) target_semaphore(%run_scoped3A : memref<!tpu.dma_semaphore, #tpu.memory_space<semaphore_mem>>)
      %dma_wait3A_220 = arith.constant 0 : i32
      %dma_wait3A_221 = tpu.memref_slice %arg5[%select_n3A, %select_n3A_30, %dma_wait3A_220] : memref<2x16x16xf32, #tpu.memory_space<hbm>> -> memref<1x1x16xf32, #tpu.memory_space<hbm>>
      %dma_wait3A_222 = tpu.memref_squeeze %dma_wait3A_221 : memref<1x1x16xf32, #tpu.memory_space<hbm>> -> memref<16xf32, #tpu.memory_space<hbm>>
      %dma_wait3A_223 = arith.constant 0 : i32
      %dma_wait3A_224 = tpu.memref_slice %arg5[%select_n3A, %select_n3A_30, %dma_wait3A_223] : memref<2x16x16xf32, #tpu.memory_space<hbm>> -> memref<1x1x16xf32, #tpu.memory_space<hbm>>
      %dma_wait3A_225 = tpu.memref_squeeze %dma_wait3A_224 : memref<1x1x16xf32, #tpu.memory_space<hbm>> -> memref<16xf32, #tpu.memory_space<hbm>>
      tpu.wait_dma2 semaphore(%run_scoped3A : memref<!tpu.dma_semaphore, #tpu.memory_space<semaphore_mem>>) src(%arg9 : memref<16xf32, #tpu.memory_space<vmem>>) dst(%dma_wait3A_225 : memref<16xf32, #tpu.memory_space<hbm>>)
      tpu.yield
    }) : () -> ()
    %mul3A_206 = arith.constant 2048 : i32
    %mul3A_207 = arith.muli %select_n3A, %mul3A_206 : i32
    %add3A_208 = vector.broadcast %mul3A_207 : i32 to vector<16xi32>
    %add3A_209 = arith.addi %select_n3A_202, %add3A_208 : vector<16xi32>
    %dma_start3A = arith.constant 0 : i32
    %dma_start3A_210 = arith.constant 0 : i32
    %dma_start3A_211 = tpu.memref_slice %arg3[%dma_start3A, %dma_start3A_210] : memref<4096x1024xf32, #tpu.memory_space<hbm>> -> memref<4096x1024xf32, #tpu.memory_space<hbm>>
    tpu.enqueue_indirect_dma source(%dma_start3A_211 : memref<4096x1024xf32, #tpu.memory_space<hbm>>) target(%arg10 : memref<16x1024xf32, #tpu.memory_space<vmem>>) offsets(%add3A_209 : vector<16xi32>) semaphore(%arg11 : memref<!tpu.dma_semaphore, #tpu.memory_space<semaphore_mem>>)
    %dma_wait3A = arith.constant 0 : i32
    %dma_wait3A_212 = arith.constant 0 : i32
    %dma_wait3A_213 = tpu.memref_slice %arg3[%dma_wait3A, %dma_wait3A_212] : memref<4096x1024xf32, #tpu.memory_space<hbm>> -> memref<4096x1024xf32, #tpu.memory_space<hbm>>
    tpu.wait_indirect_dma semaphore(%arg11 : memref<!tpu.dma_semaphore, #tpu.memory_space<semaphore_mem>>) src(%dma_wait3A_213 : memref<4096x1024xf32, #tpu.memory_space<hbm>>) dst(%arg10 : memref<16x1024xf32, #tpu.memory_space<vmem>>)
    "tpu.region"() ({
      %run_scoped3A = tpu.sem_alloc : memref<!tpu.dma_semaphore, #tpu.memory_space<semaphore_mem>>
      %dma_start3A_214 = arith.constant 0 : i32
      %dma_start3A_215 = arith.constant 0 : i32
      %dma_start3A_216 = tpu.memref_slice %arg10[%dma_start3A_214, %dma_start3A_215] : memref<16x1024xf32, #tpu.memory_space<vmem>> -> memref<4x1024xf32, #tpu.memory_space<vmem>>
      %dma_start3A_217 = arith.constant 0 : i32
      %dma_start3A_218 = arith.constant 0 : i32
      %dma_start3A_219 = tpu.memref_slice %arg6[%select_n3A, %select_n3A_30, %dma_start3A_217, %dma_start3A_218] : memref<2x16x4x1024xf32, #tpu.memory_space<hbm>> -> memref<1x1x4x1024xf32, #tpu.memory_space<hbm>>
      %dma_start3A_220 = tpu.memref_squeeze %dma_start3A_219 : memref<1x1x4x1024xf32, #tpu.memory_space<hbm>> -> memref<4x1024xf32, #tpu.memory_space<hbm>>
      %dma_start3A_221 = arith.constant 0 : i32
      %dma_start3A_222 = arith.constant 0 : i32
      %dma_start3A_223 = tpu.memref_slice %arg6[%select_n3A, %select_n3A_30, %dma_start3A_221, %dma_start3A_222] : memref<2x16x4x1024xf32, #tpu.memory_space<hbm>> -> memref<1x1x4x1024xf32, #tpu.memory_space<hbm>>
      %dma_start3A_224 = tpu.memref_squeeze %dma_start3A_223 : memref<1x1x4x1024xf32, #tpu.memory_space<hbm>> -> memref<4x1024xf32, #tpu.memory_space<hbm>>
      %dma_start3A_225 = arith.constant 0 : i32
      %dma_start3A_226 = arith.constant 0 : i32
      %dma_start3A_227 = tpu.memref_slice %arg10[%dma_start3A_225, %dma_start3A_226] : memref<16x1024xf32, #tpu.memory_space<vmem>> -> memref<4x1024xf32, #tpu.memory_space<vmem>>
      tpu.enqueue_dma source(%dma_start3A_227 : memref<4x1024xf32, #tpu.memory_space<vmem>>) target(%dma_start3A_224 : memref<4x1024xf32, #tpu.memory_space<hbm>>) target_semaphore(%run_scoped3A : memref<!tpu.dma_semaphore, #tpu.memory_space<semaphore_mem>>)
      %dma_wait3A_228 = arith.constant 0 : i32
      %dma_wait3A_229 = arith.constant 0 : i32
      %dma_wait3A_230 = tpu.memref_slice %arg10[%dma_wait3A_228, %dma_wait3A_229] : memref<16x1024xf32, #tpu.memory_space<vmem>> -> memref<4x1024xf32, #tpu.memory_space<vmem>>
      %dma_wait3A_231 = arith.constant 0 : i32
      %dma_wait3A_232 = arith.constant 0 : i32
      %dma_wait3A_233 = tpu.memref_slice %arg6[%select_n3A, %select_n3A_30, %dma_wait3A_231, %dma_wait3A_232] : memref<2x16x4x1024xf32, #tpu.memory_space<hbm>> -> memref<1x1x4x1024xf32, #tpu.memory_space<hbm>>
      %dma_wait3A_234 = tpu.memref_squeeze %dma_wait3A_233 : memref<1x1x4x1024xf32, #tpu.memory_space<hbm>> -> memref<4x1024xf32, #tpu.memory_space<hbm>>
      %dma_wait3A_235 = arith.constant 0 : i32
      %dma_wait3A_236 = arith.constant 0 : i32
      %dma_wait3A_237 = tpu.memref_slice %arg6[%select_n3A, %select_n3A_30, %dma_wait3A_235, %dma_wait3A_236] : memref<2x16x4x1024xf32, #tpu.memory_space<hbm>> -> memref<1x1x4x1024xf32, #tpu.memory_space<hbm>>
      %dma_wait3A_238 = tpu.memref_squeeze %dma_wait3A_237 : memref<1x1x4x1024xf32, #tpu.memory_space<hbm>> -> memref<4x1024xf32, #tpu.memory_space<hbm>>
      %dma_wait3A_239 = arith.constant 0 : i32
      %dma_wait3A_240 = arith.constant 0 : i32
      %dma_wait3A_241 = tpu.memref_slice %arg10[%dma_wait3A_239, %dma_wait3A_240] : memref<16x1024xf32, #tpu.memory_space<vmem>> -> memref<4x1024xf32, #tpu.memory_space<vmem>>
      tpu.wait_dma2 semaphore(%run_scoped3A : memref<!tpu.dma_semaphore, #tpu.memory_space<semaphore_mem>>) src(%dma_wait3A_241 : memref<4x1024xf32, #tpu.memory_space<vmem>>) dst(%dma_wait3A_238 : memref<4x1024xf32, #tpu.memory_space<hbm>>)
      tpu.yield
    }) : () -> ()
    return
  }
}

module attributes {stable_mosaic.version = 14 : i64} {
  func.func @_a_body(%arg0: i32, %arg1: memref<2x512x1024xf32, #tpu.memory_space<vmem>>, %arg2: memref<16x1024xf32, #tpu.memory_space<vmem>>, %arg3: memref<16xf32, #tpu.memory_space<vmem>>, %arg4: memref<1024xf32, #tpu.memory_space<vmem>>, %arg5: memref<2x16x512xf32, #tpu.memory_space<vmem>>) attributes {dimension_semantics = [#tpu.dimension_semantics<arbitrary>], iteration_bounds = array<i64: 4>, scalar_prefetch = 0 : i64, scratch_operands = 0 : i64, tpu.core_type = #tpu.core_type<tc>, window_params = [{transform_indices = @transform_0, window_bounds = array<i64: 2, 512, 1024>}, {pipeline_mode = #tpu.pipeline_mode<synchronous>, transform_indices = @transform_1, window_bounds = array<i64: 16, 1024>}, {pipeline_mode = #tpu.pipeline_mode<synchronous>, transform_indices = @transform_2, window_bounds = array<i64: 16>}, {pipeline_mode = #tpu.pipeline_mode<synchronous>, transform_indices = @transform_3, window_bounds = array<i64: 1024>}, {transform_indices = @transform_4, window_bounds = array<i64: 2, 16, 512>}]} {
    %get3A = arith.constant 0 : index
    %get3A_0 = arith.constant 0 : index
    %get3A_1 = arith.constant 0 : index
    %get3A_2 = vector.load %arg1[%get3A, %get3A_0, %get3A_1] : memref<2x512x1024xf32, #tpu.memory_space<vmem>>, vector<1x512x1024xf32>
    %get3A_3 = vector.shape_cast %get3A_2 : vector<1x512x1024xf32> to vector<512x1024xf32>
    %get3A_4 = arith.constant 0 : index
    %get3A_5 = vector.load %arg4[%get3A_4] : memref<1024xf32, #tpu.memory_space<vmem>>, vector<1024xf32>
    %mul3A = arith.mulf %get3A_3, %get3A_3 : vector<512x1024xf32>
    %reduce_sum3A = arith.constant dense<0.000000e+00> : vector<512xf32>
    %reduce_sum3A_6 = vector.multi_reduction <add>, %mul3A, %reduce_sum3A [1] : vector<512x1024xf32> to vector<512xf32>
    %broadcast_in_dim3A = vector.shape_cast %reduce_sum3A_6 : vector<512xf32> to vector<512x1xf32>
    %div3A = arith.constant 1.024000e+03 : f32
    %div3A_7 = vector.broadcast %div3A : f32 to vector<512x1xf32>
    %div3A_8 = arith.divf %broadcast_in_dim3A, %div3A_7 : vector<512x1xf32>
    %add3A = arith.constant 9.99999997E-7 : f32
    %add3A_9 = vector.broadcast %add3A : f32 to vector<512x1xf32>
    %add3A_10 = arith.addf %div3A_8, %add3A_9 : vector<512x1xf32>
    %rsqrt3A = math.rsqrt %add3A_10 : vector<512x1xf32>
    %mul3A_11 = vector.broadcast %rsqrt3A : vector<512x1xf32> to vector<512x1024xf32>
    %mul3A_12 = arith.mulf %get3A_3, %mul3A_11 : vector<512x1024xf32>
    %broadcast_in_dim3A_13 = vector.shape_cast %get3A_5 : vector<1024xf32> to vector<1x1024xf32>
    %mul3A_14 = vector.broadcast %broadcast_in_dim3A_13 : vector<1x1024xf32> to vector<512x1024xf32>
    %mul3A_15 = arith.mulf %mul3A_12, %mul3A_14 : vector<512x1024xf32>
    %get3A_16 = arith.constant 0 : index
    %get3A_17 = arith.constant 0 : index
    %get3A_18 = vector.load %arg2[%get3A_16, %get3A_17] : memref<16x1024xf32, #tpu.memory_space<vmem>>, vector<16x1024xf32>
    %dot_general3A = arith.constant dense<0.000000e+00> : vector<16x512xf32>
    %dot_general3A_19 = tpu.matmul %get3A_18, %mul3A_15, %dot_general3A {dimension_numbers = #tpu.dot_dimension_numbers<[1], [1], [0], [0], [0, 0, 1, 0], [], []>, transpose_lhs_hint = false} : vector<16x1024xf32>, vector<512x1024xf32>, vector<16x512xf32> -> vector<16x512xf32>
    %get3A_20 = arith.constant 0 : index
    %get3A_21 = vector.load %arg3[%get3A_20] : memref<16xf32, #tpu.memory_space<vmem>>, vector<16xf32>
    %broadcast_in_dim3A_22 = vector.shape_cast %get3A_21 : vector<16xf32> to vector<16x1xf32>
    %add3A_23 = vector.broadcast %broadcast_in_dim3A_22 : vector<16x1xf32> to vector<16x512xf32>
    %add3A_24 = arith.addf %dot_general3A_19, %add3A_23 : vector<16x512xf32>
    %swap3A = arith.constant 0 : index
    %swap3A_25 = arith.constant 0 : index
    %swap3A_26 = arith.constant 0 : index
    %swap3A_27 = vector.load %arg5[%swap3A, %swap3A_25, %swap3A_26] : memref<2x16x512xf32, #tpu.memory_space<vmem>>, vector<1x16x512xf32>
    %swap3A_28 = vector.shape_cast %swap3A_27 : vector<1x16x512xf32> to vector<16x512xf32>
    %swap3A_29 = vector.shape_cast %add3A_24 : vector<16x512xf32> to vector<1x16x512xf32>
    tpu.vector_store %arg5[%swap3A, %swap3A_25, %swap3A_26], %swap3A_29 {strides = array<i32>} : memref<2x16x512xf32, #tpu.memory_space<vmem>>, vector<1x16x512xf32>,
    %get3A_30 = arith.constant 1 : index
    %get3A_31 = arith.constant 0 : index
    %get3A_32 = arith.constant 0 : index
    %get3A_33 = vector.load %arg1[%get3A_30, %get3A_31, %get3A_32] : memref<2x512x1024xf32, #tpu.memory_space<vmem>>, vector<1x512x1024xf32>
    %get3A_34 = vector.shape_cast %get3A_33 : vector<1x512x1024xf32> to vector<512x1024xf32>
    %get3A_35 = arith.constant 0 : index
    %get3A_36 = vector.load %arg4[%get3A_35] : memref<1024xf32, #tpu.memory_space<vmem>>, vector<1024xf32>
    %mul3A_37 = arith.mulf %get3A_34, %get3A_34 : vector<512x1024xf32>
    %reduce_sum3A_38 = arith.constant dense<0.000000e+00> : vector<512xf32>
    %reduce_sum3A_39 = vector.multi_reduction <add>, %mul3A_37, %reduce_sum3A_38 [1] : vector<512x1024xf32> to vector<512xf32>
    %broadcast_in_dim3A_40 = vector.shape_cast %reduce_sum3A_39 : vector<512xf32> to vector<512x1xf32>
    %div3A_41 = arith.constant 1.024000e+03 : f32
    %div3A_42 = vector.broadcast %div3A_41 : f32 to vector<512x1xf32>
    %div3A_43 = arith.divf %broadcast_in_dim3A_40, %div3A_42 : vector<512x1xf32>
    %add3A_44 = arith.constant 9.99999997E-7 : f32
    %add3A_45 = vector.broadcast %add3A_44 : f32 to vector<512x1xf32>
    %add3A_46 = arith.addf %div3A_43, %add3A_45 : vector<512x1xf32>
    %rsqrt3A_47 = math.rsqrt %add3A_46 : vector<512x1xf32>
    %mul3A_48 = vector.broadcast %rsqrt3A_47 : vector<512x1xf32> to vector<512x1024xf32>
    %mul3A_49 = arith.mulf %get3A_34, %mul3A_48 : vector<512x1024xf32>
    %broadcast_in_dim3A_50 = vector.shape_cast %get3A_36 : vector<1024xf32> to vector<1x1024xf32>
    %mul3A_51 = vector.broadcast %broadcast_in_dim3A_50 : vector<1x1024xf32> to vector<512x1024xf32>
    %mul3A_52 = arith.mulf %mul3A_49, %mul3A_51 : vector<512x1024xf32>
    %get3A_53 = arith.constant 0 : index
    %get3A_54 = arith.constant 0 : index
    %get3A_55 = vector.load %arg2[%get3A_53, %get3A_54] : memref<16x1024xf32, #tpu.memory_space<vmem>>, vector<16x1024xf32>
    %dot_general3A_56 = arith.constant dense<0.000000e+00> : vector<16x512xf32>
    %dot_general3A_57 = tpu.matmul %get3A_55, %mul3A_52, %dot_general3A_56 {dimension_numbers = #tpu.dot_dimension_numbers<[1], [1], [0], [0], [0, 0, 1, 0], [], []>, transpose_lhs_hint = false} : vector<16x1024xf32>, vector<512x1024xf32>, vector<16x512xf32> -> vector<16x512xf32>
    %get3A_58 = arith.constant 0 : index
    %get3A_59 = vector.load %arg3[%get3A_58] : memref<16xf32, #tpu.memory_space<vmem>>, vector<16xf32>
    %broadcast_in_dim3A_60 = vector.shape_cast %get3A_59 : vector<16xf32> to vector<16x1xf32>
    %add3A_61 = vector.broadcast %broadcast_in_dim3A_60 : vector<16x1xf32> to vector<16x512xf32>
    %add3A_62 = arith.addf %dot_general3A_57, %add3A_61 : vector<16x512xf32>
    %swap3A_63 = arith.constant 1 : index
    %swap3A_64 = arith.constant 0 : index
    %swap3A_65 = arith.constant 0 : index
    %swap3A_66 = vector.load %arg5[%swap3A_63, %swap3A_64, %swap3A_65] : memref<2x16x512xf32, #tpu.memory_space<vmem>>, vector<1x16x512xf32>
    %swap3A_67 = vector.shape_cast %swap3A_66 : vector<1x16x512xf32> to vector<16x512xf32>
    %swap3A_68 = vector.shape_cast %add3A_62 : vector<16x512xf32> to vector<1x16x512xf32>
    tpu.vector_store %arg5[%swap3A_63, %swap3A_64, %swap3A_65], %swap3A_68 {strides = array<i32>} : memref<2x16x512xf32, #tpu.memory_space<vmem>>, vector<1x16x512xf32>,
    return
  }
  func.func @transform_0(%arg0: i32) -> (i32, i32, i32) {
    %c0_i32 = arith.constant 0 : i32
    %c0_i32_0 = arith.constant 0 : i32
    %c0_i32_1 = arith.constant 0 : i32
    return %c0_i32, %arg0, %c0_i32_0 : i32, i32, i32
  }
  func.func @transform_1(%arg0: i32) -> (i32, i32) {
    %c0_i32 = arith.constant 0 : i32
    %c0_i32_0 = arith.constant 0 : i32
    %c0_i32_1 = arith.constant 0 : i32
    return %c0_i32, %c0_i32_0 : i32, i32
  }
  func.func @transform_2(%arg0: i32) -> i32 {
    %c0_i32 = arith.constant 0 : i32
    %c0_i32_0 = arith.constant 0 : i32
    return %c0_i32 : i32
  }
  func.func @transform_3(%arg0: i32) -> i32 {
    %c0_i32 = arith.constant 0 : i32
    %c0_i32_0 = arith.constant 0 : i32
    return %c0_i32 : i32
  }
  func.func @transform_4(%arg0: i32) -> (i32, i32, i32) {
    %c0_i32 = arith.constant 0 : i32
    %c0_i32_0 = arith.constant 0 : i32
    %c0_i32_1 = arith.constant 0 : i32
    return %c0_i32, %c0_i32_0, %arg0 : i32, i32, i32
  }
}

module attributes {stable_mosaic.version = 14 : i64} {
  func.func @_c_body(%arg0: memref<2x16x1024xf32, #tpu.memory_space<vmem>>, %arg1: memref<2x16x4x1024xf32, #tpu.memory_space<vmem>>, %arg2: memref<2x16x16xf32, #tpu.memory_space<vmem>>, %arg3: memref<1024x1024xf32, #tpu.memory_space<vmem>>, %arg4: memref<1024xf32, #tpu.memory_space<vmem>>, %arg5: memref<1024x1024xf32, #tpu.memory_space<vmem>>, %arg6: memref<1024xf32, #tpu.memory_space<vmem>>, %arg7: memref<1024x1024xf32, #tpu.memory_space<vmem>>, %arg8: memref<1024xf32, #tpu.memory_space<vmem>>, %arg9: memref<1024xf32, #tpu.memory_space<vmem>>, %arg10: memref<2x16x1024xf32, #tpu.memory_space<vmem>>, %arg11: memref<2x16x1024xf32, #tpu.memory_space<vmem>>, %arg12: memref<2x16x1024xf32, #tpu.memory_space<vmem>>) attributes {dimension_semantics = [], scalar_prefetch = 0 : i64, scratch_operands = 0 : i64, tpu.core_type = #tpu.core_type<tc>} {
    %get3A = arith.constant 0 : index
    %get3A_0 = arith.constant 0 : index
    %get3A_1 = arith.constant 0 : index
    %get3A_2 = vector.load %arg2[%get3A, %get3A_0, %get3A_1] : memref<2x16x16xf32, #tpu.memory_space<vmem>>, vector<1x16x16xf32>
    %get3A_3 = vector.shape_cast %get3A_2 : vector<1x16x16xf32> to vector<16x16xf32>
    %slice3A = vector.extract_strided_slice %get3A_3 {offsets = [0, 0], sizes = [16, 4], strides = [1, 1]} : vector<16x16xf32> to vector<16x4xf32>
    %reduce_max3A = arith.constant dense<0xFF800000> : vector<16xf32>
    %reduce_max3A_4 = vector.multi_reduction <maximumf>, %slice3A, %reduce_max3A [1] : vector<16x4xf32> to vector<16xf32>
    %broadcast_in_dim3A = vector.shape_cast %reduce_max3A_4 : vector<16xf32> to vector<16x1xf32>
    %sub3A = vector.broadcast %broadcast_in_dim3A : vector<16x1xf32> to vector<16x4xf32>
    %sub3A_5 = arith.subf %slice3A, %sub3A : vector<16x4xf32>
    %exp3A = math.exp %sub3A_5 : vector<16x4xf32>
    %reduce_sum3A = arith.constant dense<0.000000e+00> : vector<16xf32>
    %reduce_sum3A_6 = vector.multi_reduction <add>, %exp3A, %reduce_sum3A [1] : vector<16x4xf32> to vector<16xf32>
    %broadcast_in_dim3A_7 = vector.shape_cast %reduce_sum3A_6 : vector<16xf32> to vector<16x1xf32>
    %div3A = vector.broadcast %broadcast_in_dim3A_7 : vector<16x1xf32> to vector<16x4xf32>
    %div3A_8 = arith.divf %exp3A, %div3A : vector<16x4xf32>
    %get3A_9 = arith.constant 0 : index
    %get3A_10 = arith.constant 0 : index
    %get3A_11 = arith.constant 0 : index
    %get3A_12 = arith.constant 0 : index
    %get3A_13 = vector.load %arg1[%get3A_9, %get3A_10, %get3A_11, %get3A_12] : memref<2x16x4x1024xf32, #tpu.memory_space<vmem>>, vector<1x16x4x1024xf32>
    %get3A_14 = vector.shape_cast %get3A_13 : vector<1x16x4x1024xf32> to vector<16x4x1024xf32>
    %reshape3A = vector.shape_cast %get3A_14 : vector<16x4x1024xf32> to vector<64x1024xf32>
    %get3A_15 = arith.constant 0 : index
    %get3A_16 = arith.constant 0 : index
    %get3A_17 = vector.load %arg3[%get3A_15, %get3A_16] : memref<1024x1024xf32, #tpu.memory_space<vmem>>, vector<1024x1024xf32>
    %dot_general3A = arith.constant dense<0.000000e+00> : vector<64x1024xf32>
    %dot_general3A_18 = tpu.matmul %reshape3A, %get3A_17, %dot_general3A {dimension_numbers = #tpu.dot_dimension_numbers<[1], [1], [0], [0], [0, 0, 1, 0], [], []>, transpose_lhs_hint = false} : vector<64x1024xf32>, vector<1024x1024xf32>, vector<64x1024xf32> -> vector<64x1024xf32>
    %get3A_19 = arith.constant 0 : index
    %get3A_20 = vector.load %arg4[%get3A_19] : memref<1024xf32, #tpu.memory_space<vmem>>, vector<1024xf32>
    %broadcast_in_dim3A_21 = vector.shape_cast %get3A_20 : vector<1024xf32> to vector<1x1024xf32>
    %add3A = vector.broadcast %broadcast_in_dim3A_21 : vector<1x1024xf32> to vector<64x1024xf32>
    %add3A_22 = arith.addf %dot_general3A_18, %add3A : vector<64x1024xf32>
    %reshape3A_23 = vector.shape_cast %add3A_22 : vector<64x1024xf32> to vector<16x4x1024xf32>
    %convert_element_type3A = arith.truncf %div3A_8 : vector<16x4xf32> to vector<16x4xbf16>
    %convert_element_type3A_24 = arith.extf %convert_element_type3A : vector<16x4xbf16> to vector<16x4xf32>
    %convert_element_type3A_25 = arith.truncf %reshape3A_23 : vector<16x4x1024xf32> to vector<16x4x1024xbf16>
    %convert_element_type3A_26 = arith.extf %convert_element_type3A_25 : vector<16x4x1024xbf16> to vector<16x4x1024xf32>
    %slice3A_27 = vector.extract_strided_slice %convert_element_type3A_24 {offsets = [0, 0], sizes = [16, 1], strides = [1, 1]} : vector<16x4xf32> to vector<16x1xf32>
    %slice3A_28 = vector.extract_strided_slice %convert_element_type3A_26 {offsets = [0, 0, 0], sizes = [16, 1, 1024], strides = [1, 1, 1]} : vector<16x4x1024xf32> to vector<16x1x1024xf32>
    %squeeze3A = vector.shape_cast %slice3A_28 : vector<16x1x1024xf32> to vector<16x1024xf32>
    %mul3A = vector.broadcast %slice3A_27 : vector<16x1xf32> to vector<16x1024xf32>
    %mul3A_29 = arith.mulf %mul3A, %squeeze3A : vector<16x1024xf32>
    %slice3A_30 = vector.extract_strided_slice %convert_element_type3A_24 {offsets = [0, 1], sizes = [16, 1], strides = [1, 1]} : vector<16x4xf32> to vector<16x1xf32>
    %slice3A_31 = vector.extract_strided_slice %convert_element_type3A_26 {offsets = [0, 1, 0], sizes = [16, 1, 1024], strides = [1, 1, 1]} : vector<16x4x1024xf32> to vector<16x1x1024xf32>
    %squeeze3A_32 = vector.shape_cast %slice3A_31 : vector<16x1x1024xf32> to vector<16x1024xf32>
    %mul3A_33 = vector.broadcast %slice3A_30 : vector<16x1xf32> to vector<16x1024xf32>
    %mul3A_34 = arith.mulf %mul3A_33, %squeeze3A_32 : vector<16x1024xf32>
    %add3A_35 = arith.addf %mul3A_29, %mul3A_34 : vector<16x1024xf32>
    %slice3A_36 = vector.extract_strided_slice %convert_element_type3A_24 {offsets = [0, 2], sizes = [16, 1], strides = [1, 1]} : vector<16x4xf32> to vector<16x1xf32>
    %slice3A_37 = vector.extract_strided_slice %convert_element_type3A_26 {offsets = [0, 2, 0], sizes = [16, 1, 1024], strides = [1, 1, 1]} : vector<16x4x1024xf32> to vector<16x1x1024xf32>
    %squeeze3A_38 = vector.shape_cast %slice3A_37 : vector<16x1x1024xf32> to vector<16x1024xf32>
    %mul3A_39 = vector.broadcast %slice3A_36 : vector<16x1xf32> to vector<16x1024xf32>
    %mul3A_40 = arith.mulf %mul3A_39, %squeeze3A_38 : vector<16x1024xf32>
    %add3A_41 = arith.addf %add3A_35, %mul3A_40 : vector<16x1024xf32>
    %slice3A_42 = vector.extract_strided_slice %convert_element_type3A_24 {offsets = [0, 3], sizes = [16, 1], strides = [1, 1]} : vector<16x4xf32> to vector<16x1xf32>
    %slice3A_43 = vector.extract_strided_slice %convert_element_type3A_26 {offsets = [0, 3, 0], sizes = [16, 1, 1024], strides = [1, 1, 1]} : vector<16x4x1024xf32> to vector<16x1x1024xf32>
    %squeeze3A_44 = vector.shape_cast %slice3A_43 : vector<16x1x1024xf32> to vector<16x1024xf32>
    %mul3A_45 = vector.broadcast %slice3A_42 : vector<16x1xf32> to vector<16x1024xf32>
    %mul3A_46 = arith.mulf %mul3A_45, %squeeze3A_44 : vector<16x1024xf32>
    %add3A_47 = arith.addf %add3A_41, %mul3A_46 : vector<16x1024xf32>
    %get3A_48 = arith.constant 0 : index
    %get3A_49 = arith.constant 0 : index
    %get3A_50 = arith.constant 0 : index
    %get3A_51 = vector.load %arg0[%get3A_48, %get3A_49, %get3A_50] : memref<2x16x1024xf32, #tpu.memory_space<vmem>>, vector<1x16x1024xf32>
    %get3A_52 = vector.shape_cast %get3A_51 : vector<1x16x1024xf32> to vector<16x1024xf32>
    %add3A_53 = arith.addf %get3A_52, %add3A_47 : vector<16x1024xf32>
    %get3A_54 = arith.constant 0 : index
    %get3A_55 = vector.load %arg9[%get3A_54] : memref<1024xf32, #tpu.memory_space<vmem>>, vector<1024xf32>
    %mul3A_56 = arith.mulf %add3A_53, %add3A_53 : vector<16x1024xf32>
    %reduce_sum3A_57 = arith.constant dense<0.000000e+00> : vector<16xf32>
    %reduce_sum3A_58 = vector.multi_reduction <add>, %mul3A_56, %reduce_sum3A_57 [1] : vector<16x1024xf32> to vector<16xf32>
    %broadcast_in_dim3A_59 = vector.shape_cast %reduce_sum3A_58 : vector<16xf32> to vector<16x1xf32>
    %div3A_60 = arith.constant 1.024000e+03 : f32
    %div3A_61 = vector.broadcast %div3A_60 : f32 to vector<16x1xf32>
    %div3A_62 = arith.divf %broadcast_in_dim3A_59, %div3A_61 : vector<16x1xf32>
    %add3A_63 = arith.constant 9.99999997E-7 : f32
    %add3A_64 = vector.broadcast %add3A_63 : f32 to vector<16x1xf32>
    %add3A_65 = arith.addf %div3A_62, %add3A_64 : vector<16x1xf32>
    %rsqrt3A = math.rsqrt %add3A_65 : vector<16x1xf32>
    %mul3A_66 = vector.broadcast %rsqrt3A : vector<16x1xf32> to vector<16x1024xf32>
    %mul3A_67 = arith.mulf %add3A_53, %mul3A_66 : vector<16x1024xf32>
    %broadcast_in_dim3A_68 = vector.shape_cast %get3A_55 : vector<1024xf32> to vector<1x1024xf32>
    %mul3A_69 = vector.broadcast %broadcast_in_dim3A_68 : vector<1x1024xf32> to vector<16x1024xf32>
    %mul3A_70 = arith.mulf %mul3A_67, %mul3A_69 : vector<16x1024xf32>
    %swap3A = arith.constant 0 : index
    %swap3A_71 = arith.constant 0 : index
    %swap3A_72 = arith.constant 0 : index
    %swap3A_73 = vector.load %arg10[%swap3A, %swap3A_71, %swap3A_72] : memref<2x16x1024xf32, #tpu.memory_space<vmem>>, vector<1x16x1024xf32>
    %swap3A_74 = vector.shape_cast %swap3A_73 : vector<1x16x1024xf32> to vector<16x1024xf32>
    %swap3A_75 = vector.shape_cast %mul3A_70 : vector<16x1024xf32> to vector<1x16x1024xf32>
    tpu.vector_store %arg10[%swap3A, %swap3A_71, %swap3A_72], %swap3A_75 {strides = array<i32>} : memref<2x16x1024xf32, #tpu.memory_space<vmem>>, vector<1x16x1024xf32>,
    %get3A_76 = arith.constant 0 : index
    %get3A_77 = arith.constant 0 : index
    %get3A_78 = vector.load %arg5[%get3A_76, %get3A_77] : memref<1024x1024xf32, #tpu.memory_space<vmem>>, vector<1024x1024xf32>
    %dot_general3A_79 = arith.constant dense<0.000000e+00> : vector<16x1024xf32>
    %dot_general3A_80 = tpu.matmul %mul3A_70, %get3A_78, %dot_general3A_79 {dimension_numbers = #tpu.dot_dimension_numbers<[1], [1], [0], [0], [0, 0, 1, 0], [], []>, transpose_lhs_hint = false} : vector<16x1024xf32>, vector<1024x1024xf32>, vector<16x1024xf32> -> vector<16x1024xf32>
    %get3A_81 = arith.constant 0 : index
    %get3A_82 = vector.load %arg6[%get3A_81] : memref<1024xf32, #tpu.memory_space<vmem>>, vector<1024xf32>
    %broadcast_in_dim3A_83 = vector.shape_cast %get3A_82 : vector<1024xf32> to vector<1x1024xf32>
    %add3A_84 = vector.broadcast %broadcast_in_dim3A_83 : vector<1x1024xf32> to vector<16x1024xf32>
    %add3A_85 = arith.addf %dot_general3A_80, %add3A_84 : vector<16x1024xf32>
    %swap3A_86 = arith.constant 0 : index
    %swap3A_87 = arith.constant 0 : index
    %swap3A_88 = arith.constant 0 : index
    %swap3A_89 = vector.load %arg11[%swap3A_86, %swap3A_87, %swap3A_88] : memref<2x16x1024xf32, #tpu.memory_space<vmem>>, vector<1x16x1024xf32>
    %swap3A_90 = vector.shape_cast %swap3A_89 : vector<1x16x1024xf32> to vector<16x1024xf32>
    %swap3A_91 = vector.shape_cast %add3A_85 : vector<16x1024xf32> to vector<1x16x1024xf32>
    tpu.vector_store %arg11[%swap3A_86, %swap3A_87, %swap3A_88], %swap3A_91 {strides = array<i32>} : memref<2x16x1024xf32, #tpu.memory_space<vmem>>, vector<1x16x1024xf32>,
    %get3A_92 = arith.constant 0 : index
    %get3A_93 = arith.constant 0 : index
    %get3A_94 = vector.load %arg7[%get3A_92, %get3A_93] : memref<1024x1024xf32, #tpu.memory_space<vmem>>, vector<1024x1024xf32>
    %dot_general3A_95 = arith.constant dense<0.000000e+00> : vector<16x1024xf32>
    %dot_general3A_96 = tpu.matmul %mul3A_70, %get3A_94, %dot_general3A_95 {dimension_numbers = #tpu.dot_dimension_numbers<[1], [1], [0], [0], [0, 0, 1, 0], [], []>, transpose_lhs_hint = false} : vector<16x1024xf32>, vector<1024x1024xf32>, vector<16x1024xf32> -> vector<16x1024xf32>
    %get3A_97 = arith.constant 0 : index
    %get3A_98 = vector.load %arg8[%get3A_97] : memref<1024xf32, #tpu.memory_space<vmem>>, vector<1024xf32>
    %broadcast_in_dim3A_99 = vector.shape_cast %get3A_98 : vector<1024xf32> to vector<1x1024xf32>
    %add3A_100 = vector.broadcast %broadcast_in_dim3A_99 : vector<1x1024xf32> to vector<16x1024xf32>
    %add3A_101 = arith.addf %dot_general3A_96, %add3A_100 : vector<16x1024xf32>
    %swap3A_102 = arith.constant 0 : index
    %swap3A_103 = arith.constant 0 : index
    %swap3A_104 = arith.constant 0 : index
    %swap3A_105 = vector.load %arg12[%swap3A_102, %swap3A_103, %swap3A_104] : memref<2x16x1024xf32, #tpu.memory_space<vmem>>, vector<1x16x1024xf32>
    %swap3A_106 = vector.shape_cast %swap3A_105 : vector<1x16x1024xf32> to vector<16x1024xf32>
    %swap3A_107 = vector.shape_cast %add3A_101 : vector<16x1024xf32> to vector<1x16x1024xf32>
    tpu.vector_store %arg12[%swap3A_102, %swap3A_103, %swap3A_104], %swap3A_107 {strides = array<i32>} : memref<2x16x1024xf32, #tpu.memory_space<vmem>>, vector<1x16x1024xf32>,
    %get3A_108 = arith.constant 1 : index
    %get3A_109 = arith.constant 0 : index
    %get3A_110 = arith.constant 0 : index
    %get3A_111 = vector.load %arg2[%get3A_108, %get3A_109, %get3A_110] : memref<2x16x16xf32, #tpu.memory_space<vmem>>, vector<1x16x16xf32>
    %get3A_112 = vector.shape_cast %get3A_111 : vector<1x16x16xf32> to vector<16x16xf32>
    %slice3A_113 = vector.extract_strided_slice %get3A_112 {offsets = [0, 0], sizes = [16, 4], strides = [1, 1]} : vector<16x16xf32> to vector<16x4xf32>
    %reduce_max3A_114 = arith.constant dense<0xFF800000> : vector<16xf32>
    %reduce_max3A_115 = vector.multi_reduction <maximumf>, %slice3A_113, %reduce_max3A_114 [1] : vector<16x4xf32> to vector<16xf32>
    %broadcast_in_dim3A_116 = vector.shape_cast %reduce_max3A_115 : vector<16xf32> to vector<16x1xf32>
    %sub3A_117 = vector.broadcast %broadcast_in_dim3A_116 : vector<16x1xf32> to vector<16x4xf32>
    %sub3A_118 = arith.subf %slice3A_113, %sub3A_117 : vector<16x4xf32>
    %exp3A_119 = math.exp %sub3A_118 : vector<16x4xf32>
    %reduce_sum3A_120 = arith.constant dense<0.000000e+00> : vector<16xf32>
    %reduce_sum3A_121 = vector.multi_reduction <add>, %exp3A_119, %reduce_sum3A_120 [1] : vector<16x4xf32> to vector<16xf32>
    %broadcast_in_dim3A_122 = vector.shape_cast %reduce_sum3A_121 : vector<16xf32> to vector<16x1xf32>
    %div3A_123 = vector.broadcast %broadcast_in_dim3A_122 : vector<16x1xf32> to vector<16x4xf32>
    %div3A_124 = arith.divf %exp3A_119, %div3A_123 : vector<16x4xf32>
    %get3A_125 = arith.constant 1 : index
    %get3A_126 = arith.constant 0 : index
    %get3A_127 = arith.constant 0 : index
    %get3A_128 = arith.constant 0 : index
    %get3A_129 = vector.load %arg1[%get3A_125, %get3A_126, %get3A_127, %get3A_128] : memref<2x16x4x1024xf32, #tpu.memory_space<vmem>>, vector<1x16x4x1024xf32>
    %get3A_130 = vector.shape_cast %get3A_129 : vector<1x16x4x1024xf32> to vector<16x4x1024xf32>
    %reshape3A_131 = vector.shape_cast %get3A_130 : vector<16x4x1024xf32> to vector<64x1024xf32>
    %get3A_132 = arith.constant 0 : index
    %get3A_133 = arith.constant 0 : index
    %get3A_134 = vector.load %arg3[%get3A_132, %get3A_133] : memref<1024x1024xf32, #tpu.memory_space<vmem>>, vector<1024x1024xf32>
    %dot_general3A_135 = arith.constant dense<0.000000e+00> : vector<64x1024xf32>
    %dot_general3A_136 = tpu.matmul %reshape3A_131, %get3A_134, %dot_general3A_135 {dimension_numbers = #tpu.dot_dimension_numbers<[1], [1], [0], [0], [0, 0, 1, 0], [], []>, transpose_lhs_hint = false} : vector<64x1024xf32>, vector<1024x1024xf32>, vector<64x1024xf32> -> vector<64x1024xf32>
    %get3A_137 = arith.constant 0 : index
    %get3A_138 = vector.load %arg4[%get3A_137] : memref<1024xf32, #tpu.memory_space<vmem>>, vector<1024xf32>
    %broadcast_in_dim3A_139 = vector.shape_cast %get3A_138 : vector<1024xf32> to vector<1x1024xf32>
    %add3A_140 = vector.broadcast %broadcast_in_dim3A_139 : vector<1x1024xf32> to vector<64x1024xf32>
    %add3A_141 = arith.addf %dot_general3A_136, %add3A_140 : vector<64x1024xf32>
    %reshape3A_142 = vector.shape_cast %add3A_141 : vector<64x1024xf32> to vector<16x4x1024xf32>
    %convert_element_type3A_143 = arith.truncf %div3A_124 : vector<16x4xf32> to vector<16x4xbf16>
    %convert_element_type3A_144 = arith.extf %convert_element_type3A_143 : vector<16x4xbf16> to vector<16x4xf32>
    %convert_element_type3A_145 = arith.truncf %reshape3A_142 : vector<16x4x1024xf32> to vector<16x4x1024xbf16>
    %convert_element_type3A_146 = arith.extf %convert_element_type3A_145 : vector<16x4x1024xbf16> to vector<16x4x1024xf32>
    %slice3A_147 = vector.extract_strided_slice %convert_element_type3A_144 {offsets = [0, 0], sizes = [16, 1], strides = [1, 1]} : vector<16x4xf32> to vector<16x1xf32>
    %slice3A_148 = vector.extract_strided_slice %convert_element_type3A_146 {offsets = [0, 0, 0], sizes = [16, 1, 1024], strides = [1, 1, 1]} : vector<16x4x1024xf32> to vector<16x1x1024xf32>
    %squeeze3A_149 = vector.shape_cast %slice3A_148 : vector<16x1x1024xf32> to vector<16x1024xf32>
    %mul3A_150 = vector.broadcast %slice3A_147 : vector<16x1xf32> to vector<16x1024xf32>
    %mul3A_151 = arith.mulf %mul3A_150, %squeeze3A_149 : vector<16x1024xf32>
    %slice3A_152 = vector.extract_strided_slice %convert_element_type3A_144 {offsets = [0, 1], sizes = [16, 1], strides = [1, 1]} : vector<16x4xf32> to vector<16x1xf32>
    %slice3A_153 = vector.extract_strided_slice %convert_element_type3A_146 {offsets = [0, 1, 0], sizes = [16, 1, 1024], strides = [1, 1, 1]} : vector<16x4x1024xf32> to vector<16x1x1024xf32>
    %squeeze3A_154 = vector.shape_cast %slice3A_153 : vector<16x1x1024xf32> to vector<16x1024xf32>
    %mul3A_155 = vector.broadcast %slice3A_152 : vector<16x1xf32> to vector<16x1024xf32>
    %mul3A_156 = arith.mulf %mul3A_155, %squeeze3A_154 : vector<16x1024xf32>
    %add3A_157 = arith.addf %mul3A_151, %mul3A_156 : vector<16x1024xf32>
    %slice3A_158 = vector.extract_strided_slice %convert_element_type3A_144 {offsets = [0, 2], sizes = [16, 1], strides = [1, 1]} : vector<16x4xf32> to vector<16x1xf32>
    %slice3A_159 = vector.extract_strided_slice %convert_element_type3A_146 {offsets = [0, 2, 0], sizes = [16, 1, 1024], strides = [1, 1, 1]} : vector<16x4x1024xf32> to vector<16x1x1024xf32>
    %squeeze3A_160 = vector.shape_cast %slice3A_159 : vector<16x1x1024xf32> to vector<16x1024xf32>
    %mul3A_161 = vector.broadcast %slice3A_158 : vector<16x1xf32> to vector<16x1024xf32>
    %mul3A_162 = arith.mulf %mul3A_161, %squeeze3A_160 : vector<16x1024xf32>
    %add3A_163 = arith.addf %add3A_157, %mul3A_162 : vector<16x1024xf32>
    %slice3A_164 = vector.extract_strided_slice %convert_element_type3A_144 {offsets = [0, 3], sizes = [16, 1], strides = [1, 1]} : vector<16x4xf32> to vector<16x1xf32>
    %slice3A_165 = vector.extract_strided_slice %convert_element_type3A_146 {offsets = [0, 3, 0], sizes = [16, 1, 1024], strides = [1, 1, 1]} : vector<16x4x1024xf32> to vector<16x1x1024xf32>
    %squeeze3A_166 = vector.shape_cast %slice3A_165 : vector<16x1x1024xf32> to vector<16x1024xf32>
    %mul3A_167 = vector.broadcast %slice3A_164 : vector<16x1xf32> to vector<16x1024xf32>
    %mul3A_168 = arith.mulf %mul3A_167, %squeeze3A_166 : vector<16x1024xf32>
    %add3A_169 = arith.addf %add3A_163, %mul3A_168 : vector<16x1024xf32>
    %get3A_170 = arith.constant 1 : index
    %get3A_171 = arith.constant 0 : index
    %get3A_172 = arith.constant 0 : index
    %get3A_173 = vector.load %arg0[%get3A_170, %get3A_171, %get3A_172] : memref<2x16x1024xf32, #tpu.memory_space<vmem>>, vector<1x16x1024xf32>
    %get3A_174 = vector.shape_cast %get3A_173 : vector<1x16x1024xf32> to vector<16x1024xf32>
    %add3A_175 = arith.addf %get3A_174, %add3A_169 : vector<16x1024xf32>
    %get3A_176 = arith.constant 0 : index
    %get3A_177 = vector.load %arg9[%get3A_176] : memref<1024xf32, #tpu.memory_space<vmem>>, vector<1024xf32>
    %mul3A_178 = arith.mulf %add3A_175, %add3A_175 : vector<16x1024xf32>
    %reduce_sum3A_179 = arith.constant dense<0.000000e+00> : vector<16xf32>
    %reduce_sum3A_180 = vector.multi_reduction <add>, %mul3A_178, %reduce_sum3A_179 [1] : vector<16x1024xf32> to vector<16xf32>
    %broadcast_in_dim3A_181 = vector.shape_cast %reduce_sum3A_180 : vector<16xf32> to vector<16x1xf32>
    %div3A_182 = arith.constant 1.024000e+03 : f32
    %div3A_183 = vector.broadcast %div3A_182 : f32 to vector<16x1xf32>
    %div3A_184 = arith.divf %broadcast_in_dim3A_181, %div3A_183 : vector<16x1xf32>
    %add3A_185 = arith.constant 9.99999997E-7 : f32
    %add3A_186 = vector.broadcast %add3A_185 : f32 to vector<16x1xf32>
    %add3A_187 = arith.addf %div3A_184, %add3A_186 : vector<16x1xf32>
    %rsqrt3A_188 = math.rsqrt %add3A_187 : vector<16x1xf32>
    %mul3A_189 = vector.broadcast %rsqrt3A_188 : vector<16x1xf32> to vector<16x1024xf32>
    %mul3A_190 = arith.mulf %add3A_175, %mul3A_189 : vector<16x1024xf32>
    %broadcast_in_dim3A_191 = vector.shape_cast %get3A_177 : vector<1024xf32> to vector<1x1024xf32>
    %mul3A_192 = vector.broadcast %broadcast_in_dim3A_191 : vector<1x1024xf32> to vector<16x1024xf32>
    %mul3A_193 = arith.mulf %mul3A_190, %mul3A_192 : vector<16x1024xf32>
    %swap3A_194 = arith.constant 1 : index
    %swap3A_195 = arith.constant 0 : index
    %swap3A_196 = arith.constant 0 : index
    %swap3A_197 = vector.load %arg10[%swap3A_194, %swap3A_195, %swap3A_196] : memref<2x16x1024xf32, #tpu.memory_space<vmem>>, vector<1x16x1024xf32>
    %swap3A_198 = vector.shape_cast %swap3A_197 : vector<1x16x1024xf32> to vector<16x1024xf32>
    %swap3A_199 = vector.shape_cast %mul3A_193 : vector<16x1024xf32> to vector<1x16x1024xf32>
    tpu.vector_store %arg10[%swap3A_194, %swap3A_195, %swap3A_196], %swap3A_199 {strides = array<i32>} : memref<2x16x1024xf32, #tpu.memory_space<vmem>>, vector<1x16x1024xf32>,
    %get3A_200 = arith.constant 0 : index
    %get3A_201 = arith.constant 0 : index
    %get3A_202 = vector.load %arg5[%get3A_200, %get3A_201] : memref<1024x1024xf32, #tpu.memory_space<vmem>>, vector<1024x1024xf32>
    %dot_general3A_203 = arith.constant dense<0.000000e+00> : vector<16x1024xf32>
    %dot_general3A_204 = tpu.matmul %mul3A_193, %get3A_202, %dot_general3A_203 {dimension_numbers = #tpu.dot_dimension_numbers<[1], [1], [0], [0], [0, 0, 1, 0], [], []>, transpose_lhs_hint = false} : vector<16x1024xf32>, vector<1024x1024xf32>, vector<16x1024xf32> -> vector<16x1024xf32>
    %get3A_205 = arith.constant 0 : index
    %get3A_206 = vector.load %arg6[%get3A_205] : memref<1024xf32, #tpu.memory_space<vmem>>, vector<1024xf32>
    %broadcast_in_dim3A_207 = vector.shape_cast %get3A_206 : vector<1024xf32> to vector<1x1024xf32>
    %add3A_208 = vector.broadcast %broadcast_in_dim3A_207 : vector<1x1024xf32> to vector<16x1024xf32>
    %add3A_209 = arith.addf %dot_general3A_204, %add3A_208 : vector<16x1024xf32>
    %swap3A_210 = arith.constant 1 : index
    %swap3A_211 = arith.constant 0 : index
    %swap3A_212 = arith.constant 0 : index
    %swap3A_213 = vector.load %arg11[%swap3A_210, %swap3A_211, %swap3A_212] : memref<2x16x1024xf32, #tpu.memory_space<vmem>>, vector<1x16x1024xf32>
    %swap3A_214 = vector.shape_cast %swap3A_213 : vector<1x16x1024xf32> to vector<16x1024xf32>
    %swap3A_215 = vector.shape_cast %add3A_209 : vector<16x1024xf32> to vector<1x16x1024xf32>
    tpu.vector_store %arg11[%swap3A_210, %swap3A_211, %swap3A_212], %swap3A_215 {strides = array<i32>} : memref<2x16x1024xf32, #tpu.memory_space<vmem>>, vector<1x16x1024xf32>,
    %get3A_216 = arith.constant 0 : index
    %get3A_217 = arith.constant 0 : index
    %get3A_218 = vector.load %arg7[%get3A_216, %get3A_217] : memref<1024x1024xf32, #tpu.memory_space<vmem>>, vector<1024x1024xf32>
    %dot_general3A_219 = arith.constant dense<0.000000e+00> : vector<16x1024xf32>
    %dot_general3A_220 = tpu.matmul %mul3A_193, %get3A_218, %dot_general3A_219 {dimension_numbers = #tpu.dot_dimension_numbers<[1], [1], [0], [0], [0, 0, 1, 0], [], []>, transpose_lhs_hint = false} : vector<16x1024xf32>, vector<1024x1024xf32>, vector<16x1024xf32> -> vector<16x1024xf32>
    %get3A_221 = arith.constant 0 : index
    %get3A_222 = vector.load %arg8[%get3A_221] : memref<1024xf32, #tpu.memory_space<vmem>>, vector<1024xf32>
    %broadcast_in_dim3A_223 = vector.shape_cast %get3A_222 : vector<1024xf32> to vector<1x1024xf32>
    %add3A_224 = vector.broadcast %broadcast_in_dim3A_223 : vector<1x1024xf32> to vector<16x1024xf32>
    %add3A_225 = arith.addf %dot_general3A_220, %add3A_224 : vector<16x1024xf32>
    %swap3A_226 = arith.constant 1 : index
    %swap3A_227 = arith.constant 0 : index
    %swap3A_228 = arith.constant 0 : index
    %swap3A_229 = vector.load %arg12[%swap3A_226, %swap3A_227, %swap3A_228] : memref<2x16x1024xf32, #tpu.memory_space<vmem>>, vector<1x16x1024xf32>
    %swap3A_230 = vector.shape_cast %swap3A_229 : vector<1x16x1024xf32> to vector<16x1024xf32>
    %swap3A_231 = vector.shape_cast %add3A_225 : vector<16x1024xf32> to vector<1x16x1024xf32>
    tpu.vector_store %arg12[%swap3A_226, %swap3A_227, %swap3A_228], %swap3A_231 {strides = array<i32>} : memref<2x16x1024xf32, #tpu.memory_space<vmem>>, vector<1x16x1024xf32>,
    return
  }
}

module attributes {stable_mosaic.version = 14 : i64} {
  func.func @_c_body(%arg0: memref<2x16x1024xf32, #tpu.memory_space<vmem>>, %arg1: memref<2x16x4x1024xf32, #tpu.memory_space<vmem>>, %arg2: memref<2x16x16xf32, #tpu.memory_space<vmem>>, %arg3: memref<1024x1024xf32, #tpu.memory_space<vmem>>, %arg4: memref<1024xf32, #tpu.memory_space<vmem>>, %arg5: memref<1024x1024xf32, #tpu.memory_space<vmem>>, %arg6: memref<1024xf32, #tpu.memory_space<vmem>>, %arg7: memref<1024x1024xf32, #tpu.memory_space<vmem>>, %arg8: memref<1024xf32, #tpu.memory_space<vmem>>, %arg9: memref<1024xf32, #tpu.memory_space<vmem>>, %arg10: memref<2x16x1024xf32, #tpu.memory_space<vmem>>, %arg11: memref<2x16x1024xf32, #tpu.memory_space<vmem>>, %arg12: memref<2x16x1024xf32, #tpu.memory_space<vmem>>) attributes {dimension_semantics = [], scalar_prefetch = 0 : i64, scratch_operands = 0 : i64, tpu.core_type = #tpu.core_type<tc>} {
    %get3A = arith.constant 0 : index
    %get3A_0 = arith.constant 0 : index
    %get3A_1 = arith.constant 0 : index
    %get3A_2 = vector.load %arg2[%get3A, %get3A_0, %get3A_1] : memref<2x16x16xf32, #tpu.memory_space<vmem>>, vector<1x16x16xf32>
    %get3A_3 = vector.shape_cast %get3A_2 : vector<1x16x16xf32> to vector<16x16xf32>
    %slice3A = vector.extract_strided_slice %get3A_3 {offsets = [0, 0], sizes = [16, 4], strides = [1, 1]} : vector<16x16xf32> to vector<16x4xf32>
    %reduce_max3A = arith.constant dense<0xFF800000> : vector<16xf32>
    %reduce_max3A_4 = vector.multi_reduction <maximumf>, %slice3A, %reduce_max3A [1] : vector<16x4xf32> to vector<16xf32>
    %broadcast_in_dim3A = vector.shape_cast %reduce_max3A_4 : vector<16xf32> to vector<16x1xf32>
    %sub3A = vector.broadcast %broadcast_in_dim3A : vector<16x1xf32> to vector<16x4xf32>
    %sub3A_5 = arith.subf %slice3A, %sub3A : vector<16x4xf32>
    %exp3A = math.exp %sub3A_5 : vector<16x4xf32>
    %reduce_sum3A = arith.constant dense<0.000000e+00> : vector<16xf32>
    %reduce_sum3A_6 = vector.multi_reduction <add>, %exp3A, %reduce_sum3A [1] : vector<16x4xf32> to vector<16xf32>
    %broadcast_in_dim3A_7 = vector.shape_cast %reduce_sum3A_6 : vector<16xf32> to vector<16x1xf32>
    %div3A = vector.broadcast %broadcast_in_dim3A_7 : vector<16x1xf32> to vector<16x4xf32>
    %div3A_8 = arith.divf %exp3A, %div3A : vector<16x4xf32>
    %get3A_9 = arith.constant 0 : index
    %get3A_10 = arith.constant 0 : index
    %get3A_11 = arith.constant 0 : index
    %get3A_12 = arith.constant 0 : index
    %get3A_13 = vector.load %arg1[%get3A_9, %get3A_10, %get3A_11, %get3A_12] : memref<2x16x4x1024xf32, #tpu.memory_space<vmem>>, vector<1x16x4x1024xf32>
    %get3A_14 = vector.shape_cast %get3A_13 : vector<1x16x4x1024xf32> to vector<16x4x1024xf32>
    %reshape3A = vector.shape_cast %get3A_14 : vector<16x4x1024xf32> to vector<64x1024xf32>
    %get3A_15 = arith.constant 0 : index
    %get3A_16 = arith.constant 0 : index
    %get3A_17 = vector.load %arg3[%get3A_15, %get3A_16] : memref<1024x1024xf32, #tpu.memory_space<vmem>>, vector<1024x1024xf32>
    %dot_general3A = arith.constant dense<0.000000e+00> : vector<64x1024xf32>
    %dot_general3A_18 = tpu.matmul %reshape3A, %get3A_17, %dot_general3A {dimension_numbers = #tpu.dot_dimension_numbers<[1], [1], [0], [0], [0, 0, 1, 0], [], []>, transpose_lhs_hint = false} : vector<64x1024xf32>, vector<1024x1024xf32>, vector<64x1024xf32> -> vector<64x1024xf32>
    %get3A_19 = arith.constant 0 : index
    %get3A_20 = vector.load %arg4[%get3A_19] : memref<1024xf32, #tpu.memory_space<vmem>>, vector<1024xf32>
    %broadcast_in_dim3A_21 = vector.shape_cast %get3A_20 : vector<1024xf32> to vector<1x1024xf32>
    %add3A = vector.broadcast %broadcast_in_dim3A_21 : vector<1x1024xf32> to vector<64x1024xf32>
    %add3A_22 = arith.addf %dot_general3A_18, %add3A : vector<64x1024xf32>
    %reshape3A_23 = vector.shape_cast %add3A_22 : vector<64x1024xf32> to vector<16x4x1024xf32>
    %convert_element_type3A = arith.truncf %div3A_8 : vector<16x4xf32> to vector<16x4xbf16>
    %convert_element_type3A_24 = arith.extf %convert_element_type3A : vector<16x4xbf16> to vector<16x4xf32>
    %convert_element_type3A_25 = arith.truncf %reshape3A_23 : vector<16x4x1024xf32> to vector<16x4x1024xbf16>
    %convert_element_type3A_26 = arith.extf %convert_element_type3A_25 : vector<16x4x1024xbf16> to vector<16x4x1024xf32>
    %slice3A_27 = vector.extract_strided_slice %convert_element_type3A_24 {offsets = [0, 0], sizes = [16, 1], strides = [1, 1]} : vector<16x4xf32> to vector<16x1xf32>
    %slice3A_28 = vector.extract_strided_slice %convert_element_type3A_26 {offsets = [0, 0, 0], sizes = [16, 1, 1024], strides = [1, 1, 1]} : vector<16x4x1024xf32> to vector<16x1x1024xf32>
    %squeeze3A = vector.shape_cast %slice3A_28 : vector<16x1x1024xf32> to vector<16x1024xf32>
    %mul3A = vector.broadcast %slice3A_27 : vector<16x1xf32> to vector<16x1024xf32>
    %mul3A_29 = arith.mulf %mul3A, %squeeze3A : vector<16x1024xf32>
    %slice3A_30 = vector.extract_strided_slice %convert_element_type3A_24 {offsets = [0, 1], sizes = [16, 1], strides = [1, 1]} : vector<16x4xf32> to vector<16x1xf32>
    %slice3A_31 = vector.extract_strided_slice %convert_element_type3A_26 {offsets = [0, 1, 0], sizes = [16, 1, 1024], strides = [1, 1, 1]} : vector<16x4x1024xf32> to vector<16x1x1024xf32>
    %squeeze3A_32 = vector.shape_cast %slice3A_31 : vector<16x1x1024xf32> to vector<16x1024xf32>
    %mul3A_33 = vector.broadcast %slice3A_30 : vector<16x1xf32> to vector<16x1024xf32>
    %mul3A_34 = arith.mulf %mul3A_33, %squeeze3A_32 : vector<16x1024xf32>
    %add3A_35 = arith.addf %mul3A_29, %mul3A_34 : vector<16x1024xf32>
    %slice3A_36 = vector.extract_strided_slice %convert_element_type3A_24 {offsets = [0, 2], sizes = [16, 1], strides = [1, 1]} : vector<16x4xf32> to vector<16x1xf32>
    %slice3A_37 = vector.extract_strided_slice %convert_element_type3A_26 {offsets = [0, 2, 0], sizes = [16, 1, 1024], strides = [1, 1, 1]} : vector<16x4x1024xf32> to vector<16x1x1024xf32>
    %squeeze3A_38 = vector.shape_cast %slice3A_37 : vector<16x1x1024xf32> to vector<16x1024xf32>
    %mul3A_39 = vector.broadcast %slice3A_36 : vector<16x1xf32> to vector<16x1024xf32>
    %mul3A_40 = arith.mulf %mul3A_39, %squeeze3A_38 : vector<16x1024xf32>
    %add3A_41 = arith.addf %add3A_35, %mul3A_40 : vector<16x1024xf32>
    %slice3A_42 = vector.extract_strided_slice %convert_element_type3A_24 {offsets = [0, 3], sizes = [16, 1], strides = [1, 1]} : vector<16x4xf32> to vector<16x1xf32>
    %slice3A_43 = vector.extract_strided_slice %convert_element_type3A_26 {offsets = [0, 3, 0], sizes = [16, 1, 1024], strides = [1, 1, 1]} : vector<16x4x1024xf32> to vector<16x1x1024xf32>
    %squeeze3A_44 = vector.shape_cast %slice3A_43 : vector<16x1x1024xf32> to vector<16x1024xf32>
    %mul3A_45 = vector.broadcast %slice3A_42 : vector<16x1xf32> to vector<16x1024xf32>
    %mul3A_46 = arith.mulf %mul3A_45, %squeeze3A_44 : vector<16x1024xf32>
    %add3A_47 = arith.addf %add3A_41, %mul3A_46 : vector<16x1024xf32>
    %get3A_48 = arith.constant 0 : index
    %get3A_49 = arith.constant 0 : index
    %get3A_50 = arith.constant 0 : index
    %get3A_51 = vector.load %arg0[%get3A_48, %get3A_49, %get3A_50] : memref<2x16x1024xf32, #tpu.memory_space<vmem>>, vector<1x16x1024xf32>
    %get3A_52 = vector.shape_cast %get3A_51 : vector<1x16x1024xf32> to vector<16x1024xf32>
    %add3A_53 = arith.addf %get3A_52, %add3A_47 : vector<16x1024xf32>
    %get3A_54 = arith.constant 0 : index
    %get3A_55 = vector.load %arg9[%get3A_54] : memref<1024xf32, #tpu.memory_space<vmem>>, vector<1024xf32>
    %mul3A_56 = arith.mulf %add3A_53, %add3A_53 : vector<16x1024xf32>
    %reduce_sum3A_57 = arith.constant dense<0.000000e+00> : vector<16xf32>
    %reduce_sum3A_58 = vector.multi_reduction <add>, %mul3A_56, %reduce_sum3A_57 [1] : vector<16x1024xf32> to vector<16xf32>
    %broadcast_in_dim3A_59 = vector.shape_cast %reduce_sum3A_58 : vector<16xf32> to vector<16x1xf32>
    %div3A_60 = arith.constant 1.024000e+03 : f32
    %div3A_61 = vector.broadcast %div3A_60 : f32 to vector<16x1xf32>
    %div3A_62 = arith.divf %broadcast_in_dim3A_59, %div3A_61 : vector<16x1xf32>
    %add3A_63 = arith.constant 9.99999997E-7 : f32
    %add3A_64 = vector.broadcast %add3A_63 : f32 to vector<16x1xf32>
    %add3A_65 = arith.addf %div3A_62, %add3A_64 : vector<16x1xf32>
    %rsqrt3A = math.rsqrt %add3A_65 : vector<16x1xf32>
    %mul3A_66 = vector.broadcast %rsqrt3A : vector<16x1xf32> to vector<16x1024xf32>
    %mul3A_67 = arith.mulf %add3A_53, %mul3A_66 : vector<16x1024xf32>
    %broadcast_in_dim3A_68 = vector.shape_cast %get3A_55 : vector<1024xf32> to vector<1x1024xf32>
    %mul3A_69 = vector.broadcast %broadcast_in_dim3A_68 : vector<1x1024xf32> to vector<16x1024xf32>
    %mul3A_70 = arith.mulf %mul3A_67, %mul3A_69 : vector<16x1024xf32>
    %swap3A = arith.constant 0 : index
    %swap3A_71 = arith.constant 0 : index
    %swap3A_72 = arith.constant 0 : index
    %swap3A_73 = vector.load %arg10[%swap3A, %swap3A_71, %swap3A_72] : memref<2x16x1024xf32, #tpu.memory_space<vmem>>, vector<1x16x1024xf32>
    %swap3A_74 = vector.shape_cast %swap3A_73 : vector<1x16x1024xf32> to vector<16x1024xf32>
    %swap3A_75 = vector.shape_cast %mul3A_70 : vector<16x1024xf32> to vector<1x16x1024xf32>
    tpu.vector_store %arg10[%swap3A, %swap3A_71, %swap3A_72], %swap3A_75 {strides = array<i32>} : memref<2x16x1024xf32, #tpu.memory_space<vmem>>, vector<1x16x1024xf32>,
    %get3A_76 = arith.constant 0 : index
    %get3A_77 = arith.constant 0 : index
    %get3A_78 = vector.load %arg5[%get3A_76, %get3A_77] : memref<1024x1024xf32, #tpu.memory_space<vmem>>, vector<1024x1024xf32>
    %dot_general3A_79 = arith.constant dense<0.000000e+00> : vector<16x1024xf32>
    %dot_general3A_80 = tpu.matmul %mul3A_70, %get3A_78, %dot_general3A_79 {dimension_numbers = #tpu.dot_dimension_numbers<[1], [1], [0], [0], [0, 0, 1, 0], [], []>, transpose_lhs_hint = false} : vector<16x1024xf32>, vector<1024x1024xf32>, vector<16x1024xf32> -> vector<16x1024xf32>
    %get3A_81 = arith.constant 0 : index
    %get3A_82 = vector.load %arg6[%get3A_81] : memref<1024xf32, #tpu.memory_space<vmem>>, vector<1024xf32>
    %broadcast_in_dim3A_83 = vector.shape_cast %get3A_82 : vector<1024xf32> to vector<1x1024xf32>
    %add3A_84 = vector.broadcast %broadcast_in_dim3A_83 : vector<1x1024xf32> to vector<16x1024xf32>
    %add3A_85 = arith.addf %dot_general3A_80, %add3A_84 : vector<16x1024xf32>
    %swap3A_86 = arith.constant 0 : index
    %swap3A_87 = arith.constant 0 : index
    %swap3A_88 = arith.constant 0 : index
    %swap3A_89 = vector.load %arg11[%swap3A_86, %swap3A_87, %swap3A_88] : memref<2x16x1024xf32, #tpu.memory_space<vmem>>, vector<1x16x1024xf32>
    %swap3A_90 = vector.shape_cast %swap3A_89 : vector<1x16x1024xf32> to vector<16x1024xf32>
    %swap3A_91 = vector.shape_cast %add3A_85 : vector<16x1024xf32> to vector<1x16x1024xf32>
    tpu.vector_store %arg11[%swap3A_86, %swap3A_87, %swap3A_88], %swap3A_91 {strides = array<i32>} : memref<2x16x1024xf32, #tpu.memory_space<vmem>>, vector<1x16x1024xf32>,
    %get3A_92 = arith.constant 0 : index
    %get3A_93 = arith.constant 0 : index
    %get3A_94 = vector.load %arg7[%get3A_92, %get3A_93] : memref<1024x1024xf32, #tpu.memory_space<vmem>>, vector<1024x1024xf32>
    %dot_general3A_95 = arith.constant dense<0.000000e+00> : vector<16x1024xf32>
    %dot_general3A_96 = tpu.matmul %mul3A_70, %get3A_94, %dot_general3A_95 {dimension_numbers = #tpu.dot_dimension_numbers<[1], [1], [0], [0], [0, 0, 1, 0], [], []>, transpose_lhs_hint = false} : vector<16x1024xf32>, vector<1024x1024xf32>, vector<16x1024xf32> -> vector<16x1024xf32>
    %get3A_97 = arith.constant 0 : index
    %get3A_98 = vector.load %arg8[%get3A_97] : memref<1024xf32, #tpu.memory_space<vmem>>, vector<1024xf32>
    %broadcast_in_dim3A_99 = vector.shape_cast %get3A_98 : vector<1024xf32> to vector<1x1024xf32>
    %add3A_100 = vector.broadcast %broadcast_in_dim3A_99 : vector<1x1024xf32> to vector<16x1024xf32>
    %add3A_101 = arith.addf %dot_general3A_96, %add3A_100 : vector<16x1024xf32>
    %swap3A_102 = arith.constant 0 : index
    %swap3A_103 = arith.constant 0 : index
    %swap3A_104 = arith.constant 0 : index
    %swap3A_105 = vector.load %arg12[%swap3A_102, %swap3A_103, %swap3A_104] : memref<2x16x1024xf32, #tpu.memory_space<vmem>>, vector<1x16x1024xf32>
    %swap3A_106 = vector.shape_cast %swap3A_105 : vector<1x16x1024xf32> to vector<16x1024xf32>
    %swap3A_107 = vector.shape_cast %add3A_101 : vector<16x1024xf32> to vector<1x16x1024xf32>
    tpu.vector_store %arg12[%swap3A_102, %swap3A_103, %swap3A_104], %swap3A_107 {strides = array<i32>} : memref<2x16x1024xf32, #tpu.memory_space<vmem>>, vector<1x16x1024xf32>,
    %get3A_108 = arith.constant 1 : index
    %get3A_109 = arith.constant 0 : index
    %get3A_110 = arith.constant 0 : index
    %get3A_111 = vector.load %arg2[%get3A_108, %get3A_109, %get3A_110] : memref<2x16x16xf32, #tpu.memory_space<vmem>>, vector<1x16x16xf32>
    %get3A_112 = vector.shape_cast %get3A_111 : vector<1x16x16xf32> to vector<16x16xf32>
    %slice3A_113 = vector.extract_strided_slice %get3A_112 {offsets = [0, 0], sizes = [16, 4], strides = [1, 1]} : vector<16x16xf32> to vector<16x4xf32>
    %reduce_max3A_114 = arith.constant dense<0xFF800000> : vector<16xf32>
    %reduce_max3A_115 = vector.multi_reduction <maximumf>, %slice3A_113, %reduce_max3A_114 [1] : vector<16x4xf32> to vector<16xf32>
    %broadcast_in_dim3A_116 = vector.shape_cast %reduce_max3A_115 : vector<16xf32> to vector<16x1xf32>
    %sub3A_117 = vector.broadcast %broadcast_in_dim3A_116 : vector<16x1xf32> to vector<16x4xf32>
    %sub3A_118 = arith.subf %slice3A_113, %sub3A_117 : vector<16x4xf32>
    %exp3A_119 = math.exp %sub3A_118 : vector<16x4xf32>
    %reduce_sum3A_120 = arith.constant dense<0.000000e+00> : vector<16xf32>
    %reduce_sum3A_121 = vector.multi_reduction <add>, %exp3A_119, %reduce_sum3A_120 [1] : vector<16x4xf32> to vector<16xf32>
    %broadcast_in_dim3A_122 = vector.shape_cast %reduce_sum3A_121 : vector<16xf32> to vector<16x1xf32>
    %div3A_123 = vector.broadcast %broadcast_in_dim3A_122 : vector<16x1xf32> to vector<16x4xf32>
    %div3A_124 = arith.divf %exp3A_119, %div3A_123 : vector<16x4xf32>
    %get3A_125 = arith.constant 1 : index
    %get3A_126 = arith.constant 0 : index
    %get3A_127 = arith.constant 0 : index
    %get3A_128 = arith.constant 0 : index
    %get3A_129 = vector.load %arg1[%get3A_125, %get3A_126, %get3A_127, %get3A_128] : memref<2x16x4x1024xf32, #tpu.memory_space<vmem>>, vector<1x16x4x1024xf32>
    %get3A_130 = vector.shape_cast %get3A_129 : vector<1x16x4x1024xf32> to vector<16x4x1024xf32>
    %reshape3A_131 = vector.shape_cast %get3A_130 : vector<16x4x1024xf32> to vector<64x1024xf32>
    %get3A_132 = arith.constant 0 : index
    %get3A_133 = arith.constant 0 : index
    %get3A_134 = vector.load %arg3[%get3A_132, %get3A_133] : memref<1024x1024xf32, #tpu.memory_space<vmem>>, vector<1024x1024xf32>
    %dot_general3A_135 = arith.constant dense<0.000000e+00> : vector<64x1024xf32>
    %dot_general3A_136 = tpu.matmul %reshape3A_131, %get3A_134, %dot_general3A_135 {dimension_numbers = #tpu.dot_dimension_numbers<[1], [1], [0], [0], [0, 0, 1, 0], [], []>, transpose_lhs_hint = false} : vector<64x1024xf32>, vector<1024x1024xf32>, vector<64x1024xf32> -> vector<64x1024xf32>
    %get3A_137 = arith.constant 0 : index
    %get3A_138 = vector.load %arg4[%get3A_137] : memref<1024xf32, #tpu.memory_space<vmem>>, vector<1024xf32>
    %broadcast_in_dim3A_139 = vector.shape_cast %get3A_138 : vector<1024xf32> to vector<1x1024xf32>
    %add3A_140 = vector.broadcast %broadcast_in_dim3A_139 : vector<1x1024xf32> to vector<64x1024xf32>
    %add3A_141 = arith.addf %dot_general3A_136, %add3A_140 : vector<64x1024xf32>
    %reshape3A_142 = vector.shape_cast %add3A_141 : vector<64x1024xf32> to vector<16x4x1024xf32>
    %convert_element_type3A_143 = arith.truncf %div3A_124 : vector<16x4xf32> to vector<16x4xbf16>
    %convert_element_type3A_144 = arith.extf %convert_element_type3A_143 : vector<16x4xbf16> to vector<16x4xf32>
    %convert_element_type3A_145 = arith.truncf %reshape3A_142 : vector<16x4x1024xf32> to vector<16x4x1024xbf16>
    %convert_element_type3A_146 = arith.extf %convert_element_type3A_145 : vector<16x4x1024xbf16> to vector<16x4x1024xf32>
    %slice3A_147 = vector.extract_strided_slice %convert_element_type3A_144 {offsets = [0, 0], sizes = [16, 1], strides = [1, 1]} : vector<16x4xf32> to vector<16x1xf32>
    %slice3A_148 = vector.extract_strided_slice %convert_element_type3A_146 {offsets = [0, 0, 0], sizes = [16, 1, 1024], strides = [1, 1, 1]} : vector<16x4x1024xf32> to vector<16x1x1024xf32>
    %squeeze3A_149 = vector.shape_cast %slice3A_148 : vector<16x1x1024xf32> to vector<16x1024xf32>
    %mul3A_150 = vector.broadcast %slice3A_147 : vector<16x1xf32> to vector<16x1024xf32>
    %mul3A_151 = arith.mulf %mul3A_150, %squeeze3A_149 : vector<16x1024xf32>
    %slice3A_152 = vector.extract_strided_slice %convert_element_type3A_144 {offsets = [0, 1], sizes = [16, 1], strides = [1, 1]} : vector<16x4xf32> to vector<16x1xf32>
    %slice3A_153 = vector.extract_strided_slice %convert_element_type3A_146 {offsets = [0, 1, 0], sizes = [16, 1, 1024], strides = [1, 1, 1]} : vector<16x4x1024xf32> to vector<16x1x1024xf32>
    %squeeze3A_154 = vector.shape_cast %slice3A_153 : vector<16x1x1024xf32> to vector<16x1024xf32>
    %mul3A_155 = vector.broadcast %slice3A_152 : vector<16x1xf32> to vector<16x1024xf32>
    %mul3A_156 = arith.mulf %mul3A_155, %squeeze3A_154 : vector<16x1024xf32>
    %add3A_157 = arith.addf %mul3A_151, %mul3A_156 : vector<16x1024xf32>
    %slice3A_158 = vector.extract_strided_slice %convert_element_type3A_144 {offsets = [0, 2], sizes = [16, 1], strides = [1, 1]} : vector<16x4xf32> to vector<16x1xf32>
    %slice3A_159 = vector.extract_strided_slice %convert_element_type3A_146 {offsets = [0, 2, 0], sizes = [16, 1, 1024], strides = [1, 1, 1]} : vector<16x4x1024xf32> to vector<16x1x1024xf32>
    %squeeze3A_160 = vector.shape_cast %slice3A_159 : vector<16x1x1024xf32> to vector<16x1024xf32>
    %mul3A_161 = vector.broadcast %slice3A_158 : vector<16x1xf32> to vector<16x1024xf32>
    %mul3A_162 = arith.mulf %mul3A_161, %squeeze3A_160 : vector<16x1024xf32>
    %add3A_163 = arith.addf %add3A_157, %mul3A_162 : vector<16x1024xf32>
    %slice3A_164 = vector.extract_strided_slice %convert_element_type3A_144 {offsets = [0, 3], sizes = [16, 1], strides = [1, 1]} : vector<16x4xf32> to vector<16x1xf32>
    %slice3A_165 = vector.extract_strided_slice %convert_element_type3A_146 {offsets = [0, 3, 0], sizes = [16, 1, 1024], strides = [1, 1, 1]} : vector<16x4x1024xf32> to vector<16x1x1024xf32>
    %squeeze3A_166 = vector.shape_cast %slice3A_165 : vector<16x1x1024xf32> to vector<16x1024xf32>
    %mul3A_167 = vector.broadcast %slice3A_164 : vector<16x1xf32> to vector<16x1024xf32>
    %mul3A_168 = arith.mulf %mul3A_167, %squeeze3A_166 : vector<16x1024xf32>
    %add3A_169 = arith.addf %add3A_163, %mul3A_168 : vector<16x1024xf32>
    %get3A_170 = arith.constant 1 : index
    %get3A_171 = arith.constant 0 : index
    %get3A_172 = arith.constant 0 : index
    %get3A_173 = vector.load %arg0[%get3A_170, %get3A_171, %get3A_172] : memref<2x16x1024xf32, #tpu.memory_space<vmem>>, vector<1x16x1024xf32>
    %get3A_174 = vector.shape_cast %get3A_173 : vector<1x16x1024xf32> to vector<16x1024xf32>
    %add3A_175 = arith.addf %get3A_174, %add3A_169 : vector<16x1024xf32>
    %get3A_176 = arith.constant 0 : index
    %get3A_177 = vector.load %arg9[%get3A_176] : memref<1024xf32, #tpu.memory_space<vmem>>, vector<1024xf32>
    %mul3A_178 = arith.mulf %add3A_175, %add3A_175 : vector<16x1024xf32>
    %reduce_sum3A_179 = arith.constant dense<0.000000e+00> : vector<16xf32>
    %reduce_sum3A_180 = vector.multi_reduction <add>, %mul3A_178, %reduce_sum3A_179 [1] : vector<16x1024xf32> to vector<16xf32>
    %broadcast_in_dim3A_181 = vector.shape_cast %reduce_sum3A_180 : vector<16xf32> to vector<16x1xf32>
    %div3A_182 = arith.constant 1.024000e+03 : f32
    %div3A_183 = vector.broadcast %div3A_182 : f32 to vector<16x1xf32>
    %div3A_184 = arith.divf %broadcast_in_dim3A_181, %div3A_183 : vector<16x1xf32>
    %add3A_185 = arith.constant 9.99999997E-7 : f32
    %add3A_186 = vector.broadcast %add3A_185 : f32 to vector<16x1xf32>
    %add3A_187 = arith.addf %div3A_184, %add3A_186 : vector<16x1xf32>
    %rsqrt3A_188 = math.rsqrt %add3A_187 : vector<16x1xf32>
    %mul3A_189 = vector.broadcast %rsqrt3A_188 : vector<16x1xf32> to vector<16x1024xf32>
    %mul3A_190 = arith.mulf %add3A_175, %mul3A_189 : vector<16x1024xf32>
    %broadcast_in_dim3A_191 = vector.shape_cast %get3A_177 : vector<1024xf32> to vector<1x1024xf32>
    %mul3A_192 = vector.broadcast %broadcast_in_dim3A_191 : vector<1x1024xf32> to vector<16x1024xf32>
    %mul3A_193 = arith.mulf %mul3A_190, %mul3A_192 : vector<16x1024xf32>
    %swap3A_194 = arith.constant 1 : index
    %swap3A_195 = arith.constant 0 : index
    %swap3A_196 = arith.constant 0 : index
    %swap3A_197 = vector.load %arg10[%swap3A_194, %swap3A_195, %swap3A_196] : memref<2x16x1024xf32, #tpu.memory_space<vmem>>, vector<1x16x1024xf32>
    %swap3A_198 = vector.shape_cast %swap3A_197 : vector<1x16x1024xf32> to vector<16x1024xf32>
    %swap3A_199 = vector.shape_cast %mul3A_193 : vector<16x1024xf32> to vector<1x16x1024xf32>
    tpu.vector_store %arg10[%swap3A_194, %swap3A_195, %swap3A_196], %swap3A_199 {strides = array<i32>} : memref<2x16x1024xf32, #tpu.memory_space<vmem>>, vector<1x16x1024xf32>,
    %get3A_200 = arith.constant 0 : index
    %get3A_201 = arith.constant 0 : index
    %get3A_202 = vector.load %arg5[%get3A_200, %get3A_201] : memref<1024x1024xf32, #tpu.memory_space<vmem>>, vector<1024x1024xf32>
    %dot_general3A_203 = arith.constant dense<0.000000e+00> : vector<16x1024xf32>
    %dot_general3A_204 = tpu.matmul %mul3A_193, %get3A_202, %dot_general3A_203 {dimension_numbers = #tpu.dot_dimension_numbers<[1], [1], [0], [0], [0, 0, 1, 0], [], []>, transpose_lhs_hint = false} : vector<16x1024xf32>, vector<1024x1024xf32>, vector<16x1024xf32> -> vector<16x1024xf32>
    %get3A_205 = arith.constant 0 : index
    %get3A_206 = vector.load %arg6[%get3A_205] : memref<1024xf32, #tpu.memory_space<vmem>>, vector<1024xf32>
    %broadcast_in_dim3A_207 = vector.shape_cast %get3A_206 : vector<1024xf32> to vector<1x1024xf32>
    %add3A_208 = vector.broadcast %broadcast_in_dim3A_207 : vector<1x1024xf32> to vector<16x1024xf32>
    %add3A_209 = arith.addf %dot_general3A_204, %add3A_208 : vector<16x1024xf32>
    %swap3A_210 = arith.constant 1 : index
    %swap3A_211 = arith.constant 0 : index
    %swap3A_212 = arith.constant 0 : index
    %swap3A_213 = vector.load %arg11[%swap3A_210, %swap3A_211, %swap3A_212] : memref<2x16x1024xf32, #tpu.memory_space<vmem>>, vector<1x16x1024xf32>
    %swap3A_214 = vector.shape_cast %swap3A_213 : vector<1x16x1024xf32> to vector<16x1024xf32>
    %swap3A_215 = vector.shape_cast %add3A_209 : vector<16x1024xf32> to vector<1x16x1024xf32>
    tpu.vector_store %arg11[%swap3A_210, %swap3A_211, %swap3A_212], %swap3A_215 {strides = array<i32>} : memref<2x16x1024xf32, #tpu.memory_space<vmem>>, vector<1x16x1024xf32>,
    %get3A_216 = arith.constant 0 : index
    %get3A_217 = arith.constant 0 : index
    %get3A_218 = vector.load %arg7[%get3A_216, %get3A_217] : memref<1024x1024xf32, #tpu.memory_space<vmem>>, vector<1024x1024xf32>
    %dot_general3A_219 = arith.constant dense<0.000000e+00> : vector<16x1024xf32>
    %dot_general3A_220 = tpu.matmul %mul3A_193, %get3A_218, %dot_general3A_219 {dimension_numbers = #tpu.dot_dimension_numbers<[1], [1], [0], [0], [0, 0, 1, 0], [], []>, transpose_lhs_hint = false} : vector<16x1024xf32>, vector<1024x1024xf32>, vector<16x1024xf32> -> vector<16x1024xf32>
    %get3A_221 = arith.constant 0 : index
    %get3A_222 = vector.load %arg8[%get3A_221] : memref<1024xf32, #tpu.memory_space<vmem>>, vector<1024xf32>
    %broadcast_in_dim3A_223 = vector.shape_cast %get3A_222 : vector<1024xf32> to vector<1x1024xf32>
    %add3A_224 = vector.broadcast %broadcast_in_dim3A_223 : vector<1x1024xf32> to vector<16x1024xf32>
    %add3A_225 = arith.addf %dot_general3A_220, %add3A_224 : vector<16x1024xf32>
    %swap3A_226 = arith.constant 1 : index
    %swap3A_227 = arith.constant 0 : index
    %swap3A_228 = arith.constant 0 : index
    %swap3A_229 = vector.load %arg12[%swap3A_226, %swap3A_227, %swap3A_228] : memref<2x16x1024xf32, #tpu.memory_space<vmem>>, vector<1x16x1024xf32>
    %swap3A_230 = vector.shape_cast %swap3A_229 : vector<1x16x1024xf32> to vector<16x1024xf32>
    %swap3A_231 = vector.shape_cast %add3A_225 : vector<16x1024xf32> to vector<1x16x1024xf32>
    tpu.vector_store %arg12[%swap3A_226, %swap3A_227, %swap3A_228], %swap3A_231 {strides = array<i32>} : memref<2x16x1024xf32, #tpu.memory_space<vmem>>, vector<1x16x1024xf32>,
    return
  }
}

module attributes {stable_mosaic.version = 14 : i64} {
  func.func @_d_body(%arg0: i32, %arg1: memref<2x512x1024xf32, #tpu.memory_space<vmem>>, %arg2: memref<2x16x1024xf32, #tpu.memory_space<vmem>>, %arg3: memref<2x16x1024xf32, #tpu.memory_space<vmem>>, %arg4: memref<1024x1024xf32, #tpu.memory_space<vmem>>, %arg5: memref<1024xf32, #tpu.memory_space<vmem>>, %arg6: memref<1024x1024xf32, #tpu.memory_space<vmem>>, %arg7: memref<1024xf32, #tpu.memory_space<vmem>>, %arg8: memref<1024xf32, #tpu.memory_space<vmem>>, %arg9: memref<1024xf32, #tpu.memory_space<vmem>>, %arg10: memref<1xf32, #tpu.memory_space<vmem>>, %arg11: memref<16x1024xf32, #tpu.memory_space<vmem>>, %arg12: memref<16xf32, #tpu.memory_space<vmem>>, %arg13: memref<1024xf32, #tpu.memory_space<vmem>>, %arg14: memref<2x512x1024xf32, #tpu.memory_space<vmem>>, %arg15: memref<2x512xf32, #tpu.memory_space<vmem>>, %arg16: memref<2x16x512xf32, #tpu.memory_space<vmem>>) attributes {dimension_semantics = [#tpu.dimension_semantics<arbitrary>], iteration_bounds = array<i64: 4>, scalar_prefetch = 0 : i64, scratch_operands = 0 : i64, tpu.core_type = #tpu.core_type<tc>, window_params = [{transform_indices = @transform_0, window_bounds = array<i64: 2, 512, 1024>}, {pipeline_mode = #tpu.pipeline_mode<synchronous>, transform_indices = @transform_1, window_bounds = array<i64: 2, 16, 1024>}, {pipeline_mode = #tpu.pipeline_mode<synchronous>, transform_indices = @transform_2, window_bounds = array<i64: 2, 16, 1024>}, {pipeline_mode = #tpu.pipeline_mode<synchronous>, transform_indices = @transform_3, window_bounds = array<i64: 1024, 1024>}, {pipeline_mode = #tpu.pipeline_mode<synchronous>, transform_indices = @transform_4, window_bounds = array<i64: 1024>}, {pipeline_mode = #tpu.pipeline_mode<synchronous>, transform_indices = @transform_5, window_bounds = array<i64: 1024, 1024>}, {pipeline_mode = #tpu.pipeline_mode<synchronous>, transform_indices = @transform_6, window_bounds = array<i64: 1024>}, {pipeline_mode = #tpu.pipeline_mode<synchronous>, transform_indices = @transform_7, window_bounds = array<i64: 1024>}, {pipeline_mode = #tpu.pipeline_mode<synchronous>, transform_indices = @transform_8, window_bounds = array<i64: 1024>}, {pipeline_mode = #tpu.pipeline_mode<synchronous>, transform_indices = @transform_9, window_bounds = array<i64: 1>}, {pipeline_mode = #tpu.pipeline_mode<synchronous>, transform_indices = @transform_10, window_bounds = array<i64: 16, 1024>}, {pipeline_mode = #tpu.pipeline_mode<synchronous>, transform_indices = @transform_11, window_bounds = array<i64: 16>}, {pipeline_mode = #tpu.pipeline_mode<synchronous>, transform_indices = @transform_12, window_bounds = array<i64: 1024>}, {transform_indices = @transform_13, window_bounds = array<i64: 2, 512, 1024>}, {transform_indices = @transform_14, window_bounds = array<i64: 2, 512>}, {transform_indices = @transform_15, window_bounds = array<i64: 2, 16, 512>}]} {
    %get3A = arith.constant 0 : index
    %get3A_0 = arith.constant 0 : index
    %get3A_1 = arith.constant 0 : index
    %get3A_2 = vector.load %arg1[%get3A, %get3A_0, %get3A_1] : memref<2x512x1024xf32, #tpu.memory_space<vmem>>, vector<1x512x1024xf32>
    %get3A_3 = vector.shape_cast %get3A_2 : vector<1x512x1024xf32> to vector<512x1024xf32>
    %get3A_4 = arith.constant 0 : index
    %get3A_5 = arith.constant 0 : index
    %get3A_6 = vector.load %arg4[%get3A_4, %get3A_5] : memref<1024x1024xf32, #tpu.memory_space<vmem>>, vector<1024x1024xf32>
    %dot_general3A = arith.constant dense<0.000000e+00> : vector<512x1024xf32>
    %dot_general3A_7 = tpu.matmul %get3A_3, %get3A_6, %dot_general3A {dimension_numbers = #tpu.dot_dimension_numbers<[1], [1], [0], [0], [0, 0, 1, 0], [], []>, transpose_lhs_hint = false} : vector<512x1024xf32>, vector<1024x1024xf32>, vector<512x1024xf32> -> vector<512x1024xf32>
    %get3A_8 = arith.constant 0 : index
    %get3A_9 = vector.load %arg5[%get3A_8] : memref<1024xf32, #tpu.memory_space<vmem>>, vector<1024xf32>
    %broadcast_in_dim3A = vector.shape_cast %get3A_9 : vector<1024xf32> to vector<1x1024xf32>
    %add3A = vector.broadcast %broadcast_in_dim3A : vector<1x1024xf32> to vector<512x1024xf32>
    %add3A_10 = arith.addf %dot_general3A_7, %add3A : vector<512x1024xf32>
    %get3A_11 = arith.constant 0 : index
    %get3A_12 = arith.constant 0 : index
    %get3A_13 = arith.constant 0 : index
    %get3A_14 = vector.load %arg2[%get3A_11, %get3A_12, %get3A_13] : memref<2x16x1024xf32, #tpu.memory_space<vmem>>, vector<1x16x1024xf32>
    %get3A_15 = vector.shape_cast %get3A_14 : vector<1x16x1024xf32> to vector<16x1024xf32>
    %get3A_16 = arith.constant 0 : index
    %get3A_17 = arith.constant 0 : index
    %get3A_18 = arith.constant 0 : index
    %get3A_19 = vector.load %arg3[%get3A_16, %get3A_17, %get3A_18] : memref<2x16x1024xf32, #tpu.memory_space<vmem>>, vector<1x16x1024xf32>
    %get3A_20 = vector.shape_cast %get3A_19 : vector<1x16x1024xf32> to vector<16x1024xf32>
    %slice3A = vector.extract_strided_slice %get3A_15 {offsets = [0, 0], sizes = [16, 64], strides = [1, 1]} : vector<16x1024xf32> to vector<16x64xf32>
    %slice3A_21 = vector.extract_strided_slice %add3A_10 {offsets = [0, 0], sizes = [512, 64], strides = [1, 1]} : vector<512x1024xf32> to vector<512x64xf32>
    %dot_general3A_22 = arith.constant dense<0.000000e+00> : vector<16x512xf32>
    %dot_general3A_23 = tpu.matmul %slice3A, %slice3A_21, %dot_general3A_22 {dimension_numbers = #tpu.dot_dimension_numbers<[1], [1], [0], [0], [0, 0, 1, 0], [], []>, transpose_lhs_hint = false} : vector<16x64xf32>, vector<512x64xf32>, vector<16x512xf32> -> vector<16x512xf32>
    %mul3A = arith.constant 1.250000e-01 : f32
    %mul3A_24 = vector.broadcast %mul3A : f32 to vector<16x512xf32>
    %mul3A_25 = arith.mulf %dot_general3A_23, %mul3A_24 : vector<16x512xf32>
    %reduce_max3A = arith.constant dense<0xFF800000> : vector<512xf32>
    %reduce_max3A_26 = vector.multi_reduction <maximumf>, %mul3A_25, %reduce_max3A [0] : vector<16x512xf32> to vector<512xf32>
    %broadcast_in_dim3A_27 = vector.shape_cast %reduce_max3A_26 : vector<512xf32> to vector<1x512xf32>
    %sub3A = vector.broadcast %broadcast_in_dim3A_27 : vector<1x512xf32> to vector<16x512xf32>
    %sub3A_28 = arith.subf %mul3A_25, %sub3A : vector<16x512xf32>
    %exp3A = math.exp %sub3A_28 : vector<16x512xf32>
    %reduce_sum3A = arith.constant dense<0.000000e+00> : vector<512xf32>
    %reduce_sum3A_29 = vector.multi_reduction <add>, %exp3A, %reduce_sum3A [0] : vector<16x512xf32> to vector<512xf32>
    %broadcast_in_dim3A_30 = vector.shape_cast %reduce_sum3A_29 : vector<512xf32> to vector<1x512xf32>
    %div3A = vector.broadcast %broadcast_in_dim3A_30 : vector<1x512xf32> to vector<16x512xf32>
    %div3A_31 = arith.divf %exp3A, %div3A : vector<16x512xf32>
    %slice3A_32 = vector.extract_strided_slice %get3A_20 {offsets = [0, 0], sizes = [16, 64], strides = [1, 1]} : vector<16x1024xf32> to vector<16x64xf32>
    %dot_general3A_33 = arith.constant dense<0.000000e+00> : vector<512x64xf32>
    %dot_general3A_34 = tpu.matmul %div3A_31, %slice3A_32, %dot_general3A_33 {dimension_numbers = #tpu.dot_dimension_numbers<[0], [0], [1], [1], [0, 1, 1, 1], [], []>, transpose_lhs_hint = false} : vector<16x512xf32>, vector<16x64xf32>, vector<512x64xf32> -> vector<512x64xf32>
    %slice3A_35 = vector.extract_strided_slice %get3A_15 {offsets = [0, 64], sizes = [16, 64], strides = [1, 1]} : vector<16x1024xf32> to vector<16x64xf32>
    %slice3A_36 = vector.extract_strided_slice %add3A_10 {offsets = [0, 64], sizes = [512, 64], strides = [1, 1]} : vector<512x1024xf32> to vector<512x64xf32>
    %dot_general3A_37 = arith.constant dense<0.000000e+00> : vector<16x512xf32>
    %dot_general3A_38 = tpu.matmul %slice3A_35, %slice3A_36, %dot_general3A_37 {dimension_numbers = #tpu.dot_dimension_numbers<[1], [1], [0], [0], [0, 0, 1, 0], [], []>, transpose_lhs_hint = false} : vector<16x64xf32>, vector<512x64xf32>, vector<16x512xf32> -> vector<16x512xf32>
    %mul3A_39 = arith.constant 1.250000e-01 : f32
    %mul3A_40 = vector.broadcast %mul3A_39 : f32 to vector<16x512xf32>
    %mul3A_41 = arith.mulf %dot_general3A_38, %mul3A_40 : vector<16x512xf32>
    %reduce_max3A_42 = arith.constant dense<0xFF800000> : vector<512xf32>
    %reduce_max3A_43 = vector.multi_reduction <maximumf>, %mul3A_41, %reduce_max3A_42 [0] : vector<16x512xf32> to vector<512xf32>
    %broadcast_in_dim3A_44 = vector.shape_cast %reduce_max3A_43 : vector<512xf32> to vector<1x512xf32>
    %sub3A_45 = vector.broadcast %broadcast_in_dim3A_44 : vector<1x512xf32> to vector<16x512xf32>
    %sub3A_46 = arith.subf %mul3A_41, %sub3A_45 : vector<16x512xf32>
    %exp3A_47 = math.exp %sub3A_46 : vector<16x512xf32>
    %reduce_sum3A_48 = arith.constant dense<0.000000e+00> : vector<512xf32>
    %reduce_sum3A_49 = vector.multi_reduction <add>, %exp3A_47, %reduce_sum3A_48 [0] : vector<16x512xf32> to vector<512xf32>
    %broadcast_in_dim3A_50 = vector.shape_cast %reduce_sum3A_49 : vector<512xf32> to vector<1x512xf32>
    %div3A_51 = vector.broadcast %broadcast_in_dim3A_50 : vector<1x512xf32> to vector<16x512xf32>
    %div3A_52 = arith.divf %exp3A_47, %div3A_51 : vector<16x512xf32>
    %slice3A_53 = vector.extract_strided_slice %get3A_20 {offsets = [0, 64], sizes = [16, 64], strides = [1, 1]} : vector<16x1024xf32> to vector<16x64xf32>
    %dot_general3A_54 = arith.constant dense<0.000000e+00> : vector<512x64xf32>
    %dot_general3A_55 = tpu.matmul %div3A_52, %slice3A_53, %dot_general3A_54 {dimension_numbers = #tpu.dot_dimension_numbers<[0], [0], [1], [1], [0, 1, 1, 1], [], []>, transpose_lhs_hint = false} : vector<16x512xf32>, vector<16x64xf32>, vector<512x64xf32> -> vector<512x64xf32>
    %slice3A_56 = vector.extract_strided_slice %get3A_15 {offsets = [0, 128], sizes = [16, 64], strides = [1, 1]} : vector<16x1024xf32> to vector<16x64xf32>
    %slice3A_57 = vector.extract_strided_slice %add3A_10 {offsets = [0, 128], sizes = [512, 64], strides = [1, 1]} : vector<512x1024xf32> to vector<512x64xf32>
    %dot_general3A_58 = arith.constant dense<0.000000e+00> : vector<16x512xf32>
    %dot_general3A_59 = tpu.matmul %slice3A_56, %slice3A_57, %dot_general3A_58 {dimension_numbers = #tpu.dot_dimension_numbers<[1], [1], [0], [0], [0, 0, 1, 0], [], []>, transpose_lhs_hint = false} : vector<16x64xf32>, vector<512x64xf32>, vector<16x512xf32> -> vector<16x512xf32>
    %mul3A_60 = arith.constant 1.250000e-01 : f32
    %mul3A_61 = vector.broadcast %mul3A_60 : f32 to vector<16x512xf32>
    %mul3A_62 = arith.mulf %dot_general3A_59, %mul3A_61 : vector<16x512xf32>
    %reduce_max3A_63 = arith.constant dense<0xFF800000> : vector<512xf32>
    %reduce_max3A_64 = vector.multi_reduction <maximumf>, %mul3A_62, %reduce_max3A_63 [0] : vector<16x512xf32> to vector<512xf32>
    %broadcast_in_dim3A_65 = vector.shape_cast %reduce_max3A_64 : vector<512xf32> to vector<1x512xf32>
    %sub3A_66 = vector.broadcast %broadcast_in_dim3A_65 : vector<1x512xf32> to vector<16x512xf32>
    %sub3A_67 = arith.subf %mul3A_62, %sub3A_66 : vector<16x512xf32>
    %exp3A_68 = math.exp %sub3A_67 : vector<16x512xf32>
    %reduce_sum3A_69 = arith.constant dense<0.000000e+00> : vector<512xf32>
    %reduce_sum3A_70 = vector.multi_reduction <add>, %exp3A_68, %reduce_sum3A_69 [0] : vector<16x512xf32> to vector<512xf32>
    %broadcast_in_dim3A_71 = vector.shape_cast %reduce_sum3A_70 : vector<512xf32> to vector<1x512xf32>
    %div3A_72 = vector.broadcast %broadcast_in_dim3A_71 : vector<1x512xf32> to vector<16x512xf32>
    %div3A_73 = arith.divf %exp3A_68, %div3A_72 : vector<16x512xf32>
    %slice3A_74 = vector.extract_strided_slice %get3A_20 {offsets = [0, 128], sizes = [16, 64], strides = [1, 1]} : vector<16x1024xf32> to vector<16x64xf32>
    %dot_general3A_75 = arith.constant dense<0.000000e+00> : vector<512x64xf32>
    %dot_general3A_76 = tpu.matmul %div3A_73, %slice3A_74, %dot_general3A_75 {dimension_numbers = #tpu.dot_dimension_numbers<[0], [0], [1], [1], [0, 1, 1, 1], [], []>, transpose_lhs_hint = false} : vector<16x512xf32>, vector<16x64xf32>, vector<512x64xf32> -> vector<512x64xf32>
    %slice3A_77 = vector.extract_strided_slice %get3A_15 {offsets = [0, 192], sizes = [16, 64], strides = [1, 1]} : vector<16x1024xf32> to vector<16x64xf32>
    %slice3A_78 = vector.extract_strided_slice %add3A_10 {offsets = [0, 192], sizes = [512, 64], strides = [1, 1]} : vector<512x1024xf32> to vector<512x64xf32>
    %dot_general3A_79 = arith.constant dense<0.000000e+00> : vector<16x512xf32>
    %dot_general3A_80 = tpu.matmul %slice3A_77, %slice3A_78, %dot_general3A_79 {dimension_numbers = #tpu.dot_dimension_numbers<[1], [1], [0], [0], [0, 0, 1, 0], [], []>, transpose_lhs_hint = false} : vector<16x64xf32>, vector<512x64xf32>, vector<16x512xf32> -> vector<16x512xf32>
    %mul3A_81 = arith.constant 1.250000e-01 : f32
    %mul3A_82 = vector.broadcast %mul3A_81 : f32 to vector<16x512xf32>
    %mul3A_83 = arith.mulf %dot_general3A_80, %mul3A_82 : vector<16x512xf32>
    %reduce_max3A_84 = arith.constant dense<0xFF800000> : vector<512xf32>
    %reduce_max3A_85 = vector.multi_reduction <maximumf>, %mul3A_83, %reduce_max3A_84 [0] : vector<16x512xf32> to vector<512xf32>
    %broadcast_in_dim3A_86 = vector.shape_cast %reduce_max3A_85 : vector<512xf32> to vector<1x512xf32>
    %sub3A_87 = vector.broadcast %broadcast_in_dim3A_86 : vector<1x512xf32> to vector<16x512xf32>
    %sub3A_88 = arith.subf %mul3A_83, %sub3A_87 : vector<16x512xf32>
    %exp3A_89 = math.exp %sub3A_88 : vector<16x512xf32>
    %reduce_sum3A_90 = arith.constant dense<0.000000e+00> : vector<512xf32>
    %reduce_sum3A_91 = vector.multi_reduction <add>, %exp3A_89, %reduce_sum3A_90 [0] : vector<16x512xf32> to vector<512xf32>
    %broadcast_in_dim3A_92 = vector.shape_cast %reduce_sum3A_91 : vector<512xf32> to vector<1x512xf32>
    %div3A_93 = vector.broadcast %broadcast_in_dim3A_92 : vector<1x512xf32> to vector<16x512xf32>
    %div3A_94 = arith.divf %exp3A_89, %div3A_93 : vector<16x512xf32>
    %slice3A_95 = vector.extract_strided_slice %get3A_20 {offsets = [0, 192], sizes = [16, 64], strides = [1, 1]} : vector<16x1024xf32> to vector<16x64xf32>
    %dot_general3A_96 = arith.constant dense<0.000000e+00> : vector<512x64xf32>
    %dot_general3A_97 = tpu.matmul %div3A_94, %slice3A_95, %dot_general3A_96 {dimension_numbers = #tpu.dot_dimension_numbers<[0], [0], [1], [1], [0, 1, 1, 1], [], []>, transpose_lhs_hint = false} : vector<16x512xf32>, vector<16x64xf32>, vector<512x64xf32> -> vector<512x64xf32>
    %slice3A_98 = vector.extract_strided_slice %get3A_15 {offsets = [0, 256], sizes = [16, 64], strides = [1, 1]} : vector<16x1024xf32> to vector<16x64xf32>
    %slice3A_99 = vector.extract_strided_slice %add3A_10 {offsets = [0, 256], sizes = [512, 64], strides = [1, 1]} : vector<512x1024xf32> to vector<512x64xf32>
    %dot_general3A_100 = arith.constant dense<0.000000e+00> : vector<16x512xf32>
    %dot_general3A_101 = tpu.matmul %slice3A_98, %slice3A_99, %dot_general3A_100 {dimension_numbers = #tpu.dot_dimension_numbers<[1], [1], [0], [0], [0, 0, 1, 0], [], []>, transpose_lhs_hint = false} : vector<16x64xf32>, vector<512x64xf32>, vector<16x512xf32> -> vector<16x512xf32>
    %mul3A_102 = arith.constant 1.250000e-01 : f32
    %mul3A_103 = vector.broadcast %mul3A_102 : f32 to vector<16x512xf32>
    %mul3A_104 = arith.mulf %dot_general3A_101, %mul3A_103 : vector<16x512xf32>
    %reduce_max3A_105 = arith.constant dense<0xFF800000> : vector<512xf32>
    %reduce_max3A_106 = vector.multi_reduction <maximumf>, %mul3A_104, %reduce_max3A_105 [0] : vector<16x512xf32> to vector<512xf32>
    %broadcast_in_dim3A_107 = vector.shape_cast %reduce_max3A_106 : vector<512xf32> to vector<1x512xf32>
    %sub3A_108 = vector.broadcast %broadcast_in_dim3A_107 : vector<1x512xf32> to vector<16x512xf32>
    %sub3A_109 = arith.subf %mul3A_104, %sub3A_108 : vector<16x512xf32>
    %exp3A_110 = math.exp %sub3A_109 : vector<16x512xf32>
    %reduce_sum3A_111 = arith.constant dense<0.000000e+00> : vector<512xf32>
    %reduce_sum3A_112 = vector.multi_reduction <add>, %exp3A_110, %reduce_sum3A_111 [0] : vector<16x512xf32> to vector<512xf32>
    %broadcast_in_dim3A_113 = vector.shape_cast %reduce_sum3A_112 : vector<512xf32> to vector<1x512xf32>
    %div3A_114 = vector.broadcast %broadcast_in_dim3A_113 : vector<1x512xf32> to vector<16x512xf32>
    %div3A_115 = arith.divf %exp3A_110, %div3A_114 : vector<16x512xf32>
    %slice3A_116 = vector.extract_strided_slice %get3A_20 {offsets = [0, 256], sizes = [16, 64], strides = [1, 1]} : vector<16x1024xf32> to vector<16x64xf32>
    %dot_general3A_117 = arith.constant dense<0.000000e+00> : vector<512x64xf32>
    %dot_general3A_118 = tpu.matmul %div3A_115, %slice3A_116, %dot_general3A_117 {dimension_numbers = #tpu.dot_dimension_numbers<[0], [0], [1], [1], [0, 1, 1, 1], [], []>, transpose_lhs_hint = false} : vector<16x512xf32>, vector<16x64xf32>, vector<512x64xf32> -> vector<512x64xf32>
    %slice3A_119 = vector.extract_strided_slice %get3A_15 {offsets = [0, 320], sizes = [16, 64], strides = [1, 1]} : vector<16x1024xf32> to vector<16x64xf32>
    %slice3A_120 = vector.extract_strided_slice %add3A_10 {offsets = [0, 320], sizes = [512, 64], strides = [1, 1]} : vector<512x1024xf32> to vector<512x64xf32>
    %dot_general3A_121 = arith.constant dense<0.000000e+00> : vector<16x512xf32>
    %dot_general3A_122 = tpu.matmul %slice3A_119, %slice3A_120, %dot_general3A_121 {dimension_numbers = #tpu.dot_dimension_numbers<[1], [1], [0], [0], [0, 0, 1, 0], [], []>, transpose_lhs_hint = false} : vector<16x64xf32>, vector<512x64xf32>, vector<16x512xf32> -> vector<16x512xf32>
    %mul3A_123 = arith.constant 1.250000e-01 : f32
    %mul3A_124 = vector.broadcast %mul3A_123 : f32 to vector<16x512xf32>
    %mul3A_125 = arith.mulf %dot_general3A_122, %mul3A_124 : vector<16x512xf32>
    %reduce_max3A_126 = arith.constant dense<0xFF800000> : vector<512xf32>
    %reduce_max3A_127 = vector.multi_reduction <maximumf>, %mul3A_125, %reduce_max3A_126 [0] : vector<16x512xf32> to vector<512xf32>
    %broadcast_in_dim3A_128 = vector.shape_cast %reduce_max3A_127 : vector<512xf32> to vector<1x512xf32>
    %sub3A_129 = vector.broadcast %broadcast_in_dim3A_128 : vector<1x512xf32> to vector<16x512xf32>
    %sub3A_130 = arith.subf %mul3A_125, %sub3A_129 : vector<16x512xf32>
    %exp3A_131 = math.exp %sub3A_130 : vector<16x512xf32>
    %reduce_sum3A_132 = arith.constant dense<0.000000e+00> : vector<512xf32>
    %reduce_sum3A_133 = vector.multi_reduction <add>, %exp3A_131, %reduce_sum3A_132 [0] : vector<16x512xf32> to vector<512xf32>
    %broadcast_in_dim3A_134 = vector.shape_cast %reduce_sum3A_133 : vector<512xf32> to vector<1x512xf32>
    %div3A_135 = vector.broadcast %broadcast_in_dim3A_134 : vector<1x512xf32> to vector<16x512xf32>
    %div3A_136 = arith.divf %exp3A_131, %div3A_135 : vector<16x512xf32>
    %slice3A_137 = vector.extract_strided_slice %get3A_20 {offsets = [0, 320], sizes = [16, 64], strides = [1, 1]} : vector<16x1024xf32> to vector<16x64xf32>
    %dot_general3A_138 = arith.constant dense<0.000000e+00> : vector<512x64xf32>
    %dot_general3A_139 = tpu.matmul %div3A_136, %slice3A_137, %dot_general3A_138 {dimension_numbers = #tpu.dot_dimension_numbers<[0], [0], [1], [1], [0, 1, 1, 1], [], []>, transpose_lhs_hint = false} : vector<16x512xf32>, vector<16x64xf32>, vector<512x64xf32> -> vector<512x64xf32>
    %slice3A_140 = vector.extract_strided_slice %get3A_15 {offsets = [0, 384], sizes = [16, 64], strides = [1, 1]} : vector<16x1024xf32> to vector<16x64xf32>
    %slice3A_141 = vector.extract_strided_slice %add3A_10 {offsets = [0, 384], sizes = [512, 64], strides = [1, 1]} : vector<512x1024xf32> to vector<512x64xf32>
    %dot_general3A_142 = arith.constant dense<0.000000e+00> : vector<16x512xf32>
    %dot_general3A_143 = tpu.matmul %slice3A_140, %slice3A_141, %dot_general3A_142 {dimension_numbers = #tpu.dot_dimension_numbers<[1], [1], [0], [0], [0, 0, 1, 0], [], []>, transpose_lhs_hint = false} : vector<16x64xf32>, vector<512x64xf32>, vector<16x512xf32> -> vector<16x512xf32>
    %mul3A_144 = arith.constant 1.250000e-01 : f32
    %mul3A_145 = vector.broadcast %mul3A_144 : f32 to vector<16x512xf32>
    %mul3A_146 = arith.mulf %dot_general3A_143, %mul3A_145 : vector<16x512xf32>
    %reduce_max3A_147 = arith.constant dense<0xFF800000> : vector<512xf32>
    %reduce_max3A_148 = vector.multi_reduction <maximumf>, %mul3A_146, %reduce_max3A_147 [0] : vector<16x512xf32> to vector<512xf32>
    %broadcast_in_dim3A_149 = vector.shape_cast %reduce_max3A_148 : vector<512xf32> to vector<1x512xf32>
    %sub3A_150 = vector.broadcast %broadcast_in_dim3A_149 : vector<1x512xf32> to vector<16x512xf32>
    %sub3A_151 = arith.subf %mul3A_146, %sub3A_150 : vector<16x512xf32>
    %exp3A_152 = math.exp %sub3A_151 : vector<16x512xf32>
    %reduce_sum3A_153 = arith.constant dense<0.000000e+00> : vector<512xf32>
    %reduce_sum3A_154 = vector.multi_reduction <add>, %exp3A_152, %reduce_sum3A_153 [0] : vector<16x512xf32> to vector<512xf32>
    %broadcast_in_dim3A_155 = vector.shape_cast %reduce_sum3A_154 : vector<512xf32> to vector<1x512xf32>
    %div3A_156 = vector.broadcast %broadcast_in_dim3A_155 : vector<1x512xf32> to vector<16x512xf32>
    %div3A_157 = arith.divf %exp3A_152, %div3A_156 : vector<16x512xf32>
    %slice3A_158 = vector.extract_strided_slice %get3A_20 {offsets = [0, 384], sizes = [16, 64], strides = [1, 1]} : vector<16x1024xf32> to vector<16x64xf32>
    %dot_general3A_159 = arith.constant dense<0.000000e+00> : vector<512x64xf32>
    %dot_general3A_160 = tpu.matmul %div3A_157, %slice3A_158, %dot_general3A_159 {dimension_numbers = #tpu.dot_dimension_numbers<[0], [0], [1], [1], [0, 1, 1, 1], [], []>, transpose_lhs_hint = false} : vector<16x512xf32>, vector<16x64xf32>, vector<512x64xf32> -> vector<512x64xf32>
    %slice3A_161 = vector.extract_strided_slice %get3A_15 {offsets = [0, 448], sizes = [16, 64], strides = [1, 1]} : vector<16x1024xf32> to vector<16x64xf32>
    %slice3A_162 = vector.extract_strided_slice %add3A_10 {offsets = [0, 448], sizes = [512, 64], strides = [1, 1]} : vector<512x1024xf32> to vector<512x64xf32>
    %dot_general3A_163 = arith.constant dense<0.000000e+00> : vector<16x512xf32>
    %dot_general3A_164 = tpu.matmul %slice3A_161, %slice3A_162, %dot_general3A_163 {dimension_numbers = #tpu.dot_dimension_numbers<[1], [1], [0], [0], [0, 0, 1, 0], [], []>, transpose_lhs_hint = false} : vector<16x64xf32>, vector<512x64xf32>, vector<16x512xf32> -> vector<16x512xf32>
    %mul3A_165 = arith.constant 1.250000e-01 : f32
    %mul3A_166 = vector.broadcast %mul3A_165 : f32 to vector<16x512xf32>
    %mul3A_167 = arith.mulf %dot_general3A_164, %mul3A_166 : vector<16x512xf32>
    %reduce_max3A_168 = arith.constant dense<0xFF800000> : vector<512xf32>
    %reduce_max3A_169 = vector.multi_reduction <maximumf>, %mul3A_167, %reduce_max3A_168 [0] : vector<16x512xf32> to vector<512xf32>
    %broadcast_in_dim3A_170 = vector.shape_cast %reduce_max3A_169 : vector<512xf32> to vector<1x512xf32>
    %sub3A_171 = vector.broadcast %broadcast_in_dim3A_170 : vector<1x512xf32> to vector<16x512xf32>
    %sub3A_172 = arith.subf %mul3A_167, %sub3A_171 : vector<16x512xf32>
    %exp3A_173 = math.exp %sub3A_172 : vector<16x512xf32>
    %reduce_sum3A_174 = arith.constant dense<0.000000e+00> : vector<512xf32>
    %reduce_sum3A_175 = vector.multi_reduction <add>, %exp3A_173, %reduce_sum3A_174 [0] : vector<16x512xf32> to vector<512xf32>
    %broadcast_in_dim3A_176 = vector.shape_cast %reduce_sum3A_175 : vector<512xf32> to vector<1x512xf32>
    %div3A_177 = vector.broadcast %broadcast_in_dim3A_176 : vector<1x512xf32> to vector<16x512xf32>
    %div3A_178 = arith.divf %exp3A_173, %div3A_177 : vector<16x512xf32>
    %slice3A_179 = vector.extract_strided_slice %get3A_20 {offsets = [0, 448], sizes = [16, 64], strides = [1, 1]} : vector<16x1024xf32> to vector<16x64xf32>
    %dot_general3A_180 = arith.constant dense<0.000000e+00> : vector<512x64xf32>
    %dot_general3A_181 = tpu.matmul %div3A_178, %slice3A_179, %dot_general3A_180 {dimension_numbers = #tpu.dot_dimension_numbers<[0], [0], [1], [1], [0, 1, 1, 1], [], []>, transpose_lhs_hint = false} : vector<16x512xf32>, vector<16x64xf32>, vector<512x64xf32> -> vector<512x64xf32>
    %slice3A_182 = vector.extract_strided_slice %get3A_15 {offsets = [0, 512], sizes = [16, 64], strides = [1, 1]} : vector<16x1024xf32> to vector<16x64xf32>
    %slice3A_183 = vector.extract_strided_slice %add3A_10 {offsets = [0, 512], sizes = [512, 64], strides = [1, 1]} : vector<512x1024xf32> to vector<512x64xf32>
    %dot_general3A_184 = arith.constant dense<0.000000e+00> : vector<16x512xf32>
    %dot_general3A_185 = tpu.matmul %slice3A_182, %slice3A_183, %dot_general3A_184 {dimension_numbers = #tpu.dot_dimension_numbers<[1], [1], [0], [0], [0, 0, 1, 0], [], []>, transpose_lhs_hint = false} : vector<16x64xf32>, vector<512x64xf32>, vector<16x512xf32> -> vector<16x512xf32>
    %mul3A_186 = arith.constant 1.250000e-01 : f32
    %mul3A_187 = vector.broadcast %mul3A_186 : f32 to vector<16x512xf32>
    %mul3A_188 = arith.mulf %dot_general3A_185, %mul3A_187 : vector<16x512xf32>
    %reduce_max3A_189 = arith.constant dense<0xFF800000> : vector<512xf32>
    %reduce_max3A_190 = vector.multi_reduction <maximumf>, %mul3A_188, %reduce_max3A_189 [0] : vector<16x512xf32> to vector<512xf32>
    %broadcast_in_dim3A_191 = vector.shape_cast %reduce_max3A_190 : vector<512xf32> to vector<1x512xf32>
    %sub3A_192 = vector.broadcast %broadcast_in_dim3A_191 : vector<1x512xf32> to vector<16x512xf32>
    %sub3A_193 = arith.subf %mul3A_188, %sub3A_192 : vector<16x512xf32>
    %exp3A_194 = math.exp %sub3A_193 : vector<16x512xf32>
    %reduce_sum3A_195 = arith.constant dense<0.000000e+00> : vector<512xf32>
    %reduce_sum3A_196 = vector.multi_reduction <add>, %exp3A_194, %reduce_sum3A_195 [0] : vector<16x512xf32> to vector<512xf32>
    %broadcast_in_dim3A_197 = vector.shape_cast %reduce_sum3A_196 : vector<512xf32> to vector<1x512xf32>
    %div3A_198 = vector.broadcast %broadcast_in_dim3A_197 : vector<1x512xf32> to vector<16x512xf32>
    %div3A_199 = arith.divf %exp3A_194, %div3A_198 : vector<16x512xf32>
    %slice3A_200 = vector.extract_strided_slice %get3A_20 {offsets = [0, 512], sizes = [16, 64], strides = [1, 1]} : vector<16x1024xf32> to vector<16x64xf32>
    %dot_general3A_201 = arith.constant dense<0.000000e+00> : vector<512x64xf32>
    %dot_general3A_202 = tpu.matmul %div3A_199, %slice3A_200, %dot_general3A_201 {dimension_numbers = #tpu.dot_dimension_numbers<[0], [0], [1], [1], [0, 1, 1, 1], [], []>, transpose_lhs_hint = false} : vector<16x512xf32>, vector<16x64xf32>, vector<512x64xf32> -> vector<512x64xf32>
    %slice3A_203 = vector.extract_strided_slice %get3A_15 {offsets = [0, 576], sizes = [16, 64], strides = [1, 1]} : vector<16x1024xf32> to vector<16x64xf32>
    %slice3A_204 = vector.extract_strided_slice %add3A_10 {offsets = [0, 576], sizes = [512, 64], strides = [1, 1]} : vector<512x1024xf32> to vector<512x64xf32>
    %dot_general3A_205 = arith.constant dense<0.000000e+00> : vector<16x512xf32>
    %dot_general3A_206 = tpu.matmul %slice3A_203, %slice3A_204, %dot_general3A_205 {dimension_numbers = #tpu.dot_dimension_numbers<[1], [1], [0], [0], [0, 0, 1, 0], [], []>, transpose_lhs_hint = false} : vector<16x64xf32>, vector<512x64xf32>, vector<16x512xf32> -> vector<16x512xf32>
    %mul3A_207 = arith.constant 1.250000e-01 : f32
    %mul3A_208 = vector.broadcast %mul3A_207 : f32 to vector<16x512xf32>
    %mul3A_209 = arith.mulf %dot_general3A_206, %mul3A_208 : vector<16x512xf32>
    %reduce_max3A_210 = arith.constant dense<0xFF800000> : vector<512xf32>
    %reduce_max3A_211 = vector.multi_reduction <maximumf>, %mul3A_209, %reduce_max3A_210 [0] : vector<16x512xf32> to vector<512xf32>
    %broadcast_in_dim3A_212 = vector.shape_cast %reduce_max3A_211 : vector<512xf32> to vector<1x512xf32>
    %sub3A_213 = vector.broadcast %broadcast_in_dim3A_212 : vector<1x512xf32> to vector<16x512xf32>
    %sub3A_214 = arith.subf %mul3A_209, %sub3A_213 : vector<16x512xf32>
    %exp3A_215 = math.exp %sub3A_214 : vector<16x512xf32>
    %reduce_sum3A_216 = arith.constant dense<0.000000e+00> : vector<512xf32>
    %reduce_sum3A_217 = vector.multi_reduction <add>, %exp3A_215, %reduce_sum3A_216 [0] : vector<16x512xf32> to vector<512xf32>
    %broadcast_in_dim3A_218 = vector.shape_cast %reduce_sum3A_217 : vector<512xf32> to vector<1x512xf32>
    %div3A_219 = vector.broadcast %broadcast_in_dim3A_218 : vector<1x512xf32> to vector<16x512xf32>
    %div3A_220 = arith.divf %exp3A_215, %div3A_219 : vector<16x512xf32>
    %slice3A_221 = vector.extract_strided_slice %get3A_20 {offsets = [0, 576], sizes = [16, 64], strides = [1, 1]} : vector<16x1024xf32> to vector<16x64xf32>
    %dot_general3A_222 = arith.constant dense<0.000000e+00> : vector<512x64xf32>
    %dot_general3A_223 = tpu.matmul %div3A_220, %slice3A_221, %dot_general3A_222 {dimension_numbers = #tpu.dot_dimension_numbers<[0], [0], [1], [1], [0, 1, 1, 1], [], []>, transpose_lhs_hint = false} : vector<16x512xf32>, vector<16x64xf32>, vector<512x64xf32> -> vector<512x64xf32>
    %slice3A_224 = vector.extract_strided_slice %get3A_15 {offsets = [0, 640], sizes = [16, 64], strides = [1, 1]} : vector<16x1024xf32> to vector<16x64xf32>
    %slice3A_225 = vector.extract_strided_slice %add3A_10 {offsets = [0, 640], sizes = [512, 64], strides = [1, 1]} : vector<512x1024xf32> to vector<512x64xf32>
    %dot_general3A_226 = arith.constant dense<0.000000e+00> : vector<16x512xf32>
    %dot_general3A_227 = tpu.matmul %slice3A_224, %slice3A_225, %dot_general3A_226 {dimension_numbers = #tpu.dot_dimension_numbers<[1], [1], [0], [0], [0, 0, 1, 0], [], []>, transpose_lhs_hint = false} : vector<16x64xf32>, vector<512x64xf32>, vector<16x512xf32> -> vector<16x512xf32>
    %mul3A_228 = arith.constant 1.250000e-01 : f32
    %mul3A_229 = vector.broadcast %mul3A_228 : f32 to vector<16x512xf32>
    %mul3A_230 = arith.mulf %dot_general3A_227, %mul3A_229 : vector<16x512xf32>
    %reduce_max3A_231 = arith.constant dense<0xFF800000> : vector<512xf32>
    %reduce_max3A_232 = vector.multi_reduction <maximumf>, %mul3A_230, %reduce_max3A_231 [0] : vector<16x512xf32> to vector<512xf32>
    %broadcast_in_dim3A_233 = vector.shape_cast %reduce_max3A_232 : vector<512xf32> to vector<1x512xf32>
    %sub3A_234 = vector.broadcast %broadcast_in_dim3A_233 : vector<1x512xf32> to vector<16x512xf32>
    %sub3A_235 = arith.subf %mul3A_230, %sub3A_234 : vector<16x512xf32>
    %exp3A_236 = math.exp %sub3A_235 : vector<16x512xf32>
    %reduce_sum3A_237 = arith.constant dense<0.000000e+00> : vector<512xf32>
    %reduce_sum3A_238 = vector.multi_reduction <add>, %exp3A_236, %reduce_sum3A_237 [0] : vector<16x512xf32> to vector<512xf32>
    %broadcast_in_dim3A_239 = vector.shape_cast %reduce_sum3A_238 : vector<512xf32> to vector<1x512xf32>
    %div3A_240 = vector.broadcast %broadcast_in_dim3A_239 : vector<1x512xf32> to vector<16x512xf32>
    %div3A_241 = arith.divf %exp3A_236, %div3A_240 : vector<16x512xf32>
    %slice3A_242 = vector.extract_strided_slice %get3A_20 {offsets = [0, 640], sizes = [16, 64], strides = [1, 1]} : vector<16x1024xf32> to vector<16x64xf32>
    %dot_general3A_243 = arith.constant dense<0.000000e+00> : vector<512x64xf32>
    %dot_general3A_244 = tpu.matmul %div3A_241, %slice3A_242, %dot_general3A_243 {dimension_numbers = #tpu.dot_dimension_numbers<[0], [0], [1], [1], [0, 1, 1, 1], [], []>, transpose_lhs_hint = false} : vector<16x512xf32>, vector<16x64xf32>, vector<512x64xf32> -> vector<512x64xf32>
    %slice3A_245 = vector.extract_strided_slice %get3A_15 {offsets = [0, 704], sizes = [16, 64], strides = [1, 1]} : vector<16x1024xf32> to vector<16x64xf32>
    %slice3A_246 = vector.extract_strided_slice %add3A_10 {offsets = [0, 704], sizes = [512, 64], strides = [1, 1]} : vector<512x1024xf32> to vector<512x64xf32>
    %dot_general3A_247 = arith.constant dense<0.000000e+00> : vector<16x512xf32>
    %dot_general3A_248 = tpu.matmul %slice3A_245, %slice3A_246, %dot_general3A_247 {dimension_numbers = #tpu.dot_dimension_numbers<[1], [1], [0], [0], [0, 0, 1, 0], [], []>, transpose_lhs_hint = false} : vector<16x64xf32>, vector<512x64xf32>, vector<16x512xf32> -> vector<16x512xf32>
    %mul3A_249 = arith.constant 1.250000e-01 : f32
    %mul3A_250 = vector.broadcast %mul3A_249 : f32 to vector<16x512xf32>
    %mul3A_251 = arith.mulf %dot_general3A_248, %mul3A_250 : vector<16x512xf32>
    %reduce_max3A_252 = arith.constant dense<0xFF800000> : vector<512xf32>
    %reduce_max3A_253 = vector.multi_reduction <maximumf>, %mul3A_251, %reduce_max3A_252 [0] : vector<16x512xf32> to vector<512xf32>
    %broadcast_in_dim3A_254 = vector.shape_cast %reduce_max3A_253 : vector<512xf32> to vector<1x512xf32>
    %sub3A_255 = vector.broadcast %broadcast_in_dim3A_254 : vector<1x512xf32> to vector<16x512xf32>
    %sub3A_256 = arith.subf %mul3A_251, %sub3A_255 : vector<16x512xf32>
    %exp3A_257 = math.exp %sub3A_256 : vector<16x512xf32>
    %reduce_sum3A_258 = arith.constant dense<0.000000e+00> : vector<512xf32>
    %reduce_sum3A_259 = vector.multi_reduction <add>, %exp3A_257, %reduce_sum3A_258 [0] : vector<16x512xf32> to vector<512xf32>
    %broadcast_in_dim3A_260 = vector.shape_cast %reduce_sum3A_259 : vector<512xf32> to vector<1x512xf32>
    %div3A_261 = vector.broadcast %broadcast_in_dim3A_260 : vector<1x512xf32> to vector<16x512xf32>
    %div3A_262 = arith.divf %exp3A_257, %div3A_261 : vector<16x512xf32>
    %slice3A_263 = vector.extract_strided_slice %get3A_20 {offsets = [0, 704], sizes = [16, 64], strides = [1, 1]} : vector<16x1024xf32> to vector<16x64xf32>
    %dot_general3A_264 = arith.constant dense<0.000000e+00> : vector<512x64xf32>
    %dot_general3A_265 = tpu.matmul %div3A_262, %slice3A_263, %dot_general3A_264 {dimension_numbers = #tpu.dot_dimension_numbers<[0], [0], [1], [1], [0, 1, 1, 1], [], []>, transpose_lhs_hint = false} : vector<16x512xf32>, vector<16x64xf32>, vector<512x64xf32> -> vector<512x64xf32>
    %slice3A_266 = vector.extract_strided_slice %get3A_15 {offsets = [0, 768], sizes = [16, 64], strides = [1, 1]} : vector<16x1024xf32> to vector<16x64xf32>
    %slice3A_267 = vector.extract_strided_slice %add3A_10 {offsets = [0, 768], sizes = [512, 64], strides = [1, 1]} : vector<512x1024xf32> to vector<512x64xf32>
    %dot_general3A_268 = arith.constant dense<0.000000e+00> : vector<16x512xf32>
    %dot_general3A_269 = tpu.matmul %slice3A_266, %slice3A_267, %dot_general3A_268 {dimension_numbers = #tpu.dot_dimension_numbers<[1], [1], [0], [0], [0, 0, 1, 0], [], []>, transpose_lhs_hint = false} : vector<16x64xf32>, vector<512x64xf32>, vector<16x512xf32> -> vector<16x512xf32>
    %mul3A_270 = arith.constant 1.250000e-01 : f32
    %mul3A_271 = vector.broadcast %mul3A_270 : f32 to vector<16x512xf32>
    %mul3A_272 = arith.mulf %dot_general3A_269, %mul3A_271 : vector<16x512xf32>
    %reduce_max3A_273 = arith.constant dense<0xFF800000> : vector<512xf32>
    %reduce_max3A_274 = vector.multi_reduction <maximumf>, %mul3A_272, %reduce_max3A_273 [0] : vector<16x512xf32> to vector<512xf32>
    %broadcast_in_dim3A_275 = vector.shape_cast %reduce_max3A_274 : vector<512xf32> to vector<1x512xf32>
    %sub3A_276 = vector.broadcast %broadcast_in_dim3A_275 : vector<1x512xf32> to vector<16x512xf32>
    %sub3A_277 = arith.subf %mul3A_272, %sub3A_276 : vector<16x512xf32>
    %exp3A_278 = math.exp %sub3A_277 : vector<16x512xf32>
    %reduce_sum3A_279 = arith.constant dense<0.000000e+00> : vector<512xf32>
    %reduce_sum3A_280 = vector.multi_reduction <add>, %exp3A_278, %reduce_sum3A_279 [0] : vector<16x512xf32> to vector<512xf32>
    %broadcast_in_dim3A_281 = vector.shape_cast %reduce_sum3A_280 : vector<512xf32> to vector<1x512xf32>
    %div3A_282 = vector.broadcast %broadcast_in_dim3A_281 : vector<1x512xf32> to vector<16x512xf32>
    %div3A_283 = arith.divf %exp3A_278, %div3A_282 : vector<16x512xf32>
    %slice3A_284 = vector.extract_strided_slice %get3A_20 {offsets = [0, 768], sizes = [16, 64], strides = [1, 1]} : vector<16x1024xf32> to vector<16x64xf32>
    %dot_general3A_285 = arith.constant dense<0.000000e+00> : vector<512x64xf32>
    %dot_general3A_286 = tpu.matmul %div3A_283, %slice3A_284, %dot_general3A_285 {dimension_numbers = #tpu.dot_dimension_numbers<[0], [0], [1], [1], [0, 1, 1, 1], [], []>, transpose_lhs_hint = false} : vector<16x512xf32>, vector<16x64xf32>, vector<512x64xf32> -> vector<512x64xf32>
    %slice3A_287 = vector.extract_strided_slice %get3A_15 {offsets = [0, 832], sizes = [16, 64], strides = [1, 1]} : vector<16x1024xf32> to vector<16x64xf32>
    %slice3A_288 = vector.extract_strided_slice %add3A_10 {offsets = [0, 832], sizes = [512, 64], strides = [1, 1]} : vector<512x1024xf32> to vector<512x64xf32>
    %dot_general3A_289 = arith.constant dense<0.000000e+00> : vector<16x512xf32>
    %dot_general3A_290 = tpu.matmul %slice3A_287, %slice3A_288, %dot_general3A_289 {dimension_numbers = #tpu.dot_dimension_numbers<[1], [1], [0], [0], [0, 0, 1, 0], [], []>, transpose_lhs_hint = false} : vector<16x64xf32>, vector<512x64xf32>, vector<16x512xf32> -> vector<16x512xf32>
    %mul3A_291 = arith.constant 1.250000e-01 : f32
    %mul3A_292 = vector.broadcast %mul3A_291 : f32 to vector<16x512xf32>
    %mul3A_293 = arith.mulf %dot_general3A_290, %mul3A_292 : vector<16x512xf32>
    %reduce_max3A_294 = arith.constant dense<0xFF800000> : vector<512xf32>
    %reduce_max3A_295 = vector.multi_reduction <maximumf>, %mul3A_293, %reduce_max3A_294 [0] : vector<16x512xf32> to vector<512xf32>
    %broadcast_in_dim3A_296 = vector.shape_cast %reduce_max3A_295 : vector<512xf32> to vector<1x512xf32>
    %sub3A_297 = vector.broadcast %broadcast_in_dim3A_296 : vector<1x512xf32> to vector<16x512xf32>
    %sub3A_298 = arith.subf %mul3A_293, %sub3A_297 : vector<16x512xf32>
    %exp3A_299 = math.exp %sub3A_298 : vector<16x512xf32>
    %reduce_sum3A_300 = arith.constant dense<0.000000e+00> : vector<512xf32>
    %reduce_sum3A_301 = vector.multi_reduction <add>, %exp3A_299, %reduce_sum3A_300 [0] : vector<16x512xf32> to vector<512xf32>
    %broadcast_in_dim3A_302 = vector.shape_cast %reduce_sum3A_301 : vector<512xf32> to vector<1x512xf32>
    %div3A_303 = vector.broadcast %broadcast_in_dim3A_302 : vector<1x512xf32> to vector<16x512xf32>
    %div3A_304 = arith.divf %exp3A_299, %div3A_303 : vector<16x512xf32>
    %slice3A_305 = vector.extract_strided_slice %get3A_20 {offsets = [0, 832], sizes = [16, 64], strides = [1, 1]} : vector<16x1024xf32> to vector<16x64xf32>
    %dot_general3A_306 = arith.constant dense<0.000000e+00> : vector<512x64xf32>
    %dot_general3A_307 = tpu.matmul %div3A_304, %slice3A_305, %dot_general3A_306 {dimension_numbers = #tpu.dot_dimension_numbers<[0], [0], [1], [1], [0, 1, 1, 1], [], []>, transpose_lhs_hint = false} : vector<16x512xf32>, vector<16x64xf32>, vector<512x64xf32> -> vector<512x64xf32>
    %slice3A_308 = vector.extract_strided_slice %get3A_15 {offsets = [0, 896], sizes = [16, 64], strides = [1, 1]} : vector<16x1024xf32> to vector<16x64xf32>
    %slice3A_309 = vector.extract_strided_slice %add3A_10 {offsets = [0, 896], sizes = [512, 64], strides = [1, 1]} : vector<512x1024xf32> to vector<512x64xf32>
    %dot_general3A_310 = arith.constant dense<0.000000e+00> : vector<16x512xf32>
    %dot_general3A_311 = tpu.matmul %slice3A_308, %slice3A_309, %dot_general3A_310 {dimension_numbers = #tpu.dot_dimension_numbers<[1], [1], [0], [0], [0, 0, 1, 0], [], []>, transpose_lhs_hint = false} : vector<16x64xf32>, vector<512x64xf32>, vector<16x512xf32> -> vector<16x512xf32>
    %mul3A_312 = arith.constant 1.250000e-01 : f32
    %mul3A_313 = vector.broadcast %mul3A_312 : f32 to vector<16x512xf32>
    %mul3A_314 = arith.mulf %dot_general3A_311, %mul3A_313 : vector<16x512xf32>
    %reduce_max3A_315 = arith.constant dense<0xFF800000> : vector<512xf32>
    %reduce_max3A_316 = vector.multi_reduction <maximumf>, %mul3A_314, %reduce_max3A_315 [0] : vector<16x512xf32> to vector<512xf32>
    %broadcast_in_dim3A_317 = vector.shape_cast %reduce_max3A_316 : vector<512xf32> to vector<1x512xf32>
    %sub3A_318 = vector.broadcast %broadcast_in_dim3A_317 : vector<1x512xf32> to vector<16x512xf32>
    %sub3A_319 = arith.subf %mul3A_314, %sub3A_318 : vector<16x512xf32>
    %exp3A_320 = math.exp %sub3A_319 : vector<16x512xf32>
    %reduce_sum3A_321 = arith.constant dense<0.000000e+00> : vector<512xf32>
    %reduce_sum3A_322 = vector.multi_reduction <add>, %exp3A_320, %reduce_sum3A_321 [0] : vector<16x512xf32> to vector<512xf32>
    %broadcast_in_dim3A_323 = vector.shape_cast %reduce_sum3A_322 : vector<512xf32> to vector<1x512xf32>
    %div3A_324 = vector.broadcast %broadcast_in_dim3A_323 : vector<1x512xf32> to vector<16x512xf32>
    %div3A_325 = arith.divf %exp3A_320, %div3A_324 : vector<16x512xf32>
    %slice3A_326 = vector.extract_strided_slice %get3A_20 {offsets = [0, 896], sizes = [16, 64], strides = [1, 1]} : vector<16x1024xf32> to vector<16x64xf32>
    %dot_general3A_327 = arith.constant dense<0.000000e+00> : vector<512x64xf32>
    %dot_general3A_328 = tpu.matmul %div3A_325, %slice3A_326, %dot_general3A_327 {dimension_numbers = #tpu.dot_dimension_numbers<[0], [0], [1], [1], [0, 1, 1, 1], [], []>, transpose_lhs_hint = false} : vector<16x512xf32>, vector<16x64xf32>, vector<512x64xf32> -> vector<512x64xf32>
    %slice3A_329 = vector.extract_strided_slice %get3A_15 {offsets = [0, 960], sizes = [16, 64], strides = [1, 1]} : vector<16x1024xf32> to vector<16x64xf32>
    %slice3A_330 = vector.extract_strided_slice %add3A_10 {offsets = [0, 960], sizes = [512, 64], strides = [1, 1]} : vector<512x1024xf32> to vector<512x64xf32>
    %dot_general3A_331 = arith.constant dense<0.000000e+00> : vector<16x512xf32>
    %dot_general3A_332 = tpu.matmul %slice3A_329, %slice3A_330, %dot_general3A_331 {dimension_numbers = #tpu.dot_dimension_numbers<[1], [1], [0], [0], [0, 0, 1, 0], [], []>, transpose_lhs_hint = false} : vector<16x64xf32>, vector<512x64xf32>, vector<16x512xf32> -> vector<16x512xf32>
    %mul3A_333 = arith.constant 1.250000e-01 : f32
    %mul3A_334 = vector.broadcast %mul3A_333 : f32 to vector<16x512xf32>
    %mul3A_335 = arith.mulf %dot_general3A_332, %mul3A_334 : vector<16x512xf32>
    %reduce_max3A_336 = arith.constant dense<0xFF800000> : vector<512xf32>
    %reduce_max3A_337 = vector.multi_reduction <maximumf>, %mul3A_335, %reduce_max3A_336 [0] : vector<16x512xf32> to vector<512xf32>
    %broadcast_in_dim3A_338 = vector.shape_cast %reduce_max3A_337 : vector<512xf32> to vector<1x512xf32>
    %sub3A_339 = vector.broadcast %broadcast_in_dim3A_338 : vector<1x512xf32> to vector<16x512xf32>
    %sub3A_340 = arith.subf %mul3A_335, %sub3A_339 : vector<16x512xf32>
    %exp3A_341 = math.exp %sub3A_340 : vector<16x512xf32>
    %reduce_sum3A_342 = arith.constant dense<0.000000e+00> : vector<512xf32>
    %reduce_sum3A_343 = vector.multi_reduction <add>, %exp3A_341, %reduce_sum3A_342 [0] : vector<16x512xf32> to vector<512xf32>
    %broadcast_in_dim3A_344 = vector.shape_cast %reduce_sum3A_343 : vector<512xf32> to vector<1x512xf32>
    %div3A_345 = vector.broadcast %broadcast_in_dim3A_344 : vector<1x512xf32> to vector<16x512xf32>
    %div3A_346 = arith.divf %exp3A_341, %div3A_345 : vector<16x512xf32>
    %slice3A_347 = vector.extract_strided_slice %get3A_20 {offsets = [0, 960], sizes = [16, 64], strides = [1, 1]} : vector<16x1024xf32> to vector<16x64xf32>
    %dot_general3A_348 = arith.constant dense<0.000000e+00> : vector<512x64xf32>
    %dot_general3A_349 = tpu.matmul %div3A_346, %slice3A_347, %dot_general3A_348 {dimension_numbers = #tpu.dot_dimension_numbers<[0], [0], [1], [1], [0, 1, 1, 1], [], []>, transpose_lhs_hint = false} : vector<16x512xf32>, vector<16x64xf32>, vector<512x64xf32> -> vector<512x64xf32>
    %concatenate3A = tpu.concatenate %dot_general3A_34, %dot_general3A_55, %dot_general3A_76, %dot_general3A_97, %dot_general3A_118, %dot_general3A_139, %dot_general3A_160, %dot_general3A_181, %dot_general3A_202, %dot_general3A_223, %dot_general3A_244, %dot_general3A_265, %dot_general3A_286, %dot_general3A_307, %dot_general3A_328, %dot_general3A_349 in 1 : vector<512x64xf32>, vector<512x64xf32>, vector<512x64xf32>, vector<512x64xf32>, vector<512x64xf32>, vector<512x64xf32>, vector<512x64xf32>, vector<512x64xf32>, vector<512x64xf32>, vector<512x64xf32>, vector<512x64xf32>, vector<512x64xf32>, vector<512x64xf32>, vector<512x64xf32>, vector<512x64xf32>, vector<512x64xf32> -> vector<512x1024xf32>
    %get3A_350 = arith.constant 0 : index
    %get3A_351 = arith.constant 0 : index
    %get3A_352 = vector.load %arg6[%get3A_350, %get3A_351] : memref<1024x1024xf32, #tpu.memory_space<vmem>>, vector<1024x1024xf32>
    %dot_general3A_353 = arith.constant dense<0.000000e+00> : vector<512x1024xf32>
    %dot_general3A_354 = tpu.matmul %concatenate3A, %get3A_352, %dot_general3A_353 {dimension_numbers = #tpu.dot_dimension_numbers<[1], [1], [0], [0], [0, 0, 1, 0], [], []>, transpose_lhs_hint = false} : vector<512x1024xf32>, vector<1024x1024xf32>, vector<512x1024xf32> -> vector<512x1024xf32>
    %get3A_355 = arith.constant 0 : index
    %get3A_356 = vector.load %arg7[%get3A_355] : memref<1024xf32, #tpu.memory_space<vmem>>, vector<1024xf32>
    %broadcast_in_dim3A_357 = vector.shape_cast %get3A_356 : vector<1024xf32> to vector<1x1024xf32>
    %add3A_358 = vector.broadcast %broadcast_in_dim3A_357 : vector<1x1024xf32> to vector<512x1024xf32>
    %add3A_359 = arith.addf %dot_general3A_354, %add3A_358 : vector<512x1024xf32>
    %add3A_360 = arith.addf %get3A_3, %add3A_359 : vector<512x1024xf32>
    %get3A_361 = arith.constant 0 : index
    %get3A_362 = vector.load %arg8[%get3A_361] : memref<1024xf32, #tpu.memory_space<vmem>>, vector<1024xf32>
    %mul3A_363 = arith.mulf %add3A_360, %add3A_360 : vector<512x1024xf32>
    %reduce_sum3A_364 = arith.constant dense<0.000000e+00> : vector<512xf32>
    %reduce_sum3A_365 = vector.multi_reduction <add>, %mul3A_363, %reduce_sum3A_364 [1] : vector<512x1024xf32> to vector<512xf32>
    %broadcast_in_dim3A_366 = vector.shape_cast %reduce_sum3A_365 : vector<512xf32> to vector<512x1xf32>
    %div3A_367 = arith.constant 1.024000e+03 : f32
    %div3A_368 = vector.broadcast %div3A_367 : f32 to vector<512x1xf32>
    %div3A_369 = arith.divf %broadcast_in_dim3A_366, %div3A_368 : vector<512x1xf32>
    %add3A_370 = arith.constant 9.99999997E-7 : f32
    %add3A_371 = vector.broadcast %add3A_370 : f32 to vector<512x1xf32>
    %add3A_372 = arith.addf %div3A_369, %add3A_371 : vector<512x1xf32>
    %rsqrt3A = math.rsqrt %add3A_372 : vector<512x1xf32>
    %mul3A_373 = vector.broadcast %rsqrt3A : vector<512x1xf32> to vector<512x1024xf32>
    %mul3A_374 = arith.mulf %add3A_360, %mul3A_373 : vector<512x1024xf32>
    %broadcast_in_dim3A_375 = vector.shape_cast %get3A_362 : vector<1024xf32> to vector<1x1024xf32>
    %mul3A_376 = vector.broadcast %broadcast_in_dim3A_375 : vector<1x1024xf32> to vector<512x1024xf32>
    %mul3A_377 = arith.mulf %mul3A_374, %mul3A_376 : vector<512x1024xf32>
    %swap3A = arith.constant 0 : index
    %swap3A_378 = arith.constant 0 : index
    %swap3A_379 = arith.constant 0 : index
    %swap3A_380 = vector.load %arg14[%swap3A, %swap3A_378, %swap3A_379] : memref<2x512x1024xf32, #tpu.memory_space<vmem>>, vector<1x512x1024xf32>
    %swap3A_381 = vector.shape_cast %swap3A_380 : vector<1x512x1024xf32> to vector<512x1024xf32>
    %swap3A_382 = vector.shape_cast %mul3A_377 : vector<512x1024xf32> to vector<1x512x1024xf32>
    tpu.vector_store %arg14[%swap3A, %swap3A_378, %swap3A_379], %swap3A_382 {strides = array<i32>} : memref<2x512x1024xf32, #tpu.memory_space<vmem>>, vector<1x512x1024xf32>,
    %get3A_383 = arith.constant 0 : index
    %get3A_384 = vector.load %arg9[%get3A_383] : memref<1024xf32, #tpu.memory_space<vmem>>, vector<1024xf32>
    %broadcast_in_dim3A_385 = vector.shape_cast %get3A_384 : vector<1024xf32> to vector<1x1024xf32>
    %dot_general3A_386 = arith.constant dense<0.000000e+00> : vector<512x1xf32>
    %dot_general3A_387 = tpu.matmul %mul3A_377, %broadcast_in_dim3A_385, %dot_general3A_386 {dimension_numbers = #tpu.dot_dimension_numbers<[1], [1], [0], [0], [0, 0, 1, 0], [], []>, transpose_lhs_hint = false} : vector<512x1024xf32>, vector<1x1024xf32>, vector<512x1xf32> -> vector<512x1xf32>
    %squeeze3A = vector.shape_cast %dot_general3A_387 : vector<512x1xf32> to vector<512xf32>
    %get3A_388 = arith.constant 0 : index
    %get3A_389 = vector.load %arg10[%get3A_388] : memref<1xf32, #tpu.memory_space<vmem>>, vector<1xf32>
    %get3A_390 = vector.extract %get3A_389[0] : f32 from vector<1xf32>
    %add3A_391 = vector.broadcast %get3A_390 : f32 to vector<512xf32>
    %add3A_392 = arith.addf %squeeze3A, %add3A_391 : vector<512xf32>
    %logistic3A = arith.negf %add3A_392 : vector<512xf32>
    %logistic3A_393 = math.exp %logistic3A : vector<512xf32>
    %logistic3A_394 = arith.constant 1.000000e+00 : f32
    %logistic3A_395 = vector.broadcast %logistic3A_394 : f32 to vector<512xf32>
    %logistic3A_396 = arith.addf %logistic3A_395, %logistic3A_393 : vector<512xf32>
    %logistic3A_397 = arith.divf %logistic3A_395, %logistic3A_396 : vector<512xf32>
    %swap3A_398 = arith.constant 0 : index
    %swap3A_399 = arith.constant 0 : index
    %swap3A_400 = vector.load %arg15[%swap3A_398, %swap3A_399] : memref<2x512xf32, #tpu.memory_space<vmem>>, vector<1x512xf32>
    %swap3A_401 = vector.shape_cast %swap3A_400 : vector<1x512xf32> to vector<512xf32>
    %swap3A_402 = vector.shape_cast %logistic3A_397 : vector<512xf32> to vector<1x512xf32>
    tpu.vector_store %arg15[%swap3A_398, %swap3A_399], %swap3A_402 {strides = array<i32>} : memref<2x512xf32, #tpu.memory_space<vmem>>, vector<1x512xf32>,
    %get3A_403 = arith.constant 0 : index
    %get3A_404 = vector.load %arg13[%get3A_403] : memref<1024xf32, #tpu.memory_space<vmem>>, vector<1024xf32>
    %mul3A_405 = arith.mulf %mul3A_377, %mul3A_377 : vector<512x1024xf32>
    %reduce_sum3A_406 = arith.constant dense<0.000000e+00> : vector<512xf32>
    %reduce_sum3A_407 = vector.multi_reduction <add>, %mul3A_405, %reduce_sum3A_406 [1] : vector<512x1024xf32> to vector<512xf32>
    %broadcast_in_dim3A_408 = vector.shape_cast %reduce_sum3A_407 : vector<512xf32> to vector<512x1xf32>
    %div3A_409 = arith.constant 1.024000e+03 : f32
    %div3A_410 = vector.broadcast %div3A_409 : f32 to vector<512x1xf32>
    %div3A_411 = arith.divf %broadcast_in_dim3A_408, %div3A_410 : vector<512x1xf32>
    %add3A_412 = arith.constant 9.99999997E-7 : f32
    %add3A_413 = vector.broadcast %add3A_412 : f32 to vector<512x1xf32>
    %add3A_414 = arith.addf %div3A_411, %add3A_413 : vector<512x1xf32>
    %rsqrt3A_415 = math.rsqrt %add3A_414 : vector<512x1xf32>
    %mul3A_416 = vector.broadcast %rsqrt3A_415 : vector<512x1xf32> to vector<512x1024xf32>
    %mul3A_417 = arith.mulf %mul3A_377, %mul3A_416 : vector<512x1024xf32>
    %broadcast_in_dim3A_418 = vector.shape_cast %get3A_404 : vector<1024xf32> to vector<1x1024xf32>
    %mul3A_419 = vector.broadcast %broadcast_in_dim3A_418 : vector<1x1024xf32> to vector<512x1024xf32>
    %mul3A_420 = arith.mulf %mul3A_417, %mul3A_419 : vector<512x1024xf32>
    %get3A_421 = arith.constant 0 : index
    %get3A_422 = arith.constant 0 : index
    %get3A_423 = vector.load %arg11[%get3A_421, %get3A_422] : memref<16x1024xf32, #tpu.memory_space<vmem>>, vector<16x1024xf32>
    %dot_general3A_424 = arith.constant dense<0.000000e+00> : vector<16x512xf32>
    %dot_general3A_425 = tpu.matmul %get3A_423, %mul3A_420, %dot_general3A_424 {dimension_numbers = #tpu.dot_dimension_numbers<[1], [1], [0], [0], [0, 0, 1, 0], [], []>, transpose_lhs_hint = false} : vector<16x1024xf32>, vector<512x1024xf32>, vector<16x512xf32> -> vector<16x512xf32>
    %get3A_426 = arith.constant 0 : index
    %get3A_427 = vector.load %arg12[%get3A_426] : memref<16xf32, #tpu.memory_space<vmem>>, vector<16xf32>
    %broadcast_in_dim3A_428 = vector.shape_cast %get3A_427 : vector<16xf32> to vector<16x1xf32>
    %add3A_429 = vector.broadcast %broadcast_in_dim3A_428 : vector<16x1xf32> to vector<16x512xf32>
    %add3A_430 = arith.addf %dot_general3A_425, %add3A_429 : vector<16x512xf32>
    %swap3A_431 = arith.constant 0 : index
    %swap3A_432 = arith.constant 0 : index
    %swap3A_433 = arith.constant 0 : index
    %swap3A_434 = vector.load %arg16[%swap3A_431, %swap3A_432, %swap3A_433] : memref<2x16x512xf32, #tpu.memory_space<vmem>>, vector<1x16x512xf32>
    %swap3A_435 = vector.shape_cast %swap3A_434 : vector<1x16x512xf32> to vector<16x512xf32>
    %swap3A_436 = vector.shape_cast %add3A_430 : vector<16x512xf32> to vector<1x16x512xf32>
    tpu.vector_store %arg16[%swap3A_431, %swap3A_432, %swap3A_433], %swap3A_436 {strides = array<i32>} : memref<2x16x512xf32, #tpu.memory_space<vmem>>, vector<1x16x512xf32>,
    %get3A_437 = arith.constant 1 : index
    %get3A_438 = arith.constant 0 : index
    %get3A_439 = arith.constant 0 : index
    %get3A_440 = vector.load %arg1[%get3A_437, %get3A_438, %get3A_439] : memref<2x512x1024xf32, #tpu.memory_space<vmem>>, vector<1x512x1024xf32>
    %get3A_441 = vector.shape_cast %get3A_440 : vector<1x512x1024xf32> to vector<512x1024xf32>
    %get3A_442 = arith.constant 0 : index
    %get3A_443 = arith.constant 0 : index
    %get3A_444 = vector.load %arg4[%get3A_442, %get3A_443] : memref<1024x1024xf32, #tpu.memory_space<vmem>>, vector<1024x1024xf32>
    %dot_general3A_445 = arith.constant dense<0.000000e+00> : vector<512x1024xf32>
    %dot_general3A_446 = tpu.matmul %get3A_441, %get3A_444, %dot_general3A_445 {dimension_numbers = #tpu.dot_dimension_numbers<[1], [1], [0], [0], [0, 0, 1, 0], [], []>, transpose_lhs_hint = false} : vector<512x1024xf32>, vector<1024x1024xf32>, vector<512x1024xf32> -> vector<512x1024xf32>
    %get3A_447 = arith.constant 0 : index
    %get3A_448 = vector.load %arg5[%get3A_447] : memref<1024xf32, #tpu.memory_space<vmem>>, vector<1024xf32>
    %broadcast_in_dim3A_449 = vector.shape_cast %get3A_448 : vector<1024xf32> to vector<1x1024xf32>
    %add3A_450 = vector.broadcast %broadcast_in_dim3A_449 : vector<1x1024xf32> to vector<512x1024xf32>
    %add3A_451 = arith.addf %dot_general3A_446, %add3A_450 : vector<512x1024xf32>
    %get3A_452 = arith.constant 1 : index
    %get3A_453 = arith.constant 0 : index
    %get3A_454 = arith.constant 0 : index
    %get3A_455 = vector.load %arg2[%get3A_452, %get3A_453, %get3A_454] : memref<2x16x1024xf32, #tpu.memory_space<vmem>>, vector<1x16x1024xf32>
    %get3A_456 = vector.shape_cast %get3A_455 : vector<1x16x1024xf32> to vector<16x1024xf32>
    %get3A_457 = arith.constant 1 : index
    %get3A_458 = arith.constant 0 : index
    %get3A_459 = arith.constant 0 : index
    %get3A_460 = vector.load %arg3[%get3A_457, %get3A_458, %get3A_459] : memref<2x16x1024xf32, #tpu.memory_space<vmem>>, vector<1x16x1024xf32>
    %get3A_461 = vector.shape_cast %get3A_460 : vector<1x16x1024xf32> to vector<16x1024xf32>
    %slice3A_462 = vector.extract_strided_slice %get3A_456 {offsets = [0, 0], sizes = [16, 64], strides = [1, 1]} : vector<16x1024xf32> to vector<16x64xf32>
    %slice3A_463 = vector.extract_strided_slice %add3A_451 {offsets = [0, 0], sizes = [512, 64], strides = [1, 1]} : vector<512x1024xf32> to vector<512x64xf32>
    %dot_general3A_464 = arith.constant dense<0.000000e+00> : vector<16x512xf32>
    %dot_general3A_465 = tpu.matmul %slice3A_462, %slice3A_463, %dot_general3A_464 {dimension_numbers = #tpu.dot_dimension_numbers<[1], [1], [0], [0], [0, 0, 1, 0], [], []>, transpose_lhs_hint = false} : vector<16x64xf32>, vector<512x64xf32>, vector<16x512xf32> -> vector<16x512xf32>
    %mul3A_466 = arith.constant 1.250000e-01 : f32
    %mul3A_467 = vector.broadcast %mul3A_466 : f32 to vector<16x512xf32>
    %mul3A_468 = arith.mulf %dot_general3A_465, %mul3A_467 : vector<16x512xf32>
    %reduce_max3A_469 = arith.constant dense<0xFF800000> : vector<512xf32>
    %reduce_max3A_470 = vector.multi_reduction <maximumf>, %mul3A_468, %reduce_max3A_469 [0] : vector<16x512xf32> to vector<512xf32>
    %broadcast_in_dim3A_471 = vector.shape_cast %reduce_max3A_470 : vector<512xf32> to vector<1x512xf32>
    %sub3A_472 = vector.broadcast %broadcast_in_dim3A_471 : vector<1x512xf32> to vector<16x512xf32>
    %sub3A_473 = arith.subf %mul3A_468, %sub3A_472 : vector<16x512xf32>
    %exp3A_474 = math.exp %sub3A_473 : vector<16x512xf32>
    %reduce_sum3A_475 = arith.constant dense<0.000000e+00> : vector<512xf32>
    %reduce_sum3A_476 = vector.multi_reduction <add>, %exp3A_474, %reduce_sum3A_475 [0] : vector<16x512xf32> to vector<512xf32>
    %broadcast_in_dim3A_477 = vector.shape_cast %reduce_sum3A_476 : vector<512xf32> to vector<1x512xf32>
    %div3A_478 = vector.broadcast %broadcast_in_dim3A_477 : vector<1x512xf32> to vector<16x512xf32>
    %div3A_479 = arith.divf %exp3A_474, %div3A_478 : vector<16x512xf32>
    %slice3A_480 = vector.extract_strided_slice %get3A_461 {offsets = [0, 0], sizes = [16, 64], strides = [1, 1]} : vector<16x1024xf32> to vector<16x64xf32>
    %dot_general3A_481 = arith.constant dense<0.000000e+00> : vector<512x64xf32>
    %dot_general3A_482 = tpu.matmul %div3A_479, %slice3A_480, %dot_general3A_481 {dimension_numbers = #tpu.dot_dimension_numbers<[0], [0], [1], [1], [0, 1, 1, 1], [], []>, transpose_lhs_hint = false} : vector<16x512xf32>, vector<16x64xf32>, vector<512x64xf32> -> vector<512x64xf32>
    %slice3A_483 = vector.extract_strided_slice %get3A_456 {offsets = [0, 64], sizes = [16, 64], strides = [1, 1]} : vector<16x1024xf32> to vector<16x64xf32>
    %slice3A_484 = vector.extract_strided_slice %add3A_451 {offsets = [0, 64], sizes = [512, 64], strides = [1, 1]} : vector<512x1024xf32> to vector<512x64xf32>
    %dot_general3A_485 = arith.constant dense<0.000000e+00> : vector<16x512xf32>
    %dot_general3A_486 = tpu.matmul %slice3A_483, %slice3A_484, %dot_general3A_485 {dimension_numbers = #tpu.dot_dimension_numbers<[1], [1], [0], [0], [0, 0, 1, 0], [], []>, transpose_lhs_hint = false} : vector<16x64xf32>, vector<512x64xf32>, vector<16x512xf32> -> vector<16x512xf32>
    %mul3A_487 = arith.constant 1.250000e-01 : f32
    %mul3A_488 = vector.broadcast %mul3A_487 : f32 to vector<16x512xf32>
    %mul3A_489 = arith.mulf %dot_general3A_486, %mul3A_488 : vector<16x512xf32>
    %reduce_max3A_490 = arith.constant dense<0xFF800000> : vector<512xf32>
    %reduce_max3A_491 = vector.multi_reduction <maximumf>, %mul3A_489, %reduce_max3A_490 [0] : vector<16x512xf32> to vector<512xf32>
    %broadcast_in_dim3A_492 = vector.shape_cast %reduce_max3A_491 : vector<512xf32> to vector<1x512xf32>
    %sub3A_493 = vector.broadcast %broadcast_in_dim3A_492 : vector<1x512xf32> to vector<16x512xf32>
    %sub3A_494 = arith.subf %mul3A_489, %sub3A_493 : vector<16x512xf32>
    %exp3A_495 = math.exp %sub3A_494 : vector<16x512xf32>
    %reduce_sum3A_496 = arith.constant dense<0.000000e+00> : vector<512xf32>
    %reduce_sum3A_497 = vector.multi_reduction <add>, %exp3A_495, %reduce_sum3A_496 [0] : vector<16x512xf32> to vector<512xf32>
    %broadcast_in_dim3A_498 = vector.shape_cast %reduce_sum3A_497 : vector<512xf32> to vector<1x512xf32>
    %div3A_499 = vector.broadcast %broadcast_in_dim3A_498 : vector<1x512xf32> to vector<16x512xf32>
    %div3A_500 = arith.divf %exp3A_495, %div3A_499 : vector<16x512xf32>
    %slice3A_501 = vector.extract_strided_slice %get3A_461 {offsets = [0, 64], sizes = [16, 64], strides = [1, 1]} : vector<16x1024xf32> to vector<16x64xf32>
    %dot_general3A_502 = arith.constant dense<0.000000e+00> : vector<512x64xf32>
    %dot_general3A_503 = tpu.matmul %div3A_500, %slice3A_501, %dot_general3A_502 {dimension_numbers = #tpu.dot_dimension_numbers<[0], [0], [1], [1], [0, 1, 1, 1], [], []>, transpose_lhs_hint = false} : vector<16x512xf32>, vector<16x64xf32>, vector<512x64xf32> -> vector<512x64xf32>
    %slice3A_504 = vector.extract_strided_slice %get3A_456 {offsets = [0, 128], sizes = [16, 64], strides = [1, 1]} : vector<16x1024xf32> to vector<16x64xf32>
    %slice3A_505 = vector.extract_strided_slice %add3A_451 {offsets = [0, 128], sizes = [512, 64], strides = [1, 1]} : vector<512x1024xf32> to vector<512x64xf32>
    %dot_general3A_506 = arith.constant dense<0.000000e+00> : vector<16x512xf32>
    %dot_general3A_507 = tpu.matmul %slice3A_504, %slice3A_505, %dot_general3A_506 {dimension_numbers = #tpu.dot_dimension_numbers<[1], [1], [0], [0], [0, 0, 1, 0], [], []>, transpose_lhs_hint = false} : vector<16x64xf32>, vector<512x64xf32>, vector<16x512xf32> -> vector<16x512xf32>
    %mul3A_508 = arith.constant 1.250000e-01 : f32
    %mul3A_509 = vector.broadcast %mul3A_508 : f32 to vector<16x512xf32>
    %mul3A_510 = arith.mulf %dot_general3A_507, %mul3A_509 : vector<16x512xf32>
    %reduce_max3A_511 = arith.constant dense<0xFF800000> : vector<512xf32>
    %reduce_max3A_512 = vector.multi_reduction <maximumf>, %mul3A_510, %reduce_max3A_511 [0] : vector<16x512xf32> to vector<512xf32>
    %broadcast_in_dim3A_513 = vector.shape_cast %reduce_max3A_512 : vector<512xf32> to vector<1x512xf32>
    %sub3A_514 = vector.broadcast %broadcast_in_dim3A_513 : vector<1x512xf32> to vector<16x512xf32>
    %sub3A_515 = arith.subf %mul3A_510, %sub3A_514 : vector<16x512xf32>
    %exp3A_516 = math.exp %sub3A_515 : vector<16x512xf32>
    %reduce_sum3A_517 = arith.constant dense<0.000000e+00> : vector<512xf32>
    %reduce_sum3A_518 = vector.multi_reduction <add>, %exp3A_516, %reduce_sum3A_517 [0] : vector<16x512xf32> to vector<512xf32>
    %broadcast_in_dim3A_519 = vector.shape_cast %reduce_sum3A_518 : vector<512xf32> to vector<1x512xf32>
    %div3A_520 = vector.broadcast %broadcast_in_dim3A_519 : vector<1x512xf32> to vector<16x512xf32>
    %div3A_521 = arith.divf %exp3A_516, %div3A_520 : vector<16x512xf32>
    %slice3A_522 = vector.extract_strided_slice %get3A_461 {offsets = [0, 128], sizes = [16, 64], strides = [1, 1]} : vector<16x1024xf32> to vector<16x64xf32>
    %dot_general3A_523 = arith.constant dense<0.000000e+00> : vector<512x64xf32>
    %dot_general3A_524 = tpu.matmul %div3A_521, %slice3A_522, %dot_general3A_523 {dimension_numbers = #tpu.dot_dimension_numbers<[0], [0], [1], [1], [0, 1, 1, 1], [], []>, transpose_lhs_hint = false} : vector<16x512xf32>, vector<16x64xf32>, vector<512x64xf32> -> vector<512x64xf32>
    %slice3A_525 = vector.extract_strided_slice %get3A_456 {offsets = [0, 192], sizes = [16, 64], strides = [1, 1]} : vector<16x1024xf32> to vector<16x64xf32>
    %slice3A_526 = vector.extract_strided_slice %add3A_451 {offsets = [0, 192], sizes = [512, 64], strides = [1, 1]} : vector<512x1024xf32> to vector<512x64xf32>
    %dot_general3A_527 = arith.constant dense<0.000000e+00> : vector<16x512xf32>
    %dot_general3A_528 = tpu.matmul %slice3A_525, %slice3A_526, %dot_general3A_527 {dimension_numbers = #tpu.dot_dimension_numbers<[1], [1], [0], [0], [0, 0, 1, 0], [], []>, transpose_lhs_hint = false} : vector<16x64xf32>, vector<512x64xf32>, vector<16x512xf32> -> vector<16x512xf32>
    %mul3A_529 = arith.constant 1.250000e-01 : f32
    %mul3A_530 = vector.broadcast %mul3A_529 : f32 to vector<16x512xf32>
    %mul3A_531 = arith.mulf %dot_general3A_528, %mul3A_530 : vector<16x512xf32>
    %reduce_max3A_532 = arith.constant dense<0xFF800000> : vector<512xf32>
    %reduce_max3A_533 = vector.multi_reduction <maximumf>, %mul3A_531, %reduce_max3A_532 [0] : vector<16x512xf32> to vector<512xf32>
    %broadcast_in_dim3A_534 = vector.shape_cast %reduce_max3A_533 : vector<512xf32> to vector<1x512xf32>
    %sub3A_535 = vector.broadcast %broadcast_in_dim3A_534 : vector<1x512xf32> to vector<16x512xf32>
    %sub3A_536 = arith.subf %mul3A_531, %sub3A_535 : vector<16x512xf32>
    %exp3A_537 = math.exp %sub3A_536 : vector<16x512xf32>
    %reduce_sum3A_538 = arith.constant dense<0.000000e+00> : vector<512xf32>
    %reduce_sum3A_539 = vector.multi_reduction <add>, %exp3A_537, %reduce_sum3A_538 [0] : vector<16x512xf32> to vector<512xf32>
    %broadcast_in_dim3A_540 = vector.shape_cast %reduce_sum3A_539 : vector<512xf32> to vector<1x512xf32>
    %div3A_541 = vector.broadcast %broadcast_in_dim3A_540 : vector<1x512xf32> to vector<16x512xf32>
    %div3A_542 = arith.divf %exp3A_537, %div3A_541 : vector<16x512xf32>
    %slice3A_543 = vector.extract_strided_slice %get3A_461 {offsets = [0, 192], sizes = [16, 64], strides = [1, 1]} : vector<16x1024xf32> to vector<16x64xf32>
    %dot_general3A_544 = arith.constant dense<0.000000e+00> : vector<512x64xf32>
    %dot_general3A_545 = tpu.matmul %div3A_542, %slice3A_543, %dot_general3A_544 {dimension_numbers = #tpu.dot_dimension_numbers<[0], [0], [1], [1], [0, 1, 1, 1], [], []>, transpose_lhs_hint = false} : vector<16x512xf32>, vector<16x64xf32>, vector<512x64xf32> -> vector<512x64xf32>
    %slice3A_546 = vector.extract_strided_slice %get3A_456 {offsets = [0, 256], sizes = [16, 64], strides = [1, 1]} : vector<16x1024xf32> to vector<16x64xf32>
    %slice3A_547 = vector.extract_strided_slice %add3A_451 {offsets = [0, 256], sizes = [512, 64], strides = [1, 1]} : vector<512x1024xf32> to vector<512x64xf32>
    %dot_general3A_548 = arith.constant dense<0.000000e+00> : vector<16x512xf32>
    %dot_general3A_549 = tpu.matmul %slice3A_546, %slice3A_547, %dot_general3A_548 {dimension_numbers = #tpu.dot_dimension_numbers<[1], [1], [0], [0], [0, 0, 1, 0], [], []>, transpose_lhs_hint = false} : vector<16x64xf32>, vector<512x64xf32>, vector<16x512xf32> -> vector<16x512xf32>
    %mul3A_550 = arith.constant 1.250000e-01 : f32
    %mul3A_551 = vector.broadcast %mul3A_550 : f32 to vector<16x512xf32>
    %mul3A_552 = arith.mulf %dot_general3A_549, %mul3A_551 : vector<16x512xf32>
    %reduce_max3A_553 = arith.constant dense<0xFF800000> : vector<512xf32>
    %reduce_max3A_554 = vector.multi_reduction <maximumf>, %mul3A_552, %reduce_max3A_553 [0] : vector<16x512xf32> to vector<512xf32>
    %broadcast_in_dim3A_555 = vector.shape_cast %reduce_max3A_554 : vector<512xf32> to vector<1x512xf32>
    %sub3A_556 = vector.broadcast %broadcast_in_dim3A_555 : vector<1x512xf32> to vector<16x512xf32>
    %sub3A_557 = arith.subf %mul3A_552, %sub3A_556 : vector<16x512xf32>
    %exp3A_558 = math.exp %sub3A_557 : vector<16x512xf32>
    %reduce_sum3A_559 = arith.constant dense<0.000000e+00> : vector<512xf32>
    %reduce_sum3A_560 = vector.multi_reduction <add>, %exp3A_558, %reduce_sum3A_559 [0] : vector<16x512xf32> to vector<512xf32>
    %broadcast_in_dim3A_561 = vector.shape_cast %reduce_sum3A_560 : vector<512xf32> to vector<1x512xf32>
    %div3A_562 = vector.broadcast %broadcast_in_dim3A_561 : vector<1x512xf32> to vector<16x512xf32>
    %div3A_563 = arith.divf %exp3A_558, %div3A_562 : vector<16x512xf32>
    %slice3A_564 = vector.extract_strided_slice %get3A_461 {offsets = [0, 256], sizes = [16, 64], strides = [1, 1]} : vector<16x1024xf32> to vector<16x64xf32>
    %dot_general3A_565 = arith.constant dense<0.000000e+00> : vector<512x64xf32>
    %dot_general3A_566 = tpu.matmul %div3A_563, %slice3A_564, %dot_general3A_565 {dimension_numbers = #tpu.dot_dimension_numbers<[0], [0], [1], [1], [0, 1, 1, 1], [], []>, transpose_lhs_hint = false} : vector<16x512xf32>, vector<16x64xf32>, vector<512x64xf32> -> vector<512x64xf32>
    %slice3A_567 = vector.extract_strided_slice %get3A_456 {offsets = [0, 320], sizes = [16, 64], strides = [1, 1]} : vector<16x1024xf32> to vector<16x64xf32>
    %slice3A_568 = vector.extract_strided_slice %add3A_451 {offsets = [0, 320], sizes = [512, 64], strides = [1, 1]} : vector<512x1024xf32> to vector<512x64xf32>
    %dot_general3A_569 = arith.constant dense<0.000000e+00> : vector<16x512xf32>
    %dot_general3A_570 = tpu.matmul %slice3A_567, %slice3A_568, %dot_general3A_569 {dimension_numbers = #tpu.dot_dimension_numbers<[1], [1], [0], [0], [0, 0, 1, 0], [], []>, transpose_lhs_hint = false} : vector<16x64xf32>, vector<512x64xf32>, vector<16x512xf32> -> vector<16x512xf32>
    %mul3A_571 = arith.constant 1.250000e-01 : f32
    %mul3A_572 = vector.broadcast %mul3A_571 : f32 to vector<16x512xf32>
    %mul3A_573 = arith.mulf %dot_general3A_570, %mul3A_572 : vector<16x512xf32>
    %reduce_max3A_574 = arith.constant dense<0xFF800000> : vector<512xf32>
    %reduce_max3A_575 = vector.multi_reduction <maximumf>, %mul3A_573, %reduce_max3A_574 [0] : vector<16x512xf32> to vector<512xf32>
    %broadcast_in_dim3A_576 = vector.shape_cast %reduce_max3A_575 : vector<512xf32> to vector<1x512xf32>
    %sub3A_577 = vector.broadcast %broadcast_in_dim3A_576 : vector<1x512xf32> to vector<16x512xf32>
    %sub3A_578 = arith.subf %mul3A_573, %sub3A_577 : vector<16x512xf32>
    %exp3A_579 = math.exp %sub3A_578 : vector<16x512xf32>
    %reduce_sum3A_580 = arith.constant dense<0.000000e+00> : vector<512xf32>
    %reduce_sum3A_581 = vector.multi_reduction <add>, %exp3A_579, %reduce_sum3A_580 [0] : vector<16x512xf32> to vector<512xf32>
    %broadcast_in_dim3A_582 = vector.shape_cast %reduce_sum3A_581 : vector<512xf32> to vector<1x512xf32>
    %div3A_583 = vector.broadcast %broadcast_in_dim3A_582 : vector<1x512xf32> to vector<16x512xf32>
    %div3A_584 = arith.divf %exp3A_579, %div3A_583 : vector<16x512xf32>
    %slice3A_585 = vector.extract_strided_slice %get3A_461 {offsets = [0, 320], sizes = [16, 64], strides = [1, 1]} : vector<16x1024xf32> to vector<16x64xf32>
    %dot_general3A_586 = arith.constant dense<0.000000e+00> : vector<512x64xf32>
    %dot_general3A_587 = tpu.matmul %div3A_584, %slice3A_585, %dot_general3A_586 {dimension_numbers = #tpu.dot_dimension_numbers<[0], [0], [1], [1], [0, 1, 1, 1], [], []>, transpose_lhs_hint = false} : vector<16x512xf32>, vector<16x64xf32>, vector<512x64xf32> -> vector<512x64xf32>
    %slice3A_588 = vector.extract_strided_slice %get3A_456 {offsets = [0, 384], sizes = [16, 64], strides = [1, 1]} : vector<16x1024xf32> to vector<16x64xf32>
    %slice3A_589 = vector.extract_strided_slice %add3A_451 {offsets = [0, 384], sizes = [512, 64], strides = [1, 1]} : vector<512x1024xf32> to vector<512x64xf32>
    %dot_general3A_590 = arith.constant dense<0.000000e+00> : vector<16x512xf32>
    %dot_general3A_591 = tpu.matmul %slice3A_588, %slice3A_589, %dot_general3A_590 {dimension_numbers = #tpu.dot_dimension_numbers<[1], [1], [0], [0], [0, 0, 1, 0], [], []>, transpose_lhs_hint = false} : vector<16x64xf32>, vector<512x64xf32>, vector<16x512xf32> -> vector<16x512xf32>
    %mul3A_592 = arith.constant 1.250000e-01 : f32
    %mul3A_593 = vector.broadcast %mul3A_592 : f32 to vector<16x512xf32>
    %mul3A_594 = arith.mulf %dot_general3A_591, %mul3A_593 : vector<16x512xf32>
    %reduce_max3A_595 = arith.constant dense<0xFF800000> : vector<512xf32>
    %reduce_max3A_596 = vector.multi_reduction <maximumf>, %mul3A_594, %reduce_max3A_595 [0] : vector<16x512xf32> to vector<512xf32>
    %broadcast_in_dim3A_597 = vector.shape_cast %reduce_max3A_596 : vector<512xf32> to vector<1x512xf32>
    %sub3A_598 = vector.broadcast %broadcast_in_dim3A_597 : vector<1x512xf32> to vector<16x512xf32>
    %sub3A_599 = arith.subf %mul3A_594, %sub3A_598 : vector<16x512xf32>
    %exp3A_600 = math.exp %sub3A_599 : vector<16x512xf32>
    %reduce_sum3A_601 = arith.constant dense<0.000000e+00> : vector<512xf32>
    %reduce_sum3A_602 = vector.multi_reduction <add>, %exp3A_600, %reduce_sum3A_601 [0] : vector<16x512xf32> to vector<512xf32>
    %broadcast_in_dim3A_603 = vector.shape_cast %reduce_sum3A_602 : vector<512xf32> to vector<1x512xf32>
    %div3A_604 = vector.broadcast %broadcast_in_dim3A_603 : vector<1x512xf32> to vector<16x512xf32>
    %div3A_605 = arith.divf %exp3A_600, %div3A_604 : vector<16x512xf32>
    %slice3A_606 = vector.extract_strided_slice %get3A_461 {offsets = [0, 384], sizes = [16, 64], strides = [1, 1]} : vector<16x1024xf32> to vector<16x64xf32>
    %dot_general3A_607 = arith.constant dense<0.000000e+00> : vector<512x64xf32>
    %dot_general3A_608 = tpu.matmul %div3A_605, %slice3A_606, %dot_general3A_607 {dimension_numbers = #tpu.dot_dimension_numbers<[0], [0], [1], [1], [0, 1, 1, 1], [], []>, transpose_lhs_hint = false} : vector<16x512xf32>, vector<16x64xf32>, vector<512x64xf32> -> vector<512x64xf32>
    %slice3A_609 = vector.extract_strided_slice %get3A_456 {offsets = [0, 448], sizes = [16, 64], strides = [1, 1]} : vector<16x1024xf32> to vector<16x64xf32>
    %slice3A_610 = vector.extract_strided_slice %add3A_451 {offsets = [0, 448], sizes = [512, 64], strides = [1, 1]} : vector<512x1024xf32> to vector<512x64xf32>
    %dot_general3A_611 = arith.constant dense<0.000000e+00> : vector<16x512xf32>
    %dot_general3A_612 = tpu.matmul %slice3A_609, %slice3A_610, %dot_general3A_611 {dimension_numbers = #tpu.dot_dimension_numbers<[1], [1], [0], [0], [0, 0, 1, 0], [], []>, transpose_lhs_hint = false} : vector<16x64xf32>, vector<512x64xf32>, vector<16x512xf32> -> vector<16x512xf32>
    %mul3A_613 = arith.constant 1.250000e-01 : f32
    %mul3A_614 = vector.broadcast %mul3A_613 : f32 to vector<16x512xf32>
    %mul3A_615 = arith.mulf %dot_general3A_612, %mul3A_614 : vector<16x512xf32>
    %reduce_max3A_616 = arith.constant dense<0xFF800000> : vector<512xf32>
    %reduce_max3A_617 = vector.multi_reduction <maximumf>, %mul3A_615, %reduce_max3A_616 [0] : vector<16x512xf32> to vector<512xf32>
    %broadcast_in_dim3A_618 = vector.shape_cast %reduce_max3A_617 : vector<512xf32> to vector<1x512xf32>
    %sub3A_619 = vector.broadcast %broadcast_in_dim3A_618 : vector<1x512xf32> to vector<16x512xf32>
    %sub3A_620 = arith.subf %mul3A_615, %sub3A_619 : vector<16x512xf32>
    %exp3A_621 = math.exp %sub3A_620 : vector<16x512xf32>
    %reduce_sum3A_622 = arith.constant dense<0.000000e+00> : vector<512xf32>
    %reduce_sum3A_623 = vector.multi_reduction <add>, %exp3A_621, %reduce_sum3A_622 [0] : vector<16x512xf32> to vector<512xf32>
    %broadcast_in_dim3A_624 = vector.shape_cast %reduce_sum3A_623 : vector<512xf32> to vector<1x512xf32>
    %div3A_625 = vector.broadcast %broadcast_in_dim3A_624 : vector<1x512xf32> to vector<16x512xf32>
    %div3A_626 = arith.divf %exp3A_621, %div3A_625 : vector<16x512xf32>
    %slice3A_627 = vector.extract_strided_slice %get3A_461 {offsets = [0, 448], sizes = [16, 64], strides = [1, 1]} : vector<16x1024xf32> to vector<16x64xf32>
    %dot_general3A_628 = arith.constant dense<0.000000e+00> : vector<512x64xf32>
    %dot_general3A_629 = tpu.matmul %div3A_626, %slice3A_627, %dot_general3A_628 {dimension_numbers = #tpu.dot_dimension_numbers<[0], [0], [1], [1], [0, 1, 1, 1], [], []>, transpose_lhs_hint = false} : vector<16x512xf32>, vector<16x64xf32>, vector<512x64xf32> -> vector<512x64xf32>
    %slice3A_630 = vector.extract_strided_slice %get3A_456 {offsets = [0, 512], sizes = [16, 64], strides = [1, 1]} : vector<16x1024xf32> to vector<16x64xf32>
    %slice3A_631 = vector.extract_strided_slice %add3A_451 {offsets = [0, 512], sizes = [512, 64], strides = [1, 1]} : vector<512x1024xf32> to vector<512x64xf32>
    %dot_general3A_632 = arith.constant dense<0.000000e+00> : vector<16x512xf32>
    %dot_general3A_633 = tpu.matmul %slice3A_630, %slice3A_631, %dot_general3A_632 {dimension_numbers = #tpu.dot_dimension_numbers<[1], [1], [0], [0], [0, 0, 1, 0], [], []>, transpose_lhs_hint = false} : vector<16x64xf32>, vector<512x64xf32>, vector<16x512xf32> -> vector<16x512xf32>
    %mul3A_634 = arith.constant 1.250000e-01 : f32
    %mul3A_635 = vector.broadcast %mul3A_634 : f32 to vector<16x512xf32>
    %mul3A_636 = arith.mulf %dot_general3A_633, %mul3A_635 : vector<16x512xf32>
    %reduce_max3A_637 = arith.constant dense<0xFF800000> : vector<512xf32>
    %reduce_max3A_638 = vector.multi_reduction <maximumf>, %mul3A_636, %reduce_max3A_637 [0] : vector<16x512xf32> to vector<512xf32>
    %broadcast_in_dim3A_639 = vector.shape_cast %reduce_max3A_638 : vector<512xf32> to vector<1x512xf32>
    %sub3A_640 = vector.broadcast %broadcast_in_dim3A_639 : vector<1x512xf32> to vector<16x512xf32>
    %sub3A_641 = arith.subf %mul3A_636, %sub3A_640 : vector<16x512xf32>
    %exp3A_642 = math.exp %sub3A_641 : vector<16x512xf32>
    %reduce_sum3A_643 = arith.constant dense<0.000000e+00> : vector<512xf32>
    %reduce_sum3A_644 = vector.multi_reduction <add>, %exp3A_642, %reduce_sum3A_643 [0] : vector<16x512xf32> to vector<512xf32>
    %broadcast_in_dim3A_645 = vector.shape_cast %reduce_sum3A_644 : vector<512xf32> to vector<1x512xf32>
    %div3A_646 = vector.broadcast %broadcast_in_dim3A_645 : vector<1x512xf32> to vector<16x512xf32>
    %div3A_647 = arith.divf %exp3A_642, %div3A_646 : vector<16x512xf32>
    %slice3A_648 = vector.extract_strided_slice %get3A_461 {offsets = [0, 512], sizes = [16, 64], strides = [1, 1]} : vector<16x1024xf32> to vector<16x64xf32>
    %dot_general3A_649 = arith.constant dense<0.000000e+00> : vector<512x64xf32>
    %dot_general3A_650 = tpu.matmul %div3A_647, %slice3A_648, %dot_general3A_649 {dimension_numbers = #tpu.dot_dimension_numbers<[0], [0], [1], [1], [0, 1, 1, 1], [], []>, transpose_lhs_hint = false} : vector<16x512xf32>, vector<16x64xf32>, vector<512x64xf32> -> vector<512x64xf32>
    %slice3A_651 = vector.extract_strided_slice %get3A_456 {offsets = [0, 576], sizes = [16, 64], strides = [1, 1]} : vector<16x1024xf32> to vector<16x64xf32>
    %slice3A_652 = vector.extract_strided_slice %add3A_451 {offsets = [0, 576], sizes = [512, 64], strides = [1, 1]} : vector<512x1024xf32> to vector<512x64xf32>
    %dot_general3A_653 = arith.constant dense<0.000000e+00> : vector<16x512xf32>
    %dot_general3A_654 = tpu.matmul %slice3A_651, %slice3A_652, %dot_general3A_653 {dimension_numbers = #tpu.dot_dimension_numbers<[1], [1], [0], [0], [0, 0, 1, 0], [], []>, transpose_lhs_hint = false} : vector<16x64xf32>, vector<512x64xf32>, vector<16x512xf32> -> vector<16x512xf32>
    %mul3A_655 = arith.constant 1.250000e-01 : f32
    %mul3A_656 = vector.broadcast %mul3A_655 : f32 to vector<16x512xf32>
    %mul3A_657 = arith.mulf %dot_general3A_654, %mul3A_656 : vector<16x512xf32>
    %reduce_max3A_658 = arith.constant dense<0xFF800000> : vector<512xf32>
    %reduce_max3A_659 = vector.multi_reduction <maximumf>, %mul3A_657, %reduce_max3A_658 [0] : vector<16x512xf32> to vector<512xf32>
    %broadcast_in_dim3A_660 = vector.shape_cast %reduce_max3A_659 : vector<512xf32> to vector<1x512xf32>
    %sub3A_661 = vector.broadcast %broadcast_in_dim3A_660 : vector<1x512xf32> to vector<16x512xf32>
    %sub3A_662 = arith.subf %mul3A_657, %sub3A_661 : vector<16x512xf32>
    %exp3A_663 = math.exp %sub3A_662 : vector<16x512xf32>
    %reduce_sum3A_664 = arith.constant dense<0.000000e+00> : vector<512xf32>
    %reduce_sum3A_665 = vector.multi_reduction <add>, %exp3A_663, %reduce_sum3A_664 [0] : vector<16x512xf32> to vector<512xf32>
    %broadcast_in_dim3A_666 = vector.shape_cast %reduce_sum3A_665 : vector<512xf32> to vector<1x512xf32>
    %div3A_667 = vector.broadcast %broadcast_in_dim3A_666 : vector<1x512xf32> to vector<16x512xf32>
    %div3A_668 = arith.divf %exp3A_663, %div3A_667 : vector<16x512xf32>
    %slice3A_669 = vector.extract_strided_slice %get3A_461 {offsets = [0, 576], sizes = [16, 64], strides = [1, 1]} : vector<16x1024xf32> to vector<16x64xf32>
    %dot_general3A_670 = arith.constant dense<0.000000e+00> : vector<512x64xf32>
    %dot_general3A_671 = tpu.matmul %div3A_668, %slice3A_669, %dot_general3A_670 {dimension_numbers = #tpu.dot_dimension_numbers<[0], [0], [1], [1], [0, 1, 1, 1], [], []>, transpose_lhs_hint = false} : vector<16x512xf32>, vector<16x64xf32>, vector<512x64xf32> -> vector<512x64xf32>
    %slice3A_672 = vector.extract_strided_slice %get3A_456 {offsets = [0, 640], sizes = [16, 64], strides = [1, 1]} : vector<16x1024xf32> to vector<16x64xf32>
    %slice3A_673 = vector.extract_strided_slice %add3A_451 {offsets = [0, 640], sizes = [512, 64], strides = [1, 1]} : vector<512x1024xf32> to vector<512x64xf32>
    %dot_general3A_674 = arith.constant dense<0.000000e+00> : vector<16x512xf32>
    %dot_general3A_675 = tpu.matmul %slice3A_672, %slice3A_673, %dot_general3A_674 {dimension_numbers = #tpu.dot_dimension_numbers<[1], [1], [0], [0], [0, 0, 1, 0], [], []>, transpose_lhs_hint = false} : vector<16x64xf32>, vector<512x64xf32>, vector<16x512xf32> -> vector<16x512xf32>
    %mul3A_676 = arith.constant 1.250000e-01 : f32
    %mul3A_677 = vector.broadcast %mul3A_676 : f32 to vector<16x512xf32>
    %mul3A_678 = arith.mulf %dot_general3A_675, %mul3A_677 : vector<16x512xf32>
    %reduce_max3A_679 = arith.constant dense<0xFF800000> : vector<512xf32>
    %reduce_max3A_680 = vector.multi_reduction <maximumf>, %mul3A_678, %reduce_max3A_679 [0] : vector<16x512xf32> to vector<512xf32>
    %broadcast_in_dim3A_681 = vector.shape_cast %reduce_max3A_680 : vector<512xf32> to vector<1x512xf32>
    %sub3A_682 = vector.broadcast %broadcast_in_dim3A_681 : vector<1x512xf32> to vector<16x512xf32>
    %sub3A_683 = arith.subf %mul3A_678, %sub3A_682 : vector<16x512xf32>
    %exp3A_684 = math.exp %sub3A_683 : vector<16x512xf32>
    %reduce_sum3A_685 = arith.constant dense<0.000000e+00> : vector<512xf32>
    %reduce_sum3A_686 = vector.multi_reduction <add>, %exp3A_684, %reduce_sum3A_685 [0] : vector<16x512xf32> to vector<512xf32>
    %broadcast_in_dim3A_687 = vector.shape_cast %reduce_sum3A_686 : vector<512xf32> to vector<1x512xf32>
    %div3A_688 = vector.broadcast %broadcast_in_dim3A_687 : vector<1x512xf32> to vector<16x512xf32>
    %div3A_689 = arith.divf %exp3A_684, %div3A_688 : vector<16x512xf32>
    %slice3A_690 = vector.extract_strided_slice %get3A_461 {offsets = [0, 640], sizes = [16, 64], strides = [1, 1]} : vector<16x1024xf32> to vector<16x64xf32>
    %dot_general3A_691 = arith.constant dense<0.000000e+00> : vector<512x64xf32>
    %dot_general3A_692 = tpu.matmul %div3A_689, %slice3A_690, %dot_general3A_691 {dimension_numbers = #tpu.dot_dimension_numbers<[0], [0], [1], [1], [0, 1, 1, 1], [], []>, transpose_lhs_hint = false} : vector<16x512xf32>, vector<16x64xf32>, vector<512x64xf32> -> vector<512x64xf32>
    %slice3A_693 = vector.extract_strided_slice %get3A_456 {offsets = [0, 704], sizes = [16, 64], strides = [1, 1]} : vector<16x1024xf32> to vector<16x64xf32>
    %slice3A_694 = vector.extract_strided_slice %add3A_451 {offsets = [0, 704], sizes = [512, 64], strides = [1, 1]} : vector<512x1024xf32> to vector<512x64xf32>
    %dot_general3A_695 = arith.constant dense<0.000000e+00> : vector<16x512xf32>
    %dot_general3A_696 = tpu.matmul %slice3A_693, %slice3A_694, %dot_general3A_695 {dimension_numbers = #tpu.dot_dimension_numbers<[1], [1], [0], [0], [0, 0, 1, 0], [], []>, transpose_lhs_hint = false} : vector<16x64xf32>, vector<512x64xf32>, vector<16x512xf32> -> vector<16x512xf32>
    %mul3A_697 = arith.constant 1.250000e-01 : f32
    %mul3A_698 = vector.broadcast %mul3A_697 : f32 to vector<16x512xf32>
    %mul3A_699 = arith.mulf %dot_general3A_696, %mul3A_698 : vector<16x512xf32>
    %reduce_max3A_700 = arith.constant dense<0xFF800000> : vector<512xf32>
    %reduce_max3A_701 = vector.multi_reduction <maximumf>, %mul3A_699, %reduce_max3A_700 [0] : vector<16x512xf32> to vector<512xf32>
    %broadcast_in_dim3A_702 = vector.shape_cast %reduce_max3A_701 : vector<512xf32> to vector<1x512xf32>
    %sub3A_703 = vector.broadcast %broadcast_in_dim3A_702 : vector<1x512xf32> to vector<16x512xf32>
    %sub3A_704 = arith.subf %mul3A_699, %sub3A_703 : vector<16x512xf32>
    %exp3A_705 = math.exp %sub3A_704 : vector<16x512xf32>
    %reduce_sum3A_706 = arith.constant dense<0.000000e+00> : vector<512xf32>
    %reduce_sum3A_707 = vector.multi_reduction <add>, %exp3A_705, %reduce_sum3A_706 [0] : vector<16x512xf32> to vector<512xf32>
    %broadcast_in_dim3A_708 = vector.shape_cast %reduce_sum3A_707 : vector<512xf32> to vector<1x512xf32>
    %div3A_709 = vector.broadcast %broadcast_in_dim3A_708 : vector<1x512xf32> to vector<16x512xf32>
    %div3A_710 = arith.divf %exp3A_705, %div3A_709 : vector<16x512xf32>
    %slice3A_711 = vector.extract_strided_slice %get3A_461 {offsets = [0, 704], sizes = [16, 64], strides = [1, 1]} : vector<16x1024xf32> to vector<16x64xf32>
    %dot_general3A_712 = arith.constant dense<0.000000e+00> : vector<512x64xf32>
    %dot_general3A_713 = tpu.matmul %div3A_710, %slice3A_711, %dot_general3A_712 {dimension_numbers = #tpu.dot_dimension_numbers<[0], [0], [1], [1], [0, 1, 1, 1], [], []>, transpose_lhs_hint = false} : vector<16x512xf32>, vector<16x64xf32>, vector<512x64xf32> -> vector<512x64xf32>
    %slice3A_714 = vector.extract_strided_slice %get3A_456 {offsets = [0, 768], sizes = [16, 64], strides = [1, 1]} : vector<16x1024xf32> to vector<16x64xf32>
    %slice3A_715 = vector.extract_strided_slice %add3A_451 {offsets = [0, 768], sizes = [512, 64], strides = [1, 1]} : vector<512x1024xf32> to vector<512x64xf32>
    %dot_general3A_716 = arith.constant dense<0.000000e+00> : vector<16x512xf32>
    %dot_general3A_717 = tpu.matmul %slice3A_714, %slice3A_715, %dot_general3A_716 {dimension_numbers = #tpu.dot_dimension_numbers<[1], [1], [0], [0], [0, 0, 1, 0], [], []>, transpose_lhs_hint = false} : vector<16x64xf32>, vector<512x64xf32>, vector<16x512xf32> -> vector<16x512xf32>
    %mul3A_718 = arith.constant 1.250000e-01 : f32
    %mul3A_719 = vector.broadcast %mul3A_718 : f32 to vector<16x512xf32>
    %mul3A_720 = arith.mulf %dot_general3A_717, %mul3A_719 : vector<16x512xf32>
    %reduce_max3A_721 = arith.constant dense<0xFF800000> : vector<512xf32>
    %reduce_max3A_722 = vector.multi_reduction <maximumf>, %mul3A_720, %reduce_max3A_721 [0] : vector<16x512xf32> to vector<512xf32>
    %broadcast_in_dim3A_723 = vector.shape_cast %reduce_max3A_722 : vector<512xf32> to vector<1x512xf32>
    %sub3A_724 = vector.broadcast %broadcast_in_dim3A_723 : vector<1x512xf32> to vector<16x512xf32>
    %sub3A_725 = arith.subf %mul3A_720, %sub3A_724 : vector<16x512xf32>
    %exp3A_726 = math.exp %sub3A_725 : vector<16x512xf32>
    %reduce_sum3A_727 = arith.constant dense<0.000000e+00> : vector<512xf32>
    %reduce_sum3A_728 = vector.multi_reduction <add>, %exp3A_726, %reduce_sum3A_727 [0] : vector<16x512xf32> to vector<512xf32>
    %broadcast_in_dim3A_729 = vector.shape_cast %reduce_sum3A_728 : vector<512xf32> to vector<1x512xf32>
    %div3A_730 = vector.broadcast %broadcast_in_dim3A_729 : vector<1x512xf32> to vector<16x512xf32>
    %div3A_731 = arith.divf %exp3A_726, %div3A_730 : vector<16x512xf32>
    %slice3A_732 = vector.extract_strided_slice %get3A_461 {offsets = [0, 768], sizes = [16, 64], strides = [1, 1]} : vector<16x1024xf32> to vector<16x64xf32>
    %dot_general3A_733 = arith.constant dense<0.000000e+00> : vector<512x64xf32>
    %dot_general3A_734 = tpu.matmul %div3A_731, %slice3A_732, %dot_general3A_733 {dimension_numbers = #tpu.dot_dimension_numbers<[0], [0], [1], [1], [0, 1, 1, 1], [], []>, transpose_lhs_hint = false} : vector<16x512xf32>, vector<16x64xf32>, vector<512x64xf32> -> vector<512x64xf32>
    %slice3A_735 = vector.extract_strided_slice %get3A_456 {offsets = [0, 832], sizes = [16, 64], strides = [1, 1]} : vector<16x1024xf32> to vector<16x64xf32>
    %slice3A_736 = vector.extract_strided_slice %add3A_451 {offsets = [0, 832], sizes = [512, 64], strides = [1, 1]} : vector<512x1024xf32> to vector<512x64xf32>
    %dot_general3A_737 = arith.constant dense<0.000000e+00> : vector<16x512xf32>
    %dot_general3A_738 = tpu.matmul %slice3A_735, %slice3A_736, %dot_general3A_737 {dimension_numbers = #tpu.dot_dimension_numbers<[1], [1], [0], [0], [0, 0, 1, 0], [], []>, transpose_lhs_hint = false} : vector<16x64xf32>, vector<512x64xf32>, vector<16x512xf32> -> vector<16x512xf32>
    %mul3A_739 = arith.constant 1.250000e-01 : f32
    %mul3A_740 = vector.broadcast %mul3A_739 : f32 to vector<16x512xf32>
    %mul3A_741 = arith.mulf %dot_general3A_738, %mul3A_740 : vector<16x512xf32>
    %reduce_max3A_742 = arith.constant dense<0xFF800000> : vector<512xf32>
    %reduce_max3A_743 = vector.multi_reduction <maximumf>, %mul3A_741, %reduce_max3A_742 [0] : vector<16x512xf32> to vector<512xf32>
    %broadcast_in_dim3A_744 = vector.shape_cast %reduce_max3A_743 : vector<512xf32> to vector<1x512xf32>
    %sub3A_745 = vector.broadcast %broadcast_in_dim3A_744 : vector<1x512xf32> to vector<16x512xf32>
    %sub3A_746 = arith.subf %mul3A_741, %sub3A_745 : vector<16x512xf32>
    %exp3A_747 = math.exp %sub3A_746 : vector<16x512xf32>
    %reduce_sum3A_748 = arith.constant dense<0.000000e+00> : vector<512xf32>
    %reduce_sum3A_749 = vector.multi_reduction <add>, %exp3A_747, %reduce_sum3A_748 [0] : vector<16x512xf32> to vector<512xf32>
    %broadcast_in_dim3A_750 = vector.shape_cast %reduce_sum3A_749 : vector<512xf32> to vector<1x512xf32>
    %div3A_751 = vector.broadcast %broadcast_in_dim3A_750 : vector<1x512xf32> to vector<16x512xf32>
    %div3A_752 = arith.divf %exp3A_747, %div3A_751 : vector<16x512xf32>
    %slice3A_753 = vector.extract_strided_slice %get3A_461 {offsets = [0, 832], sizes = [16, 64], strides = [1, 1]} : vector<16x1024xf32> to vector<16x64xf32>
    %dot_general3A_754 = arith.constant dense<0.000000e+00> : vector<512x64xf32>
    %dot_general3A_755 = tpu.matmul %div3A_752, %slice3A_753, %dot_general3A_754 {dimension_numbers = #tpu.dot_dimension_numbers<[0], [0], [1], [1], [0, 1, 1, 1], [], []>, transpose_lhs_hint = false} : vector<16x512xf32>, vector<16x64xf32>, vector<512x64xf32> -> vector<512x64xf32>
    %slice3A_756 = vector.extract_strided_slice %get3A_456 {offsets = [0, 896], sizes = [16, 64], strides = [1, 1]} : vector<16x1024xf32> to vector<16x64xf32>
    %slice3A_757 = vector.extract_strided_slice %add3A_451 {offsets = [0, 896], sizes = [512, 64], strides = [1, 1]} : vector<512x1024xf32> to vector<512x64xf32>
    %dot_general3A_758 = arith.constant dense<0.000000e+00> : vector<16x512xf32>
    %dot_general3A_759 = tpu.matmul %slice3A_756, %slice3A_757, %dot_general3A_758 {dimension_numbers = #tpu.dot_dimension_numbers<[1], [1], [0], [0], [0, 0, 1, 0], [], []>, transpose_lhs_hint = false} : vector<16x64xf32>, vector<512x64xf32>, vector<16x512xf32> -> vector<16x512xf32>
    %mul3A_760 = arith.constant 1.250000e-01 : f32
    %mul3A_761 = vector.broadcast %mul3A_760 : f32 to vector<16x512xf32>
    %mul3A_762 = arith.mulf %dot_general3A_759, %mul3A_761 : vector<16x512xf32>
    %reduce_max3A_763 = arith.constant dense<0xFF800000> : vector<512xf32>
    %reduce_max3A_764 = vector.multi_reduction <maximumf>, %mul3A_762, %reduce_max3A_763 [0] : vector<16x512xf32> to vector<512xf32>
    %broadcast_in_dim3A_765 = vector.shape_cast %reduce_max3A_764 : vector<512xf32> to vector<1x512xf32>
    %sub3A_766 = vector.broadcast %broadcast_in_dim3A_765 : vector<1x512xf32> to vector<16x512xf32>
    %sub3A_767 = arith.subf %mul3A_762, %sub3A_766 : vector<16x512xf32>
    %exp3A_768 = math.exp %sub3A_767 : vector<16x512xf32>
    %reduce_sum3A_769 = arith.constant dense<0.000000e+00> : vector<512xf32>
    %reduce_sum3A_770 = vector.multi_reduction <add>, %exp3A_768, %reduce_sum3A_769 [0] : vector<16x512xf32> to vector<512xf32>
    %broadcast_in_dim3A_771 = vector.shape_cast %reduce_sum3A_770 : vector<512xf32> to vector<1x512xf32>
    %div3A_772 = vector.broadcast %broadcast_in_dim3A_771 : vector<1x512xf32> to vector<16x512xf32>
    %div3A_773 = arith.divf %exp3A_768, %div3A_772 : vector<16x512xf32>
    %slice3A_774 = vector.extract_strided_slice %get3A_461 {offsets = [0, 896], sizes = [16, 64], strides = [1, 1]} : vector<16x1024xf32> to vector<16x64xf32>
    %dot_general3A_775 = arith.constant dense<0.000000e+00> : vector<512x64xf32>
    %dot_general3A_776 = tpu.matmul %div3A_773, %slice3A_774, %dot_general3A_775 {dimension_numbers = #tpu.dot_dimension_numbers<[0], [0], [1], [1], [0, 1, 1, 1], [], []>, transpose_lhs_hint = false} : vector<16x512xf32>, vector<16x64xf32>, vector<512x64xf32> -> vector<512x64xf32>
    %slice3A_777 = vector.extract_strided_slice %get3A_456 {offsets = [0, 960], sizes = [16, 64], strides = [1, 1]} : vector<16x1024xf32> to vector<16x64xf32>
    %slice3A_778 = vector.extract_strided_slice %add3A_451 {offsets = [0, 960], sizes = [512, 64], strides = [1, 1]} : vector<512x1024xf32> to vector<512x64xf32>
    %dot_general3A_779 = arith.constant dense<0.000000e+00> : vector<16x512xf32>
    %dot_general3A_780 = tpu.matmul %slice3A_777, %slice3A_778, %dot_general3A_779 {dimension_numbers = #tpu.dot_dimension_numbers<[1], [1], [0], [0], [0, 0, 1, 0], [], []>, transpose_lhs_hint = false} : vector<16x64xf32>, vector<512x64xf32>, vector<16x512xf32> -> vector<16x512xf32>
    %mul3A_781 = arith.constant 1.250000e-01 : f32
    %mul3A_782 = vector.broadcast %mul3A_781 : f32 to vector<16x512xf32>
    %mul3A_783 = arith.mulf %dot_general3A_780, %mul3A_782 : vector<16x512xf32>
    %reduce_max3A_784 = arith.constant dense<0xFF800000> : vector<512xf32>
    %reduce_max3A_785 = vector.multi_reduction <maximumf>, %mul3A_783, %reduce_max3A_784 [0] : vector<16x512xf32> to vector<512xf32>
    %broadcast_in_dim3A_786 = vector.shape_cast %reduce_max3A_785 : vector<512xf32> to vector<1x512xf32>
    %sub3A_787 = vector.broadcast %broadcast_in_dim3A_786 : vector<1x512xf32> to vector<16x512xf32>
    %sub3A_788 = arith.subf %mul3A_783, %sub3A_787 : vector<16x512xf32>
    %exp3A_789 = math.exp %sub3A_788 : vector<16x512xf32>
    %reduce_sum3A_790 = arith.constant dense<0.000000e+00> : vector<512xf32>
    %reduce_sum3A_791 = vector.multi_reduction <add>, %exp3A_789, %reduce_sum3A_790 [0] : vector<16x512xf32> to vector<512xf32>
    %broadcast_in_dim3A_792 = vector.shape_cast %reduce_sum3A_791 : vector<512xf32> to vector<1x512xf32>
    %div3A_793 = vector.broadcast %broadcast_in_dim3A_792 : vector<1x512xf32> to vector<16x512xf32>
    %div3A_794 = arith.divf %exp3A_789, %div3A_793 : vector<16x512xf32>
    %slice3A_795 = vector.extract_strided_slice %get3A_461 {offsets = [0, 960], sizes = [16, 64], strides = [1, 1]} : vector<16x1024xf32> to vector<16x64xf32>
    %dot_general3A_796 = arith.constant dense<0.000000e+00> : vector<512x64xf32>
    %dot_general3A_797 = tpu.matmul %div3A_794, %slice3A_795, %dot_general3A_796 {dimension_numbers = #tpu.dot_dimension_numbers<[0], [0], [1], [1], [0, 1, 1, 1], [], []>, transpose_lhs_hint = false} : vector<16x512xf32>, vector<16x64xf32>, vector<512x64xf32> -> vector<512x64xf32>
    %concatenate3A_798 = tpu.concatenate %dot_general3A_482, %dot_general3A_503, %dot_general3A_524, %dot_general3A_545, %dot_general3A_566, %dot_general3A_587, %dot_general3A_608, %dot_general3A_629, %dot_general3A_650, %dot_general3A_671, %dot_general3A_692, %dot_general3A_713, %dot_general3A_734, %dot_general3A_755, %dot_general3A_776, %dot_general3A_797 in 1 : vector<512x64xf32>, vector<512x64xf32>, vector<512x64xf32>, vector<512x64xf32>, vector<512x64xf32>, vector<512x64xf32>, vector<512x64xf32>, vector<512x64xf32>, vector<512x64xf32>, vector<512x64xf32>, vector<512x64xf32>, vector<512x64xf32>, vector<512x64xf32>, vector<512x64xf32>, vector<512x64xf32>, vector<512x64xf32> -> vector<512x1024xf32>
    %get3A_799 = arith.constant 0 : index
    %get3A_800 = arith.constant 0 : index
    %get3A_801 = vector.load %arg6[%get3A_799, %get3A_800] : memref<1024x1024xf32, #tpu.memory_space<vmem>>, vector<1024x1024xf32>
    %dot_general3A_802 = arith.constant dense<0.000000e+00> : vector<512x1024xf32>
    %dot_general3A_803 = tpu.matmul %concatenate3A_798, %get3A_801, %dot_general3A_802 {dimension_numbers = #tpu.dot_dimension_numbers<[1], [1], [0], [0], [0, 0, 1, 0], [], []>, transpose_lhs_hint = false} : vector<512x1024xf32>, vector<1024x1024xf32>, vector<512x1024xf32> -> vector<512x1024xf32>
    %get3A_804 = arith.constant 0 : index
    %get3A_805 = vector.load %arg7[%get3A_804] : memref<1024xf32, #tpu.memory_space<vmem>>, vector<1024xf32>
    %broadcast_in_dim3A_806 = vector.shape_cast %get3A_805 : vector<1024xf32> to vector<1x1024xf32>
    %add3A_807 = vector.broadcast %broadcast_in_dim3A_806 : vector<1x1024xf32> to vector<512x1024xf32>
    %add3A_808 = arith.addf %dot_general3A_803, %add3A_807 : vector<512x1024xf32>
    %add3A_809 = arith.addf %get3A_441, %add3A_808 : vector<512x1024xf32>
    %get3A_810 = arith.constant 0 : index
    %get3A_811 = vector.load %arg8[%get3A_810] : memref<1024xf32, #tpu.memory_space<vmem>>, vector<1024xf32>
    %mul3A_812 = arith.mulf %add3A_809, %add3A_809 : vector<512x1024xf32>
    %reduce_sum3A_813 = arith.constant dense<0.000000e+00> : vector<512xf32>
    %reduce_sum3A_814 = vector.multi_reduction <add>, %mul3A_812, %reduce_sum3A_813 [1] : vector<512x1024xf32> to vector<512xf32>
    %broadcast_in_dim3A_815 = vector.shape_cast %reduce_sum3A_814 : vector<512xf32> to vector<512x1xf32>
    %div3A_816 = arith.constant 1.024000e+03 : f32
    %div3A_817 = vector.broadcast %div3A_816 : f32 to vector<512x1xf32>
    %div3A_818 = arith.divf %broadcast_in_dim3A_815, %div3A_817 : vector<512x1xf32>
    %add3A_819 = arith.constant 9.99999997E-7 : f32
    %add3A_820 = vector.broadcast %add3A_819 : f32 to vector<512x1xf32>
    %add3A_821 = arith.addf %div3A_818, %add3A_820 : vector<512x1xf32>
    %rsqrt3A_822 = math.rsqrt %add3A_821 : vector<512x1xf32>
    %mul3A_823 = vector.broadcast %rsqrt3A_822 : vector<512x1xf32> to vector<512x1024xf32>
    %mul3A_824 = arith.mulf %add3A_809, %mul3A_823 : vector<512x1024xf32>
    %broadcast_in_dim3A_825 = vector.shape_cast %get3A_811 : vector<1024xf32> to vector<1x1024xf32>
    %mul3A_826 = vector.broadcast %broadcast_in_dim3A_825 : vector<1x1024xf32> to vector<512x1024xf32>
    %mul3A_827 = arith.mulf %mul3A_824, %mul3A_826 : vector<512x1024xf32>
    %swap3A_828 = arith.constant 1 : index
    %swap3A_829 = arith.constant 0 : index
    %swap3A_830 = arith.constant 0 : index
    %swap3A_831 = vector.load %arg14[%swap3A_828, %swap3A_829, %swap3A_830] : memref<2x512x1024xf32, #tpu.memory_space<vmem>>, vector<1x512x1024xf32>
    %swap3A_832 = vector.shape_cast %swap3A_831 : vector<1x512x1024xf32> to vector<512x1024xf32>
    %swap3A_833 = vector.shape_cast %mul3A_827 : vector<512x1024xf32> to vector<1x512x1024xf32>
    tpu.vector_store %arg14[%swap3A_828, %swap3A_829, %swap3A_830], %swap3A_833 {strides = array<i32>} : memref<2x512x1024xf32, #tpu.memory_space<vmem>>, vector<1x512x1024xf32>,
    %get3A_834 = arith.constant 0 : index
    %get3A_835 = vector.load %arg9[%get3A_834] : memref<1024xf32, #tpu.memory_space<vmem>>, vector<1024xf32>
    %broadcast_in_dim3A_836 = vector.shape_cast %get3A_835 : vector<1024xf32> to vector<1x1024xf32>
    %dot_general3A_837 = arith.constant dense<0.000000e+00> : vector<512x1xf32>
    %dot_general3A_838 = tpu.matmul %mul3A_827, %broadcast_in_dim3A_836, %dot_general3A_837 {dimension_numbers = #tpu.dot_dimension_numbers<[1], [1], [0], [0], [0, 0, 1, 0], [], []>, transpose_lhs_hint = false} : vector<512x1024xf32>, vector<1x1024xf32>, vector<512x1xf32> -> vector<512x1xf32>
    %squeeze3A_839 = vector.shape_cast %dot_general3A_838 : vector<512x1xf32> to vector<512xf32>
    %get3A_840 = arith.constant 0 : index
    %get3A_841 = vector.load %arg10[%get3A_840] : memref<1xf32, #tpu.memory_space<vmem>>, vector<1xf32>
    %get3A_842 = vector.extract %get3A_841[0] : f32 from vector<1xf32>
    %add3A_843 = vector.broadcast %get3A_842 : f32 to vector<512xf32>
    %add3A_844 = arith.addf %squeeze3A_839, %add3A_843 : vector<512xf32>
    %logistic3A_845 = arith.negf %add3A_844 : vector<512xf32>
    %logistic3A_846 = math.exp %logistic3A_845 : vector<512xf32>
    %logistic3A_847 = arith.constant 1.000000e+00 : f32
    %logistic3A_848 = vector.broadcast %logistic3A_847 : f32 to vector<512xf32>
    %logistic3A_849 = arith.addf %logistic3A_848, %logistic3A_846 : vector<512xf32>
    %logistic3A_850 = arith.divf %logistic3A_848, %logistic3A_849 : vector<512xf32>
    %swap3A_851 = arith.constant 1 : index
    %swap3A_852 = arith.constant 0 : index
    %swap3A_853 = vector.load %arg15[%swap3A_851, %swap3A_852] : memref<2x512xf32, #tpu.memory_space<vmem>>, vector<1x512xf32>
    %swap3A_854 = vector.shape_cast %swap3A_853 : vector<1x512xf32> to vector<512xf32>
    %swap3A_855 = vector.shape_cast %logistic3A_850 : vector<512xf32> to vector<1x512xf32>
    tpu.vector_store %arg15[%swap3A_851, %swap3A_852], %swap3A_855 {strides = array<i32>} : memref<2x512xf32, #tpu.memory_space<vmem>>, vector<1x512xf32>,
    %get3A_856 = arith.constant 0 : index
    %get3A_857 = vector.load %arg13[%get3A_856] : memref<1024xf32, #tpu.memory_space<vmem>>, vector<1024xf32>
    %mul3A_858 = arith.mulf %mul3A_827, %mul3A_827 : vector<512x1024xf32>
    %reduce_sum3A_859 = arith.constant dense<0.000000e+00> : vector<512xf32>
    %reduce_sum3A_860 = vector.multi_reduction <add>, %mul3A_858, %reduce_sum3A_859 [1] : vector<512x1024xf32> to vector<512xf32>
    %broadcast_in_dim3A_861 = vector.shape_cast %reduce_sum3A_860 : vector<512xf32> to vector<512x1xf32>
    %div3A_862 = arith.constant 1.024000e+03 : f32
    %div3A_863 = vector.broadcast %div3A_862 : f32 to vector<512x1xf32>
    %div3A_864 = arith.divf %broadcast_in_dim3A_861, %div3A_863 : vector<512x1xf32>
    %add3A_865 = arith.constant 9.99999997E-7 : f32
    %add3A_866 = vector.broadcast %add3A_865 : f32 to vector<512x1xf32>
    %add3A_867 = arith.addf %div3A_864, %add3A_866 : vector<512x1xf32>
    %rsqrt3A_868 = math.rsqrt %add3A_867 : vector<512x1xf32>
    %mul3A_869 = vector.broadcast %rsqrt3A_868 : vector<512x1xf32> to vector<512x1024xf32>
    %mul3A_870 = arith.mulf %mul3A_827, %mul3A_869 : vector<512x1024xf32>
    %broadcast_in_dim3A_871 = vector.shape_cast %get3A_857 : vector<1024xf32> to vector<1x1024xf32>
    %mul3A_872 = vector.broadcast %broadcast_in_dim3A_871 : vector<1x1024xf32> to vector<512x1024xf32>
    %mul3A_873 = arith.mulf %mul3A_870, %mul3A_872 : vector<512x1024xf32>
    %get3A_874 = arith.constant 0 : index
    %get3A_875 = arith.constant 0 : index
    %get3A_876 = vector.load %arg11[%get3A_874, %get3A_875] : memref<16x1024xf32, #tpu.memory_space<vmem>>, vector<16x1024xf32>
    %dot_general3A_877 = arith.constant dense<0.000000e+00> : vector<16x512xf32>
    %dot_general3A_878 = tpu.matmul %get3A_876, %mul3A_873, %dot_general3A_877 {dimension_numbers = #tpu.dot_dimension_numbers<[1], [1], [0], [0], [0, 0, 1, 0], [], []>, transpose_lhs_hint = false} : vector<16x1024xf32>, vector<512x1024xf32>, vector<16x512xf32> -> vector<16x512xf32>
    %get3A_879 = arith.constant 0 : index
    %get3A_880 = vector.load %arg12[%get3A_879] : memref<16xf32, #tpu.memory_space<vmem>>, vector<16xf32>
    %broadcast_in_dim3A_881 = vector.shape_cast %get3A_880 : vector<16xf32> to vector<16x1xf32>
    %add3A_882 = vector.broadcast %broadcast_in_dim3A_881 : vector<16x1xf32> to vector<16x512xf32>
    %add3A_883 = arith.addf %dot_general3A_878, %add3A_882 : vector<16x512xf32>
    %swap3A_884 = arith.constant 1 : index
    %swap3A_885 = arith.constant 0 : index
    %swap3A_886 = arith.constant 0 : index
    %swap3A_887 = vector.load %arg16[%swap3A_884, %swap3A_885, %swap3A_886] : memref<2x16x512xf32, #tpu.memory_space<vmem>>, vector<1x16x512xf32>
    %swap3A_888 = vector.shape_cast %swap3A_887 : vector<1x16x512xf32> to vector<16x512xf32>
    %swap3A_889 = vector.shape_cast %add3A_883 : vector<16x512xf32> to vector<1x16x512xf32>
    tpu.vector_store %arg16[%swap3A_884, %swap3A_885, %swap3A_886], %swap3A_889 {strides = array<i32>} : memref<2x16x512xf32, #tpu.memory_space<vmem>>, vector<1x16x512xf32>,
    return
  }
  func.func @transform_0(%arg0: i32) -> (i32, i32, i32) {
    %c0_i32 = arith.constant 0 : i32
    %c0_i32_0 = arith.constant 0 : i32
    %c0_i32_1 = arith.constant 0 : i32
    return %c0_i32, %arg0, %c0_i32_0 : i32, i32, i32
  }
  func.func @transform_1(%arg0: i32) -> (i32, i32, i32) {
    %c0_i32 = arith.constant 0 : i32
    %c0_i32_0 = arith.constant 0 : i32
    %c0_i32_1 = arith.constant 0 : i32
    %c0_i32_2 = arith.constant 0 : i32
    return %c0_i32, %c0_i32_0, %c0_i32_1 : i32, i32, i32
  }
  func.func @transform_2(%arg0: i32) -> (i32, i32, i32) {
    %c0_i32 = arith.constant 0 : i32
    %c0_i32_0 = arith.constant 0 : i32
    %c0_i32_1 = arith.constant 0 : i32
    %c0_i32_2 = arith.constant 0 : i32
    return %c0_i32, %c0_i32_0, %c0_i32_1 : i32, i32, i32
  }
  func.func @transform_3(%arg0: i32) -> (i32, i32) {
    %c0_i32 = arith.constant 0 : i32
    %c0_i32_0 = arith.constant 0 : i32
    %c0_i32_1 = arith.constant 0 : i32
    return %c0_i32, %c0_i32_0 : i32, i32
  }
  func.func @transform_4(%arg0: i32) -> i32 {
    %c0_i32 = arith.constant 0 : i32
    %c0_i32_0 = arith.constant 0 : i32
    return %c0_i32 : i32
  }
  func.func @transform_5(%arg0: i32) -> (i32, i32) {
    %c0_i32 = arith.constant 0 : i32
    %c0_i32_0 = arith.constant 0 : i32
    %c0_i32_1 = arith.constant 0 : i32
    return %c0_i32, %c0_i32_0 : i32, i32
  }
  func.func @transform_6(%arg0: i32) -> i32 {
    %c0_i32 = arith.constant 0 : i32
    %c0_i32_0 = arith.constant 0 : i32
    return %c0_i32 : i32
  }
  func.func @transform_7(%arg0: i32) -> i32 {
    %c0_i32 = arith.constant 0 : i32
    %c0_i32_0 = arith.constant 0 : i32
    return %c0_i32 : i32
  }
  func.func @transform_8(%arg0: i32) -> i32 {
    %c0_i32 = arith.constant 0 : i32
    %c0_i32_0 = arith.constant 0 : i32
    return %c0_i32 : i32
  }
  func.func @transform_9(%arg0: i32) -> i32 {
    %c0_i32 = arith.constant 0 : i32
    %c0_i32_0 = arith.constant 0 : i32
    return %c0_i32 : i32
  }
  func.func @transform_10(%arg0: i32) -> (i32, i32) {
    %c0_i32 = arith.constant 0 : i32
    %c0_i32_0 = arith.constant 0 : i32
    %c0_i32_1 = arith.constant 0 : i32
    return %c0_i32, %c0_i32_0 : i32, i32
  }
  func.func @transform_11(%arg0: i32) -> i32 {
    %c0_i32 = arith.constant 0 : i32
    %c0_i32_0 = arith.constant 0 : i32
    return %c0_i32 : i32
  }
  func.func @transform_12(%arg0: i32) -> i32 {
    %c0_i32 = arith.constant 0 : i32
    %c0_i32_0 = arith.constant 0 : i32
    return %c0_i32 : i32
  }
  func.func @transform_13(%arg0: i32) -> (i32, i32, i32) {
    %c0_i32 = arith.constant 0 : i32
    %c0_i32_0 = arith.constant 0 : i32
    %c0_i32_1 = arith.constant 0 : i32
    return %c0_i32, %arg0, %c0_i32_0 : i32, i32, i32
  }
  func.func @transform_14(%arg0: i32) -> (i32, i32) {
    %c0_i32 = arith.constant 0 : i32
    %c0_i32_0 = arith.constant 0 : i32
    return %c0_i32, %arg0 : i32, i32
  }
  func.func @transform_15(%arg0: i32) -> (i32, i32, i32) {
    %c0_i32 = arith.constant 0 : i32
    %c0_i32_0 = arith.constant 0 : i32
    %c0_i32_1 = arith.constant 0 : i32
    return %c0_i32, %c0_i32_0, %arg0 : i32, i32, i32
  }
}

module attributes {stable_mosaic.version = 14 : i64} {
  func.func @_d_body(%arg0: i32, %arg1: memref<2x512x1024xf32, #tpu.memory_space<vmem>>, %arg2: memref<2x16x1024xf32, #tpu.memory_space<vmem>>, %arg3: memref<2x16x1024xf32, #tpu.memory_space<vmem>>, %arg4: memref<1024x1024xf32, #tpu.memory_space<vmem>>, %arg5: memref<1024xf32, #tpu.memory_space<vmem>>, %arg6: memref<1024x1024xf32, #tpu.memory_space<vmem>>, %arg7: memref<1024xf32, #tpu.memory_space<vmem>>, %arg8: memref<1024xf32, #tpu.memory_space<vmem>>, %arg9: memref<1024xf32, #tpu.memory_space<vmem>>, %arg10: memref<1xf32, #tpu.memory_space<vmem>>, %arg11: memref<16x1024xf32, #tpu.memory_space<vmem>>, %arg12: memref<16xf32, #tpu.memory_space<vmem>>, %arg13: memref<1024xf32, #tpu.memory_space<vmem>>, %arg14: memref<2x512xf32, #tpu.memory_space<vmem>>, %arg15: memref<2x512x1024xf32, #tpu.memory_space<vmem>>, %arg16: memref<2x512xf32, #tpu.memory_space<vmem>>) attributes {dimension_semantics = [#tpu.dimension_semantics<arbitrary>], iteration_bounds = array<i64: 4>, scalar_prefetch = 0 : i64, scratch_operands = 0 : i64, tpu.core_type = #tpu.core_type<tc>, window_params = [{transform_indices = @transform_0, window_bounds = array<i64: 2, 512, 1024>}, {pipeline_mode = #tpu.pipeline_mode<synchronous>, transform_indices = @transform_1, window_bounds = array<i64: 2, 16, 1024>}, {pipeline_mode = #tpu.pipeline_mode<synchronous>, transform_indices = @transform_2, window_bounds = array<i64: 2, 16, 1024>}, {pipeline_mode = #tpu.pipeline_mode<synchronous>, transform_indices = @transform_3, window_bounds = array<i64: 1024, 1024>}, {pipeline_mode = #tpu.pipeline_mode<synchronous>, transform_indices = @transform_4, window_bounds = array<i64: 1024>}, {pipeline_mode = #tpu.pipeline_mode<synchronous>, transform_indices = @transform_5, window_bounds = array<i64: 1024, 1024>}, {pipeline_mode = #tpu.pipeline_mode<synchronous>, transform_indices = @transform_6, window_bounds = array<i64: 1024>}, {pipeline_mode = #tpu.pipeline_mode<synchronous>, transform_indices = @transform_7, window_bounds = array<i64: 1024>}, {pipeline_mode = #tpu.pipeline_mode<synchronous>, transform_indices = @transform_8, window_bounds = array<i64: 1024>}, {pipeline_mode = #tpu.pipeline_mode<synchronous>, transform_indices = @transform_9, window_bounds = array<i64: 1>}, {pipeline_mode = #tpu.pipeline_mode<synchronous>, transform_indices = @transform_10, window_bounds = array<i64: 16, 1024>}, {pipeline_mode = #tpu.pipeline_mode<synchronous>, transform_indices = @transform_11, window_bounds = array<i64: 16>}, {pipeline_mode = #tpu.pipeline_mode<synchronous>, transform_indices = @transform_12, window_bounds = array<i64: 1024>}, {transform_indices = @transform_13, window_bounds = array<i64: 2, 512>}, {transform_indices = @transform_14, window_bounds = array<i64: 2, 512, 1024>}, {transform_indices = @transform_15, window_bounds = array<i64: 2, 512>}]} {
    %get3A = arith.constant 0 : index
    %get3A_0 = arith.constant 0 : index
    %get3A_1 = arith.constant 0 : index
    %get3A_2 = vector.load %arg1[%get3A, %get3A_0, %get3A_1] : memref<2x512x1024xf32, #tpu.memory_space<vmem>>, vector<1x512x1024xf32>
    %get3A_3 = vector.shape_cast %get3A_2 : vector<1x512x1024xf32> to vector<512x1024xf32>
    %get3A_4 = arith.constant 0 : index
    %get3A_5 = arith.constant 0 : index
    %get3A_6 = vector.load %arg4[%get3A_4, %get3A_5] : memref<1024x1024xf32, #tpu.memory_space<vmem>>, vector<1024x1024xf32>
    %dot_general3A = arith.constant dense<0.000000e+00> : vector<512x1024xf32>
    %dot_general3A_7 = tpu.matmul %get3A_3, %get3A_6, %dot_general3A {dimension_numbers = #tpu.dot_dimension_numbers<[1], [1], [0], [0], [0, 0, 1, 0], [], []>, transpose_lhs_hint = false} : vector<512x1024xf32>, vector<1024x1024xf32>, vector<512x1024xf32> -> vector<512x1024xf32>
    %get3A_8 = arith.constant 0 : index
    %get3A_9 = vector.load %arg5[%get3A_8] : memref<1024xf32, #tpu.memory_space<vmem>>, vector<1024xf32>
    %broadcast_in_dim3A = vector.shape_cast %get3A_9 : vector<1024xf32> to vector<1x1024xf32>
    %add3A = vector.broadcast %broadcast_in_dim3A : vector<1x1024xf32> to vector<512x1024xf32>
    %add3A_10 = arith.addf %dot_general3A_7, %add3A : vector<512x1024xf32>
    %get3A_11 = arith.constant 0 : index
    %get3A_12 = arith.constant 0 : index
    %get3A_13 = arith.constant 0 : index
    %get3A_14 = vector.load %arg2[%get3A_11, %get3A_12, %get3A_13] : memref<2x16x1024xf32, #tpu.memory_space<vmem>>, vector<1x16x1024xf32>
    %get3A_15 = vector.shape_cast %get3A_14 : vector<1x16x1024xf32> to vector<16x1024xf32>
    %get3A_16 = arith.constant 0 : index
    %get3A_17 = arith.constant 0 : index
    %get3A_18 = arith.constant 0 : index
    %get3A_19 = vector.load %arg3[%get3A_16, %get3A_17, %get3A_18] : memref<2x16x1024xf32, #tpu.memory_space<vmem>>, vector<1x16x1024xf32>
    %get3A_20 = vector.shape_cast %get3A_19 : vector<1x16x1024xf32> to vector<16x1024xf32>
    %slice3A = vector.extract_strided_slice %get3A_15 {offsets = [0, 0], sizes = [16, 64], strides = [1, 1]} : vector<16x1024xf32> to vector<16x64xf32>
    %slice3A_21 = vector.extract_strided_slice %add3A_10 {offsets = [0, 0], sizes = [512, 64], strides = [1, 1]} : vector<512x1024xf32> to vector<512x64xf32>
    %dot_general3A_22 = arith.constant dense<0.000000e+00> : vector<16x512xf32>
    %dot_general3A_23 = tpu.matmul %slice3A, %slice3A_21, %dot_general3A_22 {dimension_numbers = #tpu.dot_dimension_numbers<[1], [1], [0], [0], [0, 0, 1, 0], [], []>, transpose_lhs_hint = false} : vector<16x64xf32>, vector<512x64xf32>, vector<16x512xf32> -> vector<16x512xf32>
    %mul3A = arith.constant 1.250000e-01 : f32
    %mul3A_24 = vector.broadcast %mul3A : f32 to vector<16x512xf32>
    %mul3A_25 = arith.mulf %dot_general3A_23, %mul3A_24 : vector<16x512xf32>
    %reduce_max3A = arith.constant dense<0xFF800000> : vector<512xf32>
    %reduce_max3A_26 = vector.multi_reduction <maximumf>, %mul3A_25, %reduce_max3A [0] : vector<16x512xf32> to vector<512xf32>
    %broadcast_in_dim3A_27 = vector.shape_cast %reduce_max3A_26 : vector<512xf32> to vector<1x512xf32>
    %sub3A = vector.broadcast %broadcast_in_dim3A_27 : vector<1x512xf32> to vector<16x512xf32>
    %sub3A_28 = arith.subf %mul3A_25, %sub3A : vector<16x512xf32>
    %exp3A = math.exp %sub3A_28 : vector<16x512xf32>
    %reduce_sum3A = arith.constant dense<0.000000e+00> : vector<512xf32>
    %reduce_sum3A_29 = vector.multi_reduction <add>, %exp3A, %reduce_sum3A [0] : vector<16x512xf32> to vector<512xf32>
    %broadcast_in_dim3A_30 = vector.shape_cast %reduce_sum3A_29 : vector<512xf32> to vector<1x512xf32>
    %div3A = vector.broadcast %broadcast_in_dim3A_30 : vector<1x512xf32> to vector<16x512xf32>
    %div3A_31 = arith.divf %exp3A, %div3A : vector<16x512xf32>
    %slice3A_32 = vector.extract_strided_slice %get3A_20 {offsets = [0, 0], sizes = [16, 64], strides = [1, 1]} : vector<16x1024xf32> to vector<16x64xf32>
    %dot_general3A_33 = arith.constant dense<0.000000e+00> : vector<512x64xf32>
    %dot_general3A_34 = tpu.matmul %div3A_31, %slice3A_32, %dot_general3A_33 {dimension_numbers = #tpu.dot_dimension_numbers<[0], [0], [1], [1], [0, 1, 1, 1], [], []>, transpose_lhs_hint = false} : vector<16x512xf32>, vector<16x64xf32>, vector<512x64xf32> -> vector<512x64xf32>
    %slice3A_35 = vector.extract_strided_slice %get3A_15 {offsets = [0, 64], sizes = [16, 64], strides = [1, 1]} : vector<16x1024xf32> to vector<16x64xf32>
    %slice3A_36 = vector.extract_strided_slice %add3A_10 {offsets = [0, 64], sizes = [512, 64], strides = [1, 1]} : vector<512x1024xf32> to vector<512x64xf32>
    %dot_general3A_37 = arith.constant dense<0.000000e+00> : vector<16x512xf32>
    %dot_general3A_38 = tpu.matmul %slice3A_35, %slice3A_36, %dot_general3A_37 {dimension_numbers = #tpu.dot_dimension_numbers<[1], [1], [0], [0], [0, 0, 1, 0], [], []>, transpose_lhs_hint = false} : vector<16x64xf32>, vector<512x64xf32>, vector<16x512xf32> -> vector<16x512xf32>
    %mul3A_39 = arith.constant 1.250000e-01 : f32
    %mul3A_40 = vector.broadcast %mul3A_39 : f32 to vector<16x512xf32>
    %mul3A_41 = arith.mulf %dot_general3A_38, %mul3A_40 : vector<16x512xf32>
    %reduce_max3A_42 = arith.constant dense<0xFF800000> : vector<512xf32>
    %reduce_max3A_43 = vector.multi_reduction <maximumf>, %mul3A_41, %reduce_max3A_42 [0] : vector<16x512xf32> to vector<512xf32>
    %broadcast_in_dim3A_44 = vector.shape_cast %reduce_max3A_43 : vector<512xf32> to vector<1x512xf32>
    %sub3A_45 = vector.broadcast %broadcast_in_dim3A_44 : vector<1x512xf32> to vector<16x512xf32>
    %sub3A_46 = arith.subf %mul3A_41, %sub3A_45 : vector<16x512xf32>
    %exp3A_47 = math.exp %sub3A_46 : vector<16x512xf32>
    %reduce_sum3A_48 = arith.constant dense<0.000000e+00> : vector<512xf32>
    %reduce_sum3A_49 = vector.multi_reduction <add>, %exp3A_47, %reduce_sum3A_48 [0] : vector<16x512xf32> to vector<512xf32>
    %broadcast_in_dim3A_50 = vector.shape_cast %reduce_sum3A_49 : vector<512xf32> to vector<1x512xf32>
    %div3A_51 = vector.broadcast %broadcast_in_dim3A_50 : vector<1x512xf32> to vector<16x512xf32>
    %div3A_52 = arith.divf %exp3A_47, %div3A_51 : vector<16x512xf32>
    %slice3A_53 = vector.extract_strided_slice %get3A_20 {offsets = [0, 64], sizes = [16, 64], strides = [1, 1]} : vector<16x1024xf32> to vector<16x64xf32>
    %dot_general3A_54 = arith.constant dense<0.000000e+00> : vector<512x64xf32>
    %dot_general3A_55 = tpu.matmul %div3A_52, %slice3A_53, %dot_general3A_54 {dimension_numbers = #tpu.dot_dimension_numbers<[0], [0], [1], [1], [0, 1, 1, 1], [], []>, transpose_lhs_hint = false} : vector<16x512xf32>, vector<16x64xf32>, vector<512x64xf32> -> vector<512x64xf32>
    %slice3A_56 = vector.extract_strided_slice %get3A_15 {offsets = [0, 128], sizes = [16, 64], strides = [1, 1]} : vector<16x1024xf32> to vector<16x64xf32>
    %slice3A_57 = vector.extract_strided_slice %add3A_10 {offsets = [0, 128], sizes = [512, 64], strides = [1, 1]} : vector<512x1024xf32> to vector<512x64xf32>
    %dot_general3A_58 = arith.constant dense<0.000000e+00> : vector<16x512xf32>
    %dot_general3A_59 = tpu.matmul %slice3A_56, %slice3A_57, %dot_general3A_58 {dimension_numbers = #tpu.dot_dimension_numbers<[1], [1], [0], [0], [0, 0, 1, 0], [], []>, transpose_lhs_hint = false} : vector<16x64xf32>, vector<512x64xf32>, vector<16x512xf32> -> vector<16x512xf32>
    %mul3A_60 = arith.constant 1.250000e-01 : f32
    %mul3A_61 = vector.broadcast %mul3A_60 : f32 to vector<16x512xf32>
    %mul3A_62 = arith.mulf %dot_general3A_59, %mul3A_61 : vector<16x512xf32>
    %reduce_max3A_63 = arith.constant dense<0xFF800000> : vector<512xf32>
    %reduce_max3A_64 = vector.multi_reduction <maximumf>, %mul3A_62, %reduce_max3A_63 [0] : vector<16x512xf32> to vector<512xf32>
    %broadcast_in_dim3A_65 = vector.shape_cast %reduce_max3A_64 : vector<512xf32> to vector<1x512xf32>
    %sub3A_66 = vector.broadcast %broadcast_in_dim3A_65 : vector<1x512xf32> to vector<16x512xf32>
    %sub3A_67 = arith.subf %mul3A_62, %sub3A_66 : vector<16x512xf32>
    %exp3A_68 = math.exp %sub3A_67 : vector<16x512xf32>
    %reduce_sum3A_69 = arith.constant dense<0.000000e+00> : vector<512xf32>
    %reduce_sum3A_70 = vector.multi_reduction <add>, %exp3A_68, %reduce_sum3A_69 [0] : vector<16x512xf32> to vector<512xf32>
    %broadcast_in_dim3A_71 = vector.shape_cast %reduce_sum3A_70 : vector<512xf32> to vector<1x512xf32>
    %div3A_72 = vector.broadcast %broadcast_in_dim3A_71 : vector<1x512xf32> to vector<16x512xf32>
    %div3A_73 = arith.divf %exp3A_68, %div3A_72 : vector<16x512xf32>
    %slice3A_74 = vector.extract_strided_slice %get3A_20 {offsets = [0, 128], sizes = [16, 64], strides = [1, 1]} : vector<16x1024xf32> to vector<16x64xf32>
    %dot_general3A_75 = arith.constant dense<0.000000e+00> : vector<512x64xf32>
    %dot_general3A_76 = tpu.matmul %div3A_73, %slice3A_74, %dot_general3A_75 {dimension_numbers = #tpu.dot_dimension_numbers<[0], [0], [1], [1], [0, 1, 1, 1], [], []>, transpose_lhs_hint = false} : vector<16x512xf32>, vector<16x64xf32>, vector<512x64xf32> -> vector<512x64xf32>
    %slice3A_77 = vector.extract_strided_slice %get3A_15 {offsets = [0, 192], sizes = [16, 64], strides = [1, 1]} : vector<16x1024xf32> to vector<16x64xf32>
    %slice3A_78 = vector.extract_strided_slice %add3A_10 {offsets = [0, 192], sizes = [512, 64], strides = [1, 1]} : vector<512x1024xf32> to vector<512x64xf32>
    %dot_general3A_79 = arith.constant dense<0.000000e+00> : vector<16x512xf32>
    %dot_general3A_80 = tpu.matmul %slice3A_77, %slice3A_78, %dot_general3A_79 {dimension_numbers = #tpu.dot_dimension_numbers<[1], [1], [0], [0], [0, 0, 1, 0], [], []>, transpose_lhs_hint = false} : vector<16x64xf32>, vector<512x64xf32>, vector<16x512xf32> -> vector<16x512xf32>
    %mul3A_81 = arith.constant 1.250000e-01 : f32
    %mul3A_82 = vector.broadcast %mul3A_81 : f32 to vector<16x512xf32>
    %mul3A_83 = arith.mulf %dot_general3A_80, %mul3A_82 : vector<16x512xf32>
    %reduce_max3A_84 = arith.constant dense<0xFF800000> : vector<512xf32>
    %reduce_max3A_85 = vector.multi_reduction <maximumf>, %mul3A_83, %reduce_max3A_84 [0] : vector<16x512xf32> to vector<512xf32>
    %broadcast_in_dim3A_86 = vector.shape_cast %reduce_max3A_85 : vector<512xf32> to vector<1x512xf32>
    %sub3A_87 = vector.broadcast %broadcast_in_dim3A_86 : vector<1x512xf32> to vector<16x512xf32>
    %sub3A_88 = arith.subf %mul3A_83, %sub3A_87 : vector<16x512xf32>
    %exp3A_89 = math.exp %sub3A_88 : vector<16x512xf32>
    %reduce_sum3A_90 = arith.constant dense<0.000000e+00> : vector<512xf32>
    %reduce_sum3A_91 = vector.multi_reduction <add>, %exp3A_89, %reduce_sum3A_90 [0] : vector<16x512xf32> to vector<512xf32>
    %broadcast_in_dim3A_92 = vector.shape_cast %reduce_sum3A_91 : vector<512xf32> to vector<1x512xf32>
    %div3A_93 = vector.broadcast %broadcast_in_dim3A_92 : vector<1x512xf32> to vector<16x512xf32>
    %div3A_94 = arith.divf %exp3A_89, %div3A_93 : vector<16x512xf32>
    %slice3A_95 = vector.extract_strided_slice %get3A_20 {offsets = [0, 192], sizes = [16, 64], strides = [1, 1]} : vector<16x1024xf32> to vector<16x64xf32>
    %dot_general3A_96 = arith.constant dense<0.000000e+00> : vector<512x64xf32>
    %dot_general3A_97 = tpu.matmul %div3A_94, %slice3A_95, %dot_general3A_96 {dimension_numbers = #tpu.dot_dimension_numbers<[0], [0], [1], [1], [0, 1, 1, 1], [], []>, transpose_lhs_hint = false} : vector<16x512xf32>, vector<16x64xf32>, vector<512x64xf32> -> vector<512x64xf32>
    %slice3A_98 = vector.extract_strided_slice %get3A_15 {offsets = [0, 256], sizes = [16, 64], strides = [1, 1]} : vector<16x1024xf32> to vector<16x64xf32>
    %slice3A_99 = vector.extract_strided_slice %add3A_10 {offsets = [0, 256], sizes = [512, 64], strides = [1, 1]} : vector<512x1024xf32> to vector<512x64xf32>
    %dot_general3A_100 = arith.constant dense<0.000000e+00> : vector<16x512xf32>
    %dot_general3A_101 = tpu.matmul %slice3A_98, %slice3A_99, %dot_general3A_100 {dimension_numbers = #tpu.dot_dimension_numbers<[1], [1], [0], [0], [0, 0, 1, 0], [], []>, transpose_lhs_hint = false} : vector<16x64xf32>, vector<512x64xf32>, vector<16x512xf32> -> vector<16x512xf32>
    %mul3A_102 = arith.constant 1.250000e-01 : f32
    %mul3A_103 = vector.broadcast %mul3A_102 : f32 to vector<16x512xf32>
    %mul3A_104 = arith.mulf %dot_general3A_101, %mul3A_103 : vector<16x512xf32>
    %reduce_max3A_105 = arith.constant dense<0xFF800000> : vector<512xf32>
    %reduce_max3A_106 = vector.multi_reduction <maximumf>, %mul3A_104, %reduce_max3A_105 [0] : vector<16x512xf32> to vector<512xf32>
    %broadcast_in_dim3A_107 = vector.shape_cast %reduce_max3A_106 : vector<512xf32> to vector<1x512xf32>
    %sub3A_108 = vector.broadcast %broadcast_in_dim3A_107 : vector<1x512xf32> to vector<16x512xf32>
    %sub3A_109 = arith.subf %mul3A_104, %sub3A_108 : vector<16x512xf32>
    %exp3A_110 = math.exp %sub3A_109 : vector<16x512xf32>
    %reduce_sum3A_111 = arith.constant dense<0.000000e+00> : vector<512xf32>
    %reduce_sum3A_112 = vector.multi_reduction <add>, %exp3A_110, %reduce_sum3A_111 [0] : vector<16x512xf32> to vector<512xf32>
    %broadcast_in_dim3A_113 = vector.shape_cast %reduce_sum3A_112 : vector<512xf32> to vector<1x512xf32>
    %div3A_114 = vector.broadcast %broadcast_in_dim3A_113 : vector<1x512xf32> to vector<16x512xf32>
    %div3A_115 = arith.divf %exp3A_110, %div3A_114 : vector<16x512xf32>
    %slice3A_116 = vector.extract_strided_slice %get3A_20 {offsets = [0, 256], sizes = [16, 64], strides = [1, 1]} : vector<16x1024xf32> to vector<16x64xf32>
    %dot_general3A_117 = arith.constant dense<0.000000e+00> : vector<512x64xf32>
    %dot_general3A_118 = tpu.matmul %div3A_115, %slice3A_116, %dot_general3A_117 {dimension_numbers = #tpu.dot_dimension_numbers<[0], [0], [1], [1], [0, 1, 1, 1], [], []>, transpose_lhs_hint = false} : vector<16x512xf32>, vector<16x64xf32>, vector<512x64xf32> -> vector<512x64xf32>
    %slice3A_119 = vector.extract_strided_slice %get3A_15 {offsets = [0, 320], sizes = [16, 64], strides = [1, 1]} : vector<16x1024xf32> to vector<16x64xf32>
    %slice3A_120 = vector.extract_strided_slice %add3A_10 {offsets = [0, 320], sizes = [512, 64], strides = [1, 1]} : vector<512x1024xf32> to vector<512x64xf32>
    %dot_general3A_121 = arith.constant dense<0.000000e+00> : vector<16x512xf32>
    %dot_general3A_122 = tpu.matmul %slice3A_119, %slice3A_120, %dot_general3A_121 {dimension_numbers = #tpu.dot_dimension_numbers<[1], [1], [0], [0], [0, 0, 1, 0], [], []>, transpose_lhs_hint = false} : vector<16x64xf32>, vector<512x64xf32>, vector<16x512xf32> -> vector<16x512xf32>
    %mul3A_123 = arith.constant 1.250000e-01 : f32
    %mul3A_124 = vector.broadcast %mul3A_123 : f32 to vector<16x512xf32>
    %mul3A_125 = arith.mulf %dot_general3A_122, %mul3A_124 : vector<16x512xf32>
    %reduce_max3A_126 = arith.constant dense<0xFF800000> : vector<512xf32>
    %reduce_max3A_127 = vector.multi_reduction <maximumf>, %mul3A_125, %reduce_max3A_126 [0] : vector<16x512xf32> to vector<512xf32>
    %broadcast_in_dim3A_128 = vector.shape_cast %reduce_max3A_127 : vector<512xf32> to vector<1x512xf32>
    %sub3A_129 = vector.broadcast %broadcast_in_dim3A_128 : vector<1x512xf32> to vector<16x512xf32>
    %sub3A_130 = arith.subf %mul3A_125, %sub3A_129 : vector<16x512xf32>
    %exp3A_131 = math.exp %sub3A_130 : vector<16x512xf32>
    %reduce_sum3A_132 = arith.constant dense<0.000000e+00> : vector<512xf32>
    %reduce_sum3A_133 = vector.multi_reduction <add>, %exp3A_131, %reduce_sum3A_132 [0] : vector<16x512xf32> to vector<512xf32>
    %broadcast_in_dim3A_134 = vector.shape_cast %reduce_sum3A_133 : vector<512xf32> to vector<1x512xf32>
    %div3A_135 = vector.broadcast %broadcast_in_dim3A_134 : vector<1x512xf32> to vector<16x512xf32>
    %div3A_136 = arith.divf %exp3A_131, %div3A_135 : vector<16x512xf32>
    %slice3A_137 = vector.extract_strided_slice %get3A_20 {offsets = [0, 320], sizes = [16, 64], strides = [1, 1]} : vector<16x1024xf32> to vector<16x64xf32>
    %dot_general3A_138 = arith.constant dense<0.000000e+00> : vector<512x64xf32>
    %dot_general3A_139 = tpu.matmul %div3A_136, %slice3A_137, %dot_general3A_138 {dimension_numbers = #tpu.dot_dimension_numbers<[0], [0], [1], [1], [0, 1, 1, 1], [], []>, transpose_lhs_hint = false} : vector<16x512xf32>, vector<16x64xf32>, vector<512x64xf32> -> vector<512x64xf32>
    %slice3A_140 = vector.extract_strided_slice %get3A_15 {offsets = [0, 384], sizes = [16, 64], strides = [1, 1]} : vector<16x1024xf32> to vector<16x64xf32>
    %slice3A_141 = vector.extract_strided_slice %add3A_10 {offsets = [0, 384], sizes = [512, 64], strides = [1, 1]} : vector<512x1024xf32> to vector<512x64xf32>
    %dot_general3A_142 = arith.constant dense<0.000000e+00> : vector<16x512xf32>
    %dot_general3A_143 = tpu.matmul %slice3A_140, %slice3A_141, %dot_general3A_142 {dimension_numbers = #tpu.dot_dimension_numbers<[1], [1], [0], [0], [0, 0, 1, 0], [], []>, transpose_lhs_hint = false} : vector<16x64xf32>, vector<512x64xf32>, vector<16x512xf32> -> vector<16x512xf32>
    %mul3A_144 = arith.constant 1.250000e-01 : f32
    %mul3A_145 = vector.broadcast %mul3A_144 : f32 to vector<16x512xf32>
    %mul3A_146 = arith.mulf %dot_general3A_143, %mul3A_145 : vector<16x512xf32>
    %reduce_max3A_147 = arith.constant dense<0xFF800000> : vector<512xf32>
    %reduce_max3A_148 = vector.multi_reduction <maximumf>, %mul3A_146, %reduce_max3A_147 [0] : vector<16x512xf32> to vector<512xf32>
    %broadcast_in_dim3A_149 = vector.shape_cast %reduce_max3A_148 : vector<512xf32> to vector<1x512xf32>
    %sub3A_150 = vector.broadcast %broadcast_in_dim3A_149 : vector<1x512xf32> to vector<16x512xf32>
    %sub3A_151 = arith.subf %mul3A_146, %sub3A_150 : vector<16x512xf32>
    %exp3A_152 = math.exp %sub3A_151 : vector<16x512xf32>
    %reduce_sum3A_153 = arith.constant dense<0.000000e+00> : vector<512xf32>
    %reduce_sum3A_154 = vector.multi_reduction <add>, %exp3A_152, %reduce_sum3A_153 [0] : vector<16x512xf32> to vector<512xf32>
    %broadcast_in_dim3A_155 = vector.shape_cast %reduce_sum3A_154 : vector<512xf32> to vector<1x512xf32>
    %div3A_156 = vector.broadcast %broadcast_in_dim3A_155 : vector<1x512xf32> to vector<16x512xf32>
    %div3A_157 = arith.divf %exp3A_152, %div3A_156 : vector<16x512xf32>
    %slice3A_158 = vector.extract_strided_slice %get3A_20 {offsets = [0, 384], sizes = [16, 64], strides = [1, 1]} : vector<16x1024xf32> to vector<16x64xf32>
    %dot_general3A_159 = arith.constant dense<0.000000e+00> : vector<512x64xf32>
    %dot_general3A_160 = tpu.matmul %div3A_157, %slice3A_158, %dot_general3A_159 {dimension_numbers = #tpu.dot_dimension_numbers<[0], [0], [1], [1], [0, 1, 1, 1], [], []>, transpose_lhs_hint = false} : vector<16x512xf32>, vector<16x64xf32>, vector<512x64xf32> -> vector<512x64xf32>
    %slice3A_161 = vector.extract_strided_slice %get3A_15 {offsets = [0, 448], sizes = [16, 64], strides = [1, 1]} : vector<16x1024xf32> to vector<16x64xf32>
    %slice3A_162 = vector.extract_strided_slice %add3A_10 {offsets = [0, 448], sizes = [512, 64], strides = [1, 1]} : vector<512x1024xf32> to vector<512x64xf32>
    %dot_general3A_163 = arith.constant dense<0.000000e+00> : vector<16x512xf32>
    %dot_general3A_164 = tpu.matmul %slice3A_161, %slice3A_162, %dot_general3A_163 {dimension_numbers = #tpu.dot_dimension_numbers<[1], [1], [0], [0], [0, 0, 1, 0], [], []>, transpose_lhs_hint = false} : vector<16x64xf32>, vector<512x64xf32>, vector<16x512xf32> -> vector<16x512xf32>
    %mul3A_165 = arith.constant 1.250000e-01 : f32
    %mul3A_166 = vector.broadcast %mul3A_165 : f32 to vector<16x512xf32>
    %mul3A_167 = arith.mulf %dot_general3A_164, %mul3A_166 : vector<16x512xf32>
    %reduce_max3A_168 = arith.constant dense<0xFF800000> : vector<512xf32>
    %reduce_max3A_169 = vector.multi_reduction <maximumf>, %mul3A_167, %reduce_max3A_168 [0] : vector<16x512xf32> to vector<512xf32>
    %broadcast_in_dim3A_170 = vector.shape_cast %reduce_max3A_169 : vector<512xf32> to vector<1x512xf32>
    %sub3A_171 = vector.broadcast %broadcast_in_dim3A_170 : vector<1x512xf32> to vector<16x512xf32>
    %sub3A_172 = arith.subf %mul3A_167, %sub3A_171 : vector<16x512xf32>
    %exp3A_173 = math.exp %sub3A_172 : vector<16x512xf32>
    %reduce_sum3A_174 = arith.constant dense<0.000000e+00> : vector<512xf32>
    %reduce_sum3A_175 = vector.multi_reduction <add>, %exp3A_173, %reduce_sum3A_174 [0] : vector<16x512xf32> to vector<512xf32>
    %broadcast_in_dim3A_176 = vector.shape_cast %reduce_sum3A_175 : vector<512xf32> to vector<1x512xf32>
    %div3A_177 = vector.broadcast %broadcast_in_dim3A_176 : vector<1x512xf32> to vector<16x512xf32>
    %div3A_178 = arith.divf %exp3A_173, %div3A_177 : vector<16x512xf32>
    %slice3A_179 = vector.extract_strided_slice %get3A_20 {offsets = [0, 448], sizes = [16, 64], strides = [1, 1]} : vector<16x1024xf32> to vector<16x64xf32>
    %dot_general3A_180 = arith.constant dense<0.000000e+00> : vector<512x64xf32>
    %dot_general3A_181 = tpu.matmul %div3A_178, %slice3A_179, %dot_general3A_180 {dimension_numbers = #tpu.dot_dimension_numbers<[0], [0], [1], [1], [0, 1, 1, 1], [], []>, transpose_lhs_hint = false} : vector<16x512xf32>, vector<16x64xf32>, vector<512x64xf32> -> vector<512x64xf32>
    %slice3A_182 = vector.extract_strided_slice %get3A_15 {offsets = [0, 512], sizes = [16, 64], strides = [1, 1]} : vector<16x1024xf32> to vector<16x64xf32>
    %slice3A_183 = vector.extract_strided_slice %add3A_10 {offsets = [0, 512], sizes = [512, 64], strides = [1, 1]} : vector<512x1024xf32> to vector<512x64xf32>
    %dot_general3A_184 = arith.constant dense<0.000000e+00> : vector<16x512xf32>
    %dot_general3A_185 = tpu.matmul %slice3A_182, %slice3A_183, %dot_general3A_184 {dimension_numbers = #tpu.dot_dimension_numbers<[1], [1], [0], [0], [0, 0, 1, 0], [], []>, transpose_lhs_hint = false} : vector<16x64xf32>, vector<512x64xf32>, vector<16x512xf32> -> vector<16x512xf32>
    %mul3A_186 = arith.constant 1.250000e-01 : f32
    %mul3A_187 = vector.broadcast %mul3A_186 : f32 to vector<16x512xf32>
    %mul3A_188 = arith.mulf %dot_general3A_185, %mul3A_187 : vector<16x512xf32>
    %reduce_max3A_189 = arith.constant dense<0xFF800000> : vector<512xf32>
    %reduce_max3A_190 = vector.multi_reduction <maximumf>, %mul3A_188, %reduce_max3A_189 [0] : vector<16x512xf32> to vector<512xf32>
    %broadcast_in_dim3A_191 = vector.shape_cast %reduce_max3A_190 : vector<512xf32> to vector<1x512xf32>
    %sub3A_192 = vector.broadcast %broadcast_in_dim3A_191 : vector<1x512xf32> to vector<16x512xf32>
    %sub3A_193 = arith.subf %mul3A_188, %sub3A_192 : vector<16x512xf32>
    %exp3A_194 = math.exp %sub3A_193 : vector<16x512xf32>
    %reduce_sum3A_195 = arith.constant dense<0.000000e+00> : vector<512xf32>
    %reduce_sum3A_196 = vector.multi_reduction <add>, %exp3A_194, %reduce_sum3A_195 [0] : vector<16x512xf32> to vector<512xf32>
    %broadcast_in_dim3A_197 = vector.shape_cast %reduce_sum3A_196 : vector<512xf32> to vector<1x512xf32>
    %div3A_198 = vector.broadcast %broadcast_in_dim3A_197 : vector<1x512xf32> to vector<16x512xf32>
    %div3A_199 = arith.divf %exp3A_194, %div3A_198 : vector<16x512xf32>
    %slice3A_200 = vector.extract_strided_slice %get3A_20 {offsets = [0, 512], sizes = [16, 64], strides = [1, 1]} : vector<16x1024xf32> to vector<16x64xf32>
    %dot_general3A_201 = arith.constant dense<0.000000e+00> : vector<512x64xf32>
    %dot_general3A_202 = tpu.matmul %div3A_199, %slice3A_200, %dot_general3A_201 {dimension_numbers = #tpu.dot_dimension_numbers<[0], [0], [1], [1], [0, 1, 1, 1], [], []>, transpose_lhs_hint = false} : vector<16x512xf32>, vector<16x64xf32>, vector<512x64xf32> -> vector<512x64xf32>
    %slice3A_203 = vector.extract_strided_slice %get3A_15 {offsets = [0, 576], sizes = [16, 64], strides = [1, 1]} : vector<16x1024xf32> to vector<16x64xf32>
    %slice3A_204 = vector.extract_strided_slice %add3A_10 {offsets = [0, 576], sizes = [512, 64], strides = [1, 1]} : vector<512x1024xf32> to vector<512x64xf32>
    %dot_general3A_205 = arith.constant dense<0.000000e+00> : vector<16x512xf32>
    %dot_general3A_206 = tpu.matmul %slice3A_203, %slice3A_204, %dot_general3A_205 {dimension_numbers = #tpu.dot_dimension_numbers<[1], [1], [0], [0], [0, 0, 1, 0], [], []>, transpose_lhs_hint = false} : vector<16x64xf32>, vector<512x64xf32>, vector<16x512xf32> -> vector<16x512xf32>
    %mul3A_207 = arith.constant 1.250000e-01 : f32
    %mul3A_208 = vector.broadcast %mul3A_207 : f32 to vector<16x512xf32>
    %mul3A_209 = arith.mulf %dot_general3A_206, %mul3A_208 : vector<16x512xf32>
    %reduce_max3A_210 = arith.constant dense<0xFF800000> : vector<512xf32>
    %reduce_max3A_211 = vector.multi_reduction <maximumf>, %mul3A_209, %reduce_max3A_210 [0] : vector<16x512xf32> to vector<512xf32>
    %broadcast_in_dim3A_212 = vector.shape_cast %reduce_max3A_211 : vector<512xf32> to vector<1x512xf32>
    %sub3A_213 = vector.broadcast %broadcast_in_dim3A_212 : vector<1x512xf32> to vector<16x512xf32>
    %sub3A_214 = arith.subf %mul3A_209, %sub3A_213 : vector<16x512xf32>
    %exp3A_215 = math.exp %sub3A_214 : vector<16x512xf32>
    %reduce_sum3A_216 = arith.constant dense<0.000000e+00> : vector<512xf32>
    %reduce_sum3A_217 = vector.multi_reduction <add>, %exp3A_215, %reduce_sum3A_216 [0] : vector<16x512xf32> to vector<512xf32>
    %broadcast_in_dim3A_218 = vector.shape_cast %reduce_sum3A_217 : vector<512xf32> to vector<1x512xf32>
    %div3A_219 = vector.broadcast %broadcast_in_dim3A_218 : vector<1x512xf32> to vector<16x512xf32>
    %div3A_220 = arith.divf %exp3A_215, %div3A_219 : vector<16x512xf32>
    %slice3A_221 = vector.extract_strided_slice %get3A_20 {offsets = [0, 576], sizes = [16, 64], strides = [1, 1]} : vector<16x1024xf32> to vector<16x64xf32>
    %dot_general3A_222 = arith.constant dense<0.000000e+00> : vector<512x64xf32>
    %dot_general3A_223 = tpu.matmul %div3A_220, %slice3A_221, %dot_general3A_222 {dimension_numbers = #tpu.dot_dimension_numbers<[0], [0], [1], [1], [0, 1, 1, 1], [], []>, transpose_lhs_hint = false} : vector<16x512xf32>, vector<16x64xf32>, vector<512x64xf32> -> vector<512x64xf32>
    %slice3A_224 = vector.extract_strided_slice %get3A_15 {offsets = [0, 640], sizes = [16, 64], strides = [1, 1]} : vector<16x1024xf32> to vector<16x64xf32>
    %slice3A_225 = vector.extract_strided_slice %add3A_10 {offsets = [0, 640], sizes = [512, 64], strides = [1, 1]} : vector<512x1024xf32> to vector<512x64xf32>
    %dot_general3A_226 = arith.constant dense<0.000000e+00> : vector<16x512xf32>
    %dot_general3A_227 = tpu.matmul %slice3A_224, %slice3A_225, %dot_general3A_226 {dimension_numbers = #tpu.dot_dimension_numbers<[1], [1], [0], [0], [0, 0, 1, 0], [], []>, transpose_lhs_hint = false} : vector<16x64xf32>, vector<512x64xf32>, vector<16x512xf32> -> vector<16x512xf32>
    %mul3A_228 = arith.constant 1.250000e-01 : f32
    %mul3A_229 = vector.broadcast %mul3A_228 : f32 to vector<16x512xf32>
    %mul3A_230 = arith.mulf %dot_general3A_227, %mul3A_229 : vector<16x512xf32>
    %reduce_max3A_231 = arith.constant dense<0xFF800000> : vector<512xf32>
    %reduce_max3A_232 = vector.multi_reduction <maximumf>, %mul3A_230, %reduce_max3A_231 [0] : vector<16x512xf32> to vector<512xf32>
    %broadcast_in_dim3A_233 = vector.shape_cast %reduce_max3A_232 : vector<512xf32> to vector<1x512xf32>
    %sub3A_234 = vector.broadcast %broadcast_in_dim3A_233 : vector<1x512xf32> to vector<16x512xf32>
    %sub3A_235 = arith.subf %mul3A_230, %sub3A_234 : vector<16x512xf32>
    %exp3A_236 = math.exp %sub3A_235 : vector<16x512xf32>
    %reduce_sum3A_237 = arith.constant dense<0.000000e+00> : vector<512xf32>
    %reduce_sum3A_238 = vector.multi_reduction <add>, %exp3A_236, %reduce_sum3A_237 [0] : vector<16x512xf32> to vector<512xf32>
    %broadcast_in_dim3A_239 = vector.shape_cast %reduce_sum3A_238 : vector<512xf32> to vector<1x512xf32>
    %div3A_240 = vector.broadcast %broadcast_in_dim3A_239 : vector<1x512xf32> to vector<16x512xf32>
    %div3A_241 = arith.divf %exp3A_236, %div3A_240 : vector<16x512xf32>
    %slice3A_242 = vector.extract_strided_slice %get3A_20 {offsets = [0, 640], sizes = [16, 64], strides = [1, 1]} : vector<16x1024xf32> to vector<16x64xf32>
    %dot_general3A_243 = arith.constant dense<0.000000e+00> : vector<512x64xf32>
    %dot_general3A_244 = tpu.matmul %div3A_241, %slice3A_242, %dot_general3A_243 {dimension_numbers = #tpu.dot_dimension_numbers<[0], [0], [1], [1], [0, 1, 1, 1], [], []>, transpose_lhs_hint = false} : vector<16x512xf32>, vector<16x64xf32>, vector<512x64xf32> -> vector<512x64xf32>
    %slice3A_245 = vector.extract_strided_slice %get3A_15 {offsets = [0, 704], sizes = [16, 64], strides = [1, 1]} : vector<16x1024xf32> to vector<16x64xf32>
    %slice3A_246 = vector.extract_strided_slice %add3A_10 {offsets = [0, 704], sizes = [512, 64], strides = [1, 1]} : vector<512x1024xf32> to vector<512x64xf32>
    %dot_general3A_247 = arith.constant dense<0.000000e+00> : vector<16x512xf32>
    %dot_general3A_248 = tpu.matmul %slice3A_245, %slice3A_246, %dot_general3A_247 {dimension_numbers = #tpu.dot_dimension_numbers<[1], [1], [0], [0], [0, 0, 1, 0], [], []>, transpose_lhs_hint = false} : vector<16x64xf32>, vector<512x64xf32>, vector<16x512xf32> -> vector<16x512xf32>
    %mul3A_249 = arith.constant 1.250000e-01 : f32
    %mul3A_250 = vector.broadcast %mul3A_249 : f32 to vector<16x512xf32>
    %mul3A_251 = arith.mulf %dot_general3A_248, %mul3A_250 : vector<16x512xf32>
    %reduce_max3A_252 = arith.constant dense<0xFF800000> : vector<512xf32>
    %reduce_max3A_253 = vector.multi_reduction <maximumf>, %mul3A_251, %reduce_max3A_252 [0] : vector<16x512xf32> to vector<512xf32>
    %broadcast_in_dim3A_254 = vector.shape_cast %reduce_max3A_253 : vector<512xf32> to vector<1x512xf32>
    %sub3A_255 = vector.broadcast %broadcast_in_dim3A_254 : vector<1x512xf32> to vector<16x512xf32>
    %sub3A_256 = arith.subf %mul3A_251, %sub3A_255 : vector<16x512xf32>
    %exp3A_257 = math.exp %sub3A_256 : vector<16x512xf32>
    %reduce_sum3A_258 = arith.constant dense<0.000000e+00> : vector<512xf32>
    %reduce_sum3A_259 = vector.multi_reduction <add>, %exp3A_257, %reduce_sum3A_258 [0] : vector<16x512xf32> to vector<512xf32>
    %broadcast_in_dim3A_260 = vector.shape_cast %reduce_sum3A_259 : vector<512xf32> to vector<1x512xf32>
    %div3A_261 = vector.broadcast %broadcast_in_dim3A_260 : vector<1x512xf32> to vector<16x512xf32>
    %div3A_262 = arith.divf %exp3A_257, %div3A_261 : vector<16x512xf32>
    %slice3A_263 = vector.extract_strided_slice %get3A_20 {offsets = [0, 704], sizes = [16, 64], strides = [1, 1]} : vector<16x1024xf32> to vector<16x64xf32>
    %dot_general3A_264 = arith.constant dense<0.000000e+00> : vector<512x64xf32>
    %dot_general3A_265 = tpu.matmul %div3A_262, %slice3A_263, %dot_general3A_264 {dimension_numbers = #tpu.dot_dimension_numbers<[0], [0], [1], [1], [0, 1, 1, 1], [], []>, transpose_lhs_hint = false} : vector<16x512xf32>, vector<16x64xf32>, vector<512x64xf32> -> vector<512x64xf32>
    %slice3A_266 = vector.extract_strided_slice %get3A_15 {offsets = [0, 768], sizes = [16, 64], strides = [1, 1]} : vector<16x1024xf32> to vector<16x64xf32>
    %slice3A_267 = vector.extract_strided_slice %add3A_10 {offsets = [0, 768], sizes = [512, 64], strides = [1, 1]} : vector<512x1024xf32> to vector<512x64xf32>
    %dot_general3A_268 = arith.constant dense<0.000000e+00> : vector<16x512xf32>
    %dot_general3A_269 = tpu.matmul %slice3A_266, %slice3A_267, %dot_general3A_268 {dimension_numbers = #tpu.dot_dimension_numbers<[1], [1], [0], [0], [0, 0, 1, 0], [], []>, transpose_lhs_hint = false} : vector<16x64xf32>, vector<512x64xf32>, vector<16x512xf32> -> vector<16x512xf32>
    %mul3A_270 = arith.constant 1.250000e-01 : f32
    %mul3A_271 = vector.broadcast %mul3A_270 : f32 to vector<16x512xf32>
    %mul3A_272 = arith.mulf %dot_general3A_269, %mul3A_271 : vector<16x512xf32>
    %reduce_max3A_273 = arith.constant dense<0xFF800000> : vector<512xf32>
    %reduce_max3A_274 = vector.multi_reduction <maximumf>, %mul3A_272, %reduce_max3A_273 [0] : vector<16x512xf32> to vector<512xf32>
    %broadcast_in_dim3A_275 = vector.shape_cast %reduce_max3A_274 : vector<512xf32> to vector<1x512xf32>
    %sub3A_276 = vector.broadcast %broadcast_in_dim3A_275 : vector<1x512xf32> to vector<16x512xf32>
    %sub3A_277 = arith.subf %mul3A_272, %sub3A_276 : vector<16x512xf32>
    %exp3A_278 = math.exp %sub3A_277 : vector<16x512xf32>
    %reduce_sum3A_279 = arith.constant dense<0.000000e+00> : vector<512xf32>
    %reduce_sum3A_280 = vector.multi_reduction <add>, %exp3A_278, %reduce_sum3A_279 [0] : vector<16x512xf32> to vector<512xf32>
    %broadcast_in_dim3A_281 = vector.shape_cast %reduce_sum3A_280 : vector<512xf32> to vector<1x512xf32>
    %div3A_282 = vector.broadcast %broadcast_in_dim3A_281 : vector<1x512xf32> to vector<16x512xf32>
    %div3A_283 = arith.divf %exp3A_278, %div3A_282 : vector<16x512xf32>
    %slice3A_284 = vector.extract_strided_slice %get3A_20 {offsets = [0, 768], sizes = [16, 64], strides = [1, 1]} : vector<16x1024xf32> to vector<16x64xf32>
    %dot_general3A_285 = arith.constant dense<0.000000e+00> : vector<512x64xf32>
    %dot_general3A_286 = tpu.matmul %div3A_283, %slice3A_284, %dot_general3A_285 {dimension_numbers = #tpu.dot_dimension_numbers<[0], [0], [1], [1], [0, 1, 1, 1], [], []>, transpose_lhs_hint = false} : vector<16x512xf32>, vector<16x64xf32>, vector<512x64xf32> -> vector<512x64xf32>
    %slice3A_287 = vector.extract_strided_slice %get3A_15 {offsets = [0, 832], sizes = [16, 64], strides = [1, 1]} : vector<16x1024xf32> to vector<16x64xf32>
    %slice3A_288 = vector.extract_strided_slice %add3A_10 {offsets = [0, 832], sizes = [512, 64], strides = [1, 1]} : vector<512x1024xf32> to vector<512x64xf32>
    %dot_general3A_289 = arith.constant dense<0.000000e+00> : vector<16x512xf32>
    %dot_general3A_290 = tpu.matmul %slice3A_287, %slice3A_288, %dot_general3A_289 {dimension_numbers = #tpu.dot_dimension_numbers<[1], [1], [0], [0], [0, 0, 1, 0], [], []>, transpose_lhs_hint = false} : vector<16x64xf32>, vector<512x64xf32>, vector<16x512xf32> -> vector<16x512xf32>
    %mul3A_291 = arith.constant 1.250000e-01 : f32
    %mul3A_292 = vector.broadcast %mul3A_291 : f32 to vector<16x512xf32>
    %mul3A_293 = arith.mulf %dot_general3A_290, %mul3A_292 : vector<16x512xf32>
    %reduce_max3A_294 = arith.constant dense<0xFF800000> : vector<512xf32>
    %reduce_max3A_295 = vector.multi_reduction <maximumf>, %mul3A_293, %reduce_max3A_294 [0] : vector<16x512xf32> to vector<512xf32>
    %broadcast_in_dim3A_296 = vector.shape_cast %reduce_max3A_295 : vector<512xf32> to vector<1x512xf32>
    %sub3A_297 = vector.broadcast %broadcast_in_dim3A_296 : vector<1x512xf32> to vector<16x512xf32>
    %sub3A_298 = arith.subf %mul3A_293, %sub3A_297 : vector<16x512xf32>
    %exp3A_299 = math.exp %sub3A_298 : vector<16x512xf32>
    %reduce_sum3A_300 = arith.constant dense<0.000000e+00> : vector<512xf32>
    %reduce_sum3A_301 = vector.multi_reduction <add>, %exp3A_299, %reduce_sum3A_300 [0] : vector<16x512xf32> to vector<512xf32>
    %broadcast_in_dim3A_302 = vector.shape_cast %reduce_sum3A_301 : vector<512xf32> to vector<1x512xf32>
    %div3A_303 = vector.broadcast %broadcast_in_dim3A_302 : vector<1x512xf32> to vector<16x512xf32>
    %div3A_304 = arith.divf %exp3A_299, %div3A_303 : vector<16x512xf32>
    %slice3A_305 = vector.extract_strided_slice %get3A_20 {offsets = [0, 832], sizes = [16, 64], strides = [1, 1]} : vector<16x1024xf32> to vector<16x64xf32>
    %dot_general3A_306 = arith.constant dense<0.000000e+00> : vector<512x64xf32>
    %dot_general3A_307 = tpu.matmul %div3A_304, %slice3A_305, %dot_general3A_306 {dimension_numbers = #tpu.dot_dimension_numbers<[0], [0], [1], [1], [0, 1, 1, 1], [], []>, transpose_lhs_hint = false} : vector<16x512xf32>, vector<16x64xf32>, vector<512x64xf32> -> vector<512x64xf32>
    %slice3A_308 = vector.extract_strided_slice %get3A_15 {offsets = [0, 896], sizes = [16, 64], strides = [1, 1]} : vector<16x1024xf32> to vector<16x64xf32>
    %slice3A_309 = vector.extract_strided_slice %add3A_10 {offsets = [0, 896], sizes = [512, 64], strides = [1, 1]} : vector<512x1024xf32> to vector<512x64xf32>
    %dot_general3A_310 = arith.constant dense<0.000000e+00> : vector<16x512xf32>
    %dot_general3A_311 = tpu.matmul %slice3A_308, %slice3A_309, %dot_general3A_310 {dimension_numbers = #tpu.dot_dimension_numbers<[1], [1], [0], [0], [0, 0, 1, 0], [], []>, transpose_lhs_hint = false} : vector<16x64xf32>, vector<512x64xf32>, vector<16x512xf32> -> vector<16x512xf32>
    %mul3A_312 = arith.constant 1.250000e-01 : f32
    %mul3A_313 = vector.broadcast %mul3A_312 : f32 to vector<16x512xf32>
    %mul3A_314 = arith.mulf %dot_general3A_311, %mul3A_313 : vector<16x512xf32>
    %reduce_max3A_315 = arith.constant dense<0xFF800000> : vector<512xf32>
    %reduce_max3A_316 = vector.multi_reduction <maximumf>, %mul3A_314, %reduce_max3A_315 [0] : vector<16x512xf32> to vector<512xf32>
    %broadcast_in_dim3A_317 = vector.shape_cast %reduce_max3A_316 : vector<512xf32> to vector<1x512xf32>
    %sub3A_318 = vector.broadcast %broadcast_in_dim3A_317 : vector<1x512xf32> to vector<16x512xf32>
    %sub3A_319 = arith.subf %mul3A_314, %sub3A_318 : vector<16x512xf32>
    %exp3A_320 = math.exp %sub3A_319 : vector<16x512xf32>
    %reduce_sum3A_321 = arith.constant dense<0.000000e+00> : vector<512xf32>
    %reduce_sum3A_322 = vector.multi_reduction <add>, %exp3A_320, %reduce_sum3A_321 [0] : vector<16x512xf32> to vector<512xf32>
    %broadcast_in_dim3A_323 = vector.shape_cast %reduce_sum3A_322 : vector<512xf32> to vector<1x512xf32>
    %div3A_324 = vector.broadcast %broadcast_in_dim3A_323 : vector<1x512xf32> to vector<16x512xf32>
    %div3A_325 = arith.divf %exp3A_320, %div3A_324 : vector<16x512xf32>
    %slice3A_326 = vector.extract_strided_slice %get3A_20 {offsets = [0, 896], sizes = [16, 64], strides = [1, 1]} : vector<16x1024xf32> to vector<16x64xf32>
    %dot_general3A_327 = arith.constant dense<0.000000e+00> : vector<512x64xf32>
    %dot_general3A_328 = tpu.matmul %div3A_325, %slice3A_326, %dot_general3A_327 {dimension_numbers = #tpu.dot_dimension_numbers<[0], [0], [1], [1], [0, 1, 1, 1], [], []>, transpose_lhs_hint = false} : vector<16x512xf32>, vector<16x64xf32>, vector<512x64xf32> -> vector<512x64xf32>
    %slice3A_329 = vector.extract_strided_slice %get3A_15 {offsets = [0, 960], sizes = [16, 64], strides = [1, 1]} : vector<16x1024xf32> to vector<16x64xf32>
    %slice3A_330 = vector.extract_strided_slice %add3A_10 {offsets = [0, 960], sizes = [512, 64], strides = [1, 1]} : vector<512x1024xf32> to vector<512x64xf32>
    %dot_general3A_331 = arith.constant dense<0.000000e+00> : vector<16x512xf32>
    %dot_general3A_332 = tpu.matmul %slice3A_329, %slice3A_330, %dot_general3A_331 {dimension_numbers = #tpu.dot_dimension_numbers<[1], [1], [0], [0], [0, 0, 1, 0], [], []>, transpose_lhs_hint = false} : vector<16x64xf32>, vector<512x64xf32>, vector<16x512xf32> -> vector<16x512xf32>
    %mul3A_333 = arith.constant 1.250000e-01 : f32
    %mul3A_334 = vector.broadcast %mul3A_333 : f32 to vector<16x512xf32>
    %mul3A_335 = arith.mulf %dot_general3A_332, %mul3A_334 : vector<16x512xf32>
    %reduce_max3A_336 = arith.constant dense<0xFF800000> : vector<512xf32>
    %reduce_max3A_337 = vector.multi_reduction <maximumf>, %mul3A_335, %reduce_max3A_336 [0] : vector<16x512xf32> to vector<512xf32>
    %broadcast_in_dim3A_338 = vector.shape_cast %reduce_max3A_337 : vector<512xf32> to vector<1x512xf32>
    %sub3A_339 = vector.broadcast %broadcast_in_dim3A_338 : vector<1x512xf32> to vector<16x512xf32>
    %sub3A_340 = arith.subf %mul3A_335, %sub3A_339 : vector<16x512xf32>
    %exp3A_341 = math.exp %sub3A_340 : vector<16x512xf32>
    %reduce_sum3A_342 = arith.constant dense<0.000000e+00> : vector<512xf32>
    %reduce_sum3A_343 = vector.multi_reduction <add>, %exp3A_341, %reduce_sum3A_342 [0] : vector<16x512xf32> to vector<512xf32>
    %broadcast_in_dim3A_344 = vector.shape_cast %reduce_sum3A_343 : vector<512xf32> to vector<1x512xf32>
    %div3A_345 = vector.broadcast %broadcast_in_dim3A_344 : vector<1x512xf32> to vector<16x512xf32>
    %div3A_346 = arith.divf %exp3A_341, %div3A_345 : vector<16x512xf32>
    %slice3A_347 = vector.extract_strided_slice %get3A_20 {offsets = [0, 960], sizes = [16, 64], strides = [1, 1]} : vector<16x1024xf32> to vector<16x64xf32>
    %dot_general3A_348 = arith.constant dense<0.000000e+00> : vector<512x64xf32>
    %dot_general3A_349 = tpu.matmul %div3A_346, %slice3A_347, %dot_general3A_348 {dimension_numbers = #tpu.dot_dimension_numbers<[0], [0], [1], [1], [0, 1, 1, 1], [], []>, transpose_lhs_hint = false} : vector<16x512xf32>, vector<16x64xf32>, vector<512x64xf32> -> vector<512x64xf32>
    %concatenate3A = tpu.concatenate %dot_general3A_34, %dot_general3A_55, %dot_general3A_76, %dot_general3A_97, %dot_general3A_118, %dot_general3A_139, %dot_general3A_160, %dot_general3A_181, %dot_general3A_202, %dot_general3A_223, %dot_general3A_244, %dot_general3A_265, %dot_general3A_286, %dot_general3A_307, %dot_general3A_328, %dot_general3A_349 in 1 : vector<512x64xf32>, vector<512x64xf32>, vector<512x64xf32>, vector<512x64xf32>, vector<512x64xf32>, vector<512x64xf32>, vector<512x64xf32>, vector<512x64xf32>, vector<512x64xf32>, vector<512x64xf32>, vector<512x64xf32>, vector<512x64xf32>, vector<512x64xf32>, vector<512x64xf32>, vector<512x64xf32>, vector<512x64xf32> -> vector<512x1024xf32>
    %get3A_350 = arith.constant 0 : index
    %get3A_351 = arith.constant 0 : index
    %get3A_352 = vector.load %arg6[%get3A_350, %get3A_351] : memref<1024x1024xf32, #tpu.memory_space<vmem>>, vector<1024x1024xf32>
    %dot_general3A_353 = arith.constant dense<0.000000e+00> : vector<512x1024xf32>
    %dot_general3A_354 = tpu.matmul %concatenate3A, %get3A_352, %dot_general3A_353 {dimension_numbers = #tpu.dot_dimension_numbers<[1], [1], [0], [0], [0, 0, 1, 0], [], []>, transpose_lhs_hint = false} : vector<512x1024xf32>, vector<1024x1024xf32>, vector<512x1024xf32> -> vector<512x1024xf32>
    %get3A_355 = arith.constant 0 : index
    %get3A_356 = vector.load %arg7[%get3A_355] : memref<1024xf32, #tpu.memory_space<vmem>>, vector<1024xf32>
    %broadcast_in_dim3A_357 = vector.shape_cast %get3A_356 : vector<1024xf32> to vector<1x1024xf32>
    %add3A_358 = vector.broadcast %broadcast_in_dim3A_357 : vector<1x1024xf32> to vector<512x1024xf32>
    %add3A_359 = arith.addf %dot_general3A_354, %add3A_358 : vector<512x1024xf32>
    %add3A_360 = arith.addf %get3A_3, %add3A_359 : vector<512x1024xf32>
    %get3A_361 = arith.constant 0 : index
    %get3A_362 = vector.load %arg8[%get3A_361] : memref<1024xf32, #tpu.memory_space<vmem>>, vector<1024xf32>
    %mul3A_363 = arith.mulf %add3A_360, %add3A_360 : vector<512x1024xf32>
    %reduce_sum3A_364 = arith.constant dense<0.000000e+00> : vector<512xf32>
    %reduce_sum3A_365 = vector.multi_reduction <add>, %mul3A_363, %reduce_sum3A_364 [1] : vector<512x1024xf32> to vector<512xf32>
    %broadcast_in_dim3A_366 = vector.shape_cast %reduce_sum3A_365 : vector<512xf32> to vector<512x1xf32>
    %div3A_367 = arith.constant 1.024000e+03 : f32
    %div3A_368 = vector.broadcast %div3A_367 : f32 to vector<512x1xf32>
    %div3A_369 = arith.divf %broadcast_in_dim3A_366, %div3A_368 : vector<512x1xf32>
    %add3A_370 = arith.constant 9.99999997E-7 : f32
    %add3A_371 = vector.broadcast %add3A_370 : f32 to vector<512x1xf32>
    %add3A_372 = arith.addf %div3A_369, %add3A_371 : vector<512x1xf32>
    %rsqrt3A = math.rsqrt %add3A_372 : vector<512x1xf32>
    %mul3A_373 = vector.broadcast %rsqrt3A : vector<512x1xf32> to vector<512x1024xf32>
    %mul3A_374 = arith.mulf %add3A_360, %mul3A_373 : vector<512x1024xf32>
    %broadcast_in_dim3A_375 = vector.shape_cast %get3A_362 : vector<1024xf32> to vector<1x1024xf32>
    %mul3A_376 = vector.broadcast %broadcast_in_dim3A_375 : vector<1x1024xf32> to vector<512x1024xf32>
    %mul3A_377 = arith.mulf %mul3A_374, %mul3A_376 : vector<512x1024xf32>
    %swap3A = arith.constant 0 : index
    %swap3A_378 = arith.constant 0 : index
    %swap3A_379 = arith.constant 0 : index
    %swap3A_380 = vector.load %arg15[%swap3A, %swap3A_378, %swap3A_379] : memref<2x512x1024xf32, #tpu.memory_space<vmem>>, vector<1x512x1024xf32>
    %swap3A_381 = vector.shape_cast %swap3A_380 : vector<1x512x1024xf32> to vector<512x1024xf32>
    %swap3A_382 = vector.shape_cast %mul3A_377 : vector<512x1024xf32> to vector<1x512x1024xf32>
    tpu.vector_store %arg15[%swap3A, %swap3A_378, %swap3A_379], %swap3A_382 {strides = array<i32>} : memref<2x512x1024xf32, #tpu.memory_space<vmem>>, vector<1x512x1024xf32>,
    %get3A_383 = arith.constant 0 : index
    %get3A_384 = vector.load %arg9[%get3A_383] : memref<1024xf32, #tpu.memory_space<vmem>>, vector<1024xf32>
    %broadcast_in_dim3A_385 = vector.shape_cast %get3A_384 : vector<1024xf32> to vector<1x1024xf32>
    %dot_general3A_386 = arith.constant dense<0.000000e+00> : vector<512x1xf32>
    %dot_general3A_387 = tpu.matmul %mul3A_377, %broadcast_in_dim3A_385, %dot_general3A_386 {dimension_numbers = #tpu.dot_dimension_numbers<[1], [1], [0], [0], [0, 0, 1, 0], [], []>, transpose_lhs_hint = false} : vector<512x1024xf32>, vector<1x1024xf32>, vector<512x1xf32> -> vector<512x1xf32>
    %squeeze3A = vector.shape_cast %dot_general3A_387 : vector<512x1xf32> to vector<512xf32>
    %get3A_388 = arith.constant 0 : index
    %get3A_389 = vector.load %arg10[%get3A_388] : memref<1xf32, #tpu.memory_space<vmem>>, vector<1xf32>
    %get3A_390 = vector.extract %get3A_389[0] : f32 from vector<1xf32>
    %add3A_391 = vector.broadcast %get3A_390 : f32 to vector<512xf32>
    %add3A_392 = arith.addf %squeeze3A, %add3A_391 : vector<512xf32>
    %logistic3A = arith.negf %add3A_392 : vector<512xf32>
    %logistic3A_393 = math.exp %logistic3A : vector<512xf32>
    %logistic3A_394 = arith.constant 1.000000e+00 : f32
    %logistic3A_395 = vector.broadcast %logistic3A_394 : f32 to vector<512xf32>
    %logistic3A_396 = arith.addf %logistic3A_395, %logistic3A_393 : vector<512xf32>
    %logistic3A_397 = arith.divf %logistic3A_395, %logistic3A_396 : vector<512xf32>
    %get3A_398 = arith.constant 0 : index
    %get3A_399 = arith.constant 0 : index
    %get3A_400 = vector.load %arg14[%get3A_398, %get3A_399] : memref<2x512xf32, #tpu.memory_space<vmem>>, vector<1x512xf32>
    %get3A_401 = vector.shape_cast %get3A_400 : vector<1x512xf32> to vector<512xf32>
    %add3A_402 = arith.addf %get3A_401, %logistic3A_397 : vector<512xf32>
    %mul3A_403 = arith.constant 5.000000e-01 : f32
    %mul3A_404 = vector.broadcast %mul3A_403 : f32 to vector<512xf32>
    %mul3A_405 = arith.mulf %add3A_402, %mul3A_404 : vector<512xf32>
    %swap3A_406 = arith.constant 0 : index
    %swap3A_407 = arith.constant 0 : index
    %swap3A_408 = vector.load %arg16[%swap3A_406, %swap3A_407] : memref<2x512xf32, #tpu.memory_space<vmem>>, vector<1x512xf32>
    %swap3A_409 = vector.shape_cast %swap3A_408 : vector<1x512xf32> to vector<512xf32>
    %swap3A_410 = vector.shape_cast %mul3A_405 : vector<512xf32> to vector<1x512xf32>
    tpu.vector_store %arg16[%swap3A_406, %swap3A_407], %swap3A_410 {strides = array<i32>} : memref<2x512xf32, #tpu.memory_space<vmem>>, vector<1x512xf32>,
    %get3A_411 = arith.constant 1 : index
    %get3A_412 = arith.constant 0 : index
    %get3A_413 = arith.constant 0 : index
    %get3A_414 = vector.load %arg1[%get3A_411, %get3A_412, %get3A_413] : memref<2x512x1024xf32, #tpu.memory_space<vmem>>, vector<1x512x1024xf32>
    %get3A_415 = vector.shape_cast %get3A_414 : vector<1x512x1024xf32> to vector<512x1024xf32>
    %get3A_416 = arith.constant 0 : index
    %get3A_417 = arith.constant 0 : index
    %get3A_418 = vector.load %arg4[%get3A_416, %get3A_417] : memref<1024x1024xf32, #tpu.memory_space<vmem>>, vector<1024x1024xf32>
    %dot_general3A_419 = arith.constant dense<0.000000e+00> : vector<512x1024xf32>
    %dot_general3A_420 = tpu.matmul %get3A_415, %get3A_418, %dot_general3A_419 {dimension_numbers = #tpu.dot_dimension_numbers<[1], [1], [0], [0], [0, 0, 1, 0], [], []>, transpose_lhs_hint = false} : vector<512x1024xf32>, vector<1024x1024xf32>, vector<512x1024xf32> -> vector<512x1024xf32>
    %get3A_421 = arith.constant 0 : index
    %get3A_422 = vector.load %arg5[%get3A_421] : memref<1024xf32, #tpu.memory_space<vmem>>, vector<1024xf32>
    %broadcast_in_dim3A_423 = vector.shape_cast %get3A_422 : vector<1024xf32> to vector<1x1024xf32>
    %add3A_424 = vector.broadcast %broadcast_in_dim3A_423 : vector<1x1024xf32> to vector<512x1024xf32>
    %add3A_425 = arith.addf %dot_general3A_420, %add3A_424 : vector<512x1024xf32>
    %get3A_426 = arith.constant 1 : index
    %get3A_427 = arith.constant 0 : index
    %get3A_428 = arith.constant 0 : index
    %get3A_429 = vector.load %arg2[%get3A_426, %get3A_427, %get3A_428] : memref<2x16x1024xf32, #tpu.memory_space<vmem>>, vector<1x16x1024xf32>
    %get3A_430 = vector.shape_cast %get3A_429 : vector<1x16x1024xf32> to vector<16x1024xf32>
    %get3A_431 = arith.constant 1 : index
    %get3A_432 = arith.constant 0 : index
    %get3A_433 = arith.constant 0 : index
    %get3A_434 = vector.load %arg3[%get3A_431, %get3A_432, %get3A_433] : memref<2x16x1024xf32, #tpu.memory_space<vmem>>, vector<1x16x1024xf32>
    %get3A_435 = vector.shape_cast %get3A_434 : vector<1x16x1024xf32> to vector<16x1024xf32>
    %slice3A_436 = vector.extract_strided_slice %get3A_430 {offsets = [0, 0], sizes = [16, 64], strides = [1, 1]} : vector<16x1024xf32> to vector<16x64xf32>
    %slice3A_437 = vector.extract_strided_slice %add3A_425 {offsets = [0, 0], sizes = [512, 64], strides = [1, 1]} : vector<512x1024xf32> to vector<512x64xf32>
    %dot_general3A_438 = arith.constant dense<0.000000e+00> : vector<16x512xf32>
    %dot_general3A_439 = tpu.matmul %slice3A_436, %slice3A_437, %dot_general3A_438 {dimension_numbers = #tpu.dot_dimension_numbers<[1], [1], [0], [0], [0, 0, 1, 0], [], []>, transpose_lhs_hint = false} : vector<16x64xf32>, vector<512x64xf32>, vector<16x512xf32> -> vector<16x512xf32>
    %mul3A_440 = arith.constant 1.250000e-01 : f32
    %mul3A_441 = vector.broadcast %mul3A_440 : f32 to vector<16x512xf32>
    %mul3A_442 = arith.mulf %dot_general3A_439, %mul3A_441 : vector<16x512xf32>
    %reduce_max3A_443 = arith.constant dense<0xFF800000> : vector<512xf32>
    %reduce_max3A_444 = vector.multi_reduction <maximumf>, %mul3A_442, %reduce_max3A_443 [0] : vector<16x512xf32> to vector<512xf32>
    %broadcast_in_dim3A_445 = vector.shape_cast %reduce_max3A_444 : vector<512xf32> to vector<1x512xf32>
    %sub3A_446 = vector.broadcast %broadcast_in_dim3A_445 : vector<1x512xf32> to vector<16x512xf32>
    %sub3A_447 = arith.subf %mul3A_442, %sub3A_446 : vector<16x512xf32>
    %exp3A_448 = math.exp %sub3A_447 : vector<16x512xf32>
    %reduce_sum3A_449 = arith.constant dense<0.000000e+00> : vector<512xf32>
    %reduce_sum3A_450 = vector.multi_reduction <add>, %exp3A_448, %reduce_sum3A_449 [0] : vector<16x512xf32> to vector<512xf32>
    %broadcast_in_dim3A_451 = vector.shape_cast %reduce_sum3A_450 : vector<512xf32> to vector<1x512xf32>
    %div3A_452 = vector.broadcast %broadcast_in_dim3A_451 : vector<1x512xf32> to vector<16x512xf32>
    %div3A_453 = arith.divf %exp3A_448, %div3A_452 : vector<16x512xf32>
    %slice3A_454 = vector.extract_strided_slice %get3A_435 {offsets = [0, 0], sizes = [16, 64], strides = [1, 1]} : vector<16x1024xf32> to vector<16x64xf32>
    %dot_general3A_455 = arith.constant dense<0.000000e+00> : vector<512x64xf32>
    %dot_general3A_456 = tpu.matmul %div3A_453, %slice3A_454, %dot_general3A_455 {dimension_numbers = #tpu.dot_dimension_numbers<[0], [0], [1], [1], [0, 1, 1, 1], [], []>, transpose_lhs_hint = false} : vector<16x512xf32>, vector<16x64xf32>, vector<512x64xf32> -> vector<512x64xf32>
    %slice3A_457 = vector.extract_strided_slice %get3A_430 {offsets = [0, 64], sizes = [16, 64], strides = [1, 1]} : vector<16x1024xf32> to vector<16x64xf32>
    %slice3A_458 = vector.extract_strided_slice %add3A_425 {offsets = [0, 64], sizes = [512, 64], strides = [1, 1]} : vector<512x1024xf32> to vector<512x64xf32>
    %dot_general3A_459 = arith.constant dense<0.000000e+00> : vector<16x512xf32>
    %dot_general3A_460 = tpu.matmul %slice3A_457, %slice3A_458, %dot_general3A_459 {dimension_numbers = #tpu.dot_dimension_numbers<[1], [1], [0], [0], [0, 0, 1, 0], [], []>, transpose_lhs_hint = false} : vector<16x64xf32>, vector<512x64xf32>, vector<16x512xf32> -> vector<16x512xf32>
    %mul3A_461 = arith.constant 1.250000e-01 : f32
    %mul3A_462 = vector.broadcast %mul3A_461 : f32 to vector<16x512xf32>
    %mul3A_463 = arith.mulf %dot_general3A_460, %mul3A_462 : vector<16x512xf32>
    %reduce_max3A_464 = arith.constant dense<0xFF800000> : vector<512xf32>
    %reduce_max3A_465 = vector.multi_reduction <maximumf>, %mul3A_463, %reduce_max3A_464 [0] : vector<16x512xf32> to vector<512xf32>
    %broadcast_in_dim3A_466 = vector.shape_cast %reduce_max3A_465 : vector<512xf32> to vector<1x512xf32>
    %sub3A_467 = vector.broadcast %broadcast_in_dim3A_466 : vector<1x512xf32> to vector<16x512xf32>
    %sub3A_468 = arith.subf %mul3A_463, %sub3A_467 : vector<16x512xf32>
    %exp3A_469 = math.exp %sub3A_468 : vector<16x512xf32>
    %reduce_sum3A_470 = arith.constant dense<0.000000e+00> : vector<512xf32>
    %reduce_sum3A_471 = vector.multi_reduction <add>, %exp3A_469, %reduce_sum3A_470 [0] : vector<16x512xf32> to vector<512xf32>
    %broadcast_in_dim3A_472 = vector.shape_cast %reduce_sum3A_471 : vector<512xf32> to vector<1x512xf32>
    %div3A_473 = vector.broadcast %broadcast_in_dim3A_472 : vector<1x512xf32> to vector<16x512xf32>
    %div3A_474 = arith.divf %exp3A_469, %div3A_473 : vector<16x512xf32>
    %slice3A_475 = vector.extract_strided_slice %get3A_435 {offsets = [0, 64], sizes = [16, 64], strides = [1, 1]} : vector<16x1024xf32> to vector<16x64xf32>
    %dot_general3A_476 = arith.constant dense<0.000000e+00> : vector<512x64xf32>
    %dot_general3A_477 = tpu.matmul %div3A_474, %slice3A_475, %dot_general3A_476 {dimension_numbers = #tpu.dot_dimension_numbers<[0], [0], [1], [1], [0, 1, 1, 1], [], []>, transpose_lhs_hint = false} : vector<16x512xf32>, vector<16x64xf32>, vector<512x64xf32> -> vector<512x64xf32>
    %slice3A_478 = vector.extract_strided_slice %get3A_430 {offsets = [0, 128], sizes = [16, 64], strides = [1, 1]} : vector<16x1024xf32> to vector<16x64xf32>
    %slice3A_479 = vector.extract_strided_slice %add3A_425 {offsets = [0, 128], sizes = [512, 64], strides = [1, 1]} : vector<512x1024xf32> to vector<512x64xf32>
    %dot_general3A_480 = arith.constant dense<0.000000e+00> : vector<16x512xf32>
    %dot_general3A_481 = tpu.matmul %slice3A_478, %slice3A_479, %dot_general3A_480 {dimension_numbers = #tpu.dot_dimension_numbers<[1], [1], [0], [0], [0, 0, 1, 0], [], []>, transpose_lhs_hint = false} : vector<16x64xf32>, vector<512x64xf32>, vector<16x512xf32> -> vector<16x512xf32>
    %mul3A_482 = arith.constant 1.250000e-01 : f32
    %mul3A_483 = vector.broadcast %mul3A_482 : f32 to vector<16x512xf32>
    %mul3A_484 = arith.mulf %dot_general3A_481, %mul3A_483 : vector<16x512xf32>
    %reduce_max3A_485 = arith.constant dense<0xFF800000> : vector<512xf32>
    %reduce_max3A_486 = vector.multi_reduction <maximumf>, %mul3A_484, %reduce_max3A_485 [0] : vector<16x512xf32> to vector<512xf32>
    %broadcast_in_dim3A_487 = vector.shape_cast %reduce_max3A_486 : vector<512xf32> to vector<1x512xf32>
    %sub3A_488 = vector.broadcast %broadcast_in_dim3A_487 : vector<1x512xf32> to vector<16x512xf32>
    %sub3A_489 = arith.subf %mul3A_484, %sub3A_488 : vector<16x512xf32>
    %exp3A_490 = math.exp %sub3A_489 : vector<16x512xf32>
    %reduce_sum3A_491 = arith.constant dense<0.000000e+00> : vector<512xf32>
    %reduce_sum3A_492 = vector.multi_reduction <add>, %exp3A_490, %reduce_sum3A_491 [0] : vector<16x512xf32> to vector<512xf32>
    %broadcast_in_dim3A_493 = vector.shape_cast %reduce_sum3A_492 : vector<512xf32> to vector<1x512xf32>
    %div3A_494 = vector.broadcast %broadcast_in_dim3A_493 : vector<1x512xf32> to vector<16x512xf32>
    %div3A_495 = arith.divf %exp3A_490, %div3A_494 : vector<16x512xf32>
    %slice3A_496 = vector.extract_strided_slice %get3A_435 {offsets = [0, 128], sizes = [16, 64], strides = [1, 1]} : vector<16x1024xf32> to vector<16x64xf32>
    %dot_general3A_497 = arith.constant dense<0.000000e+00> : vector<512x64xf32>
    %dot_general3A_498 = tpu.matmul %div3A_495, %slice3A_496, %dot_general3A_497 {dimension_numbers = #tpu.dot_dimension_numbers<[0], [0], [1], [1], [0, 1, 1, 1], [], []>, transpose_lhs_hint = false} : vector<16x512xf32>, vector<16x64xf32>, vector<512x64xf32> -> vector<512x64xf32>
    %slice3A_499 = vector.extract_strided_slice %get3A_430 {offsets = [0, 192], sizes = [16, 64], strides = [1, 1]} : vector<16x1024xf32> to vector<16x64xf32>
    %slice3A_500 = vector.extract_strided_slice %add3A_425 {offsets = [0, 192], sizes = [512, 64], strides = [1, 1]} : vector<512x1024xf32> to vector<512x64xf32>
    %dot_general3A_501 = arith.constant dense<0.000000e+00> : vector<16x512xf32>
    %dot_general3A_502 = tpu.matmul %slice3A_499, %slice3A_500, %dot_general3A_501 {dimension_numbers = #tpu.dot_dimension_numbers<[1], [1], [0], [0], [0, 0, 1, 0], [], []>, transpose_lhs_hint = false} : vector<16x64xf32>, vector<512x64xf32>, vector<16x512xf32> -> vector<16x512xf32>
    %mul3A_503 = arith.constant 1.250000e-01 : f32
    %mul3A_504 = vector.broadcast %mul3A_503 : f32 to vector<16x512xf32>
    %mul3A_505 = arith.mulf %dot_general3A_502, %mul3A_504 : vector<16x512xf32>
    %reduce_max3A_506 = arith.constant dense<0xFF800000> : vector<512xf32>
    %reduce_max3A_507 = vector.multi_reduction <maximumf>, %mul3A_505, %reduce_max3A_506 [0] : vector<16x512xf32> to vector<512xf32>
    %broadcast_in_dim3A_508 = vector.shape_cast %reduce_max3A_507 : vector<512xf32> to vector<1x512xf32>
    %sub3A_509 = vector.broadcast %broadcast_in_dim3A_508 : vector<1x512xf32> to vector<16x512xf32>
    %sub3A_510 = arith.subf %mul3A_505, %sub3A_509 : vector<16x512xf32>
    %exp3A_511 = math.exp %sub3A_510 : vector<16x512xf32>
    %reduce_sum3A_512 = arith.constant dense<0.000000e+00> : vector<512xf32>
    %reduce_sum3A_513 = vector.multi_reduction <add>, %exp3A_511, %reduce_sum3A_512 [0] : vector<16x512xf32> to vector<512xf32>
    %broadcast_in_dim3A_514 = vector.shape_cast %reduce_sum3A_513 : vector<512xf32> to vector<1x512xf32>
    %div3A_515 = vector.broadcast %broadcast_in_dim3A_514 : vector<1x512xf32> to vector<16x512xf32>
    %div3A_516 = arith.divf %exp3A_511, %div3A_515 : vector<16x512xf32>
    %slice3A_517 = vector.extract_strided_slice %get3A_435 {offsets = [0, 192], sizes = [16, 64], strides = [1, 1]} : vector<16x1024xf32> to vector<16x64xf32>
    %dot_general3A_518 = arith.constant dense<0.000000e+00> : vector<512x64xf32>
    %dot_general3A_519 = tpu.matmul %div3A_516, %slice3A_517, %dot_general3A_518 {dimension_numbers = #tpu.dot_dimension_numbers<[0], [0], [1], [1], [0, 1, 1, 1], [], []>, transpose_lhs_hint = false} : vector<16x512xf32>, vector<16x64xf32>, vector<512x64xf32> -> vector<512x64xf32>
    %slice3A_520 = vector.extract_strided_slice %get3A_430 {offsets = [0, 256], sizes = [16, 64], strides = [1, 1]} : vector<16x1024xf32> to vector<16x64xf32>
    %slice3A_521 = vector.extract_strided_slice %add3A_425 {offsets = [0, 256], sizes = [512, 64], strides = [1, 1]} : vector<512x1024xf32> to vector<512x64xf32>
    %dot_general3A_522 = arith.constant dense<0.000000e+00> : vector<16x512xf32>
    %dot_general3A_523 = tpu.matmul %slice3A_520, %slice3A_521, %dot_general3A_522 {dimension_numbers = #tpu.dot_dimension_numbers<[1], [1], [0], [0], [0, 0, 1, 0], [], []>, transpose_lhs_hint = false} : vector<16x64xf32>, vector<512x64xf32>, vector<16x512xf32> -> vector<16x512xf32>
    %mul3A_524 = arith.constant 1.250000e-01 : f32
    %mul3A_525 = vector.broadcast %mul3A_524 : f32 to vector<16x512xf32>
    %mul3A_526 = arith.mulf %dot_general3A_523, %mul3A_525 : vector<16x512xf32>
    %reduce_max3A_527 = arith.constant dense<0xFF800000> : vector<512xf32>
    %reduce_max3A_528 = vector.multi_reduction <maximumf>, %mul3A_526, %reduce_max3A_527 [0] : vector<16x512xf32> to vector<512xf32>
    %broadcast_in_dim3A_529 = vector.shape_cast %reduce_max3A_528 : vector<512xf32> to vector<1x512xf32>
    %sub3A_530 = vector.broadcast %broadcast_in_dim3A_529 : vector<1x512xf32> to vector<16x512xf32>
    %sub3A_531 = arith.subf %mul3A_526, %sub3A_530 : vector<16x512xf32>
    %exp3A_532 = math.exp %sub3A_531 : vector<16x512xf32>
    %reduce_sum3A_533 = arith.constant dense<0.000000e+00> : vector<512xf32>
    %reduce_sum3A_534 = vector.multi_reduction <add>, %exp3A_532, %reduce_sum3A_533 [0] : vector<16x512xf32> to vector<512xf32>
    %broadcast_in_dim3A_535 = vector.shape_cast %reduce_sum3A_534 : vector<512xf32> to vector<1x512xf32>
    %div3A_536 = vector.broadcast %broadcast_in_dim3A_535 : vector<1x512xf32> to vector<16x512xf32>
    %div3A_537 = arith.divf %exp3A_532, %div3A_536 : vector<16x512xf32>
    %slice3A_538 = vector.extract_strided_slice %get3A_435 {offsets = [0, 256], sizes = [16, 64], strides = [1, 1]} : vector<16x1024xf32> to vector<16x64xf32>
    %dot_general3A_539 = arith.constant dense<0.000000e+00> : vector<512x64xf32>
    %dot_general3A_540 = tpu.matmul %div3A_537, %slice3A_538, %dot_general3A_539 {dimension_numbers = #tpu.dot_dimension_numbers<[0], [0], [1], [1], [0, 1, 1, 1], [], []>, transpose_lhs_hint = false} : vector<16x512xf32>, vector<16x64xf32>, vector<512x64xf32> -> vector<512x64xf32>
    %slice3A_541 = vector.extract_strided_slice %get3A_430 {offsets = [0, 320], sizes = [16, 64], strides = [1, 1]} : vector<16x1024xf32> to vector<16x64xf32>
    %slice3A_542 = vector.extract_strided_slice %add3A_425 {offsets = [0, 320], sizes = [512, 64], strides = [1, 1]} : vector<512x1024xf32> to vector<512x64xf32>
    %dot_general3A_543 = arith.constant dense<0.000000e+00> : vector<16x512xf32>
    %dot_general3A_544 = tpu.matmul %slice3A_541, %slice3A_542, %dot_general3A_543 {dimension_numbers = #tpu.dot_dimension_numbers<[1], [1], [0], [0], [0, 0, 1, 0], [], []>, transpose_lhs_hint = false} : vector<16x64xf32>, vector<512x64xf32>, vector<16x512xf32> -> vector<16x512xf32>
    %mul3A_545 = arith.constant 1.250000e-01 : f32
    %mul3A_546 = vector.broadcast %mul3A_545 : f32 to vector<16x512xf32>
    %mul3A_547 = arith.mulf %dot_general3A_544, %mul3A_546 : vector<16x512xf32>
    %reduce_max3A_548 = arith.constant dense<0xFF800000> : vector<512xf32>
    %reduce_max3A_549 = vector.multi_reduction <maximumf>, %mul3A_547, %reduce_max3A_548 [0] : vector<16x512xf32> to vector<512xf32>
    %broadcast_in_dim3A_550 = vector.shape_cast %reduce_max3A_549 : vector<512xf32> to vector<1x512xf32>
    %sub3A_551 = vector.broadcast %broadcast_in_dim3A_550 : vector<1x512xf32> to vector<16x512xf32>
    %sub3A_552 = arith.subf %mul3A_547, %sub3A_551 : vector<16x512xf32>
    %exp3A_553 = math.exp %sub3A_552 : vector<16x512xf32>
    %reduce_sum3A_554 = arith.constant dense<0.000000e+00> : vector<512xf32>
    %reduce_sum3A_555 = vector.multi_reduction <add>, %exp3A_553, %reduce_sum3A_554 [0] : vector<16x512xf32> to vector<512xf32>
    %broadcast_in_dim3A_556 = vector.shape_cast %reduce_sum3A_555 : vector<512xf32> to vector<1x512xf32>
    %div3A_557 = vector.broadcast %broadcast_in_dim3A_556 : vector<1x512xf32> to vector<16x512xf32>
    %div3A_558 = arith.divf %exp3A_553, %div3A_557 : vector<16x512xf32>
    %slice3A_559 = vector.extract_strided_slice %get3A_435 {offsets = [0, 320], sizes = [16, 64], strides = [1, 1]} : vector<16x1024xf32> to vector<16x64xf32>
    %dot_general3A_560 = arith.constant dense<0.000000e+00> : vector<512x64xf32>
    %dot_general3A_561 = tpu.matmul %div3A_558, %slice3A_559, %dot_general3A_560 {dimension_numbers = #tpu.dot_dimension_numbers<[0], [0], [1], [1], [0, 1, 1, 1], [], []>, transpose_lhs_hint = false} : vector<16x512xf32>, vector<16x64xf32>, vector<512x64xf32> -> vector<512x64xf32>
    %slice3A_562 = vector.extract_strided_slice %get3A_430 {offsets = [0, 384], sizes = [16, 64], strides = [1, 1]} : vector<16x1024xf32> to vector<16x64xf32>
    %slice3A_563 = vector.extract_strided_slice %add3A_425 {offsets = [0, 384], sizes = [512, 64], strides = [1, 1]} : vector<512x1024xf32> to vector<512x64xf32>
    %dot_general3A_564 = arith.constant dense<0.000000e+00> : vector<16x512xf32>
    %dot_general3A_565 = tpu.matmul %slice3A_562, %slice3A_563, %dot_general3A_564 {dimension_numbers = #tpu.dot_dimension_numbers<[1], [1], [0], [0], [0, 0, 1, 0], [], []>, transpose_lhs_hint = false} : vector<16x64xf32>, vector<512x64xf32>, vector<16x512xf32> -> vector<16x512xf32>
    %mul3A_566 = arith.constant 1.250000e-01 : f32
    %mul3A_567 = vector.broadcast %mul3A_566 : f32 to vector<16x512xf32>
    %mul3A_568 = arith.mulf %dot_general3A_565, %mul3A_567 : vector<16x512xf32>
    %reduce_max3A_569 = arith.constant dense<0xFF800000> : vector<512xf32>
    %reduce_max3A_570 = vector.multi_reduction <maximumf>, %mul3A_568, %reduce_max3A_569 [0] : vector<16x512xf32> to vector<512xf32>
    %broadcast_in_dim3A_571 = vector.shape_cast %reduce_max3A_570 : vector<512xf32> to vector<1x512xf32>
    %sub3A_572 = vector.broadcast %broadcast_in_dim3A_571 : vector<1x512xf32> to vector<16x512xf32>
    %sub3A_573 = arith.subf %mul3A_568, %sub3A_572 : vector<16x512xf32>
    %exp3A_574 = math.exp %sub3A_573 : vector<16x512xf32>
    %reduce_sum3A_575 = arith.constant dense<0.000000e+00> : vector<512xf32>
    %reduce_sum3A_576 = vector.multi_reduction <add>, %exp3A_574, %reduce_sum3A_575 [0] : vector<16x512xf32> to vector<512xf32>
    %broadcast_in_dim3A_577 = vector.shape_cast %reduce_sum3A_576 : vector<512xf32> to vector<1x512xf32>
    %div3A_578 = vector.broadcast %broadcast_in_dim3A_577 : vector<1x512xf32> to vector<16x512xf32>
    %div3A_579 = arith.divf %exp3A_574, %div3A_578 : vector<16x512xf32>
    %slice3A_580 = vector.extract_strided_slice %get3A_435 {offsets = [0, 384], sizes = [16, 64], strides = [1, 1]} : vector<16x1024xf32> to vector<16x64xf32>
    %dot_general3A_581 = arith.constant dense<0.000000e+00> : vector<512x64xf32>
    %dot_general3A_582 = tpu.matmul %div3A_579, %slice3A_580, %dot_general3A_581 {dimension_numbers = #tpu.dot_dimension_numbers<[0], [0], [1], [1], [0, 1, 1, 1], [], []>, transpose_lhs_hint = false} : vector<16x512xf32>, vector<16x64xf32>, vector<512x64xf32> -> vector<512x64xf32>
    %slice3A_583 = vector.extract_strided_slice %get3A_430 {offsets = [0, 448], sizes = [16, 64], strides = [1, 1]} : vector<16x1024xf32> to vector<16x64xf32>
    %slice3A_584 = vector.extract_strided_slice %add3A_425 {offsets = [0, 448], sizes = [512, 64], strides = [1, 1]} : vector<512x1024xf32> to vector<512x64xf32>
    %dot_general3A_585 = arith.constant dense<0.000000e+00> : vector<16x512xf32>
    %dot_general3A_586 = tpu.matmul %slice3A_583, %slice3A_584, %dot_general3A_585 {dimension_numbers = #tpu.dot_dimension_numbers<[1], [1], [0], [0], [0, 0, 1, 0], [], []>, transpose_lhs_hint = false} : vector<16x64xf32>, vector<512x64xf32>, vector<16x512xf32> -> vector<16x512xf32>
    %mul3A_587 = arith.constant 1.250000e-01 : f32
    %mul3A_588 = vector.broadcast %mul3A_587 : f32 to vector<16x512xf32>
    %mul3A_589 = arith.mulf %dot_general3A_586, %mul3A_588 : vector<16x512xf32>
    %reduce_max3A_590 = arith.constant dense<0xFF800000> : vector<512xf32>
    %reduce_max3A_591 = vector.multi_reduction <maximumf>, %mul3A_589, %reduce_max3A_590 [0] : vector<16x512xf32> to vector<512xf32>
    %broadcast_in_dim3A_592 = vector.shape_cast %reduce_max3A_591 : vector<512xf32> to vector<1x512xf32>
    %sub3A_593 = vector.broadcast %broadcast_in_dim3A_592 : vector<1x512xf32> to vector<16x512xf32>
    %sub3A_594 = arith.subf %mul3A_589, %sub3A_593 : vector<16x512xf32>
    %exp3A_595 = math.exp %sub3A_594 : vector<16x512xf32>
    %reduce_sum3A_596 = arith.constant dense<0.000000e+00> : vector<512xf32>
    %reduce_sum3A_597 = vector.multi_reduction <add>, %exp3A_595, %reduce_sum3A_596 [0] : vector<16x512xf32> to vector<512xf32>
    %broadcast_in_dim3A_598 = vector.shape_cast %reduce_sum3A_597 : vector<512xf32> to vector<1x512xf32>
    %div3A_599 = vector.broadcast %broadcast_in_dim3A_598 : vector<1x512xf32> to vector<16x512xf32>
    %div3A_600 = arith.divf %exp3A_595, %div3A_599 : vector<16x512xf32>
    %slice3A_601 = vector.extract_strided_slice %get3A_435 {offsets = [0, 448], sizes = [16, 64], strides = [1, 1]} : vector<16x1024xf32> to vector<16x64xf32>
    %dot_general3A_602 = arith.constant dense<0.000000e+00> : vector<512x64xf32>
    %dot_general3A_603 = tpu.matmul %div3A_600, %slice3A_601, %dot_general3A_602 {dimension_numbers = #tpu.dot_dimension_numbers<[0], [0], [1], [1], [0, 1, 1, 1], [], []>, transpose_lhs_hint = false} : vector<16x512xf32>, vector<16x64xf32>, vector<512x64xf32> -> vector<512x64xf32>
    %slice3A_604 = vector.extract_strided_slice %get3A_430 {offsets = [0, 512], sizes = [16, 64], strides = [1, 1]} : vector<16x1024xf32> to vector<16x64xf32>
    %slice3A_605 = vector.extract_strided_slice %add3A_425 {offsets = [0, 512], sizes = [512, 64], strides = [1, 1]} : vector<512x1024xf32> to vector<512x64xf32>
    %dot_general3A_606 = arith.constant dense<0.000000e+00> : vector<16x512xf32>
    %dot_general3A_607 = tpu.matmul %slice3A_604, %slice3A_605, %dot_general3A_606 {dimension_numbers = #tpu.dot_dimension_numbers<[1], [1], [0], [0], [0, 0, 1, 0], [], []>, transpose_lhs_hint = false} : vector<16x64xf32>, vector<512x64xf32>, vector<16x512xf32> -> vector<16x512xf32>
    %mul3A_608 = arith.constant 1.250000e-01 : f32
    %mul3A_609 = vector.broadcast %mul3A_608 : f32 to vector<16x512xf32>
    %mul3A_610 = arith.mulf %dot_general3A_607, %mul3A_609 : vector<16x512xf32>
    %reduce_max3A_611 = arith.constant dense<0xFF800000> : vector<512xf32>
    %reduce_max3A_612 = vector.multi_reduction <maximumf>, %mul3A_610, %reduce_max3A_611 [0] : vector<16x512xf32> to vector<512xf32>
    %broadcast_in_dim3A_613 = vector.shape_cast %reduce_max3A_612 : vector<512xf32> to vector<1x512xf32>
    %sub3A_614 = vector.broadcast %broadcast_in_dim3A_613 : vector<1x512xf32> to vector<16x512xf32>
    %sub3A_615 = arith.subf %mul3A_610, %sub3A_614 : vector<16x512xf32>
    %exp3A_616 = math.exp %sub3A_615 : vector<16x512xf32>
    %reduce_sum3A_617 = arith.constant dense<0.000000e+00> : vector<512xf32>
    %reduce_sum3A_618 = vector.multi_reduction <add>, %exp3A_616, %reduce_sum3A_617 [0] : vector<16x512xf32> to vector<512xf32>
    %broadcast_in_dim3A_619 = vector.shape_cast %reduce_sum3A_618 : vector<512xf32> to vector<1x512xf32>
    %div3A_620 = vector.broadcast %broadcast_in_dim3A_619 : vector<1x512xf32> to vector<16x512xf32>
    %div3A_621 = arith.divf %exp3A_616, %div3A_620 : vector<16x512xf32>
    %slice3A_622 = vector.extract_strided_slice %get3A_435 {offsets = [0, 512], sizes = [16, 64], strides = [1, 1]} : vector<16x1024xf32> to vector<16x64xf32>
    %dot_general3A_623 = arith.constant dense<0.000000e+00> : vector<512x64xf32>
    %dot_general3A_624 = tpu.matmul %div3A_621, %slice3A_622, %dot_general3A_623 {dimension_numbers = #tpu.dot_dimension_numbers<[0], [0], [1], [1], [0, 1, 1, 1], [], []>, transpose_lhs_hint = false} : vector<16x512xf32>, vector<16x64xf32>, vector<512x64xf32> -> vector<512x64xf32>
    %slice3A_625 = vector.extract_strided_slice %get3A_430 {offsets = [0, 576], sizes = [16, 64], strides = [1, 1]} : vector<16x1024xf32> to vector<16x64xf32>
    %slice3A_626 = vector.extract_strided_slice %add3A_425 {offsets = [0, 576], sizes = [512, 64], strides = [1, 1]} : vector<512x1024xf32> to vector<512x64xf32>
    %dot_general3A_627 = arith.constant dense<0.000000e+00> : vector<16x512xf32>
    %dot_general3A_628 = tpu.matmul %slice3A_625, %slice3A_626, %dot_general3A_627 {dimension_numbers = #tpu.dot_dimension_numbers<[1], [1], [0], [0], [0, 0, 1, 0], [], []>, transpose_lhs_hint = false} : vector<16x64xf32>, vector<512x64xf32>, vector<16x512xf32> -> vector<16x512xf32>
    %mul3A_629 = arith.constant 1.250000e-01 : f32
    %mul3A_630 = vector.broadcast %mul3A_629 : f32 to vector<16x512xf32>
    %mul3A_631 = arith.mulf %dot_general3A_628, %mul3A_630 : vector<16x512xf32>
    %reduce_max3A_632 = arith.constant dense<0xFF800000> : vector<512xf32>
    %reduce_max3A_633 = vector.multi_reduction <maximumf>, %mul3A_631, %reduce_max3A_632 [0] : vector<16x512xf32> to vector<512xf32>
    %broadcast_in_dim3A_634 = vector.shape_cast %reduce_max3A_633 : vector<512xf32> to vector<1x512xf32>
    %sub3A_635 = vector.broadcast %broadcast_in_dim3A_634 : vector<1x512xf32> to vector<16x512xf32>
    %sub3A_636 = arith.subf %mul3A_631, %sub3A_635 : vector<16x512xf32>
    %exp3A_637 = math.exp %sub3A_636 : vector<16x512xf32>
    %reduce_sum3A_638 = arith.constant dense<0.000000e+00> : vector<512xf32>
    %reduce_sum3A_639 = vector.multi_reduction <add>, %exp3A_637, %reduce_sum3A_638 [0] : vector<16x512xf32> to vector<512xf32>
    %broadcast_in_dim3A_640 = vector.shape_cast %reduce_sum3A_639 : vector<512xf32> to vector<1x512xf32>
    %div3A_641 = vector.broadcast %broadcast_in_dim3A_640 : vector<1x512xf32> to vector<16x512xf32>
    %div3A_642 = arith.divf %exp3A_637, %div3A_641 : vector<16x512xf32>
    %slice3A_643 = vector.extract_strided_slice %get3A_435 {offsets = [0, 576], sizes = [16, 64], strides = [1, 1]} : vector<16x1024xf32> to vector<16x64xf32>
    %dot_general3A_644 = arith.constant dense<0.000000e+00> : vector<512x64xf32>
    %dot_general3A_645 = tpu.matmul %div3A_642, %slice3A_643, %dot_general3A_644 {dimension_numbers = #tpu.dot_dimension_numbers<[0], [0], [1], [1], [0, 1, 1, 1], [], []>, transpose_lhs_hint = false} : vector<16x512xf32>, vector<16x64xf32>, vector<512x64xf32> -> vector<512x64xf32>
    %slice3A_646 = vector.extract_strided_slice %get3A_430 {offsets = [0, 640], sizes = [16, 64], strides = [1, 1]} : vector<16x1024xf32> to vector<16x64xf32>
    %slice3A_647 = vector.extract_strided_slice %add3A_425 {offsets = [0, 640], sizes = [512, 64], strides = [1, 1]} : vector<512x1024xf32> to vector<512x64xf32>
    %dot_general3A_648 = arith.constant dense<0.000000e+00> : vector<16x512xf32>
    %dot_general3A_649 = tpu.matmul %slice3A_646, %slice3A_647, %dot_general3A_648 {dimension_numbers = #tpu.dot_dimension_numbers<[1], [1], [0], [0], [0, 0, 1, 0], [], []>, transpose_lhs_hint = false} : vector<16x64xf32>, vector<512x64xf32>, vector<16x512xf32> -> vector<16x512xf32>
    %mul3A_650 = arith.constant 1.250000e-01 : f32
    %mul3A_651 = vector.broadcast %mul3A_650 : f32 to vector<16x512xf32>
    %mul3A_652 = arith.mulf %dot_general3A_649, %mul3A_651 : vector<16x512xf32>
    %reduce_max3A_653 = arith.constant dense<0xFF800000> : vector<512xf32>
    %reduce_max3A_654 = vector.multi_reduction <maximumf>, %mul3A_652, %reduce_max3A_653 [0] : vector<16x512xf32> to vector<512xf32>
    %broadcast_in_dim3A_655 = vector.shape_cast %reduce_max3A_654 : vector<512xf32> to vector<1x512xf32>
    %sub3A_656 = vector.broadcast %broadcast_in_dim3A_655 : vector<1x512xf32> to vector<16x512xf32>
    %sub3A_657 = arith.subf %mul3A_652, %sub3A_656 : vector<16x512xf32>
    %exp3A_658 = math.exp %sub3A_657 : vector<16x512xf32>
    %reduce_sum3A_659 = arith.constant dense<0.000000e+00> : vector<512xf32>
    %reduce_sum3A_660 = vector.multi_reduction <add>, %exp3A_658, %reduce_sum3A_659 [0] : vector<16x512xf32> to vector<512xf32>
    %broadcast_in_dim3A_661 = vector.shape_cast %reduce_sum3A_660 : vector<512xf32> to vector<1x512xf32>
    %div3A_662 = vector.broadcast %broadcast_in_dim3A_661 : vector<1x512xf32> to vector<16x512xf32>
    %div3A_663 = arith.divf %exp3A_658, %div3A_662 : vector<16x512xf32>
    %slice3A_664 = vector.extract_strided_slice %get3A_435 {offsets = [0, 640], sizes = [16, 64], strides = [1, 1]} : vector<16x1024xf32> to vector<16x64xf32>
    %dot_general3A_665 = arith.constant dense<0.000000e+00> : vector<512x64xf32>
    %dot_general3A_666 = tpu.matmul %div3A_663, %slice3A_664, %dot_general3A_665 {dimension_numbers = #tpu.dot_dimension_numbers<[0], [0], [1], [1], [0, 1, 1, 1], [], []>, transpose_lhs_hint = false} : vector<16x512xf32>, vector<16x64xf32>, vector<512x64xf32> -> vector<512x64xf32>
    %slice3A_667 = vector.extract_strided_slice %get3A_430 {offsets = [0, 704], sizes = [16, 64], strides = [1, 1]} : vector<16x1024xf32> to vector<16x64xf32>
    %slice3A_668 = vector.extract_strided_slice %add3A_425 {offsets = [0, 704], sizes = [512, 64], strides = [1, 1]} : vector<512x1024xf32> to vector<512x64xf32>
    %dot_general3A_669 = arith.constant dense<0.000000e+00> : vector<16x512xf32>
    %dot_general3A_670 = tpu.matmul %slice3A_667, %slice3A_668, %dot_general3A_669 {dimension_numbers = #tpu.dot_dimension_numbers<[1], [1], [0], [0], [0, 0, 1, 0], [], []>, transpose_lhs_hint = false} : vector<16x64xf32>, vector<512x64xf32>, vector<16x512xf32> -> vector<16x512xf32>
    %mul3A_671 = arith.constant 1.250000e-01 : f32
    %mul3A_672 = vector.broadcast %mul3A_671 : f32 to vector<16x512xf32>
    %mul3A_673 = arith.mulf %dot_general3A_670, %mul3A_672 : vector<16x512xf32>
    %reduce_max3A_674 = arith.constant dense<0xFF800000> : vector<512xf32>
    %reduce_max3A_675 = vector.multi_reduction <maximumf>, %mul3A_673, %reduce_max3A_674 [0] : vector<16x512xf32> to vector<512xf32>
    %broadcast_in_dim3A_676 = vector.shape_cast %reduce_max3A_675 : vector<512xf32> to vector<1x512xf32>
    %sub3A_677 = vector.broadcast %broadcast_in_dim3A_676 : vector<1x512xf32> to vector<16x512xf32>
    %sub3A_678 = arith.subf %mul3A_673, %sub3A_677 : vector<16x512xf32>
    %exp3A_679 = math.exp %sub3A_678 : vector<16x512xf32>
    %reduce_sum3A_680 = arith.constant dense<0.000000e+00> : vector<512xf32>
    %reduce_sum3A_681 = vector.multi_reduction <add>, %exp3A_679, %reduce_sum3A_680 [0] : vector<16x512xf32> to vector<512xf32>
    %broadcast_in_dim3A_682 = vector.shape_cast %reduce_sum3A_681 : vector<512xf32> to vector<1x512xf32>
    %div3A_683 = vector.broadcast %broadcast_in_dim3A_682 : vector<1x512xf32> to vector<16x512xf32>
    %div3A_684 = arith.divf %exp3A_679, %div3A_683 : vector<16x512xf32>
    %slice3A_685 = vector.extract_strided_slice %get3A_435 {offsets = [0, 704], sizes = [16, 64], strides = [1, 1]} : vector<16x1024xf32> to vector<16x64xf32>
    %dot_general3A_686 = arith.constant dense<0.000000e+00> : vector<512x64xf32>
    %dot_general3A_687 = tpu.matmul %div3A_684, %slice3A_685, %dot_general3A_686 {dimension_numbers = #tpu.dot_dimension_numbers<[0], [0], [1], [1], [0, 1, 1, 1], [], []>, transpose_lhs_hint = false} : vector<16x512xf32>, vector<16x64xf32>, vector<512x64xf32> -> vector<512x64xf32>
    %slice3A_688 = vector.extract_strided_slice %get3A_430 {offsets = [0, 768], sizes = [16, 64], strides = [1, 1]} : vector<16x1024xf32> to vector<16x64xf32>
    %slice3A_689 = vector.extract_strided_slice %add3A_425 {offsets = [0, 768], sizes = [512, 64], strides = [1, 1]} : vector<512x1024xf32> to vector<512x64xf32>
    %dot_general3A_690 = arith.constant dense<0.000000e+00> : vector<16x512xf32>
    %dot_general3A_691 = tpu.matmul %slice3A_688, %slice3A_689, %dot_general3A_690 {dimension_numbers = #tpu.dot_dimension_numbers<[1], [1], [0], [0], [0, 0, 1, 0], [], []>, transpose_lhs_hint = false} : vector<16x64xf32>, vector<512x64xf32>, vector<16x512xf32> -> vector<16x512xf32>
    %mul3A_692 = arith.constant 1.250000e-01 : f32
    %mul3A_693 = vector.broadcast %mul3A_692 : f32 to vector<16x512xf32>
    %mul3A_694 = arith.mulf %dot_general3A_691, %mul3A_693 : vector<16x512xf32>
    %reduce_max3A_695 = arith.constant dense<0xFF800000> : vector<512xf32>
    %reduce_max3A_696 = vector.multi_reduction <maximumf>, %mul3A_694, %reduce_max3A_695 [0] : vector<16x512xf32> to vector<512xf32>
    %broadcast_in_dim3A_697 = vector.shape_cast %reduce_max3A_696 : vector<512xf32> to vector<1x512xf32>
    %sub3A_698 = vector.broadcast %broadcast_in_dim3A_697 : vector<1x512xf32> to vector<16x512xf32>
    %sub3A_699 = arith.subf %mul3A_694, %sub3A_698 : vector<16x512xf32>
    %exp3A_700 = math.exp %sub3A_699 : vector<16x512xf32>
    %reduce_sum3A_701 = arith.constant dense<0.000000e+00> : vector<512xf32>
    %reduce_sum3A_702 = vector.multi_reduction <add>, %exp3A_700, %reduce_sum3A_701 [0] : vector<16x512xf32> to vector<512xf32>
    %broadcast_in_dim3A_703 = vector.shape_cast %reduce_sum3A_702 : vector<512xf32> to vector<1x512xf32>
    %div3A_704 = vector.broadcast %broadcast_in_dim3A_703 : vector<1x512xf32> to vector<16x512xf32>
    %div3A_705 = arith.divf %exp3A_700, %div3A_704 : vector<16x512xf32>
    %slice3A_706 = vector.extract_strided_slice %get3A_435 {offsets = [0, 768], sizes = [16, 64], strides = [1, 1]} : vector<16x1024xf32> to vector<16x64xf32>
    %dot_general3A_707 = arith.constant dense<0.000000e+00> : vector<512x64xf32>
    %dot_general3A_708 = tpu.matmul %div3A_705, %slice3A_706, %dot_general3A_707 {dimension_numbers = #tpu.dot_dimension_numbers<[0], [0], [1], [1], [0, 1, 1, 1], [], []>, transpose_lhs_hint = false} : vector<16x512xf32>, vector<16x64xf32>, vector<512x64xf32> -> vector<512x64xf32>
    %slice3A_709 = vector.extract_strided_slice %get3A_430 {offsets = [0, 832], sizes = [16, 64], strides = [1, 1]} : vector<16x1024xf32> to vector<16x64xf32>
    %slice3A_710 = vector.extract_strided_slice %add3A_425 {offsets = [0, 832], sizes = [512, 64], strides = [1, 1]} : vector<512x1024xf32> to vector<512x64xf32>
    %dot_general3A_711 = arith.constant dense<0.000000e+00> : vector<16x512xf32>
    %dot_general3A_712 = tpu.matmul %slice3A_709, %slice3A_710, %dot_general3A_711 {dimension_numbers = #tpu.dot_dimension_numbers<[1], [1], [0], [0], [0, 0, 1, 0], [], []>, transpose_lhs_hint = false} : vector<16x64xf32>, vector<512x64xf32>, vector<16x512xf32> -> vector<16x512xf32>
    %mul3A_713 = arith.constant 1.250000e-01 : f32
    %mul3A_714 = vector.broadcast %mul3A_713 : f32 to vector<16x512xf32>
    %mul3A_715 = arith.mulf %dot_general3A_712, %mul3A_714 : vector<16x512xf32>
    %reduce_max3A_716 = arith.constant dense<0xFF800000> : vector<512xf32>
    %reduce_max3A_717 = vector.multi_reduction <maximumf>, %mul3A_715, %reduce_max3A_716 [0] : vector<16x512xf32> to vector<512xf32>
    %broadcast_in_dim3A_718 = vector.shape_cast %reduce_max3A_717 : vector<512xf32> to vector<1x512xf32>
    %sub3A_719 = vector.broadcast %broadcast_in_dim3A_718 : vector<1x512xf32> to vector<16x512xf32>
    %sub3A_720 = arith.subf %mul3A_715, %sub3A_719 : vector<16x512xf32>
    %exp3A_721 = math.exp %sub3A_720 : vector<16x512xf32>
    %reduce_sum3A_722 = arith.constant dense<0.000000e+00> : vector<512xf32>
    %reduce_sum3A_723 = vector.multi_reduction <add>, %exp3A_721, %reduce_sum3A_722 [0] : vector<16x512xf32> to vector<512xf32>
    %broadcast_in_dim3A_724 = vector.shape_cast %reduce_sum3A_723 : vector<512xf32> to vector<1x512xf32>
    %div3A_725 = vector.broadcast %broadcast_in_dim3A_724 : vector<1x512xf32> to vector<16x512xf32>
    %div3A_726 = arith.divf %exp3A_721, %div3A_725 : vector<16x512xf32>
    %slice3A_727 = vector.extract_strided_slice %get3A_435 {offsets = [0, 832], sizes = [16, 64], strides = [1, 1]} : vector<16x1024xf32> to vector<16x64xf32>
    %dot_general3A_728 = arith.constant dense<0.000000e+00> : vector<512x64xf32>
    %dot_general3A_729 = tpu.matmul %div3A_726, %slice3A_727, %dot_general3A_728 {dimension_numbers = #tpu.dot_dimension_numbers<[0], [0], [1], [1], [0, 1, 1, 1], [], []>, transpose_lhs_hint = false} : vector<16x512xf32>, vector<16x64xf32>, vector<512x64xf32> -> vector<512x64xf32>
    %slice3A_730 = vector.extract_strided_slice %get3A_430 {offsets = [0, 896], sizes = [16, 64], strides = [1, 1]} : vector<16x1024xf32> to vector<16x64xf32>
    %slice3A_731 = vector.extract_strided_slice %add3A_425 {offsets = [0, 896], sizes = [512, 64], strides = [1, 1]} : vector<512x1024xf32> to vector<512x64xf32>
    %dot_general3A_732 = arith.constant dense<0.000000e+00> : vector<16x512xf32>
    %dot_general3A_733 = tpu.matmul %slice3A_730, %slice3A_731, %dot_general3A_732 {dimension_numbers = #tpu.dot_dimension_numbers<[1], [1], [0], [0], [0, 0, 1, 0], [], []>, transpose_lhs_hint = false} : vector<16x64xf32>, vector<512x64xf32>, vector<16x512xf32> -> vector<16x512xf32>
    %mul3A_734 = arith.constant 1.250000e-01 : f32
    %mul3A_735 = vector.broadcast %mul3A_734 : f32 to vector<16x512xf32>
    %mul3A_736 = arith.mulf %dot_general3A_733, %mul3A_735 : vector<16x512xf32>
    %reduce_max3A_737 = arith.constant dense<0xFF800000> : vector<512xf32>
    %reduce_max3A_738 = vector.multi_reduction <maximumf>, %mul3A_736, %reduce_max3A_737 [0] : vector<16x512xf32> to vector<512xf32>
    %broadcast_in_dim3A_739 = vector.shape_cast %reduce_max3A_738 : vector<512xf32> to vector<1x512xf32>
    %sub3A_740 = vector.broadcast %broadcast_in_dim3A_739 : vector<1x512xf32> to vector<16x512xf32>
    %sub3A_741 = arith.subf %mul3A_736, %sub3A_740 : vector<16x512xf32>
    %exp3A_742 = math.exp %sub3A_741 : vector<16x512xf32>
    %reduce_sum3A_743 = arith.constant dense<0.000000e+00> : vector<512xf32>
    %reduce_sum3A_744 = vector.multi_reduction <add>, %exp3A_742, %reduce_sum3A_743 [0] : vector<16x512xf32> to vector<512xf32>
    %broadcast_in_dim3A_745 = vector.shape_cast %reduce_sum3A_744 : vector<512xf32> to vector<1x512xf32>
    %div3A_746 = vector.broadcast %broadcast_in_dim3A_745 : vector<1x512xf32> to vector<16x512xf32>
    %div3A_747 = arith.divf %exp3A_742, %div3A_746 : vector<16x512xf32>
    %slice3A_748 = vector.extract_strided_slice %get3A_435 {offsets = [0, 896], sizes = [16, 64], strides = [1, 1]} : vector<16x1024xf32> to vector<16x64xf32>
    %dot_general3A_749 = arith.constant dense<0.000000e+00> : vector<512x64xf32>
    %dot_general3A_750 = tpu.matmul %div3A_747, %slice3A_748, %dot_general3A_749 {dimension_numbers = #tpu.dot_dimension_numbers<[0], [0], [1], [1], [0, 1, 1, 1], [], []>, transpose_lhs_hint = false} : vector<16x512xf32>, vector<16x64xf32>, vector<512x64xf32> -> vector<512x64xf32>
    %slice3A_751 = vector.extract_strided_slice %get3A_430 {offsets = [0, 960], sizes = [16, 64], strides = [1, 1]} : vector<16x1024xf32> to vector<16x64xf32>
    %slice3A_752 = vector.extract_strided_slice %add3A_425 {offsets = [0, 960], sizes = [512, 64], strides = [1, 1]} : vector<512x1024xf32> to vector<512x64xf32>
    %dot_general3A_753 = arith.constant dense<0.000000e+00> : vector<16x512xf32>
    %dot_general3A_754 = tpu.matmul %slice3A_751, %slice3A_752, %dot_general3A_753 {dimension_numbers = #tpu.dot_dimension_numbers<[1], [1], [0], [0], [0, 0, 1, 0], [], []>, transpose_lhs_hint = false} : vector<16x64xf32>, vector<512x64xf32>, vector<16x512xf32> -> vector<16x512xf32>
    %mul3A_755 = arith.constant 1.250000e-01 : f32
    %mul3A_756 = vector.broadcast %mul3A_755 : f32 to vector<16x512xf32>
    %mul3A_757 = arith.mulf %dot_general3A_754, %mul3A_756 : vector<16x512xf32>
    %reduce_max3A_758 = arith.constant dense<0xFF800000> : vector<512xf32>
    %reduce_max3A_759 = vector.multi_reduction <maximumf>, %mul3A_757, %reduce_max3A_758 [0] : vector<16x512xf32> to vector<512xf32>
    %broadcast_in_dim3A_760 = vector.shape_cast %reduce_max3A_759 : vector<512xf32> to vector<1x512xf32>
    %sub3A_761 = vector.broadcast %broadcast_in_dim3A_760 : vector<1x512xf32> to vector<16x512xf32>
    %sub3A_762 = arith.subf %mul3A_757, %sub3A_761 : vector<16x512xf32>
    %exp3A_763 = math.exp %sub3A_762 : vector<16x512xf32>
    %reduce_sum3A_764 = arith.constant dense<0.000000e+00> : vector<512xf32>
    %reduce_sum3A_765 = vector.multi_reduction <add>, %exp3A_763, %reduce_sum3A_764 [0] : vector<16x512xf32> to vector<512xf32>
    %broadcast_in_dim3A_766 = vector.shape_cast %reduce_sum3A_765 : vector<512xf32> to vector<1x512xf32>
    %div3A_767 = vector.broadcast %broadcast_in_dim3A_766 : vector<1x512xf32> to vector<16x512xf32>
    %div3A_768 = arith.divf %exp3A_763, %div3A_767 : vector<16x512xf32>
    %slice3A_769 = vector.extract_strided_slice %get3A_435 {offsets = [0, 960], sizes = [16, 64], strides = [1, 1]} : vector<16x1024xf32> to vector<16x64xf32>
    %dot_general3A_770 = arith.constant dense<0.000000e+00> : vector<512x64xf32>
    %dot_general3A_771 = tpu.matmul %div3A_768, %slice3A_769, %dot_general3A_770 {dimension_numbers = #tpu.dot_dimension_numbers<[0], [0], [1], [1], [0, 1, 1, 1], [], []>, transpose_lhs_hint = false} : vector<16x512xf32>, vector<16x64xf32>, vector<512x64xf32> -> vector<512x64xf32>
    %concatenate3A_772 = tpu.concatenate %dot_general3A_456, %dot_general3A_477, %dot_general3A_498, %dot_general3A_519, %dot_general3A_540, %dot_general3A_561, %dot_general3A_582, %dot_general3A_603, %dot_general3A_624, %dot_general3A_645, %dot_general3A_666, %dot_general3A_687, %dot_general3A_708, %dot_general3A_729, %dot_general3A_750, %dot_general3A_771 in 1 : vector<512x64xf32>, vector<512x64xf32>, vector<512x64xf32>, vector<512x64xf32>, vector<512x64xf32>, vector<512x64xf32>, vector<512x64xf32>, vector<512x64xf32>, vector<512x64xf32>, vector<512x64xf32>, vector<512x64xf32>, vector<512x64xf32>, vector<512x64xf32>, vector<512x64xf32>, vector<512x64xf32>, vector<512x64xf32> -> vector<512x1024xf32>
    %get3A_773 = arith.constant 0 : index
    %get3A_774 = arith.constant 0 : index
    %get3A_775 = vector.load %arg6[%get3A_773, %get3A_774] : memref<1024x1024xf32, #tpu.memory_space<vmem>>, vector<1024x1024xf32>
    %dot_general3A_776 = arith.constant dense<0.000000e+00> : vector<512x1024xf32>
    %dot_general3A_777 = tpu.matmul %concatenate3A_772, %get3A_775, %dot_general3A_776 {dimension_numbers = #tpu.dot_dimension_numbers<[1], [1], [0], [0], [0, 0, 1, 0], [], []>, transpose_lhs_hint = false} : vector<512x1024xf32>, vector<1024x1024xf32>, vector<512x1024xf32> -> vector<512x1024xf32>
    %get3A_778 = arith.constant 0 : index
    %get3A_779 = vector.load %arg7[%get3A_778] : memref<1024xf32, #tpu.memory_space<vmem>>, vector<1024xf32>
    %broadcast_in_dim3A_780 = vector.shape_cast %get3A_779 : vector<1024xf32> to vector<1x1024xf32>
    %add3A_781 = vector.broadcast %broadcast_in_dim3A_780 : vector<1x1024xf32> to vector<512x1024xf32>
    %add3A_782 = arith.addf %dot_general3A_777, %add3A_781 : vector<512x1024xf32>
    %add3A_783 = arith.addf %get3A_415, %add3A_782 : vector<512x1024xf32>
    %get3A_784 = arith.constant 0 : index
    %get3A_785 = vector.load %arg8[%get3A_784] : memref<1024xf32, #tpu.memory_space<vmem>>, vector<1024xf32>
    %mul3A_786 = arith.mulf %add3A_783, %add3A_783 : vector<512x1024xf32>
    %reduce_sum3A_787 = arith.constant dense<0.000000e+00> : vector<512xf32>
    %reduce_sum3A_788 = vector.multi_reduction <add>, %mul3A_786, %reduce_sum3A_787 [1] : vector<512x1024xf32> to vector<512xf32>
    %broadcast_in_dim3A_789 = vector.shape_cast %reduce_sum3A_788 : vector<512xf32> to vector<512x1xf32>
    %div3A_790 = arith.constant 1.024000e+03 : f32
    %div3A_791 = vector.broadcast %div3A_790 : f32 to vector<512x1xf32>
    %div3A_792 = arith.divf %broadcast_in_dim3A_789, %div3A_791 : vector<512x1xf32>
    %add3A_793 = arith.constant 9.99999997E-7 : f32
    %add3A_794 = vector.broadcast %add3A_793 : f32 to vector<512x1xf32>
    %add3A_795 = arith.addf %div3A_792, %add3A_794 : vector<512x1xf32>
    %rsqrt3A_796 = math.rsqrt %add3A_795 : vector<512x1xf32>
    %mul3A_797 = vector.broadcast %rsqrt3A_796 : vector<512x1xf32> to vector<512x1024xf32>
    %mul3A_798 = arith.mulf %add3A_783, %mul3A_797 : vector<512x1024xf32>
    %broadcast_in_dim3A_799 = vector.shape_cast %get3A_785 : vector<1024xf32> to vector<1x1024xf32>
    %mul3A_800 = vector.broadcast %broadcast_in_dim3A_799 : vector<1x1024xf32> to vector<512x1024xf32>
    %mul3A_801 = arith.mulf %mul3A_798, %mul3A_800 : vector<512x1024xf32>
    %swap3A_802 = arith.constant 1 : index
    %swap3A_803 = arith.constant 0 : index
    %swap3A_804 = arith.constant 0 : index
    %swap3A_805 = vector.load %arg15[%swap3A_802, %swap3A_803, %swap3A_804] : memref<2x512x1024xf32, #tpu.memory_space<vmem>>, vector<1x512x1024xf32>
    %swap3A_806 = vector.shape_cast %swap3A_805 : vector<1x512x1024xf32> to vector<512x1024xf32>
    %swap3A_807 = vector.shape_cast %mul3A_801 : vector<512x1024xf32> to vector<1x512x1024xf32>
    tpu.vector_store %arg15[%swap3A_802, %swap3A_803, %swap3A_804], %swap3A_807 {strides = array<i32>} : memref<2x512x1024xf32, #tpu.memory_space<vmem>>, vector<1x512x1024xf32>,
    %get3A_808 = arith.constant 0 : index
    %get3A_809 = vector.load %arg9[%get3A_808] : memref<1024xf32, #tpu.memory_space<vmem>>, vector<1024xf32>
    %broadcast_in_dim3A_810 = vector.shape_cast %get3A_809 : vector<1024xf32> to vector<1x1024xf32>
    %dot_general3A_811 = arith.constant dense<0.000000e+00> : vector<512x1xf32>
    %dot_general3A_812 = tpu.matmul %mul3A_801, %broadcast_in_dim3A_810, %dot_general3A_811 {dimension_numbers = #tpu.dot_dimension_numbers<[1], [1], [0], [0], [0, 0, 1, 0], [], []>, transpose_lhs_hint = false} : vector<512x1024xf32>, vector<1x1024xf32>, vector<512x1xf32> -> vector<512x1xf32>
    %squeeze3A_813 = vector.shape_cast %dot_general3A_812 : vector<512x1xf32> to vector<512xf32>
    %get3A_814 = arith.constant 0 : index
    %get3A_815 = vector.load %arg10[%get3A_814] : memref<1xf32, #tpu.memory_space<vmem>>, vector<1xf32>
    %get3A_816 = vector.extract %get3A_815[0] : f32 from vector<1xf32>
    %add3A_817 = vector.broadcast %get3A_816 : f32 to vector<512xf32>
    %add3A_818 = arith.addf %squeeze3A_813, %add3A_817 : vector<512xf32>
    %logistic3A_819 = arith.negf %add3A_818 : vector<512xf32>
    %logistic3A_820 = math.exp %logistic3A_819 : vector<512xf32>
    %logistic3A_821 = arith.constant 1.000000e+00 : f32
    %logistic3A_822 = vector.broadcast %logistic3A_821 : f32 to vector<512xf32>
    %logistic3A_823 = arith.addf %logistic3A_822, %logistic3A_820 : vector<512xf32>
    %logistic3A_824 = arith.divf %logistic3A_822, %logistic3A_823 : vector<512xf32>
    %get3A_825 = arith.constant 1 : index
    %get3A_826 = arith.constant 0 : index
    %get3A_827 = vector.load %arg14[%get3A_825, %get3A_826] : memref<2x512xf32, #tpu.memory_space<vmem>>, vector<1x512xf32>
    %get3A_828 = vector.shape_cast %get3A_827 : vector<1x512xf32> to vector<512xf32>
    %add3A_829 = arith.addf %get3A_828, %logistic3A_824 : vector<512xf32>
    %mul3A_830 = arith.constant 5.000000e-01 : f32
    %mul3A_831 = vector.broadcast %mul3A_830 : f32 to vector<512xf32>
    %mul3A_832 = arith.mulf %add3A_829, %mul3A_831 : vector<512xf32>
    %swap3A_833 = arith.constant 1 : index
    %swap3A_834 = arith.constant 0 : index
    %swap3A_835 = vector.load %arg16[%swap3A_833, %swap3A_834] : memref<2x512xf32, #tpu.memory_space<vmem>>, vector<1x512xf32>
    %swap3A_836 = vector.shape_cast %swap3A_835 : vector<1x512xf32> to vector<512xf32>
    %swap3A_837 = vector.shape_cast %mul3A_832 : vector<512xf32> to vector<1x512xf32>
    tpu.vector_store %arg16[%swap3A_833, %swap3A_834], %swap3A_837 {strides = array<i32>} : memref<2x512xf32, #tpu.memory_space<vmem>>, vector<1x512xf32>,
    return
  }
  func.func @transform_0(%arg0: i32) -> (i32, i32, i32) {
    %c0_i32 = arith.constant 0 : i32
    %c0_i32_0 = arith.constant 0 : i32
    %c0_i32_1 = arith.constant 0 : i32
    return %c0_i32, %arg0, %c0_i32_0 : i32, i32, i32
  }
  func.func @transform_1(%arg0: i32) -> (i32, i32, i32) {
    %c0_i32 = arith.constant 0 : i32
    %c0_i32_0 = arith.constant 0 : i32
    %c0_i32_1 = arith.constant 0 : i32
    %c0_i32_2 = arith.constant 0 : i32
    return %c0_i32, %c0_i32_0, %c0_i32_1 : i32, i32, i32
  }
  func.func @transform_2(%arg0: i32) -> (i32, i32, i32) {
    %c0_i32 = arith.constant 0 : i32
    %c0_i32_0 = arith.constant 0 : i32
    %c0_i32_1 = arith.constant 0 : i32
    %c0_i32_2 = arith.constant 0 : i32
    return %c0_i32, %c0_i32_0, %c0_i32_1 : i32, i32, i32
  }
  func.func @transform_3(%arg0: i32) -> (i32, i32) {
    %c0_i32 = arith.constant 0 : i32
    %c0_i32_0 = arith.constant 0 : i32
    %c0_i32_1 = arith.constant 0 : i32
    return %c0_i32, %c0_i32_0 : i32, i32
  }
  func.func @transform_4(%arg0: i32) -> i32 {
    %c0_i32 = arith.constant 0 : i32
    %c0_i32_0 = arith.constant 0 : i32
    return %c0_i32 : i32
  }
  func.func @transform_5(%arg0: i32) -> (i32, i32) {
    %c0_i32 = arith.constant 0 : i32
    %c0_i32_0 = arith.constant 0 : i32
    %c0_i32_1 = arith.constant 0 : i32
    return %c0_i32, %c0_i32_0 : i32, i32
  }
  func.func @transform_6(%arg0: i32) -> i32 {
    %c0_i32 = arith.constant 0 : i32
    %c0_i32_0 = arith.constant 0 : i32
    return %c0_i32 : i32
  }
  func.func @transform_7(%arg0: i32) -> i32 {
    %c0_i32 = arith.constant 0 : i32
    %c0_i32_0 = arith.constant 0 : i32
    return %c0_i32 : i32
  }
  func.func @transform_8(%arg0: i32) -> i32 {
    %c0_i32 = arith.constant 0 : i32
    %c0_i32_0 = arith.constant 0 : i32
    return %c0_i32 : i32
  }
  func.func @transform_9(%arg0: i32) -> i32 {
    %c0_i32 = arith.constant 0 : i32
    %c0_i32_0 = arith.constant 0 : i32
    return %c0_i32 : i32
  }
  func.func @transform_10(%arg0: i32) -> (i32, i32) {
    %c0_i32 = arith.constant 0 : i32
    %c0_i32_0 = arith.constant 0 : i32
    %c0_i32_1 = arith.constant 0 : i32
    return %c0_i32, %c0_i32_0 : i32, i32
  }
  func.func @transform_11(%arg0: i32) -> i32 {
    %c0_i32 = arith.constant 0 : i32
    %c0_i32_0 = arith.constant 0 : i32
    return %c0_i32 : i32
  }
  func.func @transform_12(%arg0: i32) -> i32 {
    %c0_i32 = arith.constant 0 : i32
    %c0_i32_0 = arith.constant 0 : i32
    return %c0_i32 : i32
  }
  func.func @transform_13(%arg0: i32) -> (i32, i32) {
    %c0_i32 = arith.constant 0 : i32
    %c0_i32_0 = arith.constant 0 : i32
    return %c0_i32, %arg0 : i32, i32
  }
  func.func @transform_14(%arg0: i32) -> (i32, i32, i32) {
    %c0_i32 = arith.constant 0 : i32
    %c0_i32_0 = arith.constant 0 : i32
    %c0_i32_1 = arith.constant 0 : i32
    return %c0_i32, %arg0, %c0_i32_0 : i32, i32, i32
  }
  func.func @transform_15(%arg0: i32) -> (i32, i32) {
    %c0_i32 = arith.constant 0 : i32
    %c0_i32_0 = arith.constant 0 : i32
    return %c0_i32, %arg0 : i32, i32
  }
}

</mosaic_0001>

<sc_bundles>
// kernel: kernel.12.cloned.1.call-start
scs
__scs_entry_jumppad:
0x0: {  	(pc) =	sbr.rel $0x88, $3  }
0x1: {  	(tag) =	ssettag $0x0;
	lr =	simm.s32 $0x1  }
0x2: {  	[smem:$0x3F8F] =	sst lr;
	_ =	strace $0xD0000000  }
0x3: {  	_ = 	snop  }
0x4: {  	_ = 	snop  }
0x5: {  	_ = 	snop  }
0x6: {  	_ = 	snop  }
0x7: {  	_ = 	snop  }
__scs_overlays_trampoline_lowered:
0x8: {  	[smem:$0x3F9E] =	sst s0  }
0x9: {  	[smem:$0x3F9F] =	sst s1  }
0xa: {  	[smem:$0x3FA0] =	sst s2  }
0xb: {  	[smem:$0x3FA1] =	sst s3  }
0xc: {  	[smem:$0x3FA2] =	sst s4  }
0xd: {  	[smem:$0x3FA3] =	sst s5  }
0xe: {  	[smem:$0x3FA4] =	sst s6  }
0xf: {  	[smem:$0x3FA5] =	sst s7  }
0x10: {  	[smem:$0x3FA6] =	sst s8  }
0x11: {  	[smem:$0x3FA7] =	sst s9;
	s0 =	simm.s32 @!p0 $0x0  }
0x12: {  	s1 =	sld [smem:$0x3F8D];
	s0 =	simm.s32 @p0 $0x1  }
0x13: {  	[smem:$0x3FA8] =	sst s0;
	s0 =	simm.s32 @!p1 $0x0  }
0x14: {  	s2 =	sld [smem:$0x3F8C];
	s0 =	simm.s32 @p1 $0x1  }
0x15: {  	[smem:$0x3FA9] =	sst s0;
	s0 =	simm.s32 @!p2 $0x0  }
0x16: {  	s3 =	sld [smem:$0x3FDB];
	s0 =	simm.s32 @p2 $0x1  }
0x17: {  	s4 =	simm.s32 $0x1BF5;
	[smem:$0x3FAB] =	sst s0  }
0x18: {  	s0 =	sld [smem:$0x3F8E];
	_ =	swait.ge [sflag:s4], $0x0  }
0x19: {  	s7 =	sld [smem:$0x3F8F]  }
0x1a: {  	s8 =	sadd.s32 $0xFFFFE003, lr  }
0x1b: {  	s9 =	sadd.s32 $0xFFFFFEF7, lr;
	s5 =	simm.s32 $0xFFFFFFFF;
	p2 =	slt.u32 s8, $0xFFFFF086  }
0x1c: {  	p1 =	slt.u32 s9, $0xF7A;
	s5 =	simm.s32 @!p2 $0x0  }
0x1d: {  	s5 =	simm.s32 @p1 $0x1;
	p0 =	seq.s32 s7, s2  }
0x1e: {  	s7 =	smul.u32 @!p0 $0xF7A, s2;
	p2 =	seq.s32 @!p0 s5, $0x0  }
0x1f: {  	s9 =	smul.u32 $0xF7A, s1;
	s8 =	simm.s32 @!p0 $0x1BF5;
	p2 =	por !p2, p0  }
0x20: {  	[sflag:s8] =	ssyncset.s32 @!p0 $0xFFFFF086;
	s6 =	sadd.s32 @!p0 s3, s7;
	s7 =	simm.s32 @!p0 $0x108  }
0x21: {  	s3 =	sadd.s32 s3, s9;
	s6 =	sadd.s32 @!p0 $0x88, s6;
	s7 =	simm.s32 @p2 $0x1082  }
0x22: {  	[simem:s7], [sflag:s8] =	dma.local @!p0 [hbm:s6], $0xF7A  }
0x23: {  	s9 =	sor.u32 $0xD0000000, s2;
	s6 =	simm.s32 $0x108;
	_ =	swait.ge @!p0 [sflag:s8], $0x0  }
0x24: {  	s3 =	sadd.s32 $0x88, s3;
	s6 =	simm.s32 @!p1 $0x1082;
	[sflag:s4] =	ssyncset.s32 $0xFFFFF086  }
0x25: {  	[simem:s6], [sflag:s4] =	dma.local [hbm:s3], $0xF7A  }
0x26: {  	[smem:$0x3F8F] =	sst s1;
	(tag) =	ssettag s2;
	_ =	strace s9  }
0x27: {  	s1 =	sld [smem:$0x3F9F]  }
0x28: {  	s2 =	sld [smem:$0x3FA0]  }
0x29: {  	s4 =	sld [smem:$0x3FA2]  }
0x2a: {  	p0 =	seq.s32 s5, $0x0;
	s5 =	sld [smem:$0x3FA3]  }
0x2b: {  	s6 =	sld [smem:$0x3FA4]  }
0x2c: {  	s7 =	sld [smem:$0x3FA5]  }
0x2d: {  	s3 =	simm.s32 $0x108;
	s8 =	sld [smem:$0x3FA6]  }
0x2e: {  	s3 =	simm.s32 @!p0 $0x1082;
	s9 =	sld [smem:$0x3FA7]  }
0x2f: {  	lr =	sadd.s32 s0, s3;
	s0 =	sld [smem:$0x3F9E]  }
0x30: {  	s3 =	sld [smem:$0x3FA1]  }
0x31: {  	[smem:$0x3FAA] =	sst s10  }
0x32: {  	s10 =	sld [smem:$0x3FA8];
	_ =	sdelay $0x3  }
0x33: {  	p0 =	seq.s32 s10, $0x1;
	s10 =	sld [smem:$0x3FAA];
	_ =	sdelay $0x3  }
0x34: {  	[smem:$0x3FAA] =	sst s10  }
0x35: {  	s10 =	sld [smem:$0x3FA9];
	_ =	sdelay $0x3  }
0x36: {  	p1 =	seq.s32 s10, $0x1;
	s10 =	sld [smem:$0x3FAA];
	_ =	sdelay $0x3  }
0x37: {  	[smem:$0x3FAA] =	sst s10  }
0x38: {  	s10 =	sld [smem:$0x3FAB]  }
0x39: {  	_ = 	snop;
	(pc) =	sbr.ind lr, $3  }
0x3a: {  	_ = 	snop  }
0x3b: {  	_ = 	snop  }
0x3c: {  	p2 =	seq.s32 s10, $0x1;
	s10 =	sld [smem:$0x3FAA]  }
0x3d: {  	_ =	shalt  }
0x3e: {  	_ =	shalt  }
0x3f: {  	_ =	shalt  }
0x40: {  	_ =	shalt  }
0x41: {  	_ =	shalt  }
0x42: {  	_ =	shalt  }
0x43: {  	_ =	shalt  }
0x44: {  	_ =	shalt  }
0x45: {  	_ =	shalt  }
0x46: {  	_ =	shalt  }
0x47: {  	_ =	shalt  }
0x48: {  	_ =	shalt  }
0x49: {  	_ =	shalt  }
0x4a: {  	_ =	shalt  }
0x4b: {  	_ =	shalt  }
0x4c: {  	_ =	shalt  }
0x4d: {  	_ =	shalt  }
0x4e: {  	_ =	shalt  }
0x4f: {  	_ =	shalt  }
0x50: {  	_ =	shalt  }
0x51: {  	_ =	shalt  }
0x52: {  	_ =	shalt  }
0x53: {  	_ =	shalt  }
0x54: {  	_ =	shalt  }
0x55: {  	_ =	shalt  }
0x56: {  	_ =	shalt  }
0x57: {  	_ =	shalt  }
0x58: {  	_ =	shalt  }
0x59: {  	_ =	shalt  }
0x5a: {  	_ =	shalt  }
0x5b: {  	_ =	shalt  }
0x5c: {  	_ =	shalt  }
0x5d: {  	_ =	shalt  }
0x5e: {  	_ =	shalt  }
0x5f: {  	_ =	shalt  }
0x60: {  	_ =	shalt  }
0x61: {  	_ =	shalt  }
0x62: {  	_ =	shalt  }
0x63: {  	_ =	shalt  }
0x64: {  	_ =	shalt  }
0x65: {  	_ =	shalt  }
0x66: {  	_ =	shalt  }
0x67: {  	_ =	shalt  }
0x68: {  	_ =	shalt  }
0x69: {  	_ =	shalt  }
0x6a: {  	_ =	shalt  }
0x6b: {  	_ =	shalt  }
0x6c: {  	_ =	shalt  }
0x6d: {  	_ =	shalt  }
0x6e: {  	_ =	shalt  }
0x6f: {  	_ =	shalt  }
0x70: {  	_ =	shalt  }
0x71: {  	_ =	shalt  }
0x72: {  	_ =	shalt  }
0x73: {  	_ =	shalt  }
0x74: {  	_ =	shalt  }
0x75: {  	_ =	shalt  }
0x76: {  	_ =	shalt  }
0x77: {  	_ =	shalt  }
0x78: {  	_ =	shalt  }
0x79: {  	_ =	shalt  }
0x7a: {  	_ =	shalt  }
0x7b: {  	_ =	shalt  }
0x7c: {  	_ =	shalt  }
0x7d: {  	_ =	shalt  }
0x7e: {  	_ =	shalt  }
0x7f: {  	_ =	shalt  }
0x80: {  	_ =	shalt  }
0x81: {  	_ =	shalt  }
0x82: {  	_ =	shalt  }
0x83: {  	_ =	shalt  }
0x84: {  	_ =	shalt  }
0x85: {  	_ =	shalt  }
0x86: {  	_ =	shalt  }
0x87: {  	_ =	shalt  }
.Lfunc_end0:
.L_simem_size_0:
called_computation.1_lowered:
.L_overlay_start_0:
0x88: {  	s2 =	sld [smem:$0x3FD9]  }
0x89: {  	s3 =	sld [smem:$0x3FFE];
	_ =	sdelay $0x1  }
0x8a: {  	s1 =	srdreg.scid  }
0x8b: {  	s0 =	sand.u32 $0x1, s1  }
0x8c: {  	s14 =	sshll.u32 s0, $0xA;
	s2 =	sadd.s32 s3, s2  }
0x8d: {  	s2 =	sadd.s32 s2, s14  }
0x8e: {  	[smem:$0x3FB6] =	sst s2  }
0x8f: {  	_ = 	snop  }
0x90: {  	s2 =	sld [smem:$0x3FD0];
	_ =	sdelay $0x2  }
0x91: {  	s15 =	simm.s32 $0xA;
	s4 =	simm.s32 $0x10  }
0x92: {  	[smem:s4], [sflag:s15] =	dma.local [hbm:s2], $0x1  }
0x93: {  	_ =	swait.eq [sflag:s15], $0x1  }
0x94: {  	s16 =	sld [smem:$0x10];
	[sflag:s15] =	ssyncset.done $0x0  }
0x95: {  	s17 =	sld [smem:$0x11];
	[sflag:s15] =	ssyncadd.s32 $0xFFFFFFFF  }
0x96: {  	s18 =	sld [smem:$0x12];
	(tm) =	ssettm $0x1  }
0x97: {  	s5 =	sld [smem:$0x3FFB];
	_ =	sdelay $0x3  }
0x98: {  	_ =	strace s5  }
0x99: {  	s5 =	sld [smem:$0x3FFC];
	_ =	sdelay $0x3  }
0x9a: {  	_ =	strace s5  }
0x9b: {  	s5 =	sld [smem:$0x3FFD];
	_ =	sdelay $0x3  }
0x9c: {  	_ =	strace s5  }
0x9d: {  	_ =	strace $0x8FFFFFFF  }
0x9e: {  	s19 =	sld [smem:$0x3FDB];
	_ =	sdelay $0x1  }
0x9f: {  	s6 =	simm.s32 $_scs_section_size  }
0xa0: {  	s7 =	simm.s32 $_size__tile_overlayer_lowered;
	s8 =	simm.s32 $_tile_overlayer_lowered  }
0xa1: {  	s22 =	simm.s32 $0x1BFF;
	s21 =	sshll.u32 s8, $0x1;
	s5 =	sadd.s32 s6, s19  }
0xa2: {  	s9 =	simm.s32 $0x0;
	s20 =	sshll.u32 s7, $0x1;
	s7 =	sadd.s32 s21, s5  }
0xa3: {  	[timem:s9], [sflag:s22] =	dma.local [hbm:s7], s20  }
0xa4: {  	_ =	swait.ge [sflag:s22], s20  }
0xa5: {  	s6 =	ssub.s32 $0x0, s20;
	[sflag:s22] =	ssyncset.done $0x0  }
0xa6: {  	[sflag:s22] =	ssyncadd.s32 s6;
	_ =	sdelay $0x1  }
0xa7: {  	s23 =	simm.s32 $0x1B8B  }
0xa8: {  	_ =	swait.ge [sflag:s23], $0x1  }
0xa9: {  	[sflag:s23] =	ssyncset.done $0x0  }
0xaa: {  	s25 =	simm.s32 $0x1B8E;
	s24 =	sld [smem:$0x3FFE];
	[sflag:s23] =	ssyncadd.s32 $0xFFFFFFFF  }
0xab: {  	s26 =	simm.s32 $execute0_lowered;
	[smem:$0x3FD2] =	sst s25  }
0xac: {  	s7 =	sshll.u32 s26, $0x1;
	_ =	strace $0x80000049;
	[dreg:$0x1] =	wrdreg $0xFFFFFFFF  }
0xad: {  	s28 =	simm.s32 $_size_execute0_lowered;
	s5 =	sadd.s32 s5, s7;
	[dreg:$0x0] =	wrdreg $0x0  }
0xae: {  	s7 =	sshll.u32 s28, $0x1;
	[dreg:$0x2] =	wrdreg s5  }
0xaf: {  	[dreg:$0x3] =	wrdreg s7  }
0xb0: {  	[dreg:$0x4] =	wrdreg $0xC0  }
0xb1: {  	_ =	task [dreg:s9], $0x5FFFF  }
0xb2: {  	[dreg:$0x1] =	wrdreg $0xFFFFFFFF  }
0xb3: {  	[dreg:$0x0] =	wrdreg $0x60  }
0xb4: {  	[dreg:$0x2] =	wrdreg s24  }
0xb5: {  	[dreg:$0x3] =	wrdreg s18  }
0xb6: {  	[dreg:$0x4] =	wrdreg s17  }
0xb7: {  	[dreg:$0x5] =	wrdreg s16  }
0xb8: {  	[dreg:$0x6] =	wrdreg $0x9  }
0xb9: {  	_ =	task.clear_ibuf [dreg:s9], $0x7FFFF;
	_ =	strace $0x90000049  }
0xba: {  	s29 =	simm.s32 $0x9;
	_ =	strace $0x8000004B  }
0xbb: {  	_ =	swait.ge [sflag:s29], $0x1  }
0xbc: {  	[sflag:s29] =	ssyncadd.s32 $0xFFFFFFFF  }
0xbd: {  	_ =	strace $0x9000004B  }
0xbe: {  	_ =	sfence  }
0xbf: {  	s30 =	sld [smem:$0x0];
	_ =	sdelay $0x2  }
0xc0: {  	s31 =	sshll.u32 s1, $0xD;
	s1 =	sshrl.u32 s1, $0x2  }
0xc1: {  	s3 =	sand.u32 $0x4000, s31;
	s1 =	sadd.s32 s1, s30  }
0xc2: {  	s0 =	sor.u32 s3, s0;
	s1 =	sshll.u32 s1, $0x11  }
0xc3: {  	s0 =	sor.u32 s1, s0  }
0xc4: {  	s0 =	sadd.s32 $0x8F2B, s0  }
0xc5: {  	[sflag:s0] =	ssyncadd.remote.s32 $0x1  }
0xc6: {  	_ =	sfence.sel $0xFFFF  }
0xc7: {  	[dreg:$0x0] =	wrdreg $0xFFFFFFFF;
	(pc) =	sbr.abs _section_cstart, $3  }
0xc8: {  	[dreg:$0x1] =	wrdreg $0xFFFFFFFF  }
0xc9: {  	_ =	task.clear_ibuf [dreg:s9], $0x2FFFF;
	_ =	strace $0x9FFFFFFF  }
0xca: {  	(tm) =	ssettm $0x7FFFFFFF  }
0xcb: {  	_ =	shalt  }
tec
execute0_lowered:
.L_overlay_start_1:
0x0: {  	(tag) =	ssettag $0x1  }
0x1: {  	s9 =	rddreg [dreg:$0x0]  }
0x2: {  	s6 =	rddreg [dreg:$0x1]  }
0x3: {  	s0 =	srdreg.scid;
	s7 =	rddreg [dreg:$0x2]  }
0x4: {  	s5 =	stileid.u32;
	s10 =	rddreg [dreg:$0x3];
	s17 =	simm.s32 $0x900  }
0x5: {  	s18 =	simm.s32 $0x1100;
	s19 =	simm.s32 $0x1900;
	s20 =	simm.s32 $0x2100  }
0x6: {  	s28 =	simm.s32 $0x1D00;
	s29 =	simm.s32 $0x2500;
	s0 =	sand.u32 $0x1, s0  }
0x7: {  	s30 =	simm.s32 $0x0;
	p0 =	sne.s32 s5, $0x0;
	s1 =	sor.u32 s5, s0  }
0x8: {  	s3 =	sshrl.u32 s5, $0x3;
	s24 =	sshll.u32 s5, $0x7;
	p1 =	seq.s32 s1, $0x0  }
0x9: {  	s26 =	sshll.u32 s5, $0xC;
	s4 =	sshll.u32 s3, $0xE;
	p1 =	por !p0, !p1  }
0xa: {  	s11 =	sand.u32 $0x380, s24;
	s1 =	simm.s32 $0x1;
	p1 =	por !p1, !p1  }
0xb: {  	s13 =	sshll.u32 s3, $0xA;
	s3 =	sadd.s32 $0x4E00, s9;
	s1 =	simm.s32 @!p1 $0x0  }
0xc: {  	s8 =	ssub.s32 s0, s1;
	s1 =	simm.s32 $0x0;
	s0 =	ssub.s32 $0x2, s0  }
0xd: {  	s2 =	sshll.u32 s8, $0xF;
	[smem:$0x7FF] =	sst s1;
	s12 =	sshll.u32 s8, $0xB  }
0xe: {  	s14 =	sshrl.u32 s0, $0x1;
	s8 =	sshll.u32 s8, $0x10;
	s2 =	sor.u32 s4, s2  }
0xf: {  	_ =	strace $0x8000004A;
	s13 =	sor.u32 s13, s12;
	s0 =	ssub.s32 s0, s14  }
0x10: {  	s31 =	sor.u32 s26, s8;
	s8 =	sadd.s32 $0x5000, s9;
	s14 =	simm.s32 $0x2  }
0x11: {  	s26 =	simm.s32 $0x1500;
	s2 =	sor.u32 s11, s2;
	s11 =	sor.u32 s11, s13  }
0x12: {  	s25 =	sshrl.u32 s2, $0x3;
	s2 =	simm.s32 $0x1;
	s11 =	sshrl.u32 s11, $0x3  }
0x13: {  	s4 =	sadd.s32 s25, s9;
	s5 =	sadd.s32 s6, s11;
	s6 =	sadd.s32 s7, s11  }
0x14: {  	s7 =	sadd.s32 $0x4F00, s9;
	s11 =	sshrl.u32 s31, $0x3;
	s9 =	sadd.s32 $0x5100, s9  }
0x15: {  	v1 =	vlaneseq.u32;
	v0 =	vmov s12;
	s4 =	sadd.s32 $0x84E00, s4;
	s10 =	sadd.s32 s10, s11;
	s11 =	smax.u32 s0, $0x1  }
.LBB2_1:
0x16: {  	s0 =	simm.s32 $0x80;
	s12 =	simm.s32 $0x400  }
0x17: {  	[tilespmem:s1], [sflag:$0x2] =	stream.strided.gather [hbm4b:s4+s0], $0x800, s12, s0, $0x38;
	[tilespmem:$0x4900] =	vst v63  }
0x18: {  	_ =	swait.ge [sflag:s14], $0x800  }
0x19: {  	[sflag:s14] =	ssyncset.done $0x0  }
0x1a: {  	s16 =	simm.s32 $0x40;
	[sflag:s14] =	ssyncadd.s32 $0xFFFFF800  }
0x1b: {  	v4 =	vld [tilespmem:s16+$0xFFFFFFC0]  }
0x1c: {  	v5 =	vld [tilespmem:s16+$0xFFFFFFD0]  }
0x1d: {  	v7 =	vld [tilespmem:s16+$0xFFFFFFE0]  }
0x1e: {  	v10 =	vld [tilespmem:s16+$0xFFFFFFF0]  }
0x1f: {  	v11 =	vld [tilespmem:s16+$0x0]  }
0x20: {  	v12 =	vld [tilespmem:s16+$0x10]  }
0x21: {  	v13 =	vld [tilespmem:s16+$0x20]  }
0x22: {  	v14 =	vld [tilespmem:s16+$0x30]  }
0x23: {  	s21 =	simm.s32 $0x70  }
0x24: {  	v2 =	vimm.f32 $-3.000000010e+38;
	v3 =	vimm.s32 $0x0;
	s13 =	simm.s32 $0x10;
	s15 =	simm.s32 $0x30;
	s0 =	simm.s32 $0xC0  }
0x25: {  	s22 =	simm.s32 $0x50;
	v15 =	vmov s21;
	v16 =	vmov s13;
	v17 =	vmov s15;
	v6 =	vld [tilespmem:s0+$0xFFFFFFC0]  }
0x26: {  	v18 =	vmov s22;
	v8 =	vld [tilespmem:s0+$0xFFFFFFD0];
	vm0 =	vge.f32 v4, v5;
	vm4 =	vge.f32 v7, v10  }
0x27: {  	v9 =	vld [tilespmem:s0+$0xFFFFFFE0];
	vm5 =	vge.f32 v11, v12;
	vm6 =	vge.f32 v13, v14;
	v19 =	vsel vm0, v4, v5  }
0x28: {  	s23 =	simm.s32 $0x0;
	v4 =	vld [tilespmem:s0+$0xFFFFFFF0];
	v10 =	vsel vm4, v7, v10;
	v11 =	vsel vm5, v11, v12;
	v12 =	vsel vm6, v13, v14  }
0x29: {  	s24 =	simm.s32 $0x20;
	v5 =	vld [tilespmem:s0+$0x0];
	v13 =	vsel vm0, s23, v16;
	vm15 =	vge.f32 v19, v10;
	vm7 =	vge.f32 v11, v12  }
0x2a: {  	s25 =	simm.s32 $0x40;
	s31 =	simm.s32 $0x60;
	v7 =	vld [tilespmem:s0+$0x10];
	v14 =	vsel vm4, s24, v17;
	v62 =	vsel vm15, v19, v10;
	v63 =	vsel vm7, v11, v12  }
0x2b: {  	v18 =	vsel vm5, s25, v18;
	v15 =	vsel vm6, s31, v15;
	v10 =	vld [tilespmem:s0+$0x20];
	vm4 =	vge.f32 v62, v63  }
0x2c: {  	s12 =	simm.s32 $0xF0;
	s13 =	simm.s32 $0x170;
	v11 =	vld [tilespmem:s0+$0x30];
	v12 =	vsel vm15, v13, v14;
	v13 =	vsel vm7, v18, v15;
	v14 =	vsel vm4, v62, v63  }
.LBB2_2:
0x2d: {  	p1 =	sne.s32 s13, $0x7F0;
	v12 =	vsel vm4, v12, v13;
	vm0 =	vgt.f32 v14, v2  }
0x2e: {  	s15 =	sadd.s32 $0xFFFFFFA0, s12;
	s31 =	sadd.s32 $0xFFFFFFC0, s12;
	v13 =	vmov s12;
	s0 =	sadd.s32 $0x80, s0;
	v12 =	vor.u32 v1, v12;
	v2 =	vsel vm0, v14, v2  }
0x2f: {  	v15 =	vmov s15;
	v16 =	vmov s31;
	s15 =	sadd.s32 $0xFFFFFFE0, s12;
	v14 =	vld [tilespmem:s0+$0xFFFFFFC0];
	v3 =	vsel vm0, v12, v3  }
0x30: {  	vm4 =	vge.f32 v9, v4;
	v17 =	vmov s15;
	vm0 =	vge.f32 v6, v8;
	v12 =	vld [tilespmem:s0+$0xFFFFFFD0]  }
0x31: {  	vm5 =	vge.f32 v5, v7;
	v6 =	vsel vm0, v6, v8;
	v18 =	vld [tilespmem:s0+$0xFFFFFFE0];
	vm6 =	vge.f32 v10, v11  }
.Ltmp0:
0x32: {  	s15 =	sadd.s32 $0xFFFFFF90, s12;
	v8 =	vsel vm4, v9, v4;
	v9 =	vsel vm5, v5, v7;
	v4 =	vld [tilespmem:s0+$0xFFFFFFF0];
	v10 =	vsel vm6, v10, v11;
	(pc) =	sbr.rel @p1 .LBB2_2-.Ltmp0, $4  }
0x33: {  	s31 =	sadd.s32 $0xFFFFFFB0, s12;
	v15 =	vsel vm0, s15, v15;
	vm0 =	vge.f32 v6, v8;
	v5 =	vld [tilespmem:s0+$0x0];
	vm7 =	vge.f32 v9, v10  }
0x34: {  	s16 =	sadd.s32 $0xFFFFFFF0, s12;
	v16 =	vsel vm4, s31, v16;
	s15 =	sadd.s32 $0xFFFFFFD0, s12;
	s12 =	smov.u32 s13;
	v19 =	vsel vm0, v6, v8;
	v7 =	vld [tilespmem:s0+$0x10];
	v20 =	vsel vm7, v9, v10;
	v6 =	vmovc v14  }
0x35: {  	v13 =	vsel vm6, s16, v13;
	v14 =	vsel vm5, s15, v17;
	v10 =	vld [tilespmem:s0+$0x20];
	vm4 =	vge.f32 v19, v20;
	v8 =	vmovc v12  }
0x36: {  	s13 =	sadd.s32 $0x80, s13;
	v12 =	vsel vm0, v15, v16;
	v13 =	vsel vm7, v14, v13;
	v11 =	vld [tilespmem:s0+$0x30];
	v14 =	vsel vm4, v19, v20;
	v9 =	vmovc v18  }
0x37: {  	_ =	sdelay $0x2  }
0x38: {  	vm0 =	vge.f32 v6, v8;
	vm5 =	vge.f32 v9, v4  }
0x39: {  	v6 =	vsel vm0, v6, v8;
	vm6 =	vge.f32 v5, v7;
	vm7 =	vge.f32 v10, v11  }
0x3a: {  	v4 =	vsel vm5, v9, v4;
	v5 =	vsel vm6, v5, v7;
	v7 =	vsel vm7, v10, v11  }
0x3b: {  	vm8 =	vge.f32 v6, v4;
	vm9 =	vge.f32 v5, v7  }
0x3c: {  	v4 =	vsel vm8, v6, v4;
	v5 =	vsel vm9, v5, v7  }
0x3d: {  	vm10 =	vgt.f32 v14, v2;
	vm11 =	vge.f32 v4, v5  }
0x3e: {  	v2 =	vsel vm10, v14, v2;
	v4 =	vsel vm11, v4, v5  }
0x3f: {  	vm12 =	vgt.f32 v4, v2  }
0x40: {  	v4 =	vsel vm12, v4, v2  }
0x41: {  	s0 =	sadd.s32 $0xFFFFFFA0, s12;
	s22 =	sadd.s32 $0xFFFFFFC0, s12;
	(xrf0) =	vmax.scan.msk.f32 $0xffff, v4  }
0x42: {  	s21 =	sadd.s32 $0xFFFFFF90, s12;
	s23 =	sadd.s32 $0xFFFFFFB0, s12;
	v6 =	vmov s22;
	v2 =	vmov s0  }
0x43: {  	s13 =	sadd.s32 $0xFFFFFFE0, s12;
	v6 =	vsel vm5, s23, v6;
	v2 =	vsel vm0, s21, v2  }
0x44: {  	s24 =	sadd.s32 $0xFFFFFFD0, s12;
	s25 =	sadd.s32 $0xFFFFFFF0, s12;
	v7 =	vmov s13;
	v5 =	vmov s12;
	v2 =	vsel vm8, v2, v6  }
0x45: {  	v7 =	vsel vm6, s24, v7;
	v5 =	vsel vm7, s25, v5  }
0x46: {  	v8 =	vsel vm4, v12, v13;
	v5 =	vsel vm9, v7, v5  }
0x47: {  	v6 =	vor.u32 v1, v8;
	v5 =	vsel vm11, v2, v5;
	v2, _, _ =	vpop (xrf0)  }
0x48: {  	v3 =	vsel vm10, v6, v3;
	v5 =	vor.u32 v1, v5;
	v6 =	vbroadcast v2, $0xF  }
0x49: {  	v3 =	vsel vm12, v5, v3  }
0x4a: {  	v3 =	vxor.u32 $0x80000000, v3;
	vm0 =	veq.f32 v4, v6  }
0x4b: {  	v3 =	vnsel vm0, $0xC0000000, v3  }
0x4c: {  	(xrf0) =	vmin.scan.msk.u32 $0xffff, v3;
	_ =	sdelay $0x5  }
0x4d: {  	v3, _, _ =	vpop (xrf0)  }
0x4e: {  	(v2sf) =	vpush v3, $0xF;
	_ =	sdelay $0x9  }
0x4f: {  	s0 =	simm.s32 $0x40  }
0x50: {  	v12 =	vld [tilespmem:s0+$0xFFFFFFC0]  }
0x51: {  	v13 =	vld [tilespmem:s0+$0xFFFFFFD0]  }
0x52: {  	s22 =	simm.s32 $0x30;
	s23 =	simm.s32 $0x40;
	v15 =	vld [tilespmem:s0+$0xFFFFFFE0]  }
0x53: {  	s16 =	simm.s32 $0x0;
	v14 =	vor.u32 s22, v1;
	v10 =	vor.u32 s23, v1;
	s24 =	simm.s32 $0x50;
	s25 =	simm.s32 $0x60;
	v17 =	vld [tilespmem:s0+$0xFFFFFFF0]  }
0x54: {  	s15 =	simm.s32 $0x70;
	v11 =	vor.u32 s24, v1;
	v16 =	vor.u32 s25, v1;
	s21 =	simm.s32 $0x10;
	v18 =	vld [tilespmem:s0+$0x0];
	v8 =	vor.u32 s16, v1;
	s13 =	spop (v2sf)  }
0x55: {  	v19 =	vld [tilespmem:s0+$0x10];
	v9 =	vor.u32 s21, v1;
	v5 =	vimm.s32 $0x0;
	v6 =	vor.u32 s15, v1;
	s15 =	simm.s32 $0x20;
	s31 =	sxor.u32 $0x80000000, s13  }
0x56: {  	v20 =	vld [tilespmem:s0+$0x20];
	v4 =	vimm.f32 $-3.000000010e+38;
	v7 =	vor.u32 s15, v1;
	v3 =	vmov s31  }
0x57: {  	s12 =	simm.s32 $0xF0;
	v21 =	vld [tilespmem:s0+$0x30];
	vm4 =	veq.s32 v6, v3;
	vm0 =	veq.s32 v8, v3;
	vm5 =	veq.s32 v9, v3  }
.LBB2_4:
0x58: {  	p1 =	sne.s32 s12, $0x7F0;
	vm6 =	veq.s32 v7, v3;
	vm7 =	veq.s32 v14, v3;
	vm8 =	veq.s32 v10, v3  }
0x59: {  	v12 =	vsel vm0, $0xFF61B1E6, v12;
	vm0 =	veq.s32 v11, v3;
	vm9 =	veq.s32 v16, v3  }
0x5a: {  	v13 =	vsel vm5, $0xFF61B1E6, v13;
	v15 =	vsel vm6, $0xFF61B1E6, v15;
	v17 =	vsel vm7, $0xFF61B1E6, v17  }
0x5b: {  	v18 =	vsel vm8, $0xFF61B1E6, v18;
	v19 =	vsel vm0, $0xFF61B1E6, v19;
	v20 =	vsel vm9, $0xFF61B1E6, v20  }
0x5c: {  	vm0 =	vge.f32 v12, v13;
	v21 =	vsel vm4, $0xFF61B1E6, v21;
	vm4 =	vge.f32 v15, v17  }
0x5d: {  	v13 =	vsel vm0, v12, v13;
	vm5 =	vge.f32 v18, v19;
	vm6 =	vge.f32 v20, v21  }
0x5e: {  	v15 =	vsel vm4, v15, v17;
	v17 =	vsel vm5, v18, v19;
	v18 =	vsel vm6, v20, v21  }
0x5f: {  	s0 =	sadd.s32 $0x80, s0;
	v8 =	vsel vm0, v8, v9;
	vm0 =	vge.f32 v13, v15;
	vm7 =	vge.f32 v17, v18  }
0x60: {  	v7 =	vsel vm4, v7, v14;
	v9 =	vsel vm0, v13, v15;
	v12 =	vld [tilespmem:s0+$0xFFFFFFC0];
	v14 =	vsel vm7, v17, v18  }
0x61: {  	v10 =	vsel vm5, v10, v11;
	v6 =	vsel vm6, v16, v6;
	v13 =	vld [tilespmem:s0+$0xFFFFFFD0];
	vm4 =	vge.f32 v9, v14  }
0x62: {  	v7 =	vsel vm0, v8, v7;
	v8 =	vsel vm7, v10, v6;
	v15 =	vld [tilespmem:s0+$0xFFFFFFE0];
	v9 =	vsel vm4, v9, v14  }
.Ltmp1:
0x63: {  	v6 =	vor.u32 s12, v1;
	v7 =	vsel vm4, v7, v8;
	v17 =	vld [tilespmem:s0+$0xFFFFFFF0];
	vm0 =	vgt.f32 v9, v4;
	(pc) =	sbr.rel @p1 .LBB2_4-.Ltmp1, $4  }
0x64: {  	s13 =	sadd.s32 $0xFFFFFF90, s12;
	s15 =	sadd.s32 $0xFFFFFFA0, s12;
	s16 =	sadd.s32 $0xFFFFFFB0, s12;
	vm4 =	veq.s32 v6, v3;
	v18 =	vld [tilespmem:s0+$0x0];
	v4 =	vsel vm0, v9, v4;
	v5 =	vsel vm0, v7, v5  }
0x65: {  	v8 =	vor.u32 s13, v1;
	s13 =	sadd.s32 $0xFFFFFFC0, s12;
	v9 =	vor.u32 s15, v1;
	v7 =	vor.u32 s16, v1;
	s15 =	sadd.s32 $0xFFFFFFD0, s12;
	s16 =	sadd.s32 $0xFFFFFFE0, s12;
	v19 =	vld [tilespmem:s0+$0x10]  }
0x66: {  	v14 =	vor.u32 s13, v1;
	s13 =	sadd.s32 $0xFFFFFFF0, s12;
	v10 =	vor.u32 s15, v1;
	v11 =	vor.u32 s16, v1;
	v20 =	vld [tilespmem:s0+$0x20]  }
0x67: {  	vm0 =	veq.s32 v8, v3;
	v16 =	vor.u32 s13, v1;
	s12 =	sadd.s32 $0x80, s12;
	vm5 =	veq.s32 v9, v3;
	v21 =	vld [tilespmem:s0+$0x30]  }
0x68: {  	vm6 =	veq.s32 v7, v3;
	vm7 =	veq.s32 v14, v3;
	vm8 =	veq.s32 v10, v3  }
0x69: {  	v12 =	vsel vm0, $0xFF61B1E6, v12;
	vm0 =	veq.s32 v11, v3;
	vm9 =	veq.s32 v16, v3  }
0x6a: {  	v13 =	vsel vm5, $0xFF61B1E6, v13;
	v15 =	vsel vm6, $0xFF61B1E6, v15;
	v17 =	vsel vm7, $0xFF61B1E6, v17  }
0x6b: {  	v18 =	vsel vm8, $0xFF61B1E6, v18;
	v19 =	vsel vm0, $0xFF61B1E6, v19;
	vm0 =	vge.f32 v12, v13  }
0x6c: {  	v20 =	vsel vm9, $0xFF61B1E6, v20;
	v12 =	vsel vm0, v12, v13;
	v21 =	vsel vm4, $0xFF61B1E6, v21  }
0x6d: {  	vm5 =	vge.f32 v18, v19;
	vm4 =	vge.f32 v15, v17;
	vm6 =	vge.f32 v20, v21  }
0x6e: {  	v13 =	vsel vm4, v15, v17;
	v15 =	vsel vm5, v18, v19;
	v17 =	vsel vm6, v20, v21  }
0x6f: {  	vm7 =	vge.f32 v12, v13;
	vm8 =	vge.f32 v15, v17  }
0x70: {  	v12 =	vsel vm7, v12, v13;
	v13 =	vsel vm8, v15, v17  }
0x71: {  	vm9 =	vge.f32 v12, v13  }
0x72: {  	v12 =	vsel vm9, v12, v13  }
0x73: {  	vm10 =	vgt.f32 v12, v4  }
0x74: {  	v12 =	vsel vm10, v12, v4  }
0x75: {  	(xrf0) =	vmax.scan.msk.f32 $0xffff, v12;
	_ =	sdelay $0x2  }
0x76: {  	v4 =	vsel vm0, v8, v9;
	_ =	sdelay $0x1  }
0x77: {  	v7 =	vsel vm4, v7, v14;
	v6 =	vsel vm6, v16, v6;
	v8 =	vsel vm5, v10, v11  }
0x78: {  	v7 =	vsel vm7, v4, v7;
	v6 =	vsel vm8, v8, v6;
	v4, _, _ =	vpop (xrf0)  }
0x79: {  	v6 =	vsel vm9, v7, v6;
	v7 =	vbroadcast v4, $0xF  }
0x7a: {  	v5 =	vsel vm10, v6, v5  }
0x7b: {  	v5 =	vxor.u32 $0x80000000, v5;
	vm0 =	veq.f32 v12, v7  }
0x7c: {  	v5 =	vnsel vm0, $0xC0000000, v5  }
0x7d: {  	(xrf0) =	vmin.scan.msk.u32 $0xffff, v5;
	_ =	sdelay $0x5  }
0x7e: {  	v5, _, _ =	vpop (xrf0)  }
0x7f: {  	(v2sf) =	vpush v5, $0xF;
	_ =	sdelay $0xa  }
0x80: {  	s22 =	simm.s32 $0x30;
	s24 =	simm.s32 $0x50;
	s25 =	simm.s32 $0x60  }
0x81: {  	s13 =	simm.s32 $0x70;
	s21 =	simm.s32 $0x0;
	v14 =	vor.u32 s22, v1;
	v15 =	vor.u32 s25, v1;
	v13 =	vor.u32 s24, v1  }
0x82: {  	s12 =	simm.s32 $0x40;
	s15 =	simm.s32 $0x10;
	s16 =	simm.s32 $0x20;
	vm13 =	veq.s32 v15, v3;
	vm11 =	veq.s32 v13, v3;
	v10 =	vor.u32 s21, v1  }
0x83: {  	v22 =	vld [tilespmem:s12+$0x20];
	v11 =	vor.u32 s15, v1;
	v9 =	vor.u32 s16, v1;
	v8 =	vor.u32 s13, v1  }
0x84: {  	v18 =	vld [tilespmem:s12+$0xFFFFFFE0];
	vm14 =	veq.s32 v10, v3;
	vm15 =	veq.s32 v11, v3;
	vm5 =	veq.s32 v9, v3;
	s0 =	spop (v2sf)  }
0x85: {  	s23 =	simm.s32 $0x40;
	v19 =	vld [tilespmem:s12+$0xFFFFFFF0];
	vm7 =	veq.s32 v14, v3;
	v6 =	vimm.f32 $-3.000000010e+38;
	v7 =	vimm.s32 $0x0;
	s0 =	sxor.u32 $0x80000000, s0  }
0x86: {  	v16 =	vld [tilespmem:s12+$0xFFFFFFC0];
	v12 =	vor.u32 s23, v1;
	vm0 =	veq.s32 v8, v3;
	v5 =	vmov s0  }
0x87: {  	v20 =	vld [tilespmem:s12+$0x0];
	vm9 =	veq.s32 v12, v3;
	vm4 =	veq.s32 v8, v5;
	vm1 =	veq.s32 v11, v5  }
0x88: {  	v17 =	vld [tilespmem:s12+$0xFFFFFFD0];
	vm6 =	veq.s32 v9, v5;
	vm8 =	veq.s32 v14, v5;
	vm10 =	veq.s32 v12, v5  }
0x89: {  	v21 =	vld [tilespmem:s12+$0x10];
	vm12 =	veq.s32 v13, v5;
	vm4 =	vmor vm4, vm0;
	vm0 =	veq.s32 v10, v5  }
0x8a: {  	v23 =	vld [tilespmem:s12+$0x30];
	s13 =	simm.s32 $0xF0;
	vm0 =	vmor vm0, vm14;
	vm14 =	vmor vm1, vm15;
	vm15 =	veq.s32 v15, v5  }
.LBB2_6:
0x8b: {  	p1 =	sne.s32 s13, $0x7F0;
	vm1 =	vmor vm6, vm5;
	vm5 =	vmor vm8, vm7;
	vm6 =	vmor vm10, vm9  }
0x8c: {  	v16 =	vsel vm0, $0xFF61B1E6, v16;
	vm0 =	vmor vm12, vm11;
	vm7 =	vmor vm15, vm13  }
0x8d: {  	v17 =	vsel vm14, $0xFF61B1E6, v17;
	v18 =	vsel vm1, $0xFF61B1E6, v18;
	v19 =	vsel vm5, $0xFF61B1E6, v19  }
0x8e: {  	v20 =	vsel vm6, $0xFF61B1E6, v20;
	v21 =	vsel vm0, $0xFF61B1E6, v21;
	v22 =	vsel vm7, $0xFF61B1E6, v22  }
0x8f: {  	vm0 =	vge.f32 v16, v17;
	vm1 =	vge.f32 v18, v19;
	v23 =	vsel vm4, $0xFF61B1E6, v23  }
0x90: {  	v16 =	vsel vm0, v16, v17;
	vm4 =	vge.f32 v20, v21;
	vm5 =	vge.f32 v22, v23  }
0x91: {  	v17 =	vsel vm1, v18, v19;
	v18 =	vsel vm4, v20, v21;
	v19 =	vsel vm5, v22, v23  }
0x92: {  	v10 =	vsel vm0, v10, v11;
	vm0 =	vge.f32 v16, v17;
	vm6 =	vge.f32 v18, v19  }
0x93: {  	v9 =	vsel vm1, v9, v14;
	v11 =	vsel vm0, v16, v17;
	v14 =	vsel vm6, v18, v19  }
0x94: {  	v12 =	vsel vm4, v12, v13;
	v8 =	vsel vm5, v15, v8;
	vm1 =	vge.f32 v11, v14  }
0x95: {  	v9 =	vsel vm0, v10, v9;
	v8 =	vsel vm6, v12, v8;
	v10 =	vsel vm1, v11, v14  }
0x96: {  	v9 =	vsel vm1, v9, v8;
	vm0 =	vgt.f32 v10, v6  }
0x97: {  	s12 =	sadd.s32 $0x80, s12;
	v8 =	vor.u32 s13, v1;
	v6 =	vsel vm0, v10, v6;
	v7 =	vsel vm0, v9, v7  }
0x98: {  	s15 =	sadd.s32 $0xFFFFFF90, s13;
	s16 =	sadd.s32 $0xFFFFFFA0, s13;
	s21 =	sadd.s32 $0xFFFFFFB0, s13;
	vm1 =	veq.s32 v8, v5;
	vm0 =	veq.s32 v8, v3  }
0x99: {  	v11 =	vor.u32 s16, v1;
	s16 =	sadd.s32 $0xFFFFFFD0, s13;
	v10 =	vor.u32 s15, v1;
	v9 =	vor.u32 s21, v1;
	s15 =	sadd.s32 $0xFFFFFFC0, s13;
	s21 =	sadd.s32 $0xFFFFFFE0, s13;
	v16 =	vld [tilespmem:s12+$0xFFFFFFC0]  }
0x9a: {  	v12 =	vor.u32 s16, v1;
	v14 =	vor.u32 s15, v1;
	v13 =	vor.u32 s21, v1;
	s15 =	sadd.s32 $0xFFFFFFF0, s13;
	v17 =	vld [tilespmem:s12+$0xFFFFFFD0]  }
0x9b: {  	vm14 =	veq.s32 v10, v3;
	vm4 =	vmor vm1, vm0;
	v15 =	vor.u32 s15, v1;
	v18 =	vld [tilespmem:s12+$0xFFFFFFE0]  }
.Ltmp2:
0x9c: {  	vm15 =	veq.s32 v11, v5;
	vm0 =	veq.s32 v10, v5;
	vm1 =	veq.s32 v11, v3;
	v19 =	vld [tilespmem:s12+$0xFFFFFFF0];
	(pc) =	sbr.rel @p1 .LBB2_6-.Ltmp2, $4  }
0x9d: {  	vm5 =	veq.s32 v9, v3;
	vm6 =	veq.s32 v9, v5;
	vm7 =	veq.s32 v14, v3;
	v20 =	vld [tilespmem:s12+$0x0]  }
0x9e: {  	vm9 =	veq.s32 v12, v3;
	vm10 =	veq.s32 v12, v5;
	vm8 =	veq.s32 v14, v5;
	v21 =	vld [tilespmem:s12+$0x10]  }
0x9f: {  	vm11 =	veq.s32 v13, v3;
	vm12 =	veq.s32 v13, v5;
	vm13 =	veq.s32 v15, v3;
	v22 =	vld [tilespmem:s12+$0x20]  }
0xa0: {  	s13 =	sadd.s32 $0x80, s13;
	vm0 =	vmor vm0, vm14;
	vm14 =	vmor vm15, vm1;
	vm15 =	veq.s32 v15, v5;
	v23 =	vld [tilespmem:s12+$0x30]  }
0xa1: {  	vm1 =	vmor vm6, vm5;
	vm5 =	vmor vm8, vm7;
	vm6 =	vmor vm10, vm9  }
0xa2: {  	v16 =	vsel vm0, $0xFF61B1E6, v16;
	vm0 =	vmor vm12, vm11;
	vm7 =	vmor vm15, vm13  }
0xa3: {  	v17 =	vsel vm14, $0xFF61B1E6, v17;
	v18 =	vsel vm1, $0xFF61B1E6, v18;
	v19 =	vsel vm5, $0xFF61B1E6, v19  }
0xa4: {  	v20 =	vsel vm6, $0xFF61B1E6, v20;
	v21 =	vsel vm0, $0xFF61B1E6, v21;
	vm0 =	vge.f32 v16, v17  }
0xa5: {  	vm1 =	vge.f32 v18, v19;
	v22 =	vsel vm7, $0xFF61B1E6, v22;
	v23 =	vsel vm4, $0xFF61B1E6, v23  }
0xa6: {  	v16 =	vsel vm0, v16, v17;
	vm4 =	vge.f32 v20, v21;
	vm5 =	vge.f32 v22, v23  }
0xa7: {  	v17 =	vsel vm1, v18, v19;
	v18 =	vsel vm4, v20, v21;
	v19 =	vsel vm5, v22, v23  }
0xa8: {  	vm6 =	vge.f32 v16, v17;
	vm7 =	vge.f32 v18, v19  }
0xa9: {  	v16 =	vsel vm6, v16, v17;
	v17 =	vsel vm7, v18, v19  }
0xaa: {  	vm8 =	vge.f32 v16, v17  }
0xab: {  	v16 =	vsel vm8, v16, v17  }
0xac: {  	vm9 =	vgt.f32 v16, v6  }
0xad: {  	v16 =	vsel vm9, v16, v6  }
0xae: {  	(xrf0) =	vmax.scan.msk.f32 $0xffff, v16;
	_ =	sdelay $0x2  }
0xaf: {  	v6 =	vsel vm0, v10, v11;
	_ =	sdelay $0x1  }
0xb0: {  	v9 =	vsel vm1, v9, v14;
	v8 =	vsel vm5, v15, v8;
	v10 =	vsel vm4, v12, v13  }
0xb1: {  	v9 =	vsel vm6, v6, v9;
	v8 =	vsel vm7, v10, v8;
	v6, _, _ =	vpop (xrf0)  }
0xb2: {  	v8 =	vsel vm8, v9, v8;
	v9 =	vbroadcast v6, $0xF  }
0xb3: {  	v7 =	vsel vm9, v8, v7  }
0xb4: {  	v7 =	vxor.u32 $0x80000000, v7;
	vm0 =	veq.f32 v16, v9  }
0xb5: {  	v7 =	vnsel vm0, $0xC0000000, v7  }
0xb6: {  	(xrf0) =	vmin.scan.msk.u32 $0xffff, v7;
	_ =	sdelay $0x5  }
0xb7: {  	v7, _, _ =	vpop (xrf0)  }
0xb8: {  	(v2sf) =	vpush v7, $0xF;
	_ =	sdelay $0x9  }
0xb9: {  	s23 =	simm.s32 $0x40  }
0xba: {  	s24 =	simm.s32 $0x50;
	s25 =	simm.s32 $0x60;
	v14 =	vor.u32 s23, v1  }
0xbb: {  	s21 =	simm.s32 $0x0;
	s15 =	simm.s32 $0x10;
	s16 =	simm.s32 $0x20;
	v15 =	vor.u32 s24, v1;
	vm5 =	veq.s32 v14, v3;
	v17 =	vor.u32 s25, v1  }
0xbc: {  	v12 =	vor.u32 s21, v1;
	v13 =	vor.u32 s15, v1;
	v11 =	vor.u32 s16, v1  }
0xbd: {  	vm2 =	veq.s32 v11, v3;
	vm7 =	veq.s32 v12, v5;
	vm11 =	veq.s32 v13, v5  }
0xbe: {  	s13 =	simm.s32 $0x70;
	s22 =	simm.s32 $0x30;
	vm13 =	veq.s32 v11, v5;
	vm8 =	veq.s32 v13, v3;
	v8 =	vimm.f32 $-3.000000010e+38;
	s12 =	spop (v2sf)  }
0xbf: {  	vm9 =	veq.s32 v12, v3;
	v9 =	vor.u32 s13, v1;
	v16 =	vor.u32 s22, v1;
	s12 =	sxor.u32 $0x80000000, s12  }
0xc0: {  	vm0 =	veq.s32 v9, v3;
	vm1 =	veq.s32 v9, v5;
	v10 =	vmov s12  }
0xc1: {  	s13 =	simm.s32 $0x40;
	vm3 =	veq.s32 v16, v3;
	vm15 =	veq.s32 v16, v5;
	vm6 =	veq.s32 v9, v10  }
0xc2: {  	v18 =	vld [tilespmem:s13+$0xFFFFFFC0];
	v7 =	vimm.s32 $0x0;
	vm10 =	veq.s32 v12, v10;
	vm1 =	vmor vm6, vm1  }
0xc3: {  	v19 =	vld [tilespmem:s13+$0xFFFFFFD0];
	vm12 =	veq.s32 v13, v10;
	vm14 =	veq.s32 v11, v10;
	vm6 =	vmor vm1, vm0  }
0xc4: {  	v20 =	vld [tilespmem:s13+$0xFFFFFFE0];
	vm0 =	veq.s32 v16, v10;
	vm1 =	vmor vm10, vm7;
	vm7 =	veq.s32 v14, v5  }
0xc5: {  	v21 =	vld [tilespmem:s13+$0xFFFFFFF0];
	vm10 =	vmor vm12, vm11;
	vm11 =	veq.s32 v14, v10;
	vm12 =	vmor vm14, vm13  }
0xc6: {  	v22 =	vld [tilespmem:s13+$0x0];
	vm14 =	veq.s32 v15, v5;
	vm13 =	vmor vm0, vm15;
	vm0 =	veq.s32 v15, v10  }
0xc7: {  	v23 =	vld [tilespmem:s13+$0x10];
	vm15 =	vmor vm11, vm7;
	vm11 =	veq.s32 v17, v5;
	vm10 =	vmor vm10, vm8  }
0xc8: {  	v24 =	vld [tilespmem:s13+$0x20];
	vm14 =	vmor vm0, vm14;
	vm0 =	vmor vm1, vm9;
	vm1 =	veq.s32 v17, v10  }
0xc9: {  	s15 =	simm.s32 $0xF0;
	v25 =	vld [tilespmem:s13+$0x30];
	vm7 =	veq.s32 v15, v3;
	vm8 =	veq.s32 v17, v3;
	vm11 =	vmor vm1, vm11  }
.LBB2_8:
0xca: {  	vm1 =	vmor vm12, vm2  }
0xcb: {  	vm4 =	vmor vm13, vm3;
	vm5 =	vmor vm15, vm5;
	v18 =	vsel vm0, $0xFF61B1E6, v18  }
0xcc: {  	vm0 =	vmor vm14, vm7;
	vm7 =	vmor vm11, vm8;
	v19 =	vsel vm10, $0xFF61B1E6, v19  }
0xcd: {  	v20 =	vsel vm1, $0xFF61B1E6, v20;
	v21 =	vsel vm4, $0xFF61B1E6, v21;
	v22 =	vsel vm5, $0xFF61B1E6, v22  }
0xce: {  	v25 =	vsel vm6, $0xFF61B1E6, v25;
	v23 =	vsel vm0, $0xFF61B1E6, v23;
	vm0 =	vge.f32 v18, v19  }
0xcf: {  	v24 =	vsel vm7, $0xFF61B1E6, v24;
	vm1 =	vge.f32 v20, v21;
	v18 =	vsel vm0, v18, v19  }
0xd0: {  	vm4 =	vge.f32 v22, v23;
	vm5 =	vge.f32 v24, v25;
	v19 =	vsel vm1, v20, v21  }
0xd1: {  	v12 =	vsel vm0, v12, v13;
	v11 =	vsel vm1, v11, v16;
	v20 =	vsel vm4, v22, v23  }
0xd2: {  	s24 =	sadd.s32 $0xFFFFFFE0, s15;
	v21 =	vsel vm5, v24, v25;
	vm0 =	vge.f32 v18, v19;
	v14 =	vsel vm4, v14, v15  }
0xd3: {  	v9 =	vsel vm5, v17, v9;
	v15 =	vor.u32 s24, v1;
	vm6 =	vge.f32 v20, v21  }
0xd4: {  	v17 =	vimm.s32 $0x0;
	v13 =	vsel vm0, v18, v19;
	v16 =	vsel vm6, v20, v21  }
0xd5: {  	s23 =	sadd.s32 $0xFFFFFFD0, s15;
	v11 =	vsel vm0, v12, v11;
	v18 =	vimm.s32 $0x0;
	vm1 =	vge.f32 v13, v16  }
0xd6: {  	v9 =	vsel vm6, v14, v9;
	v14 =	vor.u32 s23, v1;
	v12 =	vsel vm1, v13, v16  }
0xd7: {  	s16 =	sadd.s32 $0xFFFFFF90, s15;
	vm5 =	veq.s32 v14, v5;
	v11 =	vsel vm1, v11, v9;
	vm0 =	vgt.f32 v12, v8  }
0xd8: {  	s21 =	sadd.s32 $0xFFFFFFA0, s15;
	v9 =	vor.u32 s15, v1;
	v8 =	vsel vm0, v12, v8;
	v12 =	vor.u32 s16, v1  }
0xd9: {  	v13 =	vor.u32 s21, v1;
	vm6 =	veq.s32 v9, v3;
	vm2 =	veq.s32 v12, v3  }
0xda: {  	s22 =	sadd.s32 $0xFFFFFFB0, s15;
	vm1 =	veq.s32 v9, v10;
	v7 =	vsel vm0, v11, v7;
	v17 =	vsel vm2, $0xFFFFFFFF, v17  }
0xdb: {  	v11 =	vor.u32 s22, v1;
	vm2 =	veq.s32 v13, v3;
	[tilespmem:$0x1FFD0] =	vst v17;
	v17 =	vimm.s32 $0x0  }
0xdc: {  	vm13 =	veq.s32 v13, v5;
	s22 =	sadd.s32 $0xFFFFFFC0, s15;
	v17 =	vsel vm2, $0xFFFFFFFF, v17;
	vm2 =	veq.s32 v11, v3  }
0xdd: {  	vm14 =	veq.s32 v13, v10;
	v16 =	vor.u32 s22, v1;
	v18 =	vsel vm2, $0xFFFFFFFF, v18  }
0xde: {  	vm0 =	veq.s32 v9, v5;
	vm2 =	veq.s32 v16, v3;
	[tilespmem:$0x1FF90] =	vst v18;
	v18 =	vimm.s32 $0x0  }
0xdf: {  	vm11 =	vmor vm1, vm0;
	vm10 =	veq.s32 v12, v5;
	v18 =	vsel vm2, $0xFFFFFFFF, v18  }
0xe0: {  	vm12 =	veq.s32 v12, v10;
	vm15 =	veq.s32 v11, v5;
	vm0 =	veq.s32 v14, v10;
	[tilespmem:$0x1FFA0] =	vst v18  }
0xe1: {  	vm3 =	veq.s32 v16, v5;
	vm2 =	veq.s32 v14, v3;
	v18 =	vimm.s32 $0x0;
	v24 =	vld [tilespmem:$0x1FFA0]  }
0xe2: {  	vm4 =	veq.s32 v16, v10;
	vm6 =	vmor vm11, vm6;
	v25 =	vld [tilespmem:$0x1FFD0];
	v18 =	vsel vm2, $0xFFFFFFFF, v18  }
0xe3: {  	s25 =	sadd.s32 $0xFFFFFFF0, s15;
	vm10 =	vmor vm12, vm10;
	vm2 =	veq.s32 v15, v3;
	[tilespmem:$0x1FFB0] =	vst v18;
	v18 =	vimm.s32 $0x0  }
0xe4: {  	s13 =	sadd.s32 $0x80, s13;
	vm11 =	vmor vm14, vm13;
	[tilespmem:$0x1FFE0] =	vst v17;
	v17 =	vor.u32 s25, v1;
	v18 =	vsel vm2, $0xFFFFFFFF, v18  }
0xe5: {  	v22 =	vld [tilespmem:s13+$0x0];
	vm13 =	vmor vm4, vm3;
	vm2 =	veq.s32 v17, v3;
	[tilespmem:$0x1FFC0] =	vst v18;
	v18 =	vimm.s32 $0x0  }
0xe6: {  	v18 =	vsel vm2, $0xFFFFFFFF, v18;
	vm2 =	veq.s32 v11, v10;
	vm3 =	vnez.u8 v24;
	v24 =	vld [tilespmem:$0x1FFB0]  }
0xe7: {  	vm12 =	vmor vm2, vm15;
	vm15 =	vmor vm0, vm5;
	vm0 =	vnez.u8 v25;
	v25 =	vld [tilespmem:$0x1FFE0]  }
0xe8: {  	v19 =	vld [tilespmem:s13+$0xFFFFFFD0]  }
0xe9: {  	v20 =	vld [tilespmem:s13+$0xFFFFFFE0]  }
0xea: {  	v23 =	vld [tilespmem:$0x1FF90]  }
0xeb: {  	vm7 =	veq.s32 v15, v10;
	vm1 =	veq.s32 v15, v5;
	[tilespmem:$0x1FFF0] =	vst v18;
	vm5 =	vnez.u8 v24;
	v24 =	vld [tilespmem:$0x1FFC0]  }
0xec: {  	p1 =	sne.s32 s15, $0x7F0;
	vm14 =	vmor vm7, vm1;
	vm1 =	vnez.u8 v25;
	v25 =	vld [tilespmem:$0x1FFF0]  }
.Ltmp3:
0xed: {  	v21 =	vld [tilespmem:s13+$0xFFFFFFF0];
	(pc) =	sbr.rel @p1 .LBB2_8-.Ltmp3, $4  }
0xee: {  	v18 =	vld [tilespmem:s13+$0xFFFFFFC0]  }
0xef: {  	vm9 =	veq.s32 v17, v5;
	vm2 =	vnez.u8 v23;
	v23 =	vld [tilespmem:s13+$0x10]  }
0xf0: {  	vm8 =	veq.s32 v17, v10;
	vm0 =	vmor vm10, vm0;
	vm7 =	vnez.u8 v24;
	v24 =	vld [tilespmem:s13+$0x20]  }
0xf1: {  	s15 =	sadd.s32 $0x80, s15;
	vm10 =	vmor vm11, vm1;
	vm11 =	vmor vm8, vm9;
	vm8 =	vnez.u8 v25;
	v25 =	vld [tilespmem:s13+$0x30]  }
0xf2: {  	vm1 =	vmor vm12, vm2;
	vm13 =	vmor vm13, vm3;
	vm15 =	vmor vm15, vm5  }
0xf3: {  	vm9 =	vmor vm14, vm7;
	vm4 =	vmor vm11, vm8;
	v5 =	vsel vm10, $0xFF61B1E6, v19  }
0xf4: {  	v3 =	vsel vm0, $0xFF61B1E6, v18;
	v10 =	vsel vm1, $0xFF61B1E6, v20;
	v46 =	vsel vm13, $0xFF61B1E6, v21  }
0xf5: {  	v47 =	vsel vm15, $0xFF61B1E6, v22;
	v48 =	vsel vm9, $0xFF61B1E6, v23;
	vm10 =	vge.f32 v3, v5  }
0xf6: {  	vm1 =	vge.f32 v10, v46;
	v49 =	vsel vm4, $0xFF61B1E6, v24;
	v50 =	vsel vm6, $0xFF61B1E6, v25  }
0xf7: {  	v3 =	vsel vm10, v3, v5;
	vm11 =	vge.f32 v47, v48;
	vm12 =	vge.f32 v49, v50  }
0xf8: {  	v51 =	vsel vm1, v10, v46;
	v52 =	vsel vm11, v47, v48;
	v53 =	vsel vm12, v49, v50  }
0xf9: {  	vm13 =	vge.f32 v3, v51;
	vm14 =	vge.f32 v52, v53  }
0xfa: {  	v3 =	vsel vm13, v3, v51;
	v54 =	vsel vm14, v52, v53  }
0xfb: {  	vm15 =	vge.f32 v3, v54  }
0xfc: {  	v3 =	vsel vm15, v3, v54  }
0xfd: {  	vm9 =	vgt.f32 v3, v8  }
0xfe: {  	v3 =	vsel vm9, v3, v8  }
0xff: {  	(xrf0) =	vmax.scan.msk.f32 $0xffff, v3;
	_ =	sdelay $0x3  }
0x100: {  	v55 =	vsel vm10, v12, v13  }
0x101: {  	v56 =	vsel vm1, v11, v16;
	v57 =	vsel vm11, v14, v15;
	v9 =	vsel vm12, v17, v9  }
0x102: {  	v5 =	vsel vm13, v55, v56;
	v58 =	vsel vm14, v57, v9;
	v59, _, _ =	vpop (xrf0)  }
0x103: {  	v5 =	vsel vm15, v5, v58;
	v60 =	vbroadcast v59, $0xF  }
0x104: {  	v5 =	vsel vm9, v5, v7  }
0x105: {  	vm10 =	veq.f32 v3, v60;
	v3 =	vxor.u32 $0x80000000, v5  }
0x106: {  	v3 =	vnsel vm10, $0xC0000000, v3  }
0x107: {  	(xrf0) =	vmin.scan.msk.u32 $0xffff, v3;
	_ =	sdelay $0x2  }
0x108: {  	(v2sf) =	vpush v2, $0xF  }
0x109: {  	(v2sf) =	vpush v4, $0xF  }
0x10a: {  	(v2sf) =	vpush v6, $0xF  }
0x10b: {  	(v2sf) =	vpush v59, $0xF;
	v2, _, _ =	vpop (xrf0)  }
0x10c: {  	(v2sf) =	vpush v2, $0xF;
	_ =	sdelay $0xa  }
0x10d: {  	s24 =	spop (v2sf)  }
0x10e: {  	p1 =	slt.s32 s31, s0;
	s25 =	spop (v2sf)  }
0x10f: {  	s22 =	smov.u32 s0;
	p2 =	sgt.s32 s31, s0;
	s16 =	spop (v2sf)  }
0x110: {  	s22 =	smov.u32 @p1 s31;
	s13 =	smov.u32 s24;
	s21 =	spop (v2sf)  }
0x111: {  	s0 =	smov.u32 @p2 s31;
	s13 =	smov.u32 @p2 s25;
	s23 =	spop (v2sf)  }
0x112: {  	s25 =	smov.u32 @p2 s24;
	s31 =	smov.u32 s16;
	s23 =	sxor.u32 $0x80000000, s23  }
0x113: {  	p1 =	sgt.s32 s12, s23;
	p2 =	slt.s32 s12, s23;
	s24 =	smov.u32 s23  }
0x114: {  	s24 =	smov.u32 @p2 s12;
	s31 =	smov.u32 @p1 s21;
	s23 =	smov.u32 @p1 s12  }
0x115: {  	s21 =	smov.u32 @p1 s16;
	p1 =	slt.s32 s22, s24;
	s12 =	smov.u32 s24  }
0x116: {  	p2 =	sgt.s32 s22, s24;
	s16 =	smov.u32 s23;
	s12 =	smov.u32 @p1 s22  }
0x117: {  	p1 =	slt.s32 s0, s23;
	s24 =	smov.u32 @p2 s22;
	s22 =	smov.u32 s13  }
0x118: {  	s15 =	smov.u32 s25;
	s16 =	smov.u32 @p1 s0;
	s22 =	smov.u32 @p2 s31  }
0x119: {  	vm11 =	vcmask $0x300;
	p1 =	sgt.s32 s0, s23;
	v2 =	vmov s12;
	s12 =	smov.u32 s24;
	p3 =	slt.s32 s16, s24  }
0x11a: {  	vm12 =	vcmask $0x704;
	s15 =	smov.u32 @p1 s21;
	v2 =	vnsel vm11, $0x0, v2;
	s12 =	smov.u32 @p3 s16;
	p3 =	sgt.s32 s16, s24  }
0x11b: {  	vm13 =	vcmask $0xB08;
	s31 =	smov.u32 @p2 s13;
	v3 =	vmov s22;
	s24 =	smov.u32 @p3 s16;
	v2 =	vsel vm12, s12, v2;
	s12 =	smov.u32 s15  }
0x11c: {  	vm14 =	vcmask $0xF0C;
	s23 =	smov.u32 @p1 s0;
	v3 =	vnsel vm11, $0x0, v3;
	v2 =	vsel vm13, s24, v2;
	s12 =	smov.u32 @p3 s31  }
0x11d: {  	s31 =	smov.u32 @p3 s15;
	v3 =	vsel vm12, s12, v3;
	v2 =	vsel vm14, s23, v2  }
0x11e: {  	s21 =	smov.u32 @p1 s25;
	v3 =	vsel vm13, s31, v3;
	v61 =	vadd.s32 v0, v2  }
0x11f: {  	[tilespmem:$0x800] =	vst v2;
	v3 =	vsel vm14, s21, v3;
	v4 =	vshll.u32 v61, $0x3  }
0x120: {  	s23 =	simm.s32 $0x800;
	v2 =	vand.u32 $0x7, v2;
	[tilespmem:$0x880] =	vst v3;
	v3 =	vand.u32 $0xFFFFFFC0, v4  }
0x121: {  	v62 =	vshrl.u32 v1, $0x3;
	[hbm4b:s5+s1] =	stream.linear.scatter [tilespmem:s23], [sflag:$0x2], $0x80, $0x38;
	v2 =	vor.u32 v2, v3;
	v3 =	vand.u32 $0x7, v1;
	[tilespmem:$0x4900] =	vst v63  }
0x122: {  	v4 =	vmul.u32 $0x8, v62;
	_ =	swait.ge [sflag:s14], $0x80;
	v3 =	vperm.xlane v2, v3  }
0x123: {  	[sflag:s14] =	ssyncset.done $0x0  }
0x124: {  	s24 =	simm.s32 $0x880;
	[sflag:s14] =	ssyncadd.s32 $0xFFFFFF80;
	v3 =	vadd.s32 v4, v3  }
0x125: {  	[hbm4b:s6+s1] =	stream.linear.scatter [tilespmem:s24], [sflag:$0x2], $0x80, $0x38;
	[tilespmem:$0x4900] =	vst v63  }
0x126: {  	_ =	swait.ge [sflag:s14], $0x80  }
0x127: {  	[sflag:s14] =	ssyncset.done $0x0  }
0x128: {  	vm15 =	vmmov $0xffff;
	[sflag:s14] =	ssyncadd.s32 $0xFFFFFF80  }
0x129: {  	v63 =	vor.u32 $0x8, v1;
	[tilespmem:s17], [sflag:$0x1] =	stream.indirect_vreg.gather [hbm4b:s3+s1], $0x80, v3, vm15, $0xb8;
	[tilespmem:$0x4900] =	vst v63  }
0x12a: {  	v2 =	vperm.xlane v2, v63  }
0x12b: {  	[tilespmem:s18], [sflag:$0x1] =	stream.indirect_vreg.gather [hbm4b:s7+s1], $0x80, v3, vm15, $0xb8;
	[tilespmem:$0x4900] =	vst v63  }
0x12c: {  	v2 =	vadd.s32 v4, v2  }
0x12d: {  	[tilespmem:s19], [sflag:$0x1] =	stream.indirect_vreg.gather [hbm4b:s8+s1], $0x80, v3, vm15, $0xb8;
	[tilespmem:$0x4900] =	vst v63  }
0x12e: {  	_ = 	snop  }
0x12f: {  	[tilespmem:s20], [sflag:$0x1] =	stream.indirect_vreg.gather [hbm4b:s9+s1], $0x80, v3, vm15, $0xb8;
	[tilespmem:$0x4900] =	vst v63  }
0x130: {  	s25 =	simm.s32 $0x2900  }
0x131: {  	[tilespmem:s25], [sflag:$0x1] =	stream.indirect_vreg.gather [hbm4b:s3+s1], $0x80, v2, vm15, $0xb8;
	[tilespmem:$0x4900] =	vst v63  }
0x132: {  	s31 =	simm.s32 $0x3100  }
0x133: {  	[tilespmem:s31], [sflag:$0x1] =	stream.indirect_vreg.gather [hbm4b:s7+s1], $0x80, v2, vm15, $0xb8;
	[tilespmem:$0x4900] =	vst v63  }
0x134: {  	s12 =	simm.s32 $0x3900  }
0x135: {  	[tilespmem:s12], [sflag:$0x1] =	stream.indirect_vreg.gather [hbm4b:s8+s1], $0x80, v2, vm15, $0xb8;
	[tilespmem:$0x4900] =	vst v63  }
0x136: {  	s13 =	simm.s32 $0x4100  }
0x137: {  	[tilespmem:s13], [sflag:$0x1] =	stream.indirect_vreg.gather [hbm4b:s9+s1], $0x80, v2, vm15, $0xb8;
	[tilespmem:$0x4900] =	vst v63  }
0x138: {  	_ =	swait.ge [sflag:s2], $0x4000  }
0x139: {  	[sflag:s2] =	ssyncset.done $0x0  }
0x13a: {  	[sflag:s2] =	ssyncadd.s32 $0xFFFFC000  }
0x13b: {  	[hbm4b:s10+s1] =	stream.linear.scatter [tilespmem:s17], [sflag:$0x2], $0x200, $0x38;
	[tilespmem:$0x4900] =	vst v63  }
0x13c: {  	s16 =	simm.s32 $0xD00;
	s15 =	sadd.s32 $0x40, s10  }
0x13d: {  	[hbm4b:s15+s1] =	stream.linear.scatter [tilespmem:s16], [sflag:$0x2], $0x200, $0x38;
	[tilespmem:$0x4900] =	vst v63  }
0x13e: {  	s21 =	sadd.s32 $0x80, s10  }
0x13f: {  	[hbm4b:s21+s1] =	stream.linear.scatter [tilespmem:s18], [sflag:$0x2], $0x200, $0x38;
	[tilespmem:$0x4900] =	vst v63  }
0x140: {  	s22 =	sadd.s32 $0xC0, s10  }
0x141: {  	[hbm4b:s22+s1] =	stream.linear.scatter [tilespmem:s26], [sflag:$0x2], $0x200, $0x38;
	[tilespmem:$0x4900] =	vst v63  }
0x142: {  	s23 =	sadd.s32 $0x100, s10  }
0x143: {  	[hbm4b:s23+s1] =	stream.linear.scatter [tilespmem:s19], [sflag:$0x2], $0x200, $0x38;
	[tilespmem:$0x4900] =	vst v63  }
0x144: {  	s30 =	sadd.s32 $0x1, s30;
	s24 =	sadd.s32 $0x140, s10  }
0x145: {  	[hbm4b:s24+s1] =	stream.linear.scatter [tilespmem:s28], [sflag:$0x2], $0x200, $0x38;
	[tilespmem:$0x4900] =	vst v63  }
0x146: {  	p1 =	sne.s32 s30, s11;
	s25 =	sadd.s32 $0x180, s10  }
0x147: {  	[hbm4b:s25+s1] =	stream.linear.scatter [tilespmem:s20], [sflag:$0x2], $0x200, $0x38;
	[tilespmem:$0x4900] =	vst v63  }
.Ltmp4:
0x148: {  	s31 =	sadd.s32 $0x1C0, s10;
	(pc) =	sbr.rel @p1 .LBB2_1-.Ltmp4, $4  }
0x149: {  	[hbm4b:s31+s1] =	stream.linear.scatter [tilespmem:s29], [sflag:$0x2], $0x200, $0x38;
	[tilespmem:$0x4900] =	vst v63  }
0x14a: {  	_ =	swait.ge [sflag:s14], $0x1000  }
0x14b: {  	[sflag:s14] =	ssyncset.done $0x0  }
0x14c: {  	[sflag:s14] =	ssyncadd.s32 $0xFFFFF000  }
0x14d: {  	_ =	sfence.sel $0x180000  }
0x14e: {  	[bflag:$0x0] =	sbarrier.arrive $0xFFFF  }
0x14f: {  	_ =	strace $0x9000004A  }
0x150: {  	[bflag:$0x2] =	sbarrier.arrive $0xFFFF  }
0x151: {  	s0 =	rddreg [dreg:$0x4]  }
0x152: {  	s0 =	sadd.s32 @!p0 $0x100000, s0  }
0x153: {  	[sflag:s0] =	ssyncadd.tile.s32 @!p0 $0x1;
	_ =	shalt  }
.Lfunc_end2:
_tile_overlayer_lowered:
.L_overlay_start_2:
0x154: {  	(tag) =	ssettag $0x2  }
0x155: {  	s0 =	rddreg [dreg:$0x0];
	s2 =	stileid.u32  }
0x156: {  	s1 =	rddreg [dreg:$0x1];
	p0 =	sne.s32 s2, $0x0  }
0x157: {  	s3 =	rddreg [dreg:$0x2];
	[bflag:$0x3] =	sbarrier.arrive $0xFFFF;
	s2 =	simm.s32 @!p0 $0x1C02  }
0x158: {  	[timem:s3], [sflag:s2] =	dma.local @!p0 [hbm:s0], s1  }
0x159: {  	s0 =	simm.s32 @!p0 $0x2  }
0x15a: {  	_ =	swait.ge @!p0 [sflag:s0], s1  }
0x15b: {  	s1 =	ssub.s32 @!p0 $0x0, s1;
	[sflag:s0] =	ssyncset.done @!p0 $0x0  }
0x15c: {  	[sflag:s0] =	ssyncadd.s32 @!p0 s1  }
0x15d: {  	[bflag:$0x3] =	sbarrier.arrive $0xFFFF  }
0x15e: {  	_ =	shalt  }

// kernel: kernel.9.cloned.1.call-start
scs
__scs_entry_jumppad:
0x0: {  	(pc) =	sbr.rel $0x88, $3  }
0x1: {  	(tag) =	ssettag $0x0;
	lr =	simm.s32 $0x1  }
0x2: {  	[smem:$0x3F8F] =	sst lr;
	_ =	strace $0xD0000000  }
0x3: {  	_ = 	snop  }
0x4: {  	_ = 	snop  }
0x5: {  	_ = 	snop  }
0x6: {  	_ = 	snop  }
0x7: {  	_ = 	snop  }
__scs_overlays_trampoline_lowered:
0x8: {  	[smem:$0x3F9E] =	sst s0  }
0x9: {  	[smem:$0x3F9F] =	sst s1  }
0xa: {  	[smem:$0x3FA0] =	sst s2  }
0xb: {  	[smem:$0x3FA1] =	sst s3  }
0xc: {  	[smem:$0x3FA2] =	sst s4  }
0xd: {  	[smem:$0x3FA3] =	sst s5  }
0xe: {  	[smem:$0x3FA4] =	sst s6  }
0xf: {  	[smem:$0x3FA5] =	sst s7  }
0x10: {  	[smem:$0x3FA6] =	sst s8  }
0x11: {  	[smem:$0x3FA7] =	sst s9;
	s0 =	simm.s32 @!p0 $0x0  }
0x12: {  	s1 =	sld [smem:$0x3F8D];
	s0 =	simm.s32 @p0 $0x1  }
0x13: {  	[smem:$0x3FA8] =	sst s0;
	s0 =	simm.s32 @!p1 $0x0  }
0x14: {  	s2 =	sld [smem:$0x3F8C];
	s0 =	simm.s32 @p1 $0x1  }
0x15: {  	[smem:$0x3FA9] =	sst s0;
	s0 =	simm.s32 @!p2 $0x0  }
0x16: {  	s3 =	sld [smem:$0x3FDB];
	s0 =	simm.s32 @p2 $0x1  }
0x17: {  	s4 =	simm.s32 $0x1BF5;
	[smem:$0x3FAB] =	sst s0  }
0x18: {  	s0 =	sld [smem:$0x3F8E];
	_ =	swait.ge [sflag:s4], $0x0  }
0x19: {  	s7 =	sld [smem:$0x3F8F]  }
0x1a: {  	s8 =	sadd.s32 $0xFFFFE003, lr  }
0x1b: {  	s9 =	sadd.s32 $0xFFFFFEF7, lr;
	s5 =	simm.s32 $0xFFFFFFFF;
	p2 =	slt.u32 s8, $0xFFFFF086  }
0x1c: {  	p1 =	slt.u32 s9, $0xF7A;
	s5 =	simm.s32 @!p2 $0x0  }
0x1d: {  	s5 =	simm.s32 @p1 $0x1;
	p0 =	seq.s32 s7, s2  }
0x1e: {  	s7 =	smul.u32 @!p0 $0xF7A, s2;
	p2 =	seq.s32 @!p0 s5, $0x0  }
0x1f: {  	s9 =	smul.u32 $0xF7A, s1;
	s8 =	simm.s32 @!p0 $0x1BF5;
	p2 =	por !p2, p0  }
0x20: {  	[sflag:s8] =	ssyncset.s32 @!p0 $0xFFFFF086;
	s6 =	sadd.s32 @!p0 s3, s7;
	s7 =	simm.s32 @!p0 $0x108  }
0x21: {  	s3 =	sadd.s32 s3, s9;
	s6 =	sadd.s32 @!p0 $0x88, s6;
	s7 =	simm.s32 @p2 $0x1082  }
0x22: {  	[simem:s7], [sflag:s8] =	dma.local @!p0 [hbm:s6], $0xF7A  }
0x23: {  	s9 =	sor.u32 $0xD0000000, s2;
	s6 =	simm.s32 $0x108;
	_ =	swait.ge @!p0 [sflag:s8], $0x0  }
0x24: {  	s3 =	sadd.s32 $0x88, s3;
	s6 =	simm.s32 @!p1 $0x1082;
	[sflag:s4] =	ssyncset.s32 $0xFFFFF086  }
0x25: {  	[simem:s6], [sflag:s4] =	dma.local [hbm:s3], $0xF7A  }
0x26: {  	[smem:$0x3F8F] =	sst s1;
	(tag) =	ssettag s2;
	_ =	strace s9  }
0x27: {  	s1 =	sld [smem:$0x3F9F]  }
0x28: {  	s2 =	sld [smem:$0x3FA0]  }
0x29: {  	s4 =	sld [smem:$0x3FA2]  }
0x2a: {  	p0 =	seq.s32 s5, $0x0;
	s5 =	sld [smem:$0x3FA3]  }
0x2b: {  	s6 =	sld [smem:$0x3FA4]  }
0x2c: {  	s7 =	sld [smem:$0x3FA5]  }
0x2d: {  	s3 =	simm.s32 $0x108;
	s8 =	sld [smem:$0x3FA6]  }
0x2e: {  	s3 =	simm.s32 @!p0 $0x1082;
	s9 =	sld [smem:$0x3FA7]  }
0x2f: {  	lr =	sadd.s32 s0, s3;
	s0 =	sld [smem:$0x3F9E]  }
0x30: {  	s3 =	sld [smem:$0x3FA1]  }
0x31: {  	[smem:$0x3FAA] =	sst s10  }
0x32: {  	s10 =	sld [smem:$0x3FA8];
	_ =	sdelay $0x3  }
0x33: {  	p0 =	seq.s32 s10, $0x1;
	s10 =	sld [smem:$0x3FAA];
	_ =	sdelay $0x3  }
0x34: {  	[smem:$0x3FAA] =	sst s10  }
0x35: {  	s10 =	sld [smem:$0x3FA9];
	_ =	sdelay $0x3  }
0x36: {  	p1 =	seq.s32 s10, $0x1;
	s10 =	sld [smem:$0x3FAA];
	_ =	sdelay $0x3  }
0x37: {  	[smem:$0x3FAA] =	sst s10  }
0x38: {  	s10 =	sld [smem:$0x3FAB]  }
0x39: {  	_ = 	snop;
	(pc) =	sbr.ind lr, $3  }
0x3a: {  	_ = 	snop  }
0x3b: {  	_ = 	snop  }
0x3c: {  	p2 =	seq.s32 s10, $0x1;
	s10 =	sld [smem:$0x3FAA]  }
0x3d: {  	_ =	shalt  }
0x3e: {  	_ =	shalt  }
0x3f: {  	_ =	shalt  }
0x40: {  	_ =	shalt  }
0x41: {  	_ =	shalt  }
0x42: {  	_ =	shalt  }
0x43: {  	_ =	shalt  }
0x44: {  	_ =	shalt  }
0x45: {  	_ =	shalt  }
0x46: {  	_ =	shalt  }
0x47: {  	_ =	shalt  }
0x48: {  	_ =	shalt  }
0x49: {  	_ =	shalt  }
0x4a: {  	_ =	shalt  }
0x4b: {  	_ =	shalt  }
0x4c: {  	_ =	shalt  }
0x4d: {  	_ =	shalt  }
0x4e: {  	_ =	shalt  }
0x4f: {  	_ =	shalt  }
0x50: {  	_ =	shalt  }
0x51: {  	_ =	shalt  }
0x52: {  	_ =	shalt  }
0x53: {  	_ =	shalt  }
0x54: {  	_ =	shalt  }
0x55: {  	_ =	shalt  }
0x56: {  	_ =	shalt  }
0x57: {  	_ =	shalt  }
0x58: {  	_ =	shalt  }
0x59: {  	_ =	shalt  }
0x5a: {  	_ =	shalt  }
0x5b: {  	_ =	shalt  }
0x5c: {  	_ =	shalt  }
0x5d: {  	_ =	shalt  }
0x5e: {  	_ =	shalt  }
0x5f: {  	_ =	shalt  }
0x60: {  	_ =	shalt  }
0x61: {  	_ =	shalt  }
0x62: {  	_ =	shalt  }
0x63: {  	_ =	shalt  }
0x64: {  	_ =	shalt  }
0x65: {  	_ =	shalt  }
0x66: {  	_ =	shalt  }
0x67: {  	_ =	shalt  }
0x68: {  	_ =	shalt  }
0x69: {  	_ =	shalt  }
0x6a: {  	_ =	shalt  }
0x6b: {  	_ =	shalt  }
0x6c: {  	_ =	shalt  }
0x6d: {  	_ =	shalt  }
0x6e: {  	_ =	shalt  }
0x6f: {  	_ =	shalt  }
0x70: {  	_ =	shalt  }
0x71: {  	_ =	shalt  }
0x72: {  	_ =	shalt  }
0x73: {  	_ =	shalt  }
0x74: {  	_ =	shalt  }
0x75: {  	_ =	shalt  }
0x76: {  	_ =	shalt  }
0x77: {  	_ =	shalt  }
0x78: {  	_ =	shalt  }
0x79: {  	_ =	shalt  }
0x7a: {  	_ =	shalt  }
0x7b: {  	_ =	shalt  }
0x7c: {  	_ =	shalt  }
0x7d: {  	_ =	shalt  }
0x7e: {  	_ =	shalt  }
0x7f: {  	_ =	shalt  }
0x80: {  	_ =	shalt  }
0x81: {  	_ =	shalt  }
0x82: {  	_ =	shalt  }
0x83: {  	_ =	shalt  }
0x84: {  	_ =	shalt  }
0x85: {  	_ =	shalt  }
0x86: {  	_ =	shalt  }
0x87: {  	_ =	shalt  }
.Lfunc_end0:
.L_simem_size_0:
called_computation_lowered:
.L_overlay_start_0:
0x88: {  	s2 =	sld [smem:$0x3FD9]  }
0x89: {  	s3 =	sld [smem:$0x3FFE];
	_ =	sdelay $0x1  }
0x8a: {  	s1 =	srdreg.scid  }
0x8b: {  	s0 =	sand.u32 $0x1, s1  }
0x8c: {  	s14 =	sshll.u32 s0, $0xA;
	s2 =	sadd.s32 s3, s2  }
0x8d: {  	s2 =	sadd.s32 s2, s14  }
0x8e: {  	[smem:$0x3FB6] =	sst s2  }
0x8f: {  	_ = 	snop  }
0x90: {  	s2 =	sld [smem:$0x3FD0];
	_ =	sdelay $0x2  }
0x91: {  	s4 =	simm.s32 $0xA;
	s5 =	simm.s32 $0x10;
	s15 =	sld [smem:$0x3FC9]  }
0x92: {  	[smem:s5], [sflag:s4] =	dma.local [hbm:s2], $0x1  }
0x93: {  	_ =	swait.eq [sflag:s4], $0x1  }
0x94: {  	s16 =	sld [smem:$0x10];
	[sflag:s4] =	ssyncset.done $0x0  }
0x95: {  	s17 =	sld [smem:$0x11];
	[sflag:s4] =	ssyncadd.s32 $0xFFFFFFFF  }
0x96: {  	s18 =	sld [smem:$0x12];
	(tm) =	ssettm $0x1  }
0x97: {  	s6 =	sld [smem:$0x3FFB];
	_ =	sdelay $0x3  }
0x98: {  	_ =	strace s6  }
0x99: {  	s6 =	sld [smem:$0x3FFC];
	_ =	sdelay $0x3  }
0x9a: {  	_ =	strace s6  }
0x9b: {  	s6 =	sld [smem:$0x3FFD];
	_ =	sdelay $0x3  }
0x9c: {  	_ =	strace s6  }
0x9d: {  	_ =	strace $0x8FFFFFFF  }
0x9e: {  	s19 =	sld [smem:$0x3FDB];
	_ =	sdelay $0x1  }
0x9f: {  	s7 =	simm.s32 $_scs_section_size  }
0xa0: {  	s8 =	simm.s32 $_size__tile_overlayer_lowered;
	s9 =	simm.s32 $_tile_overlayer_lowered  }
0xa1: {  	s22 =	simm.s32 $0x1BFF;
	s21 =	sshll.u32 s9, $0x1;
	s6 =	sadd.s32 s7, s19  }
0xa2: {  	s10 =	simm.s32 $0x0;
	s20 =	sshll.u32 s8, $0x1;
	s8 =	sadd.s32 s21, s6  }
0xa3: {  	[timem:s10], [sflag:s22] =	dma.local [hbm:s8], s20  }
0xa4: {  	_ =	swait.ge [sflag:s22], s20  }
0xa5: {  	s7 =	ssub.s32 $0x0, s20;
	[sflag:s22] =	ssyncset.done $0x0  }
0xa6: {  	[sflag:s22] =	ssyncadd.s32 s7;
	_ =	sdelay $0x1  }
0xa7: {  	s23 =	simm.s32 $0x1B8B  }
0xa8: {  	_ =	swait.ge [sflag:s23], $0x1  }
0xa9: {  	[sflag:s23] =	ssyncset.done $0x0  }
0xaa: {  	s25 =	simm.s32 $0x1B8E;
	s24 =	sld [smem:$0x3FFE];
	[sflag:s23] =	ssyncadd.s32 $0xFFFFFFFF  }
0xab: {  	s26 =	simm.s32 $execute0_lowered;
	[smem:$0x3FD2] =	sst s25  }
0xac: {  	s8 =	sshll.u32 s26, $0x1;
	_ =	strace $0x80000046;
	[dreg:$0x1] =	wrdreg $0xFFFFFFFF  }
0xad: {  	s28 =	simm.s32 $_size_execute0_lowered;
	s6 =	sadd.s32 s6, s8;
	[dreg:$0x0] =	wrdreg $0x0  }
0xae: {  	s8 =	sshll.u32 s28, $0x1;
	[dreg:$0x2] =	wrdreg s6  }
0xaf: {  	[dreg:$0x3] =	wrdreg s8  }
0xb0: {  	[dreg:$0x4] =	wrdreg $0xC0  }
0xb1: {  	_ =	task [dreg:s10], $0x5FFFF  }
0xb2: {  	[dreg:$0x1] =	wrdreg $0xFFFFFFFF  }
0xb3: {  	[dreg:$0x0] =	wrdreg $0x60  }
0xb4: {  	[dreg:$0x2] =	wrdreg s24  }
0xb5: {  	[dreg:$0x3] =	wrdreg s15  }
0xb6: {  	[dreg:$0x4] =	wrdreg s18  }
0xb7: {  	[dreg:$0x5] =	wrdreg s17  }
0xb8: {  	[dreg:$0x6] =	wrdreg s16  }
0xb9: {  	[dreg:$0x7] =	wrdreg $0x9  }
0xba: {  	_ =	task.clear_ibuf [dreg:s10], $0x8FFFF;
	_ =	strace $0x90000046  }
0xbb: {  	s29 =	simm.s32 $0x9;
	_ =	strace $0x80000048  }
0xbc: {  	_ =	swait.ge [sflag:s29], $0x1  }
0xbd: {  	[sflag:s29] =	ssyncadd.s32 $0xFFFFFFFF  }
0xbe: {  	_ =	strace $0x90000048  }
0xbf: {  	_ =	sfence  }
0xc0: {  	s30 =	sld [smem:$0x0];
	_ =	sdelay $0x2  }
0xc1: {  	s31 =	sshll.u32 s1, $0xD;
	s1 =	sshrl.u32 s1, $0x2  }
0xc2: {  	s3 =	sand.u32 $0x4000, s31;
	s1 =	sadd.s32 s1, s30  }
0xc3: {  	s0 =	sor.u32 s3, s0;
	s1 =	sshll.u32 s1, $0x11  }
0xc4: {  	s0 =	sor.u32 s1, s0  }
0xc5: {  	s0 =	sadd.s32 $0x8F2B, s0  }
0xc6: {  	[sflag:s0] =	ssyncadd.remote.s32 $0x1  }
0xc7: {  	_ =	sfence.sel $0xFFFF  }
0xc8: {  	[dreg:$0x0] =	wrdreg $0xFFFFFFFF;
	(pc) =	sbr.abs _section_cstart, $3  }
0xc9: {  	[dreg:$0x1] =	wrdreg $0xFFFFFFFF  }
0xca: {  	_ =	task.clear_ibuf [dreg:s10], $0x2FFFF;
	_ =	strace $0x9FFFFFFF  }
0xcb: {  	(tm) =	ssettm $0x7FFFFFFF  }
tec
execute0_lowered:
.L_overlay_start_1:
0x0: {  	(tag) =	ssettag $0x1  }
0x1: {  	s5 =	rddreg [dreg:$0x0]  }
0x2: {  	s6 =	rddreg [dreg:$0x2]  }
0x3: {  	s0 =	srdreg.scid;
	s7 =	rddreg [dreg:$0x3]  }
0x4: {  	s1 =	stileid.u32;
	s10 =	rddreg [dreg:$0x4];
	s14 =	simm.s32 $0x2  }
0x5: {  	s17 =	simm.s32 $0x900;
	s18 =	simm.s32 $0x1100;
	s19 =	simm.s32 $0x1900  }
0x6: {  	s20 =	simm.s32 $0x2100;
	s28 =	simm.s32 $0x1D00;
	s4 =	sand.u32 $0x1, s0  }
0x7: {  	s29 =	simm.s32 $0x2500;
	s30 =	simm.s32 $0x0;
	s2 =	sor.u32 s1, s4  }
0x8: {  	s0 =	rddreg [dreg:$0x1];
	p0 =	sne.s32 s1, $0x0;
	p1 =	seq.s32 s2, $0x0  }
0x9: {  	s9 =	sshrl.u32 s1, $0x3;
	s3 =	sshll.u32 s1, $0x7;
	p1 =	por !p0, !p1  }
0xa: {  	s12 =	sshll.u32 s9, $0xE;
	s2 =	simm.s32 $0x1;
	p1 =	por !p1, !p1  }
0xb: {  	s13 =	sand.u32 $0x380, s3;
	s3 =	simm.s32 $0x1;
	s2 =	simm.s32 @!p1 $0x0  }
0xc: {  	s9 =	sshll.u32 s9, $0xA;
	s1 =	sshll.u32 s1, $0xC;
	s8 =	ssub.s32 s4, s2  }
0xd: {  	s2 =	simm.s32 $0x0;
	s4 =	ssub.s32 $0x2, s4;
	s11 =	sshll.u32 s8, $0xF  }
0xe: {  	[smem:$0x7FF] =	sst s2;
	s25 =	sshll.u32 s8, $0xB;
	s26 =	sshrl.u32 s4, $0x1  }
0xf: {  	s8 =	sshll.u32 s8, $0x10;
	s24 =	sor.u32 s12, s11;
	_ =	strace $0x80000047  }
0x10: {  	s9 =	sor.u32 s9, s25;
	s1 =	sor.u32 s1, s8;
	s8 =	sadd.s32 $0x200, s0  }
0x11: {  	s11 =	sor.u32 s13, s24;
	s31 =	sor.u32 s13, s9;
	s1 =	sshrl.u32 s1, $0x3  }
0x12: {  	s11 =	sshrl.u32 s11, $0x3;
	s9 =	sshrl.u32 s31, $0x3;
	s10 =	sadd.s32 s10, s1  }
0x13: {  	s5 =	sadd.s32 s11, s5;
	s11 =	ssub.s32 s4, s26;
	s26 =	simm.s32 $0x1500  }
0x14: {  	s4 =	sadd.s32 $0x4E00, s5;
	s5 =	sadd.s32 s6, s9;
	s6 =	sadd.s32 s7, s9  }
0x15: {  	v1 =	vlaneseq.u32;
	v0 =	vmov s25;
	s7 =	sadd.s32 $0x100, s0;
	s9 =	sadd.s32 $0x300, s0;
	s11 =	smax.u32 s11, $0x1  }
.LBB2_1:
0x16: {  	s1 =	simm.s32 $0x80;
	s12 =	simm.s32 $0x400  }
0x17: {  	[tilespmem:s2], [sflag:$0x2] =	stream.strided.gather [hbm4b:s4+s1], $0x800, s12, s1, $0x38;
	[tilespmem:$0x4900] =	vst v63  }
0x18: {  	_ =	swait.ge [sflag:s14], $0x800  }
0x19: {  	[sflag:s14] =	ssyncset.done $0x0  }
0x1a: {  	s16 =	simm.s32 $0x40;
	[sflag:s14] =	ssyncadd.s32 $0xFFFFF800  }
0x1b: {  	v4 =	vld [tilespmem:s16+$0xFFFFFFC0]  }
0x1c: {  	v5 =	vld [tilespmem:s16+$0xFFFFFFD0]  }
0x1d: {  	v7 =	vld [tilespmem:s16+$0xFFFFFFE0]  }
0x1e: {  	v10 =	vld [tilespmem:s16+$0xFFFFFFF0]  }
0x1f: {  	v11 =	vld [tilespmem:s16+$0x0]  }
0x20: {  	v12 =	vld [tilespmem:s16+$0x10]  }
0x21: {  	v13 =	vld [tilespmem:s16+$0x20]  }
0x22: {  	v14 =	vld [tilespmem:s16+$0x30]  }
0x23: {  	s21 =	simm.s32 $0x70  }
0x24: {  	v2 =	vimm.f32 $-3.000000010e+38;
	v3 =	vimm.s32 $0x0;
	s13 =	simm.s32 $0x10;
	s15 =	simm.s32 $0x30;
	s1 =	simm.s32 $0xC0  }
0x25: {  	s22 =	simm.s32 $0x50;
	v15 =	vmov s21;
	v16 =	vmov s13;
	v17 =	vmov s15;
	v6 =	vld [tilespmem:s1+$0xFFFFFFC0]  }
0x26: {  	v18 =	vmov s22;
	v8 =	vld [tilespmem:s1+$0xFFFFFFD0];
	vm0 =	vge.f32 v4, v5;
	vm4 =	vge.f32 v7, v10  }
0x27: {  	v9 =	vld [tilespmem:s1+$0xFFFFFFE0];
	vm5 =	vge.f32 v11, v12;
	vm6 =	vge.f32 v13, v14;
	v19 =	vsel vm0, v4, v5  }
0x28: {  	s23 =	simm.s32 $0x0;
	v4 =	vld [tilespmem:s1+$0xFFFFFFF0];
	v10 =	vsel vm4, v7, v10;
	v11 =	vsel vm5, v11, v12;
	v12 =	vsel vm6, v13, v14  }
0x29: {  	s24 =	simm.s32 $0x20;
	v5 =	vld [tilespmem:s1+$0x0];
	v13 =	vsel vm0, s23, v16;
	vm15 =	vge.f32 v19, v10;
	vm7 =	vge.f32 v11, v12  }
0x2a: {  	s25 =	simm.s32 $0x40;
	s31 =	simm.s32 $0x60;
	v7 =	vld [tilespmem:s1+$0x10];
	v14 =	vsel vm4, s24, v17;
	v62 =	vsel vm15, v19, v10;
	v63 =	vsel vm7, v11, v12  }
0x2b: {  	v18 =	vsel vm5, s25, v18;
	v15 =	vsel vm6, s31, v15;
	v10 =	vld [tilespmem:s1+$0x20];
	vm4 =	vge.f32 v62, v63  }
0x2c: {  	s12 =	simm.s32 $0xF0;
	s13 =	simm.s32 $0x170;
	v11 =	vld [tilespmem:s1+$0x30];
	v12 =	vsel vm15, v13, v14;
	v13 =	vsel vm7, v18, v15;
	v14 =	vsel vm4, v62, v63  }
.LBB2_2:
0x2d: {  	p1 =	sne.s32 s13, $0x7F0;
	v12 =	vsel vm4, v12, v13;
	vm0 =	vgt.f32 v14, v2  }
0x2e: {  	s15 =	sadd.s32 $0xFFFFFFA0, s12;
	s31 =	sadd.s32 $0xFFFFFFC0, s12;
	v13 =	vmov s12;
	s1 =	sadd.s32 $0x80, s1;
	v12 =	vor.u32 v1, v12;
	v2 =	vsel vm0, v14, v2  }
0x2f: {  	v15 =	vmov s15;
	v16 =	vmov s31;
	s15 =	sadd.s32 $0xFFFFFFE0, s12;
	v14 =	vld [tilespmem:s1+$0xFFFFFFC0];
	v3 =	vsel vm0, v12, v3  }
0x30: {  	vm4 =	vge.f32 v9, v4;
	v17 =	vmov s15;
	vm0 =	vge.f32 v6, v8;
	v12 =	vld [tilespmem:s1+$0xFFFFFFD0]  }
0x31: {  	vm5 =	vge.f32 v5, v7;
	v6 =	vsel vm0, v6, v8;
	v18 =	vld [tilespmem:s1+$0xFFFFFFE0];
	vm6 =	vge.f32 v10, v11  }
.Ltmp0:
0x32: {  	s15 =	sadd.s32 $0xFFFFFF90, s12;
	v8 =	vsel vm4, v9, v4;
	v9 =	vsel vm5, v5, v7;
	v4 =	vld [tilespmem:s1+$0xFFFFFFF0];
	v10 =	vsel vm6, v10, v11;
	(pc) =	sbr.rel @p1 .LBB2_2-.Ltmp0, $4  }
0x33: {  	s31 =	sadd.s32 $0xFFFFFFB0, s12;
	v15 =	vsel vm0, s15, v15;
	vm0 =	vge.f32 v6, v8;
	v5 =	vld [tilespmem:s1+$0x0];
	vm7 =	vge.f32 v9, v10  }
0x34: {  	s16 =	sadd.s32 $0xFFFFFFF0, s12;
	v16 =	vsel vm4, s31, v16;
	s15 =	sadd.s32 $0xFFFFFFD0, s12;
	s12 =	smov.u32 s13;
	v19 =	vsel vm0, v6, v8;
	v7 =	vld [tilespmem:s1+$0x10];
	v20 =	vsel vm7, v9, v10;
	v6 =	vmovc v14  }
0x35: {  	v13 =	vsel vm6, s16, v13;
	v14 =	vsel vm5, s15, v17;
	v10 =	vld [tilespmem:s1+$0x20];
	vm4 =	vge.f32 v19, v20;
	v8 =	vmovc v12  }
0x36: {  	s13 =	sadd.s32 $0x80, s13;
	v12 =	vsel vm0, v15, v16;
	v13 =	vsel vm7, v14, v13;
	v11 =	vld [tilespmem:s1+$0x30];
	v14 =	vsel vm4, v19, v20;
	v9 =	vmovc v18  }
0x37: {  	_ =	sdelay $0x2  }
0x38: {  	vm0 =	vge.f32 v6, v8;
	vm5 =	vge.f32 v9, v4  }
0x39: {  	v6 =	vsel vm0, v6, v8;
	vm6 =	vge.f32 v5, v7;
	vm7 =	vge.f32 v10, v11  }
0x3a: {  	v4 =	vsel vm5, v9, v4;
	v5 =	vsel vm6, v5, v7;
	v7 =	vsel vm7, v10, v11  }
0x3b: {  	vm8 =	vge.f32 v6, v4;
	vm9 =	vge.f32 v5, v7  }
0x3c: {  	v4 =	vsel vm8, v6, v4;
	v5 =	vsel vm9, v5, v7  }
0x3d: {  	vm10 =	vgt.f32 v14, v2;
	vm11 =	vge.f32 v4, v5  }
0x3e: {  	v2 =	vsel vm10, v14, v2;
	v4 =	vsel vm11, v4, v5  }
0x3f: {  	vm12 =	vgt.f32 v4, v2  }
0x40: {  	v4 =	vsel vm12, v4, v2  }
0x41: {  	s1 =	sadd.s32 $0xFFFFFFA0, s12;
	s22 =	sadd.s32 $0xFFFFFFC0, s12;
	(xrf0) =	vmax.scan.msk.f32 $0xffff, v4  }
0x42: {  	s21 =	sadd.s32 $0xFFFFFF90, s12;
	s23 =	sadd.s32 $0xFFFFFFB0, s12;
	v6 =	vmov s22;
	v2 =	vmov s1  }
0x43: {  	s13 =	sadd.s32 $0xFFFFFFE0, s12;
	v6 =	vsel vm5, s23, v6;
	v2 =	vsel vm0, s21, v2  }
0x44: {  	s24 =	sadd.s32 $0xFFFFFFD0, s12;
	s25 =	sadd.s32 $0xFFFFFFF0, s12;
	v7 =	vmov s13;
	v5 =	vmov s12;
	v2 =	vsel vm8, v2, v6  }
0x45: {  	v7 =	vsel vm6, s24, v7;
	v5 =	vsel vm7, s25, v5  }
0x46: {  	v8 =	vsel vm4, v12, v13;
	v5 =	vsel vm9, v7, v5  }
0x47: {  	v6 =	vor.u32 v1, v8;
	v5 =	vsel vm11, v2, v5;
	v2, _, _ =	vpop (xrf0)  }
0x48: {  	v3 =	vsel vm10, v6, v3;
	v5 =	vor.u32 v1, v5;
	v6 =	vbroadcast v2, $0xF  }
0x49: {  	v3 =	vsel vm12, v5, v3  }
0x4a: {  	v3 =	vxor.u32 $0x80000000, v3;
	vm0 =	veq.f32 v4, v6  }
0x4b: {  	v3 =	vnsel vm0, $0xC0000000, v3  }
0x4c: {  	(xrf0) =	vmin.scan.msk.u32 $0xffff, v3;
	_ =	sdelay $0x5  }
0x4d: {  	v3, _, _ =	vpop (xrf0)  }
0x4e: {  	(v2sf) =	vpush v3, $0xF;
	_ =	sdelay $0x9  }
0x4f: {  	s1 =	simm.s32 $0x40  }
0x50: {  	v12 =	vld [tilespmem:s1+$0xFFFFFFC0]  }
0x51: {  	v13 =	vld [tilespmem:s1+$0xFFFFFFD0]  }
0x52: {  	s22 =	simm.s32 $0x30;
	s23 =	simm.s32 $0x40;
	v15 =	vld [tilespmem:s1+$0xFFFFFFE0]  }
0x53: {  	s16 =	simm.s32 $0x0;
	v14 =	vor.u32 s22, v1;
	v10 =	vor.u32 s23, v1;
	s24 =	simm.s32 $0x50;
	s25 =	simm.s32 $0x60;
	v17 =	vld [tilespmem:s1+$0xFFFFFFF0]  }
0x54: {  	s15 =	simm.s32 $0x70;
	v11 =	vor.u32 s24, v1;
	v16 =	vor.u32 s25, v1;
	s21 =	simm.s32 $0x10;
	v18 =	vld [tilespmem:s1+$0x0];
	v8 =	vor.u32 s16, v1;
	s13 =	spop (v2sf)  }
0x55: {  	v19 =	vld [tilespmem:s1+$0x10];
	v9 =	vor.u32 s21, v1;
	v5 =	vimm.s32 $0x0;
	v6 =	vor.u32 s15, v1;
	s15 =	simm.s32 $0x20;
	s31 =	sxor.u32 $0x80000000, s13  }
0x56: {  	v20 =	vld [tilespmem:s1+$0x20];
	v4 =	vimm.f32 $-3.000000010e+38;
	v7 =	vor.u32 s15, v1;
	v3 =	vmov s31  }
0x57: {  	s12 =	simm.s32 $0xF0;
	v21 =	vld [tilespmem:s1+$0x30];
	vm4 =	veq.s32 v6, v3;
	vm0 =	veq.s32 v8, v3;
	vm5 =	veq.s32 v9, v3  }
.LBB2_4:
0x58: {  	p1 =	sne.s32 s12, $0x7F0;
	vm6 =	veq.s32 v7, v3;
	vm7 =	veq.s32 v14, v3;
	vm8 =	veq.s32 v10, v3  }
0x59: {  	v12 =	vsel vm0, $0xFF61B1E6, v12;
	vm0 =	veq.s32 v11, v3;
	vm9 =	veq.s32 v16, v3  }
0x5a: {  	v13 =	vsel vm5, $0xFF61B1E6, v13;
	v15 =	vsel vm6, $0xFF61B1E6, v15;
	v17 =	vsel vm7, $0xFF61B1E6, v17  }
0x5b: {  	v18 =	vsel vm8, $0xFF61B1E6, v18;
	v19 =	vsel vm0, $0xFF61B1E6, v19;
	v20 =	vsel vm9, $0xFF61B1E6, v20  }
0x5c: {  	vm0 =	vge.f32 v12, v13;
	v21 =	vsel vm4, $0xFF61B1E6, v21;
	vm4 =	vge.f32 v15, v17  }
0x5d: {  	v13 =	vsel vm0, v12, v13;
	vm5 =	vge.f32 v18, v19;
	vm6 =	vge.f32 v20, v21  }
0x5e: {  	v15 =	vsel vm4, v15, v17;
	v17 =	vsel vm5, v18, v19;
	v18 =	vsel vm6, v20, v21  }
0x5f: {  	s1 =	sadd.s32 $0x80, s1;
	v8 =	vsel vm0, v8, v9;
	vm0 =	vge.f32 v13, v15;
	vm7 =	vge.f32 v17, v18  }
0x60: {  	v7 =	vsel vm4, v7, v14;
	v9 =	vsel vm0, v13, v15;
	v12 =	vld [tilespmem:s1+$0xFFFFFFC0];
	v14 =	vsel vm7, v17, v18  }
0x61: {  	v10 =	vsel vm5, v10, v11;
	v6 =	vsel vm6, v16, v6;
	v13 =	vld [tilespmem:s1+$0xFFFFFFD0];
	vm4 =	vge.f32 v9, v14  }
0x62: {  	v7 =	vsel vm0, v8, v7;
	v8 =	vsel vm7, v10, v6;
	v15 =	vld [tilespmem:s1+$0xFFFFFFE0];
	v9 =	vsel vm4, v9, v14  }
.Ltmp1:
0x63: {  	v6 =	vor.u32 s12, v1;
	v7 =	vsel vm4, v7, v8;
	v17 =	vld [tilespmem:s1+$0xFFFFFFF0];
	vm0 =	vgt.f32 v9, v4;
	(pc) =	sbr.rel @p1 .LBB2_4-.Ltmp1, $4  }
0x64: {  	s13 =	sadd.s32 $0xFFFFFF90, s12;
	s15 =	sadd.s32 $0xFFFFFFA0, s12;
	s16 =	sadd.s32 $0xFFFFFFB0, s12;
	vm4 =	veq.s32 v6, v3;
	v18 =	vld [tilespmem:s1+$0x0];
	v4 =	vsel vm0, v9, v4;
	v5 =	vsel vm0, v7, v5  }
0x65: {  	v8 =	vor.u32 s13, v1;
	s13 =	sadd.s32 $0xFFFFFFC0, s12;
	v9 =	vor.u32 s15, v1;
	v7 =	vor.u32 s16, v1;
	s15 =	sadd.s32 $0xFFFFFFD0, s12;
	s16 =	sadd.s32 $0xFFFFFFE0, s12;
	v19 =	vld [tilespmem:s1+$0x10]  }
0x66: {  	v14 =	vor.u32 s13, v1;
	s13 =	sadd.s32 $0xFFFFFFF0, s12;
	v10 =	vor.u32 s15, v1;
	v11 =	vor.u32 s16, v1;
	v20 =	vld [tilespmem:s1+$0x20]  }
0x67: {  	vm0 =	veq.s32 v8, v3;
	v16 =	vor.u32 s13, v1;
	s12 =	sadd.s32 $0x80, s12;
	vm5 =	veq.s32 v9, v3;
	v21 =	vld [tilespmem:s1+$0x30]  }
0x68: {  	vm6 =	veq.s32 v7, v3;
	vm7 =	veq.s32 v14, v3;
	vm8 =	veq.s32 v10, v3  }
0x69: {  	v12 =	vsel vm0, $0xFF61B1E6, v12;
	vm0 =	veq.s32 v11, v3;
	vm9 =	veq.s32 v16, v3  }
0x6a: {  	v13 =	vsel vm5, $0xFF61B1E6, v13;
	v15 =	vsel vm6, $0xFF61B1E6, v15;
	v17 =	vsel vm7, $0xFF61B1E6, v17  }
0x6b: {  	v18 =	vsel vm8, $0xFF61B1E6, v18;
	v19 =	vsel vm0, $0xFF61B1E6, v19;
	vm0 =	vge.f32 v12, v13  }
0x6c: {  	v20 =	vsel vm9, $0xFF61B1E6, v20;
	v12 =	vsel vm0, v12, v13;
	v21 =	vsel vm4, $0xFF61B1E6, v21  }
0x6d: {  	vm5 =	vge.f32 v18, v19;
	vm4 =	vge.f32 v15, v17;
	vm6 =	vge.f32 v20, v21  }
0x6e: {  	v13 =	vsel vm4, v15, v17;
	v15 =	vsel vm5, v18, v19;
	v17 =	vsel vm6, v20, v21  }
0x6f: {  	vm7 =	vge.f32 v12, v13;
	vm8 =	vge.f32 v15, v17  }
0x70: {  	v12 =	vsel vm7, v12, v13;
	v13 =	vsel vm8, v15, v17  }
0x71: {  	vm9 =	vge.f32 v12, v13  }
0x72: {  	v12 =	vsel vm9, v12, v13  }
0x73: {  	vm10 =	vgt.f32 v12, v4  }
0x74: {  	v12 =	vsel vm10, v12, v4  }
0x75: {  	(xrf0) =	vmax.scan.msk.f32 $0xffff, v12;
	_ =	sdelay $0x2  }
0x76: {  	v4 =	vsel vm0, v8, v9;
	_ =	sdelay $0x1  }
0x77: {  	v7 =	vsel vm4, v7, v14;
	v6 =	vsel vm6, v16, v6;
	v8 =	vsel vm5, v10, v11  }
0x78: {  	v7 =	vsel vm7, v4, v7;
	v6 =	vsel vm8, v8, v6;
	v4, _, _ =	vpop (xrf0)  }
0x79: {  	v6 =	vsel vm9, v7, v6;
	v7 =	vbroadcast v4, $0xF  }
0x7a: {  	v5 =	vsel vm10, v6, v5  }
0x7b: {  	v5 =	vxor.u32 $0x80000000, v5;
	vm0 =	veq.f32 v12, v7  }
0x7c: {  	v5 =	vnsel vm0, $0xC0000000, v5  }
0x7d: {  	(xrf0) =	vmin.scan.msk.u32 $0xffff, v5;
	_ =	sdelay $0x5  }
0x7e: {  	v5, _, _ =	vpop (xrf0)  }
0x7f: {  	(v2sf) =	vpush v5, $0xF;
	_ =	sdelay $0xa  }
0x80: {  	s22 =	simm.s32 $0x30;
	s24 =	simm.s32 $0x50;
	s25 =	simm.s32 $0x60  }
0x81: {  	s13 =	simm.s32 $0x70;
	s21 =	simm.s32 $0x0;
	v14 =	vor.u32 s22, v1;
	v15 =	vor.u32 s25, v1;
	v13 =	vor.u32 s24, v1  }
0x82: {  	s12 =	simm.s32 $0x40;
	s15 =	simm.s32 $0x10;
	s16 =	simm.s32 $0x20;
	vm13 =	veq.s32 v15, v3;
	vm11 =	veq.s32 v13, v3;
	v10 =	vor.u32 s21, v1  }
0x83: {  	v22 =	vld [tilespmem:s12+$0x20];
	v11 =	vor.u32 s15, v1;
	v9 =	vor.u32 s16, v1;
	v8 =	vor.u32 s13, v1  }
0x84: {  	v18 =	vld [tilespmem:s12+$0xFFFFFFE0];
	vm14 =	veq.s32 v10, v3;
	vm15 =	veq.s32 v11, v3;
	vm5 =	veq.s32 v9, v3;
	s1 =	spop (v2sf)  }
0x85: {  	s23 =	simm.s32 $0x40;
	v19 =	vld [tilespmem:s12+$0xFFFFFFF0];
	vm7 =	veq.s32 v14, v3;
	v6 =	vimm.f32 $-3.000000010e+38;
	v7 =	vimm.s32 $0x0;
	s1 =	sxor.u32 $0x80000000, s1  }
0x86: {  	v16 =	vld [tilespmem:s12+$0xFFFFFFC0];
	v12 =	vor.u32 s23, v1;
	vm0 =	veq.s32 v8, v3;
	v5 =	vmov s1  }
0x87: {  	v20 =	vld [tilespmem:s12+$0x0];
	vm9 =	veq.s32 v12, v3;
	vm4 =	veq.s32 v8, v5;
	vm1 =	veq.s32 v11, v5  }
0x88: {  	v17 =	vld [tilespmem:s12+$0xFFFFFFD0];
	vm6 =	veq.s32 v9, v5;
	vm8 =	veq.s32 v14, v5;
	vm10 =	veq.s32 v12, v5  }
0x89: {  	v21 =	vld [tilespmem:s12+$0x10];
	vm12 =	veq.s32 v13, v5;
	vm4 =	vmor vm4, vm0;
	vm0 =	veq.s32 v10, v5  }
0x8a: {  	v23 =	vld [tilespmem:s12+$0x30];
	s13 =	simm.s32 $0xF0;
	vm0 =	vmor vm0, vm14;
	vm14 =	vmor vm1, vm15;
	vm15 =	veq.s32 v15, v5  }
.LBB2_6:
0x8b: {  	p1 =	sne.s32 s13, $0x7F0;
	vm1 =	vmor vm6, vm5;
	vm5 =	vmor vm8, vm7;
	vm6 =	vmor vm10, vm9  }
0x8c: {  	v16 =	vsel vm0, $0xFF61B1E6, v16;
	vm0 =	vmor vm12, vm11;
	vm7 =	vmor vm15, vm13  }
0x8d: {  	v17 =	vsel vm14, $0xFF61B1E6, v17;
	v18 =	vsel vm1, $0xFF61B1E6, v18;
	v19 =	vsel vm5, $0xFF61B1E6, v19  }
0x8e: {  	v20 =	vsel vm6, $0xFF61B1E6, v20;
	v21 =	vsel vm0, $0xFF61B1E6, v21;
	v22 =	vsel vm7, $0xFF61B1E6, v22  }
0x8f: {  	vm0 =	vge.f32 v16, v17;
	vm1 =	vge.f32 v18, v19;
	v23 =	vsel vm4, $0xFF61B1E6, v23  }
0x90: {  	v16 =	vsel vm0, v16, v17;
	vm4 =	vge.f32 v20, v21;
	vm5 =	vge.f32 v22, v23  }
0x91: {  	v17 =	vsel vm1, v18, v19;
	v18 =	vsel vm4, v20, v21;
	v19 =	vsel vm5, v22, v23  }
0x92: {  	v10 =	vsel vm0, v10, v11;
	vm0 =	vge.f32 v16, v17;
	vm6 =	vge.f32 v18, v19  }
0x93: {  	v9 =	vsel vm1, v9, v14;
	v11 =	vsel vm0, v16, v17;
	v14 =	vsel vm6, v18, v19  }
0x94: {  	v12 =	vsel vm4, v12, v13;
	v8 =	vsel vm5, v15, v8;
	vm1 =	vge.f32 v11, v14  }
0x95: {  	v9 =	vsel vm0, v10, v9;
	v8 =	vsel vm6, v12, v8;
	v10 =	vsel vm1, v11, v14  }
0x96: {  	v9 =	vsel vm1, v9, v8;
	vm0 =	vgt.f32 v10, v6  }
0x97: {  	s12 =	sadd.s32 $0x80, s12;
	v8 =	vor.u32 s13, v1;
	v6 =	vsel vm0, v10, v6;
	v7 =	vsel vm0, v9, v7  }
0x98: {  	s15 =	sadd.s32 $0xFFFFFF90, s13;
	s16 =	sadd.s32 $0xFFFFFFA0, s13;
	s21 =	sadd.s32 $0xFFFFFFB0, s13;
	vm1 =	veq.s32 v8, v5;
	vm0 =	veq.s32 v8, v3  }
0x99: {  	v11 =	vor.u32 s16, v1;
	s16 =	sadd.s32 $0xFFFFFFD0, s13;
	v10 =	vor.u32 s15, v1;
	v9 =	vor.u32 s21, v1;
	s15 =	sadd.s32 $0xFFFFFFC0, s13;
	s21 =	sadd.s32 $0xFFFFFFE0, s13;
	v16 =	vld [tilespmem:s12+$0xFFFFFFC0]  }
0x9a: {  	v12 =	vor.u32 s16, v1;
	v14 =	vor.u32 s15, v1;
	v13 =	vor.u32 s21, v1;
	s15 =	sadd.s32 $0xFFFFFFF0, s13;
	v17 =	vld [tilespmem:s12+$0xFFFFFFD0]  }
0x9b: {  	vm14 =	veq.s32 v10, v3;
	vm4 =	vmor vm1, vm0;
	v15 =	vor.u32 s15, v1;
	v18 =	vld [tilespmem:s12+$0xFFFFFFE0]  }
.Ltmp2:
0x9c: {  	vm15 =	veq.s32 v11, v5;
	vm0 =	veq.s32 v10, v5;
	vm1 =	veq.s32 v11, v3;
	v19 =	vld [tilespmem:s12+$0xFFFFFFF0];
	(pc) =	sbr.rel @p1 .LBB2_6-.Ltmp2, $4  }
0x9d: {  	vm5 =	veq.s32 v9, v3;
	vm6 =	veq.s32 v9, v5;
	vm7 =	veq.s32 v14, v3;
	v20 =	vld [tilespmem:s12+$0x0]  }
0x9e: {  	vm9 =	veq.s32 v12, v3;
	vm10 =	veq.s32 v12, v5;
	vm8 =	veq.s32 v14, v5;
	v21 =	vld [tilespmem:s12+$0x10]  }
0x9f: {  	vm11 =	veq.s32 v13, v3;
	vm12 =	veq.s32 v13, v5;
	vm13 =	veq.s32 v15, v3;
	v22 =	vld [tilespmem:s12+$0x20]  }
0xa0: {  	s13 =	sadd.s32 $0x80, s13;
	vm0 =	vmor vm0, vm14;
	vm14 =	vmor vm15, vm1;
	vm15 =	veq.s32 v15, v5;
	v23 =	vld [tilespmem:s12+$0x30]  }
0xa1: {  	vm1 =	vmor vm6, vm5;
	vm5 =	vmor vm8, vm7;
	vm6 =	vmor vm10, vm9  }
0xa2: {  	v16 =	vsel vm0, $0xFF61B1E6, v16;
	vm0 =	vmor vm12, vm11;
	vm7 =	vmor vm15, vm13  }
0xa3: {  	v17 =	vsel vm14, $0xFF61B1E6, v17;
	v18 =	vsel vm1, $0xFF61B1E6, v18;
	v19 =	vsel vm5, $0xFF61B1E6, v19  }
0xa4: {  	v20 =	vsel vm6, $0xFF61B1E6, v20;
	v21 =	vsel vm0, $0xFF61B1E6, v21;
	vm0 =	vge.f32 v16, v17  }
0xa5: {  	vm1 =	vge.f32 v18, v19;
	v22 =	vsel vm7, $0xFF61B1E6, v22;
	v23 =	vsel vm4, $0xFF61B1E6, v23  }
0xa6: {  	v16 =	vsel vm0, v16, v17;
	vm4 =	vge.f32 v20, v21;
	vm5 =	vge.f32 v22, v23  }
0xa7: {  	v17 =	vsel vm1, v18, v19;
	v18 =	vsel vm4, v20, v21;
	v19 =	vsel vm5, v22, v23  }
0xa8: {  	vm6 =	vge.f32 v16, v17;
	vm7 =	vge.f32 v18, v19  }
0xa9: {  	v16 =	vsel vm6, v16, v17;
	v17 =	vsel vm7, v18, v19  }
0xaa: {  	vm8 =	vge.f32 v16, v17  }
0xab: {  	v16 =	vsel vm8, v16, v17  }
0xac: {  	vm9 =	vgt.f32 v16, v6  }
0xad: {  	v16 =	vsel vm9, v16, v6  }
0xae: {  	(xrf0) =	vmax.scan.msk.f32 $0xffff, v16;
	_ =	sdelay $0x2  }
0xaf: {  	v6 =	vsel vm0, v10, v11;
	_ =	sdelay $0x1  }
0xb0: {  	v9 =	vsel vm1, v9, v14;
	v8 =	vsel vm5, v15, v8;
	v10 =	vsel vm4, v12, v13  }
0xb1: {  	v9 =	vsel vm6, v6, v9;
	v8 =	vsel vm7, v10, v8;
	v6, _, _ =	vpop (xrf0)  }
0xb2: {  	v8 =	vsel vm8, v9, v8;
	v9 =	vbroadcast v6, $0xF  }
0xb3: {  	v7 =	vsel vm9, v8, v7  }
0xb4: {  	v7 =	vxor.u32 $0x80000000, v7;
	vm0 =	veq.f32 v16, v9  }
0xb5: {  	v7 =	vnsel vm0, $0xC0000000, v7  }
0xb6: {  	(xrf0) =	vmin.scan.msk.u32 $0xffff, v7;
	_ =	sdelay $0x5  }
0xb7: {  	v7, _, _ =	vpop (xrf0)  }
0xb8: {  	(v2sf) =	vpush v7, $0xF;
	_ =	sdelay $0x9  }
0xb9: {  	s23 =	simm.s32 $0x40  }
0xba: {  	s24 =	simm.s32 $0x50;
	s25 =	simm.s32 $0x60;
	v14 =	vor.u32 s23, v1  }
0xbb: {  	s21 =	simm.s32 $0x0;
	s15 =	simm.s32 $0x10;
	s16 =	simm.s32 $0x20;
	v15 =	vor.u32 s24, v1;
	vm5 =	veq.s32 v14, v3;
	v17 =	vor.u32 s25, v1  }
0xbc: {  	v12 =	vor.u32 s21, v1;
	v13 =	vor.u32 s15, v1;
	v11 =	vor.u32 s16, v1  }
0xbd: {  	vm2 =	veq.s32 v11, v3;
	vm7 =	veq.s32 v12, v5;
	vm11 =	veq.s32 v13, v5  }
0xbe: {  	s13 =	simm.s32 $0x70;
	s22 =	simm.s32 $0x30;
	vm13 =	veq.s32 v11, v5;
	vm8 =	veq.s32 v13, v3;
	v8 =	vimm.f32 $-3.000000010e+38;
	s12 =	spop (v2sf)  }
0xbf: {  	vm9 =	veq.s32 v12, v3;
	v9 =	vor.u32 s13, v1;
	v16 =	vor.u32 s22, v1;
	s12 =	sxor.u32 $0x80000000, s12  }
0xc0: {  	vm0 =	veq.s32 v9, v3;
	vm1 =	veq.s32 v9, v5;
	v10 =	vmov s12  }
0xc1: {  	s13 =	simm.s32 $0x40;
	vm3 =	veq.s32 v16, v3;
	vm15 =	veq.s32 v16, v5;
	vm6 =	veq.s32 v9, v10  }
0xc2: {  	v18 =	vld [tilespmem:s13+$0xFFFFFFC0];
	v7 =	vimm.s32 $0x0;
	vm10 =	veq.s32 v12, v10;
	vm1 =	vmor vm6, vm1  }
0xc3: {  	v19 =	vld [tilespmem:s13+$0xFFFFFFD0];
	vm12 =	veq.s32 v13, v10;
	vm14 =	veq.s32 v11, v10;
	vm6 =	vmor vm1, vm0  }
0xc4: {  	v20 =	vld [tilespmem:s13+$0xFFFFFFE0];
	vm0 =	veq.s32 v16, v10;
	vm1 =	vmor vm10, vm7;
	vm7 =	veq.s32 v14, v5  }
0xc5: {  	v21 =	vld [tilespmem:s13+$0xFFFFFFF0];
	vm10 =	vmor vm12, vm11;
	vm11 =	veq.s32 v14, v10;
	vm12 =	vmor vm14, vm13  }
0xc6: {  	v22 =	vld [tilespmem:s13+$0x0];
	vm14 =	veq.s32 v15, v5;
	vm13 =	vmor vm0, vm15;
	vm0 =	veq.s32 v15, v10  }
0xc7: {  	v23 =	vld [tilespmem:s13+$0x10];
	vm15 =	vmor vm11, vm7;
	vm11 =	veq.s32 v17, v5;
	vm10 =	vmor vm10, vm8  }
0xc8: {  	v24 =	vld [tilespmem:s13+$0x20];
	vm14 =	vmor vm0, vm14;
	vm0 =	vmor vm1, vm9;
	vm1 =	veq.s32 v17, v10  }
0xc9: {  	s15 =	simm.s32 $0xF0;
	v25 =	vld [tilespmem:s13+$0x30];
	vm7 =	veq.s32 v15, v3;
	vm8 =	veq.s32 v17, v3;
	vm11 =	vmor vm1, vm11  }
.LBB2_8:
0xca: {  	vm1 =	vmor vm12, vm2  }
0xcb: {  	vm4 =	vmor vm13, vm3;
	vm5 =	vmor vm15, vm5;
	v18 =	vsel vm0, $0xFF61B1E6, v18  }
0xcc: {  	vm0 =	vmor vm14, vm7;
	vm7 =	vmor vm11, vm8;
	v19 =	vsel vm10, $0xFF61B1E6, v19  }
0xcd: {  	v20 =	vsel vm1, $0xFF61B1E6, v20;
	v21 =	vsel vm4, $0xFF61B1E6, v21;
	v22 =	vsel vm5, $0xFF61B1E6, v22  }
0xce: {  	v25 =	vsel vm6, $0xFF61B1E6, v25;
	v23 =	vsel vm0, $0xFF61B1E6, v23;
	vm0 =	vge.f32 v18, v19  }
0xcf: {  	v24 =	vsel vm7, $0xFF61B1E6, v24;
	vm1 =	vge.f32 v20, v21;
	v18 =	vsel vm0, v18, v19  }
0xd0: {  	vm4 =	vge.f32 v22, v23;
	vm5 =	vge.f32 v24, v25;
	v19 =	vsel vm1, v20, v21  }
0xd1: {  	v12 =	vsel vm0, v12, v13;
	v11 =	vsel vm1, v11, v16;
	v20 =	vsel vm4, v22, v23  }
0xd2: {  	s24 =	sadd.s32 $0xFFFFFFE0, s15;
	v21 =	vsel vm5, v24, v25;
	vm0 =	vge.f32 v18, v19;
	v14 =	vsel vm4, v14, v15  }
0xd3: {  	v9 =	vsel vm5, v17, v9;
	v15 =	vor.u32 s24, v1;
	vm6 =	vge.f32 v20, v21  }
0xd4: {  	v17 =	vimm.s32 $0x0;
	v13 =	vsel vm0, v18, v19;
	v16 =	vsel vm6, v20, v21  }
0xd5: {  	s23 =	sadd.s32 $0xFFFFFFD0, s15;
	v11 =	vsel vm0, v12, v11;
	v18 =	vimm.s32 $0x0;
	vm1 =	vge.f32 v13, v16  }
0xd6: {  	v9 =	vsel vm6, v14, v9;
	v14 =	vor.u32 s23, v1;
	v12 =	vsel vm1, v13, v16  }
0xd7: {  	s16 =	sadd.s32 $0xFFFFFF90, s15;
	vm5 =	veq.s32 v14, v5;
	v11 =	vsel vm1, v11, v9;
	vm0 =	vgt.f32 v12, v8  }
0xd8: {  	s21 =	sadd.s32 $0xFFFFFFA0, s15;
	v9 =	vor.u32 s15, v1;
	v8 =	vsel vm0, v12, v8;
	v12 =	vor.u32 s16, v1  }
0xd9: {  	v13 =	vor.u32 s21, v1;
	vm6 =	veq.s32 v9, v3;
	vm2 =	veq.s32 v12, v3  }
0xda: {  	s22 =	sadd.s32 $0xFFFFFFB0, s15;
	vm1 =	veq.s32 v9, v10;
	v7 =	vsel vm0, v11, v7;
	v17 =	vsel vm2, $0xFFFFFFFF, v17  }
0xdb: {  	v11 =	vor.u32 s22, v1;
	vm2 =	veq.s32 v13, v3;
	[tilespmem:$0x1FFD0] =	vst v17;
	v17 =	vimm.s32 $0x0  }
0xdc: {  	vm13 =	veq.s32 v13, v5;
	s22 =	sadd.s32 $0xFFFFFFC0, s15;
	v17 =	vsel vm2, $0xFFFFFFFF, v17;
	vm2 =	veq.s32 v11, v3  }
0xdd: {  	vm14 =	veq.s32 v13, v10;
	v16 =	vor.u32 s22, v1;
	v18 =	vsel vm2, $0xFFFFFFFF, v18  }
0xde: {  	vm0 =	veq.s32 v9, v5;
	vm2 =	veq.s32 v16, v3;
	[tilespmem:$0x1FF90] =	vst v18;
	v18 =	vimm.s32 $0x0  }
0xdf: {  	vm11 =	vmor vm1, vm0;
	vm10 =	veq.s32 v12, v5;
	v18 =	vsel vm2, $0xFFFFFFFF, v18  }
0xe0: {  	vm12 =	veq.s32 v12, v10;
	vm15 =	veq.s32 v11, v5;
	vm0 =	veq.s32 v14, v10;
	[tilespmem:$0x1FFA0] =	vst v18  }
0xe1: {  	vm3 =	veq.s32 v16, v5;
	vm2 =	veq.s32 v14, v3;
	v18 =	vimm.s32 $0x0;
	v24 =	vld [tilespmem:$0x1FFA0]  }
0xe2: {  	vm4 =	veq.s32 v16, v10;
	vm6 =	vmor vm11, vm6;
	v25 =	vld [tilespmem:$0x1FFD0];
	v18 =	vsel vm2, $0xFFFFFFFF, v18  }
0xe3: {  	s25 =	sadd.s32 $0xFFFFFFF0, s15;
	vm10 =	vmor vm12, vm10;
	vm2 =	veq.s32 v15, v3;
	[tilespmem:$0x1FFB0] =	vst v18;
	v18 =	vimm.s32 $0x0  }
0xe4: {  	s13 =	sadd.s32 $0x80, s13;
	vm11 =	vmor vm14, vm13;
	[tilespmem:$0x1FFE0] =	vst v17;
	v17 =	vor.u32 s25, v1;
	v18 =	vsel vm2, $0xFFFFFFFF, v18  }
0xe5: {  	v22 =	vld [tilespmem:s13+$0x0];
	vm13 =	vmor vm4, vm3;
	vm2 =	veq.s32 v17, v3;
	[tilespmem:$0x1FFC0] =	vst v18;
	v18 =	vimm.s32 $0x0  }
0xe6: {  	v18 =	vsel vm2, $0xFFFFFFFF, v18;
	vm2 =	veq.s32 v11, v10;
	vm3 =	vnez.u8 v24;
	v24 =	vld [tilespmem:$0x1FFB0]  }
0xe7: {  	vm12 =	vmor vm2, vm15;
	vm15 =	vmor vm0, vm5;
	vm0 =	vnez.u8 v25;
	v25 =	vld [tilespmem:$0x1FFE0]  }
0xe8: {  	v19 =	vld [tilespmem:s13+$0xFFFFFFD0]  }
0xe9: {  	v20 =	vld [tilespmem:s13+$0xFFFFFFE0]  }
0xea: {  	v23 =	vld [tilespmem:$0x1FF90]  }
0xeb: {  	vm7 =	veq.s32 v15, v10;
	vm1 =	veq.s32 v15, v5;
	[tilespmem:$0x1FFF0] =	vst v18;
	vm5 =	vnez.u8 v24;
	v24 =	vld [tilespmem:$0x1FFC0]  }
0xec: {  	p1 =	sne.s32 s15, $0x7F0;
	vm14 =	vmor vm7, vm1;
	vm1 =	vnez.u8 v25;
	v25 =	vld [tilespmem:$0x1FFF0]  }
.Ltmp3:
0xed: {  	v21 =	vld [tilespmem:s13+$0xFFFFFFF0];
	(pc) =	sbr.rel @p1 .LBB2_8-.Ltmp3, $4  }
0xee: {  	v18 =	vld [tilespmem:s13+$0xFFFFFFC0]  }
0xef: {  	vm9 =	veq.s32 v17, v5;
	vm2 =	vnez.u8 v23;
	v23 =	vld [tilespmem:s13+$0x10]  }
0xf0: {  	vm8 =	veq.s32 v17, v10;
	vm0 =	vmor vm10, vm0;
	vm7 =	vnez.u8 v24;
	v24 =	vld [tilespmem:s13+$0x20]  }
0xf1: {  	s15 =	sadd.s32 $0x80, s15;
	vm10 =	vmor vm11, vm1;
	vm11 =	vmor vm8, vm9;
	vm8 =	vnez.u8 v25;
	v25 =	vld [tilespmem:s13+$0x30]  }
0xf2: {  	vm1 =	vmor vm12, vm2;
	vm13 =	vmor vm13, vm3;
	vm15 =	vmor vm15, vm5  }
0xf3: {  	vm9 =	vmor vm14, vm7;
	vm4 =	vmor vm11, vm8;
	v5 =	vsel vm10, $0xFF61B1E6, v19  }
0xf4: {  	v3 =	vsel vm0, $0xFF61B1E6, v18;
	v10 =	vsel vm1, $0xFF61B1E6, v20;
	v46 =	vsel vm13, $0xFF61B1E6, v21  }
0xf5: {  	v47 =	vsel vm15, $0xFF61B1E6, v22;
	v48 =	vsel vm9, $0xFF61B1E6, v23;
	vm10 =	vge.f32 v3, v5  }
0xf6: {  	vm1 =	vge.f32 v10, v46;
	v49 =	vsel vm4, $0xFF61B1E6, v24;
	v50 =	vsel vm6, $0xFF61B1E6, v25  }
0xf7: {  	v3 =	vsel vm10, v3, v5;
	vm11 =	vge.f32 v47, v48;
	vm12 =	vge.f32 v49, v50  }
0xf8: {  	v51 =	vsel vm1, v10, v46;
	v52 =	vsel vm11, v47, v48;
	v53 =	vsel vm12, v49, v50  }
0xf9: {  	vm13 =	vge.f32 v3, v51;
	vm14 =	vge.f32 v52, v53  }
0xfa: {  	v3 =	vsel vm13, v3, v51;
	v54 =	vsel vm14, v52, v53  }
0xfb: {  	vm15 =	vge.f32 v3, v54  }
0xfc: {  	v3 =	vsel vm15, v3, v54  }
0xfd: {  	vm9 =	vgt.f32 v3, v8  }
0xfe: {  	v3 =	vsel vm9, v3, v8  }
0xff: {  	(xrf0) =	vmax.scan.msk.f32 $0xffff, v3;
	_ =	sdelay $0x3  }
0x100: {  	v55 =	vsel vm10, v12, v13  }
0x101: {  	v56 =	vsel vm1, v11, v16;
	v57 =	vsel vm11, v14, v15;
	v9 =	vsel vm12, v17, v9  }
0x102: {  	v5 =	vsel vm13, v55, v56;
	v58 =	vsel vm14, v57, v9;
	v59, _, _ =	vpop (xrf0)  }
0x103: {  	v5 =	vsel vm15, v5, v58;
	v60 =	vbroadcast v59, $0xF  }
0x104: {  	v5 =	vsel vm9, v5, v7  }
0x105: {  	vm10 =	veq.f32 v3, v60;
	v3 =	vxor.u32 $0x80000000, v5  }
0x106: {  	v3 =	vnsel vm10, $0xC0000000, v3  }
0x107: {  	(xrf0) =	vmin.scan.msk.u32 $0xffff, v3;
	_ =	sdelay $0x2  }
0x108: {  	(v2sf) =	vpush v2, $0xF  }
0x109: {  	(v2sf) =	vpush v4, $0xF  }
0x10a: {  	(v2sf) =	vpush v6, $0xF  }
0x10b: {  	(v2sf) =	vpush v59, $0xF;
	v2, _, _ =	vpop (xrf0)  }
0x10c: {  	(v2sf) =	vpush v2, $0xF;
	_ =	sdelay $0xa  }
0x10d: {  	s24 =	spop (v2sf)  }
0x10e: {  	p1 =	slt.s32 s31, s1;
	s25 =	spop (v2sf)  }
0x10f: {  	s22 =	smov.u32 s1;
	p2 =	sgt.s32 s31, s1;
	s16 =	spop (v2sf)  }
0x110: {  	s22 =	smov.u32 @p1 s31;
	s13 =	smov.u32 s24;
	s21 =	spop (v2sf)  }
0x111: {  	s1 =	smov.u32 @p2 s31;
	s13 =	smov.u32 @p2 s25;
	s23 =	spop (v2sf)  }
0x112: {  	s25 =	smov.u32 @p2 s24;
	s31 =	smov.u32 s16;
	s23 =	sxor.u32 $0x80000000, s23  }
0x113: {  	p1 =	sgt.s32 s12, s23;
	p2 =	slt.s32 s12, s23;
	s24 =	smov.u32 s23  }
0x114: {  	s24 =	smov.u32 @p2 s12;
	s31 =	smov.u32 @p1 s21;
	s23 =	smov.u32 @p1 s12  }
0x115: {  	s21 =	smov.u32 @p1 s16;
	p1 =	slt.s32 s22, s24;
	s12 =	smov.u32 s24  }
0x116: {  	p2 =	sgt.s32 s22, s24;
	s16 =	smov.u32 s23;
	s12 =	smov.u32 @p1 s22  }
0x117: {  	p1 =	slt.s32 s1, s23;
	s24 =	smov.u32 @p2 s22;
	s22 =	smov.u32 s13  }
0x118: {  	s15 =	smov.u32 s25;
	s16 =	smov.u32 @p1 s1;
	s22 =	smov.u32 @p2 s31  }
0x119: {  	vm11 =	vcmask $0x300;
	p1 =	sgt.s32 s1, s23;
	v2 =	vmov s12;
	s12 =	smov.u32 s24;
	p3 =	slt.s32 s16, s24  }
0x11a: {  	vm12 =	vcmask $0x704;
	s15 =	smov.u32 @p1 s21;
	v2 =	vnsel vm11, $0x0, v2;
	s12 =	smov.u32 @p3 s16;
	p3 =	sgt.s32 s16, s24  }
0x11b: {  	vm13 =	vcmask $0xB08;
	s31 =	smov.u32 @p2 s13;
	v3 =	vmov s22;
	s24 =	smov.u32 @p3 s16;
	v2 =	vsel vm12, s12, v2;
	s12 =	smov.u32 s15  }
0x11c: {  	vm14 =	vcmask $0xF0C;
	s23 =	smov.u32 @p1 s1;
	v3 =	vnsel vm11, $0x0, v3;
	v2 =	vsel vm13, s24, v2;
	s12 =	smov.u32 @p3 s31  }
0x11d: {  	s31 =	smov.u32 @p3 s15;
	v3 =	vsel vm12, s12, v3;
	v2 =	vsel vm14, s23, v2  }
0x11e: {  	s21 =	smov.u32 @p1 s25;
	v3 =	vsel vm13, s31, v3;
	v61 =	vadd.s32 v0, v2  }
0x11f: {  	[tilespmem:$0x800] =	vst v2;
	v3 =	vsel vm14, s21, v3;
	v4 =	vshll.u32 v61, $0x3  }
0x120: {  	s23 =	simm.s32 $0x800;
	v2 =	vand.u32 $0x7, v2;
	[tilespmem:$0x880] =	vst v3;
	v3 =	vand.u32 $0xFFFFFFC0, v4  }
0x121: {  	v62 =	vshrl.u32 v1, $0x3;
	[hbm4b:s5+s2] =	stream.linear.scatter [tilespmem:s23], [sflag:$0x2], $0x80, $0x38;
	v2 =	vor.u32 v2, v3;
	v3 =	vand.u32 $0x7, v1;
	[tilespmem:$0x4900] =	vst v63  }
0x122: {  	v4 =	vmul.u32 $0x8, v62;
	_ =	swait.ge [sflag:s14], $0x80;
	v3 =	vperm.xlane v2, v3  }
0x123: {  	[sflag:s14] =	ssyncset.done $0x0  }
0x124: {  	s24 =	simm.s32 $0x880;
	[sflag:s14] =	ssyncadd.s32 $0xFFFFFF80;
	v3 =	vadd.s32 v4, v3  }
0x125: {  	[hbm4b:s6+s2] =	stream.linear.scatter [tilespmem:s24], [sflag:$0x2], $0x80, $0x38;
	[tilespmem:$0x4900] =	vst v63  }
0x126: {  	_ =	swait.ge [sflag:s14], $0x80  }
0x127: {  	[sflag:s14] =	ssyncset.done $0x0  }
0x128: {  	vm15 =	vmmov $0xffff;
	[sflag:s14] =	ssyncadd.s32 $0xFFFFFF80  }
0x129: {  	v63 =	vor.u32 $0x8, v1;
	[tilespmem:s17], [sflag:$0x1] =	stream.indirect_vreg.gather [hbm4b:s0+s2], $0x80, v3, vm15, $0xb8;
	[tilespmem:$0x4900] =	vst v63  }
0x12a: {  	v2 =	vperm.xlane v2, v63  }
0x12b: {  	[tilespmem:s18], [sflag:$0x1] =	stream.indirect_vreg.gather [hbm4b:s7+s2], $0x80, v3, vm15, $0xb8;
	[tilespmem:$0x4900] =	vst v63  }
0x12c: {  	v2 =	vadd.s32 v4, v2  }
0x12d: {  	[tilespmem:s19], [sflag:$0x1] =	stream.indirect_vreg.gather [hbm4b:s8+s2], $0x80, v3, vm15, $0xb8;
	[tilespmem:$0x4900] =	vst v63  }
0x12e: {  	_ = 	snop  }
0x12f: {  	[tilespmem:s20], [sflag:$0x1] =	stream.indirect_vreg.gather [hbm4b:s9+s2], $0x80, v3, vm15, $0xb8;
	[tilespmem:$0x4900] =	vst v63  }
0x130: {  	s25 =	simm.s32 $0x2900  }
0x131: {  	[tilespmem:s25], [sflag:$0x1] =	stream.indirect_vreg.gather [hbm4b:s0+s2], $0x80, v2, vm15, $0xb8;
	[tilespmem:$0x4900] =	vst v63  }
0x132: {  	s31 =	simm.s32 $0x3100  }
0x133: {  	[tilespmem:s31], [sflag:$0x1] =	stream.indirect_vreg.gather [hbm4b:s7+s2], $0x80, v2, vm15, $0xb8;
	[tilespmem:$0x4900] =	vst v63  }
0x134: {  	s12 =	simm.s32 $0x3900  }
0x135: {  	[tilespmem:s12], [sflag:$0x1] =	stream.indirect_vreg.gather [hbm4b:s8+s2], $0x80, v2, vm15, $0xb8;
	[tilespmem:$0x4900] =	vst v63  }
0x136: {  	s13 =	simm.s32 $0x4100  }
0x137: {  	[tilespmem:s13], [sflag:$0x1] =	stream.indirect_vreg.gather [hbm4b:s9+s2], $0x80, v2, vm15, $0xb8;
	[tilespmem:$0x4900] =	vst v63  }
0x138: {  	_ =	swait.ge [sflag:s3], $0x4000  }
0x139: {  	[sflag:s3] =	ssyncset.done $0x0  }
0x13a: {  	[sflag:s3] =	ssyncadd.s32 $0xFFFFC000  }
0x13b: {  	[hbm4b:s10+s2] =	stream.linear.scatter [tilespmem:s17], [sflag:$0x2], $0x200, $0x38;
	[tilespmem:$0x4900] =	vst v63  }
0x13c: {  	s16 =	simm.s32 $0xD00;
	s15 =	sadd.s32 $0x40, s10  }
0x13d: {  	[hbm4b:s15+s2] =	stream.linear.scatter [tilespmem:s16], [sflag:$0x2], $0x200, $0x38;
	[tilespmem:$0x4900] =	vst v63  }
0x13e: {  	s21 =	sadd.s32 $0x80, s10  }
0x13f: {  	[hbm4b:s21+s2] =	stream.linear.scatter [tilespmem:s18], [sflag:$0x2], $0x200, $0x38;
	[tilespmem:$0x4900] =	vst v63  }
0x140: {  	s22 =	sadd.s32 $0xC0, s10  }
0x141: {  	[hbm4b:s22+s2] =	stream.linear.scatter [tilespmem:s26], [sflag:$0x2], $0x200, $0x38;
	[tilespmem:$0x4900] =	vst v63  }
0x142: {  	s23 =	sadd.s32 $0x100, s10  }
0x143: {  	[hbm4b:s23+s2] =	stream.linear.scatter [tilespmem:s19], [sflag:$0x2], $0x200, $0x38;
	[tilespmem:$0x4900] =	vst v63  }
0x144: {  	s30 =	sadd.s32 $0x1, s30;
	s24 =	sadd.s32 $0x140, s10  }
0x145: {  	[hbm4b:s24+s2] =	stream.linear.scatter [tilespmem:s28], [sflag:$0x2], $0x200, $0x38;
	[tilespmem:$0x4900] =	vst v63  }
0x146: {  	p1 =	sne.s32 s30, s11;
	s25 =	sadd.s32 $0x180, s10  }
0x147: {  	[hbm4b:s25+s2] =	stream.linear.scatter [tilespmem:s20], [sflag:$0x2], $0x200, $0x38;
	[tilespmem:$0x4900] =	vst v63  }
.Ltmp4:
0x148: {  	s31 =	sadd.s32 $0x1C0, s10;
	(pc) =	sbr.rel @p1 .LBB2_1-.Ltmp4, $4  }
0x149: {  	[hbm4b:s31+s2] =	stream.linear.scatter [tilespmem:s29], [sflag:$0x2], $0x200, $0x38;
	[tilespmem:$0x4900] =	vst v63  }
0x14a: {  	_ =	swait.ge [sflag:s14], $0x1000  }
0x14b: {  	[sflag:s14] =	ssyncset.done $0x0  }
0x14c: {  	[sflag:s14] =	ssyncadd.s32 $0xFFFFF000  }
0x14d: {  	_ =	sfence.sel $0x180000  }
0x14e: {  	[bflag:$0x0] =	sbarrier.arrive $0xFFFF  }
0x14f: {  	_ =	strace $0x90000047  }
0x150: {  	[bflag:$0x2] =	sbarrier.arrive $0xFFFF  }
0x151: {  	s0 =	rddreg [dreg:$0x5]  }
0x152: {  	s0 =	sadd.s32 @!p0 $0x100000, s0  }
0x153: {  	[sflag:s0] =	ssyncadd.tile.s32 @!p0 $0x1;
	_ =	shalt  }
.Lfunc_end2:
_tile_overlayer_lowered:
.L_overlay_start_2:
0x154: {  	(tag) =	ssettag $0x2  }
0x155: {  	s0 =	rddreg [dreg:$0x0];
	s2 =	stileid.u32  }
0x156: {  	s1 =	rddreg [dreg:$0x1];
	p0 =	sne.s32 s2, $0x0  }
0x157: {  	s3 =	rddreg [dreg:$0x2];
	[bflag:$0x3] =	sbarrier.arrive $0xFFFF;
	s2 =	simm.s32 @!p0 $0x1C02  }
0x158: {  	[timem:s3], [sflag:s2] =	dma.local @!p0 [hbm:s0], s1  }
0x159: {  	s0 =	simm.s32 @!p0 $0x2  }
0x15a: {  	_ =	swait.ge @!p0 [sflag:s0], s1  }
0x15b: {  	s1 =	ssub.s32 @!p0 $0x0, s1;
	[sflag:s0] =	ssyncset.done @!p0 $0x0  }
0x15c: {  	[sflag:s0] =	ssyncadd.s32 @!p0 s1  }
0x15d: {  	[bflag:$0x3] =	sbarrier.arrive $0xFFFF  }
0x15e: {  	_ =	shalt  }

</sc_bundles>
